<compile_context>
chip_gen: v7x
topology: tpu7x:2x2x1
jax: 0.10.2.dev20260603
libtpu: 0.0.44.dev20260713+nightly
codegen_flags: <defaults>
</compile_context>

<pallas_src>
import functools

import jax
import jax.numpy as jnp
from jax import lax
from jax.experimental import pallas as pl
from jax.experimental.pallas import tpu as pltpu
from jax.experimental.pallas import tpu_sc as plsc

_B, _H, _V = 4096, 20, 1000
_NC, _NS = 2, 16
_NW = _NC * _NS
_BT = _B // _NW


def _scatter_strip(buf, idx_ref, h, value):
    val = jnp.full((16,), value, jnp.float32)
    lane = lax.iota(jnp.int32, 16)
    lane_h = lax.mul(lane, jnp.full((16,), _H, jnp.int32))
    for k in range(_BT // 16):
        gidx = lax.add(lane_h, jnp.full((16,), (16 * k) * _H + h, jnp.int32))
        cv = plsc.load_gather(idx_ref, [gidx])
        blocal = lax.add(lane, jnp.full((16,), k * 16, jnp.int32))
        plsc.store_scatter(buf, [cv, blocal], val)


def _sc_body(xf_hbm, z_hbm, o_hbm, idxs, buf, sems):
    w = lax.axis_index("s") * _NC + lax.axis_index("c")
    b0 = w * _BT

    x_copy = pltpu.make_async_copy(
        xf_hbm.at[pl.ds(b0 * _H, _BT * _H)], idxs, sems.at[1]
    )
    x_copy.start()
    pltpu.sync_copy(z_hbm, buf)
    x_copy.wait()

    for h in range(_H):
        _scatter_strip(buf, idxs, h, 1.0)
        dst = o_hbm.at[h, :, pl.ds(b0, _BT)]
        pltpu.make_async_copy(buf, dst, sems.at[0]).start()
        pltpu.make_async_copy(buf, dst, sems.at[0]).wait()
        _scatter_strip(buf, idxs, h, 0.0)


@functools.partial(
    pl.kernel,
    out_type=jax.ShapeDtypeStruct((_H, _V, _B), jnp.float32),
    mesh=plsc.VectorSubcoreMesh(core_axis_name="c", subcore_axis_name="s"),
    compiler_params=pltpu.CompilerParams(
        use_tc_tiling_on_sc=True, needs_layout_passes=False
    ),
    scratch_types=[
        pltpu.VMEM((_BT * _H,), jnp.int32),
        pltpu.VMEM((_V, _BT), jnp.float32),
        pltpu.SemaphoreType.DMA((2,)),
    ],
)
def _sc_onehot(xf_hbm, z_hbm, o_hbm, idxs, buf, sems):
    _sc_body(xf_hbm, z_hbm, o_hbm, idxs, buf, sems)


def kernel(x, W):
    xf = x.reshape(-1)
    z = jnp.zeros((_V, _BT), jnp.float32)
    out = _sc_onehot(xf, z)
    return jnp.transpose(out, (2, 0, 1))

# --- scband reference (transcript-rebuilt; emitter-appended) ---
"""Pipeline reference for scband-identity-encoder-1606317769482 (READ-ONLY COPY).

The authoritative reference and input builder live on the scoring server;
editing this copy changes nothing except your own understanding.
"""

import jax, jax.numpy as jnp
import numpy as np

VOCAB = 1000
BATCH = 4096
HIST = 20

def setup_inputs(seed: int = 0) -> dict:
    key = jax.random.key(seed)
    k_x, = jax.random.split(key, 1)
    x = jax.random.randint(k_x, (BATCH, HIST), 0, VOCAB, dtype=jnp.int64 if jax.config.read('jax_enable_x64') else jnp.int32)
    # Frozen embedding weight: identity matrix, as set in __init__ (unused by forward)
    W = jnp.eye(VOCAB, dtype=jnp.float32)
    return {"x": x, "W": W}

def reference(x, W):
    # forward: torch.nn.functional.one_hot(x, num_classes=vocab_size).float()
    # The embedding weight W is frozen and not used in forward.
    out = jax.nn.one_hot(x, VOCAB, dtype=jnp.float32)
    return out

if __name__ == "__main__":
    import jax
    _d = setup_inputs()
    print(jax.jit(kernel)(*tuple(_d.values())))

</pallas_src>

<mosaic_0001>
#map = affine_map<(d0, d1) -> (0)>
#map1 = affine_map<(d0, d1) -> (0, 0)>
#map2 = affine_map<(d0, d1) -> (0, 0, 0)>
module attributes {stable_mosaic.version = 14 : i64} {
  func.func @_sc_onehot(%arg0: i32, %arg1: i32, %arg2: memref<81920xi32, #tpu.memory_space<hbm>>, %arg3: memref<1000x128xf32, #tpu.memory_space<hbm>>, %arg4: memref<20x1000x4096xf32, #tpu.memory_space<hbm>>, %arg5: memref<2560xi32, #tpu.memory_space<vmem>>, %arg6: memref<1000x128xf32, #tpu.memory_space<vmem>>, %arg7: memref<2x!tpu.dma_semaphore, #tpu.memory_space<semaphore_mem>>) attributes {dimension_semantics = [#tpu.dimension_semantics<core_parallel>, #tpu.dimension_semantics<subcore_parallel>], iteration_bounds = array<i64: 2, 16>, scalar_prefetch = 0 : i64, scratch_operands = 3 : i64, tpu.core_type = #tpu.core_type<sc_vector_subcore>, window_params = [{transform_indices = #map}, {transform_indices = #map1}, {transform_indices = #map2}]} {
    %mul3A = arith.constant 2 : i32
    %mul3A_0 = arith.muli %arg1, %mul3A : i32
    %add3A = arith.addi %mul3A_0, %arg0 : i32
    %mul3A_1 = arith.constant 128 : i32
    %mul3A_2 = arith.muli %add3A, %mul3A_1 : i32
    %mul3A_3 = arith.constant 20 : i32
    %mul3A_4 = arith.muli %mul3A_2, %mul3A_3 : i32
    %dma_start3A = arith.constant 1 : i32
    %dma_start3A_5 = tpu.memref_slice %arg2[%mul3A_4] : memref<81920xi32, #tpu.memory_space<hbm>> -> memref<2560xi32, #tpu.memory_space<hbm>>
    %dma_start3A_6 = tpu.memref_slice %arg7[%dma_start3A] : memref<2x!tpu.dma_semaphore, #tpu.memory_space<semaphore_mem>> -> memref<1x!tpu.dma_semaphore, #tpu.memory_space<semaphore_mem>>
    %dma_start3A_7 = tpu.memref_squeeze %dma_start3A_6 : memref<1x!tpu.dma_semaphore, #tpu.memory_space<semaphore_mem>> -> memref<!tpu.dma_semaphore, #tpu.memory_space<semaphore_mem>>
    %dma_start3A_8 = tpu.memref_slice %arg2[%mul3A_4] : memref<81920xi32, #tpu.memory_space<hbm>> -> memref<2560xi32, #tpu.memory_space<hbm>>
    tpu.enqueue_dma source(%dma_start3A_8 : memref<2560xi32, #tpu.memory_space<hbm>>) target(%arg5 : memref<2560xi32, #tpu.memory_space<vmem>>) target_semaphore(%dma_start3A_7 : memref<!tpu.dma_semaphore, #tpu.memory_space<semaphore_mem>>)
    "tpu.region"() ({
      %run_scoped3A = tpu.sem_alloc : memref<!tpu.dma_semaphore, #tpu.memory_space<semaphore_mem>>
      tpu.enqueue_dma source(%arg3 : memref<1000x128xf32, #tpu.memory_space<hbm>>) target(%arg6 : memref<1000x128xf32, #tpu.memory_space<vmem>>) target_semaphore(%run_scoped3A : memref<!tpu.dma_semaphore, #tpu.memory_space<semaphore_mem>>)
      tpu.wait_dma2 semaphore(%run_scoped3A : memref<!tpu.dma_semaphore, #tpu.memory_space<semaphore_mem>>) src(%arg3 : memref<1000x128xf32, #tpu.memory_space<hbm>>) dst(%arg6 : memref<1000x128xf32, #tpu.memory_space<vmem>>)
      tpu.yield
    }) : () -> ()
    %dma_wait3A = arith.constant 1 : i32
    %dma_wait3A_9 = tpu.memref_slice %arg2[%mul3A_4] : memref<81920xi32, #tpu.memory_space<hbm>> -> memref<2560xi32, #tpu.memory_space<hbm>>
    %dma_wait3A_10 = tpu.memref_slice %arg7[%dma_wait3A] : memref<2x!tpu.dma_semaphore, #tpu.memory_space<semaphore_mem>> -> memref<1x!tpu.dma_semaphore, #tpu.memory_space<semaphore_mem>>
    %dma_wait3A_11 = tpu.memref_squeeze %dma_wait3A_10 : memref<1x!tpu.dma_semaphore, #tpu.memory_space<semaphore_mem>> -> memref<!tpu.dma_semaphore, #tpu.memory_space<semaphore_mem>>
    %dma_wait3A_12 = tpu.memref_slice %arg2[%mul3A_4] : memref<81920xi32, #tpu.memory_space<hbm>> -> memref<2560xi32, #tpu.memory_space<hbm>>
    tpu.wait_dma2 semaphore(%dma_wait3A_11 : memref<!tpu.dma_semaphore, #tpu.memory_space<semaphore_mem>>) src(%dma_wait3A_12 : memref<2560xi32, #tpu.memory_space<hbm>>) dst(%arg5 : memref<2560xi32, #tpu.memory_space<vmem>>)
    %broadcast_in_dim3A = arith.constant 1.000000e+00 : f32
    %broadcast_in_dim3A_13 = vector.broadcast %broadcast_in_dim3A : f32 to vector<16xf32>
    %iota3A = tpu.iota {dimensions = array<i32: 0>} : vector<16xi32>
    %broadcast_in_dim3A_14 = arith.constant 20 : i32
    %broadcast_in_dim3A_15 = vector.broadcast %broadcast_in_dim3A_14 : i32 to vector<16xi32>
    %mul3A_16 = arith.muli %iota3A, %broadcast_in_dim3A_15 : vector<16xi32>
    %broadcast_in_dim3A_17 = arith.constant 0 : i32
    %broadcast_in_dim3A_18 = vector.broadcast %broadcast_in_dim3A_17 : i32 to vector<16xi32>
    %add3A_19 = arith.addi %mul3A_16, %broadcast_in_dim3A_18 : vector<16xi32>
    %gather3A = tpu.vector_load_idx %arg5[%add3A_19] : memref<2560xi32, #tpu.memory_space<vmem>>[vector<16xi32>], vector<16xi32>,
    %broadcast_in_dim3A_20 = arith.constant 0 : i32
    %broadcast_in_dim3A_21 = vector.broadcast %broadcast_in_dim3A_20 : i32 to vector<16xi32>
    %add3A_22 = arith.addi %iota3A, %broadcast_in_dim3A_21 : vector<16xi32>
    tpu.vector_store_idx %arg6[%gather3A, %add3A_22], %broadcast_in_dim3A_13 : memref<1000x128xf32, #tpu.memory_space<vmem>>[vector<16xi32>, vector<16xi32>], vector<16xf32>,
    %broadcast_in_dim3A_23 = arith.constant 320 : i32
    %broadcast_in_dim3A_24 = vector.broadcast %broadcast_in_dim3A_23 : i32 to vector<16xi32>
    %add3A_25 = arith.addi %mul3A_16, %broadcast_in_dim3A_24 : vector<16xi32>
    %gather3A_26 = tpu.vector_load_idx %arg5[%add3A_25] : memref<2560xi32, #tpu.memory_space<vmem>>[vector<16xi32>], vector<16xi32>,
    %broadcast_in_dim3A_27 = arith.constant 16 : i32
    %broadcast_in_dim3A_28 = vector.broadcast %broadcast_in_dim3A_27 : i32 to vector<16xi32>
    %add3A_29 = arith.addi %iota3A, %broadcast_in_dim3A_28 : vector<16xi32>
    tpu.vector_store_idx %arg6[%gather3A_26, %add3A_29], %broadcast_in_dim3A_13 : memref<1000x128xf32, #tpu.memory_space<vmem>>[vector<16xi32>, vector<16xi32>], vector<16xf32>,
    %broadcast_in_dim3A_30 = arith.constant 640 : i32
    %broadcast_in_dim3A_31 = vector.broadcast %broadcast_in_dim3A_30 : i32 to vector<16xi32>
    %add3A_32 = arith.addi %mul3A_16, %broadcast_in_dim3A_31 : vector<16xi32>
    %gather3A_33 = tpu.vector_load_idx %arg5[%add3A_32] : memref<2560xi32, #tpu.memory_space<vmem>>[vector<16xi32>], vector<16xi32>,
    %broadcast_in_dim3A_34 = arith.constant 32 : i32
    %broadcast_in_dim3A_35 = vector.broadcast %broadcast_in_dim3A_34 : i32 to vector<16xi32>
    %add3A_36 = arith.addi %iota3A, %broadcast_in_dim3A_35 : vector<16xi32>
    tpu.vector_store_idx %arg6[%gather3A_33, %add3A_36], %broadcast_in_dim3A_13 : memref<1000x128xf32, #tpu.memory_space<vmem>>[vector<16xi32>, vector<16xi32>], vector<16xf32>,
    %broadcast_in_dim3A_37 = arith.constant 960 : i32
    %broadcast_in_dim3A_38 = vector.broadcast %broadcast_in_dim3A_37 : i32 to vector<16xi32>
    %add3A_39 = arith.addi %mul3A_16, %broadcast_in_dim3A_38 : vector<16xi32>
    %gather3A_40 = tpu.vector_load_idx %arg5[%add3A_39] : memref<2560xi32, #tpu.memory_space<vmem>>[vector<16xi32>], vector<16xi32>,
    %broadcast_in_dim3A_41 = arith.constant 48 : i32
    %broadcast_in_dim3A_42 = vector.broadcast %broadcast_in_dim3A_41 : i32 to vector<16xi32>
    %add3A_43 = arith.addi %iota3A, %broadcast_in_dim3A_42 : vector<16xi32>
    tpu.vector_store_idx %arg6[%gather3A_40, %add3A_43], %broadcast_in_dim3A_13 : memref<1000x128xf32, #tpu.memory_space<vmem>>[vector<16xi32>, vector<16xi32>], vector<16xf32>,
    %broadcast_in_dim3A_44 = arith.constant 1280 : i32
    %broadcast_in_dim3A_45 = vector.broadcast %broadcast_in_dim3A_44 : i32 to vector<16xi32>
    %add3A_46 = arith.addi %mul3A_16, %broadcast_in_dim3A_45 : vector<16xi32>
    %gather3A_47 = tpu.vector_load_idx %arg5[%add3A_46] : memref<2560xi32, #tpu.memory_space<vmem>>[vector<16xi32>], vector<16xi32>,
    %broadcast_in_dim3A_48 = arith.constant 64 : i32
    %broadcast_in_dim3A_49 = vector.broadcast %broadcast_in_dim3A_48 : i32 to vector<16xi32>
    %add3A_50 = arith.addi %iota3A, %broadcast_in_dim3A_49 : vector<16xi32>
    tpu.vector_store_idx %arg6[%gather3A_47, %add3A_50], %broadcast_in_dim3A_13 : memref<1000x128xf32, #tpu.memory_space<vmem>>[vector<16xi32>, vector<16xi32>], vector<16xf32>,
    %broadcast_in_dim3A_51 = arith.constant 1600 : i32
    %broadcast_in_dim3A_52 = vector.broadcast %broadcast_in_dim3A_51 : i32 to vector<16xi32>
    %add3A_53 = arith.addi %mul3A_16, %broadcast_in_dim3A_52 : vector<16xi32>
    %gather3A_54 = tpu.vector_load_idx %arg5[%add3A_53] : memref<2560xi32, #tpu.memory_space<vmem>>[vector<16xi32>], vector<16xi32>,
    %broadcast_in_dim3A_55 = arith.constant 80 : i32
    %broadcast_in_dim3A_56 = vector.broadcast %broadcast_in_dim3A_55 : i32 to vector<16xi32>
    %add3A_57 = arith.addi %iota3A, %broadcast_in_dim3A_56 : vector<16xi32>
    tpu.vector_store_idx %arg6[%gather3A_54, %add3A_57], %broadcast_in_dim3A_13 : memref<1000x128xf32, #tpu.memory_space<vmem>>[vector<16xi32>, vector<16xi32>], vector<16xf32>,
    %broadcast_in_dim3A_58 = arith.constant 1920 : i32
    %broadcast_in_dim3A_59 = vector.broadcast %broadcast_in_dim3A_58 : i32 to vector<16xi32>
    %add3A_60 = arith.addi %mul3A_16, %broadcast_in_dim3A_59 : vector<16xi32>
    %gather3A_61 = tpu.vector_load_idx %arg5[%add3A_60] : memref<2560xi32, #tpu.memory_space<vmem>>[vector<16xi32>], vector<16xi32>,
    %broadcast_in_dim3A_62 = arith.constant 96 : i32
    %broadcast_in_dim3A_63 = vector.broadcast %broadcast_in_dim3A_62 : i32 to vector<16xi32>
    %add3A_64 = arith.addi %iota3A, %broadcast_in_dim3A_63 : vector<16xi32>
    tpu.vector_store_idx %arg6[%gather3A_61, %add3A_64], %broadcast_in_dim3A_13 : memref<1000x128xf32, #tpu.memory_space<vmem>>[vector<16xi32>, vector<16xi32>], vector<16xf32>,
    %broadcast_in_dim3A_65 = arith.constant 2240 : i32
    %broadcast_in_dim3A_66 = vector.broadcast %broadcast_in_dim3A_65 : i32 to vector<16xi32>
    %add3A_67 = arith.addi %mul3A_16, %broadcast_in_dim3A_66 : vector<16xi32>
    %gather3A_68 = tpu.vector_load_idx %arg5[%add3A_67] : memref<2560xi32, #tpu.memory_space<vmem>>[vector<16xi32>], vector<16xi32>,
    %broadcast_in_dim3A_69 = arith.constant 112 : i32
    %broadcast_in_dim3A_70 = vector.broadcast %broadcast_in_dim3A_69 : i32 to vector<16xi32>
    %add3A_71 = arith.addi %iota3A, %broadcast_in_dim3A_70 : vector<16xi32>
    tpu.vector_store_idx %arg6[%gather3A_68, %add3A_71], %broadcast_in_dim3A_13 : memref<1000x128xf32, #tpu.memory_space<vmem>>[vector<16xi32>, vector<16xi32>], vector<16xf32>,
    %dma_start3A_72 = arith.constant 0 : i32
    %dma_start3A_73 = arith.constant 0 : i32
    %dma_start3A_74 = arith.constant 0 : i32
    %dma_start3A_75 = tpu.memref_slice %arg4[%dma_start3A_72, %dma_start3A_74, %mul3A_2] : memref<20x1000x4096xf32, #tpu.memory_space<hbm>> -> memref<1x1000x128xf32, #tpu.memory_space<hbm>>
    %dma_start3A_76 = tpu.memref_squeeze %dma_start3A_75 : memref<1x1000x128xf32, #tpu.memory_space<hbm>> -> memref<1000x128xf32, #tpu.memory_space<hbm>>
    %dma_start3A_77 = tpu.memref_slice %arg7[%dma_start3A_73] : memref<2x!tpu.dma_semaphore, #tpu.memory_space<semaphore_mem>> -> memref<1x!tpu.dma_semaphore, #tpu.memory_space<semaphore_mem>>
    %dma_start3A_78 = tpu.memref_squeeze %dma_start3A_77 : memref<1x!tpu.dma_semaphore, #tpu.memory_space<semaphore_mem>> -> memref<!tpu.dma_semaphore, #tpu.memory_space<semaphore_mem>>
    %dma_start3A_79 = arith.constant 0 : i32
    %dma_start3A_80 = tpu.memref_slice %arg4[%dma_start3A_72, %dma_start3A_79, %mul3A_2] : memref<20x1000x4096xf32, #tpu.memory_space<hbm>> -> memref<1x1000x128xf32, #tpu.memory_space<hbm>>
    %dma_start3A_81 = tpu.memref_squeeze %dma_start3A_80 : memref<1x1000x128xf32, #tpu.memory_space<hbm>> -> memref<1000x128xf32, #tpu.memory_space<hbm>>
    tpu.enqueue_dma source(%arg6 : memref<1000x128xf32, #tpu.memory_space<vmem>>) target(%dma_start3A_81 : memref<1000x128xf32, #tpu.memory_space<hbm>>) target_semaphore(%dma_start3A_78 : memref<!tpu.dma_semaphore, #tpu.memory_space<semaphore_mem>>)
    %dma_wait3A_82 = arith.constant 0 : i32
    %dma_wait3A_83 = arith.constant 0 : i32
    %dma_wait3A_84 = arith.constant 0 : i32
    %dma_wait3A_85 = tpu.memref_slice %arg4[%dma_wait3A_82, %dma_wait3A_84, %mul3A_2] : memref<20x1000x4096xf32, #tpu.memory_space<hbm>> -> memref<1x1000x128xf32, #tpu.memory_space<hbm>>
    %dma_wait3A_86 = tpu.memref_squeeze %dma_wait3A_85 : memref<1x1000x128xf32, #tpu.memory_space<hbm>> -> memref<1000x128xf32, #tpu.memory_space<hbm>>
    %dma_wait3A_87 = tpu.memref_slice %arg7[%dma_wait3A_83] : memref<2x!tpu.dma_semaphore, #tpu.memory_space<semaphore_mem>> -> memref<1x!tpu.dma_semaphore, #tpu.memory_space<semaphore_mem>>
    %dma_wait3A_88 = tpu.memref_squeeze %dma_wait3A_87 : memref<1x!tpu.dma_semaphore, #tpu.memory_space<semaphore_mem>> -> memref<!tpu.dma_semaphore, #tpu.memory_space<semaphore_mem>>
    %dma_wait3A_89 = arith.constant 0 : i32
    %dma_wait3A_90 = tpu.memref_slice %arg4[%dma_wait3A_82, %dma_wait3A_89, %mul3A_2] : memref<20x1000x4096xf32, #tpu.memory_space<hbm>> -> memref<1x1000x128xf32, #tpu.memory_space<hbm>>
    %dma_wait3A_91 = tpu.memref_squeeze %dma_wait3A_90 : memref<1x1000x128xf32, #tpu.memory_space<hbm>> -> memref<1000x128xf32, #tpu.memory_space<hbm>>
    tpu.wait_dma2 semaphore(%dma_wait3A_88 : memref<!tpu.dma_semaphore, #tpu.memory_space<semaphore_mem>>) src(%arg6 : memref<1000x128xf32, #tpu.memory_space<vmem>>) dst(%dma_wait3A_91 : memref<1000x128xf32, #tpu.memory_space<hbm>>)
    %broadcast_in_dim3A_92 = arith.constant 0.000000e+00 : f32
    %broadcast_in_dim3A_93 = vector.broadcast %broadcast_in_dim3A_92 : f32 to vector<16xf32>
    %iota3A_94 = tpu.iota {dimensions = array<i32: 0>} : vector<16xi32>
    %broadcast_in_dim3A_95 = arith.constant 20 : i32
    %broadcast_in_dim3A_96 = vector.broadcast %broadcast_in_dim3A_95 : i32 to vector<16xi32>
    %mul3A_97 = arith.muli %iota3A_94, %broadcast_in_dim3A_96 : vector<16xi32>
    %broadcast_in_dim3A_98 = arith.constant 0 : i32
    %broadcast_in_dim3A_99 = vector.broadcast %broadcast_in_dim3A_98 : i32 to vector<16xi32>
    %add3A_100 = arith.addi %mul3A_97, %broadcast_in_dim3A_99 : vector<16xi32>
    %gather3A_101 = tpu.vector_load_idx %arg5[%add3A_100] : memref<2560xi32, #tpu.memory_space<vmem>>[vector<16xi32>], vector<16xi32>,
    %broadcast_in_dim3A_102 = arith.constant 0 : i32
    %broadcast_in_dim3A_103 = vector.broadcast %broadcast_in_dim3A_102 : i32 to vector<16xi32>
    %add3A_104 = arith.addi %iota3A_94, %broadcast_in_dim3A_103 : vector<16xi32>
    tpu.vector_store_idx %arg6[%gather3A_101, %add3A_104], %broadcast_in_dim3A_93 : memref<1000x128xf32, #tpu.memory_space<vmem>>[vector<16xi32>, vector<16xi32>], vector<16xf32>,
    %broadcast_in_dim3A_105 = arith.constant 320 : i32
    %broadcast_in_dim3A_106 = vector.broadcast %broadcast_in_dim3A_105 : i32 to vector<16xi32>
    %add3A_107 = arith.addi %mul3A_97, %broadcast_in_dim3A_106 : vector<16xi32>
    %gather3A_108 = tpu.vector_load_idx %arg5[%add3A_107] : memref<2560xi32, #tpu.memory_space<vmem>>[vector<16xi32>], vector<16xi32>,
    %broadcast_in_dim3A_109 = arith.constant 16 : i32
    %broadcast_in_dim3A_110 = vector.broadcast %broadcast_in_dim3A_109 : i32 to vector<16xi32>
    %add3A_111 = arith.addi %iota3A_94, %broadcast_in_dim3A_110 : vector<16xi32>
    tpu.vector_store_idx %arg6[%gather3A_108, %add3A_111], %broadcast_in_dim3A_93 : memref<1000x128xf32, #tpu.memory_space<vmem>>[vector<16xi32>, vector<16xi32>], vector<16xf32>,
    %broadcast_in_dim3A_112 = arith.constant 640 : i32
    %broadcast_in_dim3A_113 = vector.broadcast %broadcast_in_dim3A_112 : i32 to vector<16xi32>
    %add3A_114 = arith.addi %mul3A_97, %broadcast_in_dim3A_113 : vector<16xi32>
    %gather3A_115 = tpu.vector_load_idx %arg5[%add3A_114] : memref<2560xi32, #tpu.memory_space<vmem>>[vector<16xi32>], vector<16xi32>,
    %broadcast_in_dim3A_116 = arith.constant 32 : i32
    %broadcast_in_dim3A_117 = vector.broadcast %broadcast_in_dim3A_116 : i32 to vector<16xi32>
    %add3A_118 = arith.addi %iota3A_94, %broadcast_in_dim3A_117 : vector<16xi32>
    tpu.vector_store_idx %arg6[%gather3A_115, %add3A_118], %broadcast_in_dim3A_93 : memref<1000x128xf32, #tpu.memory_space<vmem>>[vector<16xi32>, vector<16xi32>], vector<16xf32>,
    %broadcast_in_dim3A_119 = arith.constant 960 : i32
    %broadcast_in_dim3A_120 = vector.broadcast %broadcast_in_dim3A_119 : i32 to vector<16xi32>
    %add3A_121 = arith.addi %mul3A_97, %broadcast_in_dim3A_120 : vector<16xi32>
    %gather3A_122 = tpu.vector_load_idx %arg5[%add3A_121] : memref<2560xi32, #tpu.memory_space<vmem>>[vector<16xi32>], vector<16xi32>,
    %broadcast_in_dim3A_123 = arith.constant 48 : i32
    %broadcast_in_dim3A_124 = vector.broadcast %broadcast_in_dim3A_123 : i32 to vector<16xi32>
    %add3A_125 = arith.addi %iota3A_94, %broadcast_in_dim3A_124 : vector<16xi32>
    tpu.vector_store_idx %arg6[%gather3A_122, %add3A_125], %broadcast_in_dim3A_93 : memref<1000x128xf32, #tpu.memory_space<vmem>>[vector<16xi32>, vector<16xi32>], vector<16xf32>,
    %broadcast_in_dim3A_126 = arith.constant 1280 : i32
    %broadcast_in_dim3A_127 = vector.broadcast %broadcast_in_dim3A_126 : i32 to vector<16xi32>
    %add3A_128 = arith.addi %mul3A_97, %broadcast_in_dim3A_127 : vector<16xi32>
    %gather3A_129 = tpu.vector_load_idx %arg5[%add3A_128] : memref<2560xi32, #tpu.memory_space<vmem>>[vector<16xi32>], vector<16xi32>,
    %broadcast_in_dim3A_130 = arith.constant 64 : i32
    %broadcast_in_dim3A_131 = vector.broadcast %broadcast_in_dim3A_130 : i32 to vector<16xi32>
    %add3A_132 = arith.addi %iota3A_94, %broadcast_in_dim3A_131 : vector<16xi32>
    tpu.vector_store_idx %arg6[%gather3A_129, %add3A_132], %broadcast_in_dim3A_93 : memref<1000x128xf32, #tpu.memory_space<vmem>>[vector<16xi32>, vector<16xi32>], vector<16xf32>,
    %broadcast_in_dim3A_133 = arith.constant 1600 : i32
    %broadcast_in_dim3A_134 = vector.broadcast %broadcast_in_dim3A_133 : i32 to vector<16xi32>
    %add3A_135 = arith.addi %mul3A_97, %broadcast_in_dim3A_134 : vector<16xi32>
    %gather3A_136 = tpu.vector_load_idx %arg5[%add3A_135] : memref<2560xi32, #tpu.memory_space<vmem>>[vector<16xi32>], vector<16xi32>,
    %broadcast_in_dim3A_137 = arith.constant 80 : i32
    %broadcast_in_dim3A_138 = vector.broadcast %broadcast_in_dim3A_137 : i32 to vector<16xi32>
    %add3A_139 = arith.addi %iota3A_94, %broadcast_in_dim3A_138 : vector<16xi32>
    tpu.vector_store_idx %arg6[%gather3A_136, %add3A_139], %broadcast_in_dim3A_93 : memref<1000x128xf32, #tpu.memory_space<vmem>>[vector<16xi32>, vector<16xi32>], vector<16xf32>,
    %broadcast_in_dim3A_140 = arith.constant 1920 : i32
    %broadcast_in_dim3A_141 = vector.broadcast %broadcast_in_dim3A_140 : i32 to vector<16xi32>
    %add3A_142 = arith.addi %mul3A_97, %broadcast_in_dim3A_141 : vector<16xi32>
    %gather3A_143 = tpu.vector_load_idx %arg5[%add3A_142] : memref<2560xi32, #tpu.memory_space<vmem>>[vector<16xi32>], vector<16xi32>,
    %broadcast_in_dim3A_144 = arith.constant 96 : i32
    %broadcast_in_dim3A_145 = vector.broadcast %broadcast_in_dim3A_144 : i32 to vector<16xi32>
    %add3A_146 = arith.addi %iota3A_94, %broadcast_in_dim3A_145 : vector<16xi32>
    tpu.vector_store_idx %arg6[%gather3A_143, %add3A_146], %broadcast_in_dim3A_93 : memref<1000x128xf32, #tpu.memory_space<vmem>>[vector<16xi32>, vector<16xi32>], vector<16xf32>,
    %broadcast_in_dim3A_147 = arith.constant 2240 : i32
    %broadcast_in_dim3A_148 = vector.broadcast %broadcast_in_dim3A_147 : i32 to vector<16xi32>
    %add3A_149 = arith.addi %mul3A_97, %broadcast_in_dim3A_148 : vector<16xi32>
    %gather3A_150 = tpu.vector_load_idx %arg5[%add3A_149] : memref<2560xi32, #tpu.memory_space<vmem>>[vector<16xi32>], vector<16xi32>,
    %broadcast_in_dim3A_151 = arith.constant 112 : i32
    %broadcast_in_dim3A_152 = vector.broadcast %broadcast_in_dim3A_151 : i32 to vector<16xi32>
    %add3A_153 = arith.addi %iota3A_94, %broadcast_in_dim3A_152 : vector<16xi32>
    tpu.vector_store_idx %arg6[%gather3A_150, %add3A_153], %broadcast_in_dim3A_93 : memref<1000x128xf32, #tpu.memory_space<vmem>>[vector<16xi32>, vector<16xi32>], vector<16xf32>,
    %broadcast_in_dim3A_154 = arith.constant 1.000000e+00 : f32
    %broadcast_in_dim3A_155 = vector.broadcast %broadcast_in_dim3A_154 : f32 to vector<16xf32>
    %iota3A_156 = tpu.iota {dimensions = array<i32: 0>} : vector<16xi32>
    %broadcast_in_dim3A_157 = arith.constant 20 : i32
    %broadcast_in_dim3A_158 = vector.broadcast %broadcast_in_dim3A_157 : i32 to vector<16xi32>
    %mul3A_159 = arith.muli %iota3A_156, %broadcast_in_dim3A_158 : vector<16xi32>
    %broadcast_in_dim3A_160 = arith.constant 1 : i32
    %broadcast_in_dim3A_161 = vector.broadcast %broadcast_in_dim3A_160 : i32 to vector<16xi32>
    %add3A_162 = arith.addi %mul3A_159, %broadcast_in_dim3A_161 : vector<16xi32>
    %gather3A_163 = tpu.vector_load_idx %arg5[%add3A_162] : memref<2560xi32, #tpu.memory_space<vmem>>[vector<16xi32>], vector<16xi32>,
    %broadcast_in_dim3A_164 = arith.constant 0 : i32
    %broadcast_in_dim3A_165 = vector.broadcast %broadcast_in_dim3A_164 : i32 to vector<16xi32>
    %add3A_166 = arith.addi %iota3A_156, %broadcast_in_dim3A_165 : vector<16xi32>
    tpu.vector_store_idx %arg6[%gather3A_163, %add3A_166], %broadcast_in_dim3A_155 : memref<1000x128xf32, #tpu.memory_space<vmem>>[vector<16xi32>, vector<16xi32>], vector<16xf32>,
    %broadcast_in_dim3A_167 = arith.constant 321 : i32
    %broadcast_in_dim3A_168 = vector.broadcast %broadcast_in_dim3A_167 : i32 to vector<16xi32>
    %add3A_169 = arith.addi %mul3A_159, %broadcast_in_dim3A_168 : vector<16xi32>
    %gather3A_170 = tpu.vector_load_idx %arg5[%add3A_169] : memref<2560xi32, #tpu.memory_space<vmem>>[vector<16xi32>], vector<16xi32>,
    %broadcast_in_dim3A_171 = arith.constant 16 : i32
    %broadcast_in_dim3A_172 = vector.broadcast %broadcast_in_dim3A_171 : i32 to vector<16xi32>
    %add3A_173 = arith.addi %iota3A_156, %broadcast_in_dim3A_172 : vector<16xi32>
    tpu.vector_store_idx %arg6[%gather3A_170, %add3A_173], %broadcast_in_dim3A_155 : memref<1000x128xf32, #tpu.memory_space<vmem>>[vector<16xi32>, vector<16xi32>], vector<16xf32>,
    %broadcast_in_dim3A_174 = arith.constant 641 : i32
    %broadcast_in_dim3A_175 = vector.broadcast %broadcast_in_dim3A_174 : i32 to vector<16xi32>
    %add3A_176 = arith.addi %mul3A_159, %broadcast_in_dim3A_175 : vector<16xi32>
    %gather3A_177 = tpu.vector_load_idx %arg5[%add3A_176] : memref<2560xi32, #tpu.memory_space<vmem>>[vector<16xi32>], vector<16xi32>,
    %broadcast_in_dim3A_178 = arith.constant 32 : i32
    %broadcast_in_dim3A_179 = vector.broadcast %broadcast_in_dim3A_178 : i32 to vector<16xi32>
    %add3A_180 = arith.addi %iota3A_156, %broadcast_in_dim3A_179 : vector<16xi32>
    tpu.vector_store_idx %arg6[%gather3A_177, %add3A_180], %broadcast_in_dim3A_155 : memref<1000x128xf32, #tpu.memory_space<vmem>>[vector<16xi32>, vector<16xi32>], vector<16xf32>,
    %broadcast_in_dim3A_181 = arith.constant 961 : i32
    %broadcast_in_dim3A_182 = vector.broadcast %broadcast_in_dim3A_181 : i32 to vector<16xi32>
    %add3A_183 = arith.addi %mul3A_159, %broadcast_in_dim3A_182 : vector<16xi32>
    %gather3A_184 = tpu.vector_load_idx %arg5[%add3A_183] : memref<2560xi32, #tpu.memory_space<vmem>>[vector<16xi32>], vector<16xi32>,
    %broadcast_in_dim3A_185 = arith.constant 48 : i32
    %broadcast_in_dim3A_186 = vector.broadcast %broadcast_in_dim3A_185 : i32 to vector<16xi32>
    %add3A_187 = arith.addi %iota3A_156, %broadcast_in_dim3A_186 : vector<16xi32>
    tpu.vector_store_idx %arg6[%gather3A_184, %add3A_187], %broadcast_in_dim3A_155 : memref<1000x128xf32, #tpu.memory_space<vmem>>[vector<16xi32>, vector<16xi32>], vector<16xf32>,
    %broadcast_in_dim3A_188 = arith.constant 1281 : i32
    %broadcast_in_dim3A_189 = vector.broadcast %broadcast_in_dim3A_188 : i32 to vector<16xi32>
    %add3A_190 = arith.addi %mul3A_159, %broadcast_in_dim3A_189 : vector<16xi32>
    %gather3A_191 = tpu.vector_load_idx %arg5[%add3A_190] : memref<2560xi32, #tpu.memory_space<vmem>>[vector<16xi32>], vector<16xi32>,
    %broadcast_in_dim3A_192 = arith.constant 64 : i32
    %broadcast_in_dim3A_193 = vector.broadcast %broadcast_in_dim3A_192 : i32 to vector<16xi32>
    %add3A_194 = arith.addi %iota3A_156, %broadcast_in_dim3A_193 : vector<16xi32>
    tpu.vector_store_idx %arg6[%gather3A_191, %add3A_194], %broadcast_in_dim3A_155 : memref<1000x128xf32, #tpu.memory_space<vmem>>[vector<16xi32>, vector<16xi32>], vector<16xf32>,
    %broadcast_in_dim3A_195 = arith.constant 1601 : i32
    %broadcast_in_dim3A_196 = vector.broadcast %broadcast_in_dim3A_195 : i32 to vector<16xi32>
    %add3A_197 = arith.addi %mul3A_159, %broadcast_in_dim3A_196 : vector<16xi32>
    %gather3A_198 = tpu.vector_load_idx %arg5[%add3A_197] : memref<2560xi32, #tpu.memory_space<vmem>>[vector<16xi32>], vector<16xi32>,
    %broadcast_in_dim3A_199 = arith.constant 80 : i32
    %broadcast_in_dim3A_200 = vector.broadcast %broadcast_in_dim3A_199 : i32 to vector<16xi32>
    %add3A_201 = arith.addi %iota3A_156, %broadcast_in_dim3A_200 : vector<16xi32>
    tpu.vector_store_idx %arg6[%gather3A_198, %add3A_201], %broadcast_in_dim3A_155 : memref<1000x128xf32, #tpu.memory_space<vmem>>[vector<16xi32>, vector<16xi32>], vector<16xf32>,
    %broadcast_in_dim3A_202 = arith.constant 1921 : i32
    %broadcast_in_dim3A_203 = vector.broadcast %broadcast_in_dim3A_202 : i32 to vector<16xi32>
    %add3A_204 = arith.addi %mul3A_159, %broadcast_in_dim3A_203 : vector<16xi32>
    %gather3A_205 = tpu.vector_load_idx %arg5[%add3A_204] : memref<2560xi32, #tpu.memory_space<vmem>>[vector<16xi32>], vector<16xi32>,
    %broadcast_in_dim3A_206 = arith.constant 96 : i32
    %broadcast_in_dim3A_207 = vector.broadcast %broadcast_in_dim3A_206 : i32 to vector<16xi32>
    %add3A_208 = arith.addi %iota3A_156, %broadcast_in_dim3A_207 : vector<16xi32>
    tpu.vector_store_idx %arg6[%gather3A_205, %add3A_208], %broadcast_in_dim3A_155 : memref<1000x128xf32, #tpu.memory_space<vmem>>[vector<16xi32>, vector<16xi32>], vector<16xf32>,
    %broadcast_in_dim3A_209 = arith.constant 2241 : i32
    %broadcast_in_dim3A_210 = vector.broadcast %broadcast_in_dim3A_209 : i32 to vector<16xi32>
    %add3A_211 = arith.addi %mul3A_159, %broadcast_in_dim3A_210 : vector<16xi32>
    %gather3A_212 = tpu.vector_load_idx %arg5[%add3A_211] : memref<2560xi32, #tpu.memory_space<vmem>>[vector<16xi32>], vector<16xi32>,
    %broadcast_in_dim3A_213 = arith.constant 112 : i32
    %broadcast_in_dim3A_214 = vector.broadcast %broadcast_in_dim3A_213 : i32 to vector<16xi32>
    %add3A_215 = arith.addi %iota3A_156, %broadcast_in_dim3A_214 : vector<16xi32>
    tpu.vector_store_idx %arg6[%gather3A_212, %add3A_215], %broadcast_in_dim3A_155 : memref<1000x128xf32, #tpu.memory_space<vmem>>[vector<16xi32>, vector<16xi32>], vector<16xf32>,
    %dma_start3A_216 = arith.constant 1 : i32
    %dma_start3A_217 = arith.constant 0 : i32
    %dma_start3A_218 = arith.constant 0 : i32
    %dma_start3A_219 = tpu.memref_slice %arg4[%dma_start3A_216, %dma_start3A_218, %mul3A_2] : memref<20x1000x4096xf32, #tpu.memory_space<hbm>> -> memref<1x1000x128xf32, #tpu.memory_space<hbm>>
    %dma_start3A_220 = tpu.memref_squeeze %dma_start3A_219 : memref<1x1000x128xf32, #tpu.memory_space<hbm>> -> memref<1000x128xf32, #tpu.memory_space<hbm>>
    %dma_start3A_221 = tpu.memref_slice %arg7[%dma_start3A_217] : memref<2x!tpu.dma_semaphore, #tpu.memory_space<semaphore_mem>> -> memref<1x!tpu.dma_semaphore, #tpu.memory_space<semaphore_mem>>
    %dma_start3A_222 = tpu.memref_squeeze %dma_start3A_221 : memref<1x!tpu.dma_semaphore, #tpu.memory_space<semaphore_mem>> -> memref<!tpu.dma_semaphore, #tpu.memory_space<semaphore_mem>>
    %dma_start3A_223 = arith.constant 0 : i32
    %dma_start3A_224 = tpu.memref_slice %arg4[%dma_start3A_216, %dma_start3A_223, %mul3A_2] : memref<20x1000x4096xf32, #tpu.memory_space<hbm>> -> memref<1x1000x128xf32, #tpu.memory_space<hbm>>
    %dma_start3A_225 = tpu.memref_squeeze %dma_start3A_224 : memref<1x1000x128xf32, #tpu.memory_space<hbm>> -> memref<1000x128xf32, #tpu.memory_space<hbm>>
    tpu.enqueue_dma source(%arg6 : memref<1000x128xf32, #tpu.memory_space<vmem>>) target(%dma_start3A_225 : memref<1000x128xf32, #tpu.memory_space<hbm>>) target_semaphore(%dma_start3A_222 : memref<!tpu.dma_semaphore, #tpu.memory_space<semaphore_mem>>)
    %dma_wait3A_226 = arith.constant 1 : i32
    %dma_wait3A_227 = arith.constant 0 : i32
    %dma_wait3A_228 = arith.constant 0 : i32
    %dma_wait3A_229 = tpu.memref_slice %arg4[%dma_wait3A_226, %dma_wait3A_228, %mul3A_2] : memref<20x1000x4096xf32, #tpu.memory_space<hbm>> -> memref<1x1000x128xf32, #tpu.memory_space<hbm>>
    %dma_wait3A_230 = tpu.memref_squeeze %dma_wait3A_229 : memref<1x1000x128xf32, #tpu.memory_space<hbm>> -> memref<1000x128xf32, #tpu.memory_space<hbm>>
    %dma_wait3A_231 = tpu.memref_slice %arg7[%dma_wait3A_227] : memref<2x!tpu.dma_semaphore, #tpu.memory_space<semaphore_mem>> -> memref<1x!tpu.dma_semaphore, #tpu.memory_space<semaphore_mem>>
    %dma_wait3A_232 = tpu.memref_squeeze %dma_wait3A_231 : memref<1x!tpu.dma_semaphore, #tpu.memory_space<semaphore_mem>> -> memref<!tpu.dma_semaphore, #tpu.memory_space<semaphore_mem>>
    %dma_wait3A_233 = arith.constant 0 : i32
    %dma_wait3A_234 = tpu.memref_slice %arg4[%dma_wait3A_226, %dma_wait3A_233, %mul3A_2] : memref<20x1000x4096xf32, #tpu.memory_space<hbm>> -> memref<1x1000x128xf32, #tpu.memory_space<hbm>>
    %dma_wait3A_235 = tpu.memref_squeeze %dma_wait3A_234 : memref<1x1000x128xf32, #tpu.memory_space<hbm>> -> memref<1000x128xf32, #tpu.memory_space<hbm>>
    tpu.wait_dma2 semaphore(%dma_wait3A_232 : memref<!tpu.dma_semaphore, #tpu.memory_space<semaphore_mem>>) src(%arg6 : memref<1000x128xf32, #tpu.memory_space<vmem>>) dst(%dma_wait3A_235 : memref<1000x128xf32, #tpu.memory_space<hbm>>)
    %broadcast_in_dim3A_236 = arith.constant 0.000000e+00 : f32
    %broadcast_in_dim3A_237 = vector.broadcast %broadcast_in_dim3A_236 : f32 to vector<16xf32>
    %iota3A_238 = tpu.iota {dimensions = array<i32: 0>} : vector<16xi32>
    %broadcast_in_dim3A_239 = arith.constant 20 : i32
    %broadcast_in_dim3A_240 = vector.broadcast %broadcast_in_dim3A_239 : i32 to vector<16xi32>
    %mul3A_241 = arith.muli %iota3A_238, %broadcast_in_dim3A_240 : vector<16xi32>
    %broadcast_in_dim3A_242 = arith.constant 1 : i32
    %broadcast_in_dim3A_243 = vector.broadcast %broadcast_in_dim3A_242 : i32 to vector<16xi32>
    %add3A_244 = arith.addi %mul3A_241, %broadcast_in_dim3A_243 : vector<16xi32>
    %gather3A_245 = tpu.vector_load_idx %arg5[%add3A_244] : memref<2560xi32, #tpu.memory_space<vmem>>[vector<16xi32>], vector<16xi32>,
    %broadcast_in_dim3A_246 = arith.constant 0 : i32
    %broadcast_in_dim3A_247 = vector.broadcast %broadcast_in_dim3A_246 : i32 to vector<16xi32>
    %add3A_248 = arith.addi %iota3A_238, %broadcast_in_dim3A_247 : vector<16xi32>
    tpu.vector_store_idx %arg6[%gather3A_245, %add3A_248], %broadcast_in_dim3A_237 : memref<1000x128xf32, #tpu.memory_space<vmem>>[vector<16xi32>, vector<16xi32>], vector<16xf32>,
    %broadcast_in_dim3A_249 = arith.constant 321 : i32
    %broadcast_in_dim3A_250 = vector.broadcast %broadcast_in_dim3A_249 : i32 to vector<16xi32>
    %add3A_251 = arith.addi %mul3A_241, %broadcast_in_dim3A_250 : vector<16xi32>
    %gather3A_252 = tpu.vector_load_idx %arg5[%add3A_251] : memref<2560xi32, #tpu.memory_space<vmem>>[vector<16xi32>], vector<16xi32>,
    %broadcast_in_dim3A_253 = arith.constant 16 : i32
    %broadcast_in_dim3A_254 = vector.broadcast %broadcast_in_dim3A_253 : i32 to vector<16xi32>
    %add3A_255 = arith.addi %iota3A_238, %broadcast_in_dim3A_254 : vector<16xi32>
    tpu.vector_store_idx %arg6[%gather3A_252, %add3A_255], %broadcast_in_dim3A_237 : memref<1000x128xf32, #tpu.memory_space<vmem>>[vector<16xi32>, vector<16xi32>], vector<16xf32>,
    %broadcast_in_dim3A_256 = arith.constant 641 : i32
    %broadcast_in_dim3A_257 = vector.broadcast %broadcast_in_dim3A_256 : i32 to vector<16xi32>
    %add3A_258 = arith.addi %mul3A_241, %broadcast_in_dim3A_257 : vector<16xi32>
    %gather3A_259 = tpu.vector_load_idx %arg5[%add3A_258] : memref<2560xi32, #tpu.memory_space<vmem>>[vector<16xi32>], vector<16xi32>,
    %broadcast_in_dim3A_260 = arith.constant 32 : i32
    %broadcast_in_dim3A_261 = vector.broadcast %broadcast_in_dim3A_260 : i32 to vector<16xi32>
    %add3A_262 = arith.addi %iota3A_238, %broadcast_in_dim3A_261 : vector<16xi32>
    tpu.vector_store_idx %arg6[%gather3A_259, %add3A_262], %broadcast_in_dim3A_237 : memref<1000x128xf32, #tpu.memory_space<vmem>>[vector<16xi32>, vector<16xi32>], vector<16xf32>,
    %broadcast_in_dim3A_263 = arith.constant 961 : i32
    %broadcast_in_dim3A_264 = vector.broadcast %broadcast_in_dim3A_263 : i32 to vector<16xi32>
    %add3A_265 = arith.addi %mul3A_241, %broadcast_in_dim3A_264 : vector<16xi32>
    %gather3A_266 = tpu.vector_load_idx %arg5[%add3A_265] : memref<2560xi32, #tpu.memory_space<vmem>>[vector<16xi32>], vector<16xi32>,
    %broadcast_in_dim3A_267 = arith.constant 48 : i32
    %broadcast_in_dim3A_268 = vector.broadcast %broadcast_in_dim3A_267 : i32 to vector<16xi32>
    %add3A_269 = arith.addi %iota3A_238, %broadcast_in_dim3A_268 : vector<16xi32>
    tpu.vector_store_idx %arg6[%gather3A_266, %add3A_269], %broadcast_in_dim3A_237 : memref<1000x128xf32, #tpu.memory_space<vmem>>[vector<16xi32>, vector<16xi32>], vector<16xf32>,
    %broadcast_in_dim3A_270 = arith.constant 1281 : i32
    %broadcast_in_dim3A_271 = vector.broadcast %broadcast_in_dim3A_270 : i32 to vector<16xi32>
    %add3A_272 = arith.addi %mul3A_241, %broadcast_in_dim3A_271 : vector<16xi32>
    %gather3A_273 = tpu.vector_load_idx %arg5[%add3A_272] : memref<2560xi32, #tpu.memory_space<vmem>>[vector<16xi32>], vector<16xi32>,
    %broadcast_in_dim3A_274 = arith.constant 64 : i32
    %broadcast_in_dim3A_275 = vector.broadcast %broadcast_in_dim3A_274 : i32 to vector<16xi32>
    %add3A_276 = arith.addi %iota3A_238, %broadcast_in_dim3A_275 : vector<16xi32>
    tpu.vector_store_idx %arg6[%gather3A_273, %add3A_276], %broadcast_in_dim3A_237 : memref<1000x128xf32, #tpu.memory_space<vmem>>[vector<16xi32>, vector<16xi32>], vector<16xf32>,
    %broadcast_in_dim3A_277 = arith.constant 1601 : i32
    %broadcast_in_dim3A_278 = vector.broadcast %broadcast_in_dim3A_277 : i32 to vector<16xi32>
    %add3A_279 = arith.addi %mul3A_241, %broadcast_in_dim3A_278 : vector<16xi32>
    %gather3A_280 = tpu.vector_load_idx %arg5[%add3A_279] : memref<2560xi32, #tpu.memory_space<vmem>>[vector<16xi32>], vector<16xi32>,
    %broadcast_in_dim3A_281 = arith.constant 80 : i32
    %broadcast_in_dim3A_282 = vector.broadcast %broadcast_in_dim3A_281 : i32 to vector<16xi32>
    %add3A_283 = arith.addi %iota3A_238, %broadcast_in_dim3A_282 : vector<16xi32>
    tpu.vector_store_idx %arg6[%gather3A_280, %add3A_283], %broadcast_in_dim3A_237 : memref<1000x128xf32, #tpu.memory_space<vmem>>[vector<16xi32>, vector<16xi32>], vector<16xf32>,
    %broadcast_in_dim3A_284 = arith.constant 1921 : i32
    %broadcast_in_dim3A_285 = vector.broadcast %broadcast_in_dim3A_284 : i32 to vector<16xi32>
    %add3A_286 = arith.addi %mul3A_241, %broadcast_in_dim3A_285 : vector<16xi32>
    %gather3A_287 = tpu.vector_load_idx %arg5[%add3A_286] : memref<2560xi32, #tpu.memory_space<vmem>>[vector<16xi32>], vector<16xi32>,
    %broadcast_in_dim3A_288 = arith.constant 96 : i32
    %broadcast_in_dim3A_289 = vector.broadcast %broadcast_in_dim3A_288 : i32 to vector<16xi32>
    %add3A_290 = arith.addi %iota3A_238, %broadcast_in_dim3A_289 : vector<16xi32>
    tpu.vector_store_idx %arg6[%gather3A_287, %add3A_290], %broadcast_in_dim3A_237 : memref<1000x128xf32, #tpu.memory_space<vmem>>[vector<16xi32>, vector<16xi32>], vector<16xf32>,
    %broadcast_in_dim3A_291 = arith.constant 2241 : i32
    %broadcast_in_dim3A_292 = vector.broadcast %broadcast_in_dim3A_291 : i32 to vector<16xi32>
    %add3A_293 = arith.addi %mul3A_241, %broadcast_in_dim3A_292 : vector<16xi32>
    %gather3A_294 = tpu.vector_load_idx %arg5[%add3A_293] : memref<2560xi32, #tpu.memory_space<vmem>>[vector<16xi32>], vector<16xi32>,
    %broadcast_in_dim3A_295 = arith.constant 112 : i32
    %broadcast_in_dim3A_296 = vector.broadcast %broadcast_in_dim3A_295 : i32 to vector<16xi32>
    %add3A_297 = arith.addi %iota3A_238, %broadcast_in_dim3A_296 : vector<16xi32>
    tpu.vector_store_idx %arg6[%gather3A_294, %add3A_297], %broadcast_in_dim3A_237 : memref<1000x128xf32, #tpu.memory_space<vmem>>[vector<16xi32>, vector<16xi32>], vector<16xf32>,
    %broadcast_in_dim3A_298 = arith.constant 1.000000e+00 : f32
    %broadcast_in_dim3A_299 = vector.broadcast %broadcast_in_dim3A_298 : f32 to vector<16xf32>
    %iota3A_300 = tpu.iota {dimensions = array<i32: 0>} : vector<16xi32>
    %broadcast_in_dim3A_301 = arith.constant 20 : i32
    %broadcast_in_dim3A_302 = vector.broadcast %broadcast_in_dim3A_301 : i32 to vector<16xi32>
    %mul3A_303 = arith.muli %iota3A_300, %broadcast_in_dim3A_302 : vector<16xi32>
    %broadcast_in_dim3A_304 = arith.constant 2 : i32
    %broadcast_in_dim3A_305 = vector.broadcast %broadcast_in_dim3A_304 : i32 to vector<16xi32>
    %add3A_306 = arith.addi %mul3A_303, %broadcast_in_dim3A_305 : vector<16xi32>
    %gather3A_307 = tpu.vector_load_idx %arg5[%add3A_306] : memref<2560xi32, #tpu.memory_space<vmem>>[vector<16xi32>], vector<16xi32>,
    %broadcast_in_dim3A_308 = arith.constant 0 : i32
    %broadcast_in_dim3A_309 = vector.broadcast %broadcast_in_dim3A_308 : i32 to vector<16xi32>
    %add3A_310 = arith.addi %iota3A_300, %broadcast_in_dim3A_309 : vector<16xi32>
    tpu.vector_store_idx %arg6[%gather3A_307, %add3A_310], %broadcast_in_dim3A_299 : memref<1000x128xf32, #tpu.memory_space<vmem>>[vector<16xi32>, vector<16xi32>], vector<16xf32>,
    %broadcast_in_dim3A_311 = arith.constant 322 : i32
    %broadcast_in_dim3A_312 = vector.broadcast %broadcast_in_dim3A_311 : i32 to vector<16xi32>
    %add3A_313 = arith.addi %mul3A_303, %broadcast_in_dim3A_312 : vector<16xi32>
    %gather3A_314 = tpu.vector_load_idx %arg5[%add3A_313] : memref<2560xi32, #tpu.memory_space<vmem>>[vector<16xi32>], vector<16xi32>,
    %broadcast_in_dim3A_315 = arith.constant 16 : i32
    %broadcast_in_dim3A_316 = vector.broadcast %broadcast_in_dim3A_315 : i32 to vector<16xi32>
    %add3A_317 = arith.addi %iota3A_300, %broadcast_in_dim3A_316 : vector<16xi32>
    tpu.vector_store_idx %arg6[%gather3A_314, %add3A_317], %broadcast_in_dim3A_299 : memref<1000x128xf32, #tpu.memory_space<vmem>>[vector<16xi32>, vector<16xi32>], vector<16xf32>,
    %broadcast_in_dim3A_318 = arith.constant 642 : i32
    %broadcast_in_dim3A_319 = vector.broadcast %broadcast_in_dim3A_318 : i32 to vector<16xi32>
    %add3A_320 = arith.addi %mul3A_303, %broadcast_in_dim3A_319 : vector<16xi32>
    %gather3A_321 = tpu.vector_load_idx %arg5[%add3A_320] : memref<2560xi32, #tpu.memory_space<vmem>>[vector<16xi32>], vector<16xi32>,
    %broadcast_in_dim3A_322 = arith.constant 32 : i32
    %broadcast_in_dim3A_323 = vector.broadcast %broadcast_in_dim3A_322 : i32 to vector<16xi32>
    %add3A_324 = arith.addi %iota3A_300, %broadcast_in_dim3A_323 : vector<16xi32>
    tpu.vector_store_idx %arg6[%gather3A_321, %add3A_324], %broadcast_in_dim3A_299 : memref<1000x128xf32, #tpu.memory_space<vmem>>[vector<16xi32>, vector<16xi32>], vector<16xf32>,
    %broadcast_in_dim3A_325 = arith.constant 962 : i32
    %broadcast_in_dim3A_326 = vector.broadcast %broadcast_in_dim3A_325 : i32 to vector<16xi32>
    %add3A_327 = arith.addi %mul3A_303, %broadcast_in_dim3A_326 : vector<16xi32>
    %gather3A_328 = tpu.vector_load_idx %arg5[%add3A_327] : memref<2560xi32, #tpu.memory_space<vmem>>[vector<16xi32>], vector<16xi32>,
    %broadcast_in_dim3A_329 = arith.constant 48 : i32
    %broadcast_in_dim3A_330 = vector.broadcast %broadcast_in_dim3A_329 : i32 to vector<16xi32>
    %add3A_331 = arith.addi %iota3A_300, %broadcast_in_dim3A_330 : vector<16xi32>
    tpu.vector_store_idx %arg6[%gather3A_328, %add3A_331], %broadcast_in_dim3A_299 : memref<1000x128xf32, #tpu.memory_space<vmem>>[vector<16xi32>, vector<16xi32>], vector<16xf32>,
    %broadcast_in_dim3A_332 = arith.constant 1282 : i32
    %broadcast_in_dim3A_333 = vector.broadcast %broadcast_in_dim3A_332 : i32 to vector<16xi32>
    %add3A_334 = arith.addi %mul3A_303, %broadcast_in_dim3A_333 : vector<16xi32>
    %gather3A_335 = tpu.vector_load_idx %arg5[%add3A_334] : memref<2560xi32, #tpu.memory_space<vmem>>[vector<16xi32>], vector<16xi32>,
    %broadcast_in_dim3A_336 = arith.constant 64 : i32
    %broadcast_in_dim3A_337 = vector.broadcast %broadcast_in_dim3A_336 : i32 to vector<16xi32>
    %add3A_338 = arith.addi %iota3A_300, %broadcast_in_dim3A_337 : vector<16xi32>
    tpu.vector_store_idx %arg6[%gather3A_335, %add3A_338], %broadcast_in_dim3A_299 : memref<1000x128xf32, #tpu.memory_space<vmem>>[vector<16xi32>, vector<16xi32>], vector<16xf32>,
    %broadcast_in_dim3A_339 = arith.constant 1602 : i32
    %broadcast_in_dim3A_340 = vector.broadcast %broadcast_in_dim3A_339 : i32 to vector<16xi32>
    %add3A_341 = arith.addi %mul3A_303, %broadcast_in_dim3A_340 : vector<16xi32>
    %gather3A_342 = tpu.vector_load_idx %arg5[%add3A_341] : memref<2560xi32, #tpu.memory_space<vmem>>[vector<16xi32>], vector<16xi32>,
    %broadcast_in_dim3A_343 = arith.constant 80 : i32
    %broadcast_in_dim3A_344 = vector.broadcast %broadcast_in_dim3A_343 : i32 to vector<16xi32>
    %add3A_345 = arith.addi %iota3A_300, %broadcast_in_dim3A_344 : vector<16xi32>
    tpu.vector_store_idx %arg6[%gather3A_342, %add3A_345], %broadcast_in_dim3A_299 : memref<1000x128xf32, #tpu.memory_space<vmem>>[vector<16xi32>, vector<16xi32>], vector<16xf32>,
    %broadcast_in_dim3A_346 = arith.constant 1922 : i32
    %broadcast_in_dim3A_347 = vector.broadcast %broadcast_in_dim3A_346 : i32 to vector<16xi32>
    %add3A_348 = arith.addi %mul3A_303, %broadcast_in_dim3A_347 : vector<16xi32>
    %gather3A_349 = tpu.vector_load_idx %arg5[%add3A_348] : memref<2560xi32, #tpu.memory_space<vmem>>[vector<16xi32>], vector<16xi32>,
    %broadcast_in_dim3A_350 = arith.constant 96 : i32
    %broadcast_in_dim3A_351 = vector.broadcast %broadcast_in_dim3A_350 : i32 to vector<16xi32>
    %add3A_352 = arith.addi %iota3A_300, %broadcast_in_dim3A_351 : vector<16xi32>
    tpu.vector_store_idx %arg6[%gather3A_349, %add3A_352], %broadcast_in_dim3A_299 : memref<1000x128xf32, #tpu.memory_space<vmem>>[vector<16xi32>, vector<16xi32>], vector<16xf32>,
    %broadcast_in_dim3A_353 = arith.constant 2242 : i32
    %broadcast_in_dim3A_354 = vector.broadcast %broadcast_in_dim3A_353 : i32 to vector<16xi32>
    %add3A_355 = arith.addi %mul3A_303, %broadcast_in_dim3A_354 : vector<16xi32>
    %gather3A_356 = tpu.vector_load_idx %arg5[%add3A_355] : memref<2560xi32, #tpu.memory_space<vmem>>[vector<16xi32>], vector<16xi32>,
    %broadcast_in_dim3A_357 = arith.constant 112 : i32
    %broadcast_in_dim3A_358 = vector.broadcast %broadcast_in_dim3A_357 : i32 to vector<16xi32>
    %add3A_359 = arith.addi %iota3A_300, %broadcast_in_dim3A_358 : vector<16xi32>
    tpu.vector_store_idx %arg6[%gather3A_356, %add3A_359], %broadcast_in_dim3A_299 : memref<1000x128xf32, #tpu.memory_space<vmem>>[vector<16xi32>, vector<16xi32>], vector<16xf32>,
    %dma_start3A_360 = arith.constant 2 : i32
    %dma_start3A_361 = arith.constant 0 : i32
    %dma_start3A_362 = arith.constant 0 : i32
    %dma_start3A_363 = tpu.memref_slice %arg4[%dma_start3A_360, %dma_start3A_362, %mul3A_2] : memref<20x1000x4096xf32, #tpu.memory_space<hbm>> -> memref<1x1000x128xf32, #tpu.memory_space<hbm>>
    %dma_start3A_364 = tpu.memref_squeeze %dma_start3A_363 : memref<1x1000x128xf32, #tpu.memory_space<hbm>> -> memref<1000x128xf32, #tpu.memory_space<hbm>>
    %dma_start3A_365 = tpu.memref_slice %arg7[%dma_start3A_361] : memref<2x!tpu.dma_semaphore, #tpu.memory_space<semaphore_mem>> -> memref<1x!tpu.dma_semaphore, #tpu.memory_space<semaphore_mem>>
    %dma_start3A_366 = tpu.memref_squeeze %dma_start3A_365 : memref<1x!tpu.dma_semaphore, #tpu.memory_space<semaphore_mem>> -> memref<!tpu.dma_semaphore, #tpu.memory_space<semaphore_mem>>
    %dma_start3A_367 = arith.constant 0 : i32
    %dma_start3A_368 = tpu.memref_slice %arg4[%dma_start3A_360, %dma_start3A_367, %mul3A_2] : memref<20x1000x4096xf32, #tpu.memory_space<hbm>> -> memref<1x1000x128xf32, #tpu.memory_space<hbm>>
    %dma_start3A_369 = tpu.memref_squeeze %dma_start3A_368 : memref<1x1000x128xf32, #tpu.memory_space<hbm>> -> memref<1000x128xf32, #tpu.memory_space<hbm>>
    tpu.enqueue_dma source(%arg6 : memref<1000x128xf32, #tpu.memory_space<vmem>>) target(%dma_start3A_369 : memref<1000x128xf32, #tpu.memory_space<hbm>>) target_semaphore(%dma_start3A_366 : memref<!tpu.dma_semaphore, #tpu.memory_space<semaphore_mem>>)
    %dma_wait3A_370 = arith.constant 2 : i32
    %dma_wait3A_371 = arith.constant 0 : i32
    %dma_wait3A_372 = arith.constant 0 : i32
    %dma_wait3A_373 = tpu.memref_slice %arg4[%dma_wait3A_370, %dma_wait3A_372, %mul3A_2] : memref<20x1000x4096xf32, #tpu.memory_space<hbm>> -> memref<1x1000x128xf32, #tpu.memory_space<hbm>>
    %dma_wait3A_374 = tpu.memref_squeeze %dma_wait3A_373 : memref<1x1000x128xf32, #tpu.memory_space<hbm>> -> memref<1000x128xf32, #tpu.memory_space<hbm>>
    %dma_wait3A_375 = tpu.memref_slice %arg7[%dma_wait3A_371] : memref<2x!tpu.dma_semaphore, #tpu.memory_space<semaphore_mem>> -> memref<1x!tpu.dma_semaphore, #tpu.memory_space<semaphore_mem>>
    %dma_wait3A_376 = tpu.memref_squeeze %dma_wait3A_375 : memref<1x!tpu.dma_semaphore, #tpu.memory_space<semaphore_mem>> -> memref<!tpu.dma_semaphore, #tpu.memory_space<semaphore_mem>>
    %dma_wait3A_377 = arith.constant 0 : i32
    %dma_wait3A_378 = tpu.memref_slice %arg4[%dma_wait3A_370, %dma_wait3A_377, %mul3A_2] : memref<20x1000x4096xf32, #tpu.memory_space<hbm>> -> memref<1x1000x128xf32, #tpu.memory_space<hbm>>
    %dma_wait3A_379 = tpu.memref_squeeze %dma_wait3A_378 : memref<1x1000x128xf32, #tpu.memory_space<hbm>> -> memref<1000x128xf32, #tpu.memory_space<hbm>>
    tpu.wait_dma2 semaphore(%dma_wait3A_376 : memref<!tpu.dma_semaphore, #tpu.memory_space<semaphore_mem>>) src(%arg6 : memref<1000x128xf32, #tpu.memory_space<vmem>>) dst(%dma_wait3A_379 : memref<1000x128xf32, #tpu.memory_space<hbm>>)
    %broadcast_in_dim3A_380 = arith.constant 0.000000e+00 : f32
    %broadcast_in_dim3A_381 = vector.broadcast %broadcast_in_dim3A_380 : f32 to vector<16xf32>
    %iota3A_382 = tpu.iota {dimensions = array<i32: 0>} : vector<16xi32>
    %broadcast_in_dim3A_383 = arith.constant 20 : i32
    %broadcast_in_dim3A_384 = vector.broadcast %broadcast_in_dim3A_383 : i32 to vector<16xi32>
    %mul3A_385 = arith.muli %iota3A_382, %broadcast_in_dim3A_384 : vector<16xi32>
    %broadcast_in_dim3A_386 = arith.constant 2 : i32
    %broadcast_in_dim3A_387 = vector.broadcast %broadcast_in_dim3A_386 : i32 to vector<16xi32>
    %add3A_388 = arith.addi %mul3A_385, %broadcast_in_dim3A_387 : vector<16xi32>
    %gather3A_389 = tpu.vector_load_idx %arg5[%add3A_388] : memref<2560xi32, #tpu.memory_space<vmem>>[vector<16xi32>], vector<16xi32>,
    %broadcast_in_dim3A_390 = arith.constant 0 : i32
    %broadcast_in_dim3A_391 = vector.broadcast %broadcast_in_dim3A_390 : i32 to vector<16xi32>
    %add3A_392 = arith.addi %iota3A_382, %broadcast_in_dim3A_391 : vector<16xi32>
    tpu.vector_store_idx %arg6[%gather3A_389, %add3A_392], %broadcast_in_dim3A_381 : memref<1000x128xf32, #tpu.memory_space<vmem>>[vector<16xi32>, vector<16xi32>], vector<16xf32>,
    %broadcast_in_dim3A_393 = arith.constant 322 : i32
    %broadcast_in_dim3A_394 = vector.broadcast %broadcast_in_dim3A_393 : i32 to vector<16xi32>
    %add3A_395 = arith.addi %mul3A_385, %broadcast_in_dim3A_394 : vector<16xi32>
    %gather3A_396 = tpu.vector_load_idx %arg5[%add3A_395] : memref<2560xi32, #tpu.memory_space<vmem>>[vector<16xi32>], vector<16xi32>,
    %broadcast_in_dim3A_397 = arith.constant 16 : i32
    %broadcast_in_dim3A_398 = vector.broadcast %broadcast_in_dim3A_397 : i32 to vector<16xi32>
    %add3A_399 = arith.addi %iota3A_382, %broadcast_in_dim3A_398 : vector<16xi32>
    tpu.vector_store_idx %arg6[%gather3A_396, %add3A_399], %broadcast_in_dim3A_381 : memref<1000x128xf32, #tpu.memory_space<vmem>>[vector<16xi32>, vector<16xi32>], vector<16xf32>,
    %broadcast_in_dim3A_400 = arith.constant 642 : i32
    %broadcast_in_dim3A_401 = vector.broadcast %broadcast_in_dim3A_400 : i32 to vector<16xi32>
    %add3A_402 = arith.addi %mul3A_385, %broadcast_in_dim3A_401 : vector<16xi32>
    %gather3A_403 = tpu.vector_load_idx %arg5[%add3A_402] : memref<2560xi32, #tpu.memory_space<vmem>>[vector<16xi32>], vector<16xi32>,
    %broadcast_in_dim3A_404 = arith.constant 32 : i32
    %broadcast_in_dim3A_405 = vector.broadcast %broadcast_in_dim3A_404 : i32 to vector<16xi32>
    %add3A_406 = arith.addi %iota3A_382, %broadcast_in_dim3A_405 : vector<16xi32>
    tpu.vector_store_idx %arg6[%gather3A_403, %add3A_406], %broadcast_in_dim3A_381 : memref<1000x128xf32, #tpu.memory_space<vmem>>[vector<16xi32>, vector<16xi32>], vector<16xf32>,
    %broadcast_in_dim3A_407 = arith.constant 962 : i32
    %broadcast_in_dim3A_408 = vector.broadcast %broadcast_in_dim3A_407 : i32 to vector<16xi32>
    %add3A_409 = arith.addi %mul3A_385, %broadcast_in_dim3A_408 : vector<16xi32>
    %gather3A_410 = tpu.vector_load_idx %arg5[%add3A_409] : memref<2560xi32, #tpu.memory_space<vmem>>[vector<16xi32>], vector<16xi32>,
    %broadcast_in_dim3A_411 = arith.constant 48 : i32
    %broadcast_in_dim3A_412 = vector.broadcast %broadcast_in_dim3A_411 : i32 to vector<16xi32>
    %add3A_413 = arith.addi %iota3A_382, %broadcast_in_dim3A_412 : vector<16xi32>
    tpu.vector_store_idx %arg6[%gather3A_410, %add3A_413], %broadcast_in_dim3A_381 : memref<1000x128xf32, #tpu.memory_space<vmem>>[vector<16xi32>, vector<16xi32>], vector<16xf32>,
    %broadcast_in_dim3A_414 = arith.constant 1282 : i32
    %broadcast_in_dim3A_415 = vector.broadcast %broadcast_in_dim3A_414 : i32 to vector<16xi32>
    %add3A_416 = arith.addi %mul3A_385, %broadcast_in_dim3A_415 : vector<16xi32>
    %gather3A_417 = tpu.vector_load_idx %arg5[%add3A_416] : memref<2560xi32, #tpu.memory_space<vmem>>[vector<16xi32>], vector<16xi32>,
    %broadcast_in_dim3A_418 = arith.constant 64 : i32
    %broadcast_in_dim3A_419 = vector.broadcast %broadcast_in_dim3A_418 : i32 to vector<16xi32>
    %add3A_420 = arith.addi %iota3A_382, %broadcast_in_dim3A_419 : vector<16xi32>
    tpu.vector_store_idx %arg6[%gather3A_417, %add3A_420], %broadcast_in_dim3A_381 : memref<1000x128xf32, #tpu.memory_space<vmem>>[vector<16xi32>, vector<16xi32>], vector<16xf32>,
    %broadcast_in_dim3A_421 = arith.constant 1602 : i32
    %broadcast_in_dim3A_422 = vector.broadcast %broadcast_in_dim3A_421 : i32 to vector<16xi32>
    %add3A_423 = arith.addi %mul3A_385, %broadcast_in_dim3A_422 : vector<16xi32>
    %gather3A_424 = tpu.vector_load_idx %arg5[%add3A_423] : memref<2560xi32, #tpu.memory_space<vmem>>[vector<16xi32>], vector<16xi32>,
    %broadcast_in_dim3A_425 = arith.constant 80 : i32
    %broadcast_in_dim3A_426 = vector.broadcast %broadcast_in_dim3A_425 : i32 to vector<16xi32>
    %add3A_427 = arith.addi %iota3A_382, %broadcast_in_dim3A_426 : vector<16xi32>
    tpu.vector_store_idx %arg6[%gather3A_424, %add3A_427], %broadcast_in_dim3A_381 : memref<1000x128xf32, #tpu.memory_space<vmem>>[vector<16xi32>, vector<16xi32>], vector<16xf32>,
    %broadcast_in_dim3A_428 = arith.constant 1922 : i32
    %broadcast_in_dim3A_429 = vector.broadcast %broadcast_in_dim3A_428 : i32 to vector<16xi32>
    %add3A_430 = arith.addi %mul3A_385, %broadcast_in_dim3A_429 : vector<16xi32>
    %gather3A_431 = tpu.vector_load_idx %arg5[%add3A_430] : memref<2560xi32, #tpu.memory_space<vmem>>[vector<16xi32>], vector<16xi32>,
    %broadcast_in_dim3A_432 = arith.constant 96 : i32
    %broadcast_in_dim3A_433 = vector.broadcast %broadcast_in_dim3A_432 : i32 to vector<16xi32>
    %add3A_434 = arith.addi %iota3A_382, %broadcast_in_dim3A_433 : vector<16xi32>
    tpu.vector_store_idx %arg6[%gather3A_431, %add3A_434], %broadcast_in_dim3A_381 : memref<1000x128xf32, #tpu.memory_space<vmem>>[vector<16xi32>, vector<16xi32>], vector<16xf32>,
    %broadcast_in_dim3A_435 = arith.constant 2242 : i32
    %broadcast_in_dim3A_436 = vector.broadcast %broadcast_in_dim3A_435 : i32 to vector<16xi32>
    %add3A_437 = arith.addi %mul3A_385, %broadcast_in_dim3A_436 : vector<16xi32>
    %gather3A_438 = tpu.vector_load_idx %arg5[%add3A_437] : memref<2560xi32, #tpu.memory_space<vmem>>[vector<16xi32>], vector<16xi32>,
    %broadcast_in_dim3A_439 = arith.constant 112 : i32
    %broadcast_in_dim3A_440 = vector.broadcast %broadcast_in_dim3A_439 : i32 to vector<16xi32>
    %add3A_441 = arith.addi %iota3A_382, %broadcast_in_dim3A_440 : vector<16xi32>
    tpu.vector_store_idx %arg6[%gather3A_438, %add3A_441], %broadcast_in_dim3A_381 : memref<1000x128xf32, #tpu.memory_space<vmem>>[vector<16xi32>, vector<16xi32>], vector<16xf32>,
    %broadcast_in_dim3A_442 = arith.constant 1.000000e+00 : f32
    %broadcast_in_dim3A_443 = vector.broadcast %broadcast_in_dim3A_442 : f32 to vector<16xf32>
    %iota3A_444 = tpu.iota {dimensions = array<i32: 0>} : vector<16xi32>
    %broadcast_in_dim3A_445 = arith.constant 20 : i32
    %broadcast_in_dim3A_446 = vector.broadcast %broadcast_in_dim3A_445 : i32 to vector<16xi32>
    %mul3A_447 = arith.muli %iota3A_444, %broadcast_in_dim3A_446 : vector<16xi32>
    %broadcast_in_dim3A_448 = arith.constant 3 : i32
    %broadcast_in_dim3A_449 = vector.broadcast %broadcast_in_dim3A_448 : i32 to vector<16xi32>
    %add3A_450 = arith.addi %mul3A_447, %broadcast_in_dim3A_449 : vector<16xi32>
    %gather3A_451 = tpu.vector_load_idx %arg5[%add3A_450] : memref<2560xi32, #tpu.memory_space<vmem>>[vector<16xi32>], vector<16xi32>,
    %broadcast_in_dim3A_452 = arith.constant 0 : i32
    %broadcast_in_dim3A_453 = vector.broadcast %broadcast_in_dim3A_452 : i32 to vector<16xi32>
    %add3A_454 = arith.addi %iota3A_444, %broadcast_in_dim3A_453 : vector<16xi32>
    tpu.vector_store_idx %arg6[%gather3A_451, %add3A_454], %broadcast_in_dim3A_443 : memref<1000x128xf32, #tpu.memory_space<vmem>>[vector<16xi32>, vector<16xi32>], vector<16xf32>,
    %broadcast_in_dim3A_455 = arith.constant 323 : i32
    %broadcast_in_dim3A_456 = vector.broadcast %broadcast_in_dim3A_455 : i32 to vector<16xi32>
    %add3A_457 = arith.addi %mul3A_447, %broadcast_in_dim3A_456 : vector<16xi32>
    %gather3A_458 = tpu.vector_load_idx %arg5[%add3A_457] : memref<2560xi32, #tpu.memory_space<vmem>>[vector<16xi32>], vector<16xi32>,
    %broadcast_in_dim3A_459 = arith.constant 16 : i32
    %broadcast_in_dim3A_460 = vector.broadcast %broadcast_in_dim3A_459 : i32 to vector<16xi32>
    %add3A_461 = arith.addi %iota3A_444, %broadcast_in_dim3A_460 : vector<16xi32>
    tpu.vector_store_idx %arg6[%gather3A_458, %add3A_461], %broadcast_in_dim3A_443 : memref<1000x128xf32, #tpu.memory_space<vmem>>[vector<16xi32>, vector<16xi32>], vector<16xf32>,
    %broadcast_in_dim3A_462 = arith.constant 643 : i32
    %broadcast_in_dim3A_463 = vector.broadcast %broadcast_in_dim3A_462 : i32 to vector<16xi32>
    %add3A_464 = arith.addi %mul3A_447, %broadcast_in_dim3A_463 : vector<16xi32>
    %gather3A_465 = tpu.vector_load_idx %arg5[%add3A_464] : memref<2560xi32, #tpu.memory_space<vmem>>[vector<16xi32>], vector<16xi32>,
    %broadcast_in_dim3A_466 = arith.constant 32 : i32
    %broadcast_in_dim3A_467 = vector.broadcast %broadcast_in_dim3A_466 : i32 to vector<16xi32>
    %add3A_468 = arith.addi %iota3A_444, %broadcast_in_dim3A_467 : vector<16xi32>
    tpu.vector_store_idx %arg6[%gather3A_465, %add3A_468], %broadcast_in_dim3A_443 : memref<1000x128xf32, #tpu.memory_space<vmem>>[vector<16xi32>, vector<16xi32>], vector<16xf32>,
    %broadcast_in_dim3A_469 = arith.constant 963 : i32
    %broadcast_in_dim3A_470 = vector.broadcast %broadcast_in_dim3A_469 : i32 to vector<16xi32>
    %add3A_471 = arith.addi %mul3A_447, %broadcast_in_dim3A_470 : vector<16xi32>
    %gather3A_472 = tpu.vector_load_idx %arg5[%add3A_471] : memref<2560xi32, #tpu.memory_space<vmem>>[vector<16xi32>], vector<16xi32>,
    %broadcast_in_dim3A_473 = arith.constant 48 : i32
    %broadcast_in_dim3A_474 = vector.broadcast %broadcast_in_dim3A_473 : i32 to vector<16xi32>
    %add3A_475 = arith.addi %iota3A_444, %broadcast_in_dim3A_474 : vector<16xi32>
    tpu.vector_store_idx %arg6[%gather3A_472, %add3A_475], %broadcast_in_dim3A_443 : memref<1000x128xf32, #tpu.memory_space<vmem>>[vector<16xi32>, vector<16xi32>], vector<16xf32>,
    %broadcast_in_dim3A_476 = arith.constant 1283 : i32
    %broadcast_in_dim3A_477 = vector.broadcast %broadcast_in_dim3A_476 : i32 to vector<16xi32>
    %add3A_478 = arith.addi %mul3A_447, %broadcast_in_dim3A_477 : vector<16xi32>
    %gather3A_479 = tpu.vector_load_idx %arg5[%add3A_478] : memref<2560xi32, #tpu.memory_space<vmem>>[vector<16xi32>], vector<16xi32>,
    %broadcast_in_dim3A_480 = arith.constant 64 : i32
    %broadcast_in_dim3A_481 = vector.broadcast %broadcast_in_dim3A_480 : i32 to vector<16xi32>
    %add3A_482 = arith.addi %iota3A_444, %broadcast_in_dim3A_481 : vector<16xi32>
    tpu.vector_store_idx %arg6[%gather3A_479, %add3A_482], %broadcast_in_dim3A_443 : memref<1000x128xf32, #tpu.memory_space<vmem>>[vector<16xi32>, vector<16xi32>], vector<16xf32>,
    %broadcast_in_dim3A_483 = arith.constant 1603 : i32
    %broadcast_in_dim3A_484 = vector.broadcast %broadcast_in_dim3A_483 : i32 to vector<16xi32>
    %add3A_485 = arith.addi %mul3A_447, %broadcast_in_dim3A_484 : vector<16xi32>
    %gather3A_486 = tpu.vector_load_idx %arg5[%add3A_485] : memref<2560xi32, #tpu.memory_space<vmem>>[vector<16xi32>], vector<16xi32>,
    %broadcast_in_dim3A_487 = arith.constant 80 : i32
    %broadcast_in_dim3A_488 = vector.broadcast %broadcast_in_dim3A_487 : i32 to vector<16xi32>
    %add3A_489 = arith.addi %iota3A_444, %broadcast_in_dim3A_488 : vector<16xi32>
    tpu.vector_store_idx %arg6[%gather3A_486, %add3A_489], %broadcast_in_dim3A_443 : memref<1000x128xf32, #tpu.memory_space<vmem>>[vector<16xi32>, vector<16xi32>], vector<16xf32>,
    %broadcast_in_dim3A_490 = arith.constant 1923 : i32
    %broadcast_in_dim3A_491 = vector.broadcast %broadcast_in_dim3A_490 : i32 to vector<16xi32>
    %add3A_492 = arith.addi %mul3A_447, %broadcast_in_dim3A_491 : vector<16xi32>
    %gather3A_493 = tpu.vector_load_idx %arg5[%add3A_492] : memref<2560xi32, #tpu.memory_space<vmem>>[vector<16xi32>], vector<16xi32>,
    %broadcast_in_dim3A_494 = arith.constant 96 : i32
    %broadcast_in_dim3A_495 = vector.broadcast %broadcast_in_dim3A_494 : i32 to vector<16xi32>
    %add3A_496 = arith.addi %iota3A_444, %broadcast_in_dim3A_495 : vector<16xi32>
    tpu.vector_store_idx %arg6[%gather3A_493, %add3A_496], %broadcast_in_dim3A_443 : memref<1000x128xf32, #tpu.memory_space<vmem>>[vector<16xi32>, vector<16xi32>], vector<16xf32>,
    %broadcast_in_dim3A_497 = arith.constant 2243 : i32
    %broadcast_in_dim3A_498 = vector.broadcast %broadcast_in_dim3A_497 : i32 to vector<16xi32>
    %add3A_499 = arith.addi %mul3A_447, %broadcast_in_dim3A_498 : vector<16xi32>
    %gather3A_500 = tpu.vector_load_idx %arg5[%add3A_499] : memref<2560xi32, #tpu.memory_space<vmem>>[vector<16xi32>], vector<16xi32>,
    %broadcast_in_dim3A_501 = arith.constant 112 : i32
    %broadcast_in_dim3A_502 = vector.broadcast %broadcast_in_dim3A_501 : i32 to vector<16xi32>
    %add3A_503 = arith.addi %iota3A_444, %broadcast_in_dim3A_502 : vector<16xi32>
    tpu.vector_store_idx %arg6[%gather3A_500, %add3A_503], %broadcast_in_dim3A_443 : memref<1000x128xf32, #tpu.memory_space<vmem>>[vector<16xi32>, vector<16xi32>], vector<16xf32>,
    %dma_start3A_504 = arith.constant 3 : i32
    %dma_start3A_505 = arith.constant 0 : i32
    %dma_start3A_506 = arith.constant 0 : i32
    %dma_start3A_507 = tpu.memref_slice %arg4[%dma_start3A_504, %dma_start3A_506, %mul3A_2] : memref<20x1000x4096xf32, #tpu.memory_space<hbm>> -> memref<1x1000x128xf32, #tpu.memory_space<hbm>>
    %dma_start3A_508 = tpu.memref_squeeze %dma_start3A_507 : memref<1x1000x128xf32, #tpu.memory_space<hbm>> -> memref<1000x128xf32, #tpu.memory_space<hbm>>
    %dma_start3A_509 = tpu.memref_slice %arg7[%dma_start3A_505] : memref<2x!tpu.dma_semaphore, #tpu.memory_space<semaphore_mem>> -> memref<1x!tpu.dma_semaphore, #tpu.memory_space<semaphore_mem>>
    %dma_start3A_510 = tpu.memref_squeeze %dma_start3A_509 : memref<1x!tpu.dma_semaphore, #tpu.memory_space<semaphore_mem>> -> memref<!tpu.dma_semaphore, #tpu.memory_space<semaphore_mem>>
    %dma_start3A_511 = arith.constant 0 : i32
    %dma_start3A_512 = tpu.memref_slice %arg4[%dma_start3A_504, %dma_start3A_511, %mul3A_2] : memref<20x1000x4096xf32, #tpu.memory_space<hbm>> -> memref<1x1000x128xf32, #tpu.memory_space<hbm>>
    %dma_start3A_513 = tpu.memref_squeeze %dma_start3A_512 : memref<1x1000x128xf32, #tpu.memory_space<hbm>> -> memref<1000x128xf32, #tpu.memory_space<hbm>>
    tpu.enqueue_dma source(%arg6 : memref<1000x128xf32, #tpu.memory_space<vmem>>) target(%dma_start3A_513 : memref<1000x128xf32, #tpu.memory_space<hbm>>) target_semaphore(%dma_start3A_510 : memref<!tpu.dma_semaphore, #tpu.memory_space<semaphore_mem>>)
    %dma_wait3A_514 = arith.constant 3 : i32
    %dma_wait3A_515 = arith.constant 0 : i32
    %dma_wait3A_516 = arith.constant 0 : i32
    %dma_wait3A_517 = tpu.memref_slice %arg4[%dma_wait3A_514, %dma_wait3A_516, %mul3A_2] : memref<20x1000x4096xf32, #tpu.memory_space<hbm>> -> memref<1x1000x128xf32, #tpu.memory_space<hbm>>
    %dma_wait3A_518 = tpu.memref_squeeze %dma_wait3A_517 : memref<1x1000x128xf32, #tpu.memory_space<hbm>> -> memref<1000x128xf32, #tpu.memory_space<hbm>>
    %dma_wait3A_519 = tpu.memref_slice %arg7[%dma_wait3A_515] : memref<2x!tpu.dma_semaphore, #tpu.memory_space<semaphore_mem>> -> memref<1x!tpu.dma_semaphore, #tpu.memory_space<semaphore_mem>>
    %dma_wait3A_520 = tpu.memref_squeeze %dma_wait3A_519 : memref<1x!tpu.dma_semaphore, #tpu.memory_space<semaphore_mem>> -> memref<!tpu.dma_semaphore, #tpu.memory_space<semaphore_mem>>
    %dma_wait3A_521 = arith.constant 0 : i32
    %dma_wait3A_522 = tpu.memref_slice %arg4[%dma_wait3A_514, %dma_wait3A_521, %mul3A_2] : memref<20x1000x4096xf32, #tpu.memory_space<hbm>> -> memref<1x1000x128xf32, #tpu.memory_space<hbm>>
    %dma_wait3A_523 = tpu.memref_squeeze %dma_wait3A_522 : memref<1x1000x128xf32, #tpu.memory_space<hbm>> -> memref<1000x128xf32, #tpu.memory_space<hbm>>
    tpu.wait_dma2 semaphore(%dma_wait3A_520 : memref<!tpu.dma_semaphore, #tpu.memory_space<semaphore_mem>>) src(%arg6 : memref<1000x128xf32, #tpu.memory_space<vmem>>) dst(%dma_wait3A_523 : memref<1000x128xf32, #tpu.memory_space<hbm>>)
    %broadcast_in_dim3A_524 = arith.constant 0.000000e+00 : f32
    %broadcast_in_dim3A_525 = vector.broadcast %broadcast_in_dim3A_524 : f32 to vector<16xf32>
    %iota3A_526 = tpu.iota {dimensions = array<i32: 0>} : vector<16xi32>
    %broadcast_in_dim3A_527 = arith.constant 20 : i32
    %broadcast_in_dim3A_528 = vector.broadcast %broadcast_in_dim3A_527 : i32 to vector<16xi32>
    %mul3A_529 = arith.muli %iota3A_526, %broadcast_in_dim3A_528 : vector<16xi32>
    %broadcast_in_dim3A_530 = arith.constant 3 : i32
    %broadcast_in_dim3A_531 = vector.broadcast %broadcast_in_dim3A_530 : i32 to vector<16xi32>
    %add3A_532 = arith.addi %mul3A_529, %broadcast_in_dim3A_531 : vector<16xi32>
    %gather3A_533 = tpu.vector_load_idx %arg5[%add3A_532] : memref<2560xi32, #tpu.memory_space<vmem>>[vector<16xi32>], vector<16xi32>,
    %broadcast_in_dim3A_534 = arith.constant 0 : i32
    %broadcast_in_dim3A_535 = vector.broadcast %broadcast_in_dim3A_534 : i32 to vector<16xi32>
    %add3A_536 = arith.addi %iota3A_526, %broadcast_in_dim3A_535 : vector<16xi32>
    tpu.vector_store_idx %arg6[%gather3A_533, %add3A_536], %broadcast_in_dim3A_525 : memref<1000x128xf32, #tpu.memory_space<vmem>>[vector<16xi32>, vector<16xi32>], vector<16xf32>,
    %broadcast_in_dim3A_537 = arith.constant 323 : i32
    %broadcast_in_dim3A_538 = vector.broadcast %broadcast_in_dim3A_537 : i32 to vector<16xi32>
    %add3A_539 = arith.addi %mul3A_529, %broadcast_in_dim3A_538 : vector<16xi32>
    %gather3A_540 = tpu.vector_load_idx %arg5[%add3A_539] : memref<2560xi32, #tpu.memory_space<vmem>>[vector<16xi32>], vector<16xi32>,
    %broadcast_in_dim3A_541 = arith.constant 16 : i32
    %broadcast_in_dim3A_542 = vector.broadcast %broadcast_in_dim3A_541 : i32 to vector<16xi32>
    %add3A_543 = arith.addi %iota3A_526, %broadcast_in_dim3A_542 : vector<16xi32>
    tpu.vector_store_idx %arg6[%gather3A_540, %add3A_543], %broadcast_in_dim3A_525 : memref<1000x128xf32, #tpu.memory_space<vmem>>[vector<16xi32>, vector<16xi32>], vector<16xf32>,
    %broadcast_in_dim3A_544 = arith.constant 643 : i32
    %broadcast_in_dim3A_545 = vector.broadcast %broadcast_in_dim3A_544 : i32 to vector<16xi32>
    %add3A_546 = arith.addi %mul3A_529, %broadcast_in_dim3A_545 : vector<16xi32>
    %gather3A_547 = tpu.vector_load_idx %arg5[%add3A_546] : memref<2560xi32, #tpu.memory_space<vmem>>[vector<16xi32>], vector<16xi32>,
    %broadcast_in_dim3A_548 = arith.constant 32 : i32
    %broadcast_in_dim3A_549 = vector.broadcast %broadcast_in_dim3A_548 : i32 to vector<16xi32>
    %add3A_550 = arith.addi %iota3A_526, %broadcast_in_dim3A_549 : vector<16xi32>
    tpu.vector_store_idx %arg6[%gather3A_547, %add3A_550], %broadcast_in_dim3A_525 : memref<1000x128xf32, #tpu.memory_space<vmem>>[vector<16xi32>, vector<16xi32>], vector<16xf32>,
    %broadcast_in_dim3A_551 = arith.constant 963 : i32
    %broadcast_in_dim3A_552 = vector.broadcast %broadcast_in_dim3A_551 : i32 to vector<16xi32>
    %add3A_553 = arith.addi %mul3A_529, %broadcast_in_dim3A_552 : vector<16xi32>
    %gather3A_554 = tpu.vector_load_idx %arg5[%add3A_553] : memref<2560xi32, #tpu.memory_space<vmem>>[vector<16xi32>], vector<16xi32>,
    %broadcast_in_dim3A_555 = arith.constant 48 : i32
    %broadcast_in_dim3A_556 = vector.broadcast %broadcast_in_dim3A_555 : i32 to vector<16xi32>
    %add3A_557 = arith.addi %iota3A_526, %broadcast_in_dim3A_556 : vector<16xi32>
    tpu.vector_store_idx %arg6[%gather3A_554, %add3A_557], %broadcast_in_dim3A_525 : memref<1000x128xf32, #tpu.memory_space<vmem>>[vector<16xi32>, vector<16xi32>], vector<16xf32>,
    %broadcast_in_dim3A_558 = arith.constant 1283 : i32
    %broadcast_in_dim3A_559 = vector.broadcast %broadcast_in_dim3A_558 : i32 to vector<16xi32>
    %add3A_560 = arith.addi %mul3A_529, %broadcast_in_dim3A_559 : vector<16xi32>
    %gather3A_561 = tpu.vector_load_idx %arg5[%add3A_560] : memref<2560xi32, #tpu.memory_space<vmem>>[vector<16xi32>], vector<16xi32>,
    %broadcast_in_dim3A_562 = arith.constant 64 : i32
    %broadcast_in_dim3A_563 = vector.broadcast %broadcast_in_dim3A_562 : i32 to vector<16xi32>
    %add3A_564 = arith.addi %iota3A_526, %broadcast_in_dim3A_563 : vector<16xi32>
    tpu.vector_store_idx %arg6[%gather3A_561, %add3A_564], %broadcast_in_dim3A_525 : memref<1000x128xf32, #tpu.memory_space<vmem>>[vector<16xi32>, vector<16xi32>], vector<16xf32>,
    %broadcast_in_dim3A_565 = arith.constant 1603 : i32
    %broadcast_in_dim3A_566 = vector.broadcast %broadcast_in_dim3A_565 : i32 to vector<16xi32>
    %add3A_567 = arith.addi %mul3A_529, %broadcast_in_dim3A_566 : vector<16xi32>
    %gather3A_568 = tpu.vector_load_idx %arg5[%add3A_567] : memref<2560xi32, #tpu.memory_space<vmem>>[vector<16xi32>], vector<16xi32>,
    %broadcast_in_dim3A_569 = arith.constant 80 : i32
    %broadcast_in_dim3A_570 = vector.broadcast %broadcast_in_dim3A_569 : i32 to vector<16xi32>
    %add3A_571 = arith.addi %iota3A_526, %broadcast_in_dim3A_570 : vector<16xi32>
    tpu.vector_store_idx %arg6[%gather3A_568, %add3A_571], %broadcast_in_dim3A_525 : memref<1000x128xf32, #tpu.memory_space<vmem>>[vector<16xi32>, vector<16xi32>], vector<16xf32>,
    %broadcast_in_dim3A_572 = arith.constant 1923 : i32
    %broadcast_in_dim3A_573 = vector.broadcast %broadcast_in_dim3A_572 : i32 to vector<16xi32>
    %add3A_574 = arith.addi %mul3A_529, %broadcast_in_dim3A_573 : vector<16xi32>
    %gather3A_575 = tpu.vector_load_idx %arg5[%add3A_574] : memref<2560xi32, #tpu.memory_space<vmem>>[vector<16xi32>], vector<16xi32>,
    %broadcast_in_dim3A_576 = arith.constant 96 : i32
    %broadcast_in_dim3A_577 = vector.broadcast %broadcast_in_dim3A_576 : i32 to vector<16xi32>
    %add3A_578 = arith.addi %iota3A_526, %broadcast_in_dim3A_577 : vector<16xi32>
    tpu.vector_store_idx %arg6[%gather3A_575, %add3A_578], %broadcast_in_dim3A_525 : memref<1000x128xf32, #tpu.memory_space<vmem>>[vector<16xi32>, vector<16xi32>], vector<16xf32>,
    %broadcast_in_dim3A_579 = arith.constant 2243 : i32
    %broadcast_in_dim3A_580 = vector.broadcast %broadcast_in_dim3A_579 : i32 to vector<16xi32>
    %add3A_581 = arith.addi %mul3A_529, %broadcast_in_dim3A_580 : vector<16xi32>
    %gather3A_582 = tpu.vector_load_idx %arg5[%add3A_581] : memref<2560xi32, #tpu.memory_space<vmem>>[vector<16xi32>], vector<16xi32>,
    %broadcast_in_dim3A_583 = arith.constant 112 : i32
    %broadcast_in_dim3A_584 = vector.broadcast %broadcast_in_dim3A_583 : i32 to vector<16xi32>
    %add3A_585 = arith.addi %iota3A_526, %broadcast_in_dim3A_584 : vector<16xi32>
    tpu.vector_store_idx %arg6[%gather3A_582, %add3A_585], %broadcast_in_dim3A_525 : memref<1000x128xf32, #tpu.memory_space<vmem>>[vector<16xi32>, vector<16xi32>], vector<16xf32>,
    %broadcast_in_dim3A_586 = arith.constant 1.000000e+00 : f32
    %broadcast_in_dim3A_587 = vector.broadcast %broadcast_in_dim3A_586 : f32 to vector<16xf32>
    %iota3A_588 = tpu.iota {dimensions = array<i32: 0>} : vector<16xi32>
    %broadcast_in_dim3A_589 = arith.constant 20 : i32
    %broadcast_in_dim3A_590 = vector.broadcast %broadcast_in_dim3A_589 : i32 to vector<16xi32>
    %mul3A_591 = arith.muli %iota3A_588, %broadcast_in_dim3A_590 : vector<16xi32>
    %broadcast_in_dim3A_592 = arith.constant 4 : i32
    %broadcast_in_dim3A_593 = vector.broadcast %broadcast_in_dim3A_592 : i32 to vector<16xi32>
    %add3A_594 = arith.addi %mul3A_591, %broadcast_in_dim3A_593 : vector<16xi32>
    %gather3A_595 = tpu.vector_load_idx %arg5[%add3A_594] : memref<2560xi32, #tpu.memory_space<vmem>>[vector<16xi32>], vector<16xi32>,
    %broadcast_in_dim3A_596 = arith.constant 0 : i32
    %broadcast_in_dim3A_597 = vector.broadcast %broadcast_in_dim3A_596 : i32 to vector<16xi32>
    %add3A_598 = arith.addi %iota3A_588, %broadcast_in_dim3A_597 : vector<16xi32>
    tpu.vector_store_idx %arg6[%gather3A_595, %add3A_598], %broadcast_in_dim3A_587 : memref<1000x128xf32, #tpu.memory_space<vmem>>[vector<16xi32>, vector<16xi32>], vector<16xf32>,
    %broadcast_in_dim3A_599 = arith.constant 324 : i32
    %broadcast_in_dim3A_600 = vector.broadcast %broadcast_in_dim3A_599 : i32 to vector<16xi32>
    %add3A_601 = arith.addi %mul3A_591, %broadcast_in_dim3A_600 : vector<16xi32>
    %gather3A_602 = tpu.vector_load_idx %arg5[%add3A_601] : memref<2560xi32, #tpu.memory_space<vmem>>[vector<16xi32>], vector<16xi32>,
    %broadcast_in_dim3A_603 = arith.constant 16 : i32
    %broadcast_in_dim3A_604 = vector.broadcast %broadcast_in_dim3A_603 : i32 to vector<16xi32>
    %add3A_605 = arith.addi %iota3A_588, %broadcast_in_dim3A_604 : vector<16xi32>
    tpu.vector_store_idx %arg6[%gather3A_602, %add3A_605], %broadcast_in_dim3A_587 : memref<1000x128xf32, #tpu.memory_space<vmem>>[vector<16xi32>, vector<16xi32>], vector<16xf32>,
    %broadcast_in_dim3A_606 = arith.constant 644 : i32
    %broadcast_in_dim3A_607 = vector.broadcast %broadcast_in_dim3A_606 : i32 to vector<16xi32>
    %add3A_608 = arith.addi %mul3A_591, %broadcast_in_dim3A_607 : vector<16xi32>
    %gather3A_609 = tpu.vector_load_idx %arg5[%add3A_608] : memref<2560xi32, #tpu.memory_space<vmem>>[vector<16xi32>], vector<16xi32>,
    %broadcast_in_dim3A_610 = arith.constant 32 : i32
    %broadcast_in_dim3A_611 = vector.broadcast %broadcast_in_dim3A_610 : i32 to vector<16xi32>
    %add3A_612 = arith.addi %iota3A_588, %broadcast_in_dim3A_611 : vector<16xi32>
    tpu.vector_store_idx %arg6[%gather3A_609, %add3A_612], %broadcast_in_dim3A_587 : memref<1000x128xf32, #tpu.memory_space<vmem>>[vector<16xi32>, vector<16xi32>], vector<16xf32>,
    %broadcast_in_dim3A_613 = arith.constant 964 : i32
    %broadcast_in_dim3A_614 = vector.broadcast %broadcast_in_dim3A_613 : i32 to vector<16xi32>
    %add3A_615 = arith.addi %mul3A_591, %broadcast_in_dim3A_614 : vector<16xi32>
    %gather3A_616 = tpu.vector_load_idx %arg5[%add3A_615] : memref<2560xi32, #tpu.memory_space<vmem>>[vector<16xi32>], vector<16xi32>,
    %broadcast_in_dim3A_617 = arith.constant 48 : i32
    %broadcast_in_dim3A_618 = vector.broadcast %broadcast_in_dim3A_617 : i32 to vector<16xi32>
    %add3A_619 = arith.addi %iota3A_588, %broadcast_in_dim3A_618 : vector<16xi32>
    tpu.vector_store_idx %arg6[%gather3A_616, %add3A_619], %broadcast_in_dim3A_587 : memref<1000x128xf32, #tpu.memory_space<vmem>>[vector<16xi32>, vector<16xi32>], vector<16xf32>,
    %broadcast_in_dim3A_620 = arith.constant 1284 : i32
    %broadcast_in_dim3A_621 = vector.broadcast %broadcast_in_dim3A_620 : i32 to vector<16xi32>
    %add3A_622 = arith.addi %mul3A_591, %broadcast_in_dim3A_621 : vector<16xi32>
    %gather3A_623 = tpu.vector_load_idx %arg5[%add3A_622] : memref<2560xi32, #tpu.memory_space<vmem>>[vector<16xi32>], vector<16xi32>,
    %broadcast_in_dim3A_624 = arith.constant 64 : i32
    %broadcast_in_dim3A_625 = vector.broadcast %broadcast_in_dim3A_624 : i32 to vector<16xi32>
    %add3A_626 = arith.addi %iota3A_588, %broadcast_in_dim3A_625 : vector<16xi32>
    tpu.vector_store_idx %arg6[%gather3A_623, %add3A_626], %broadcast_in_dim3A_587 : memref<1000x128xf32, #tpu.memory_space<vmem>>[vector<16xi32>, vector<16xi32>], vector<16xf32>,
    %broadcast_in_dim3A_627 = arith.constant 1604 : i32
    %broadcast_in_dim3A_628 = vector.broadcast %broadcast_in_dim3A_627 : i32 to vector<16xi32>
    %add3A_629 = arith.addi %mul3A_591, %broadcast_in_dim3A_628 : vector<16xi32>
    %gather3A_630 = tpu.vector_load_idx %arg5[%add3A_629] : memref<2560xi32, #tpu.memory_space<vmem>>[vector<16xi32>], vector<16xi32>,
    %broadcast_in_dim3A_631 = arith.constant 80 : i32
    %broadcast_in_dim3A_632 = vector.broadcast %broadcast_in_dim3A_631 : i32 to vector<16xi32>
    %add3A_633 = arith.addi %iota3A_588, %broadcast_in_dim3A_632 : vector<16xi32>
    tpu.vector_store_idx %arg6[%gather3A_630, %add3A_633], %broadcast_in_dim3A_587 : memref<1000x128xf32, #tpu.memory_space<vmem>>[vector<16xi32>, vector<16xi32>], vector<16xf32>,
    %broadcast_in_dim3A_634 = arith.constant 1924 : i32
    %broadcast_in_dim3A_635 = vector.broadcast %broadcast_in_dim3A_634 : i32 to vector<16xi32>
    %add3A_636 = arith.addi %mul3A_591, %broadcast_in_dim3A_635 : vector<16xi32>
    %gather3A_637 = tpu.vector_load_idx %arg5[%add3A_636] : memref<2560xi32, #tpu.memory_space<vmem>>[vector<16xi32>], vector<16xi32>,
    %broadcast_in_dim3A_638 = arith.constant 96 : i32
    %broadcast_in_dim3A_639 = vector.broadcast %broadcast_in_dim3A_638 : i32 to vector<16xi32>
    %add3A_640 = arith.addi %iota3A_588, %broadcast_in_dim3A_639 : vector<16xi32>
    tpu.vector_store_idx %arg6[%gather3A_637, %add3A_640], %broadcast_in_dim3A_587 : memref<1000x128xf32, #tpu.memory_space<vmem>>[vector<16xi32>, vector<16xi32>], vector<16xf32>,
    %broadcast_in_dim3A_641 = arith.constant 2244 : i32
    %broadcast_in_dim3A_642 = vector.broadcast %broadcast_in_dim3A_641 : i32 to vector<16xi32>
    %add3A_643 = arith.addi %mul3A_591, %broadcast_in_dim3A_642 : vector<16xi32>
    %gather3A_644 = tpu.vector_load_idx %arg5[%add3A_643] : memref<2560xi32, #tpu.memory_space<vmem>>[vector<16xi32>], vector<16xi32>,
    %broadcast_in_dim3A_645 = arith.constant 112 : i32
    %broadcast_in_dim3A_646 = vector.broadcast %broadcast_in_dim3A_645 : i32 to vector<16xi32>
    %add3A_647 = arith.addi %iota3A_588, %broadcast_in_dim3A_646 : vector<16xi32>
    tpu.vector_store_idx %arg6[%gather3A_644, %add3A_647], %broadcast_in_dim3A_587 : memref<1000x128xf32, #tpu.memory_space<vmem>>[vector<16xi32>, vector<16xi32>], vector<16xf32>,
    %dma_start3A_648 = arith.constant 4 : i32
    %dma_start3A_649 = arith.constant 0 : i32
    %dma_start3A_650 = arith.constant 0 : i32
    %dma_start3A_651 = tpu.memref_slice %arg4[%dma_start3A_648, %dma_start3A_650, %mul3A_2] : memref<20x1000x4096xf32, #tpu.memory_space<hbm>> -> memref<1x1000x128xf32, #tpu.memory_space<hbm>>
    %dma_start3A_652 = tpu.memref_squeeze %dma_start3A_651 : memref<1x1000x128xf32, #tpu.memory_space<hbm>> -> memref<1000x128xf32, #tpu.memory_space<hbm>>
    %dma_start3A_653 = tpu.memref_slice %arg7[%dma_start3A_649] : memref<2x!tpu.dma_semaphore, #tpu.memory_space<semaphore_mem>> -> memref<1x!tpu.dma_semaphore, #tpu.memory_space<semaphore_mem>>
    %dma_start3A_654 = tpu.memref_squeeze %dma_start3A_653 : memref<1x!tpu.dma_semaphore, #tpu.memory_space<semaphore_mem>> -> memref<!tpu.dma_semaphore, #tpu.memory_space<semaphore_mem>>
    %dma_start3A_655 = arith.constant 0 : i32
    %dma_start3A_656 = tpu.memref_slice %arg4[%dma_start3A_648, %dma_start3A_655, %mul3A_2] : memref<20x1000x4096xf32, #tpu.memory_space<hbm>> -> memref<1x1000x128xf32, #tpu.memory_space<hbm>>
    %dma_start3A_657 = tpu.memref_squeeze %dma_start3A_656 : memref<1x1000x128xf32, #tpu.memory_space<hbm>> -> memref<1000x128xf32, #tpu.memory_space<hbm>>
    tpu.enqueue_dma source(%arg6 : memref<1000x128xf32, #tpu.memory_space<vmem>>) target(%dma_start3A_657 : memref<1000x128xf32, #tpu.memory_space<hbm>>) target_semaphore(%dma_start3A_654 : memref<!tpu.dma_semaphore, #tpu.memory_space<semaphore_mem>>)
    %dma_wait3A_658 = arith.constant 4 : i32
    %dma_wait3A_659 = arith.constant 0 : i32
    %dma_wait3A_660 = arith.constant 0 : i32
    %dma_wait3A_661 = tpu.memref_slice %arg4[%dma_wait3A_658, %dma_wait3A_660, %mul3A_2] : memref<20x1000x4096xf32, #tpu.memory_space<hbm>> -> memref<1x1000x128xf32, #tpu.memory_space<hbm>>
    %dma_wait3A_662 = tpu.memref_squeeze %dma_wait3A_661 : memref<1x1000x128xf32, #tpu.memory_space<hbm>> -> memref<1000x128xf32, #tpu.memory_space<hbm>>
    %dma_wait3A_663 = tpu.memref_slice %arg7[%dma_wait3A_659] : memref<2x!tpu.dma_semaphore, #tpu.memory_space<semaphore_mem>> -> memref<1x!tpu.dma_semaphore, #tpu.memory_space<semaphore_mem>>
    %dma_wait3A_664 = tpu.memref_squeeze %dma_wait3A_663 : memref<1x!tpu.dma_semaphore, #tpu.memory_space<semaphore_mem>> -> memref<!tpu.dma_semaphore, #tpu.memory_space<semaphore_mem>>
    %dma_wait3A_665 = arith.constant 0 : i32
    %dma_wait3A_666 = tpu.memref_slice %arg4[%dma_wait3A_658, %dma_wait3A_665, %mul3A_2] : memref<20x1000x4096xf32, #tpu.memory_space<hbm>> -> memref<1x1000x128xf32, #tpu.memory_space<hbm>>
    %dma_wait3A_667 = tpu.memref_squeeze %dma_wait3A_666 : memref<1x1000x128xf32, #tpu.memory_space<hbm>> -> memref<1000x128xf32, #tpu.memory_space<hbm>>
    tpu.wait_dma2 semaphore(%dma_wait3A_664 : memref<!tpu.dma_semaphore, #tpu.memory_space<semaphore_mem>>) src(%arg6 : memref<1000x128xf32, #tpu.memory_space<vmem>>) dst(%dma_wait3A_667 : memref<1000x128xf32, #tpu.memory_space<hbm>>)
    %broadcast_in_dim3A_668 = arith.constant 0.000000e+00 : f32
    %broadcast_in_dim3A_669 = vector.broadcast %broadcast_in_dim3A_668 : f32 to vector<16xf32>
    %iota3A_670 = tpu.iota {dimensions = array<i32: 0>} : vector<16xi32>
    %broadcast_in_dim3A_671 = arith.constant 20 : i32
    %broadcast_in_dim3A_672 = vector.broadcast %broadcast_in_dim3A_671 : i32 to vector<16xi32>
    %mul3A_673 = arith.muli %iota3A_670, %broadcast_in_dim3A_672 : vector<16xi32>
    %broadcast_in_dim3A_674 = arith.constant 4 : i32
    %broadcast_in_dim3A_675 = vector.broadcast %broadcast_in_dim3A_674 : i32 to vector<16xi32>
    %add3A_676 = arith.addi %mul3A_673, %broadcast_in_dim3A_675 : vector<16xi32>
    %gather3A_677 = tpu.vector_load_idx %arg5[%add3A_676] : memref<2560xi32, #tpu.memory_space<vmem>>[vector<16xi32>], vector<16xi32>,
    %broadcast_in_dim3A_678 = arith.constant 0 : i32
    %broadcast_in_dim3A_679 = vector.broadcast %broadcast_in_dim3A_678 : i32 to vector<16xi32>
    %add3A_680 = arith.addi %iota3A_670, %broadcast_in_dim3A_679 : vector<16xi32>
    tpu.vector_store_idx %arg6[%gather3A_677, %add3A_680], %broadcast_in_dim3A_669 : memref<1000x128xf32, #tpu.memory_space<vmem>>[vector<16xi32>, vector<16xi32>], vector<16xf32>,
    %broadcast_in_dim3A_681 = arith.constant 324 : i32
    %broadcast_in_dim3A_682 = vector.broadcast %broadcast_in_dim3A_681 : i32 to vector<16xi32>
    %add3A_683 = arith.addi %mul3A_673, %broadcast_in_dim3A_682 : vector<16xi32>
    %gather3A_684 = tpu.vector_load_idx %arg5[%add3A_683] : memref<2560xi32, #tpu.memory_space<vmem>>[vector<16xi32>], vector<16xi32>,
    %broadcast_in_dim3A_685 = arith.constant 16 : i32
    %broadcast_in_dim3A_686 = vector.broadcast %broadcast_in_dim3A_685 : i32 to vector<16xi32>
    %add3A_687 = arith.addi %iota3A_670, %broadcast_in_dim3A_686 : vector<16xi32>
    tpu.vector_store_idx %arg6[%gather3A_684, %add3A_687], %broadcast_in_dim3A_669 : memref<1000x128xf32, #tpu.memory_space<vmem>>[vector<16xi32>, vector<16xi32>], vector<16xf32>,
    %broadcast_in_dim3A_688 = arith.constant 644 : i32
    %broadcast_in_dim3A_689 = vector.broadcast %broadcast_in_dim3A_688 : i32 to vector<16xi32>
    %add3A_690 = arith.addi %mul3A_673, %broadcast_in_dim3A_689 : vector<16xi32>
    %gather3A_691 = tpu.vector_load_idx %arg5[%add3A_690] : memref<2560xi32, #tpu.memory_space<vmem>>[vector<16xi32>], vector<16xi32>,
    %broadcast_in_dim3A_692 = arith.constant 32 : i32
    %broadcast_in_dim3A_693 = vector.broadcast %broadcast_in_dim3A_692 : i32 to vector<16xi32>
    %add3A_694 = arith.addi %iota3A_670, %broadcast_in_dim3A_693 : vector<16xi32>
    tpu.vector_store_idx %arg6[%gather3A_691, %add3A_694], %broadcast_in_dim3A_669 : memref<1000x128xf32, #tpu.memory_space<vmem>>[vector<16xi32>, vector<16xi32>], vector<16xf32>,
    %broadcast_in_dim3A_695 = arith.constant 964 : i32
    %broadcast_in_dim3A_696 = vector.broadcast %broadcast_in_dim3A_695 : i32 to vector<16xi32>
    %add3A_697 = arith.addi %mul3A_673, %broadcast_in_dim3A_696 : vector<16xi32>
    %gather3A_698 = tpu.vector_load_idx %arg5[%add3A_697] : memref<2560xi32, #tpu.memory_space<vmem>>[vector<16xi32>], vector<16xi32>,
    %broadcast_in_dim3A_699 = arith.constant 48 : i32
    %broadcast_in_dim3A_700 = vector.broadcast %broadcast_in_dim3A_699 : i32 to vector<16xi32>
    %add3A_701 = arith.addi %iota3A_670, %broadcast_in_dim3A_700 : vector<16xi32>
    tpu.vector_store_idx %arg6[%gather3A_698, %add3A_701], %broadcast_in_dim3A_669 : memref<1000x128xf32, #tpu.memory_space<vmem>>[vector<16xi32>, vector<16xi32>], vector<16xf32>,
    %broadcast_in_dim3A_702 = arith.constant 1284 : i32
    %broadcast_in_dim3A_703 = vector.broadcast %broadcast_in_dim3A_702 : i32 to vector<16xi32>
    %add3A_704 = arith.addi %mul3A_673, %broadcast_in_dim3A_703 : vector<16xi32>
    %gather3A_705 = tpu.vector_load_idx %arg5[%add3A_704] : memref<2560xi32, #tpu.memory_space<vmem>>[vector<16xi32>], vector<16xi32>,
    %broadcast_in_dim3A_706 = arith.constant 64 : i32
    %broadcast_in_dim3A_707 = vector.broadcast %broadcast_in_dim3A_706 : i32 to vector<16xi32>
    %add3A_708 = arith.addi %iota3A_670, %broadcast_in_dim3A_707 : vector<16xi32>
    tpu.vector_store_idx %arg6[%gather3A_705, %add3A_708], %broadcast_in_dim3A_669 : memref<1000x128xf32, #tpu.memory_space<vmem>>[vector<16xi32>, vector<16xi32>], vector<16xf32>,
    %broadcast_in_dim3A_709 = arith.constant 1604 : i32
    %broadcast_in_dim3A_710 = vector.broadcast %broadcast_in_dim3A_709 : i32 to vector<16xi32>
    %add3A_711 = arith.addi %mul3A_673, %broadcast_in_dim3A_710 : vector<16xi32>
    %gather3A_712 = tpu.vector_load_idx %arg5[%add3A_711] : memref<2560xi32, #tpu.memory_space<vmem>>[vector<16xi32>], vector<16xi32>,
    %broadcast_in_dim3A_713 = arith.constant 80 : i32
    %broadcast_in_dim3A_714 = vector.broadcast %broadcast_in_dim3A_713 : i32 to vector<16xi32>
    %add3A_715 = arith.addi %iota3A_670, %broadcast_in_dim3A_714 : vector<16xi32>
    tpu.vector_store_idx %arg6[%gather3A_712, %add3A_715], %broadcast_in_dim3A_669 : memref<1000x128xf32, #tpu.memory_space<vmem>>[vector<16xi32>, vector<16xi32>], vector<16xf32>,
    %broadcast_in_dim3A_716 = arith.constant 1924 : i32
    %broadcast_in_dim3A_717 = vector.broadcast %broadcast_in_dim3A_716 : i32 to vector<16xi32>
    %add3A_718 = arith.addi %mul3A_673, %broadcast_in_dim3A_717 : vector<16xi32>
    %gather3A_719 = tpu.vector_load_idx %arg5[%add3A_718] : memref<2560xi32, #tpu.memory_space<vmem>>[vector<16xi32>], vector<16xi32>,
    %broadcast_in_dim3A_720 = arith.constant 96 : i32
    %broadcast_in_dim3A_721 = vector.broadcast %broadcast_in_dim3A_720 : i32 to vector<16xi32>
    %add3A_722 = arith.addi %iota3A_670, %broadcast_in_dim3A_721 : vector<16xi32>
    tpu.vector_store_idx %arg6[%gather3A_719, %add3A_722], %broadcast_in_dim3A_669 : memref<1000x128xf32, #tpu.memory_space<vmem>>[vector<16xi32>, vector<16xi32>], vector<16xf32>,
    %broadcast_in_dim3A_723 = arith.constant 2244 : i32
    %broadcast_in_dim3A_724 = vector.broadcast %broadcast_in_dim3A_723 : i32 to vector<16xi32>
    %add3A_725 = arith.addi %mul3A_673, %broadcast_in_dim3A_724 : vector<16xi32>
    %gather3A_726 = tpu.vector_load_idx %arg5[%add3A_725] : memref<2560xi32, #tpu.memory_space<vmem>>[vector<16xi32>], vector<16xi32>,
    %broadcast_in_dim3A_727 = arith.constant 112 : i32
    %broadcast_in_dim3A_728 = vector.broadcast %broadcast_in_dim3A_727 : i32 to vector<16xi32>
    %add3A_729 = arith.addi %iota3A_670, %broadcast_in_dim3A_728 : vector<16xi32>
    tpu.vector_store_idx %arg6[%gather3A_726, %add3A_729], %broadcast_in_dim3A_669 : memref<1000x128xf32, #tpu.memory_space<vmem>>[vector<16xi32>, vector<16xi32>], vector<16xf32>,
    %broadcast_in_dim3A_730 = arith.constant 1.000000e+00 : f32
    %broadcast_in_dim3A_731 = vector.broadcast %broadcast_in_dim3A_730 : f32 to vector<16xf32>
    %iota3A_732 = tpu.iota {dimensions = array<i32: 0>} : vector<16xi32>
    %broadcast_in_dim3A_733 = arith.constant 20 : i32
    %broadcast_in_dim3A_734 = vector.broadcast %broadcast_in_dim3A_733 : i32 to vector<16xi32>
    %mul3A_735 = arith.muli %iota3A_732, %broadcast_in_dim3A_734 : vector<16xi32>
    %broadcast_in_dim3A_736 = arith.constant 5 : i32
    %broadcast_in_dim3A_737 = vector.broadcast %broadcast_in_dim3A_736 : i32 to vector<16xi32>
    %add3A_738 = arith.addi %mul3A_735, %broadcast_in_dim3A_737 : vector<16xi32>
    %gather3A_739 = tpu.vector_load_idx %arg5[%add3A_738] : memref<2560xi32, #tpu.memory_space<vmem>>[vector<16xi32>], vector<16xi32>,
    %broadcast_in_dim3A_740 = arith.constant 0 : i32
    %broadcast_in_dim3A_741 = vector.broadcast %broadcast_in_dim3A_740 : i32 to vector<16xi32>
    %add3A_742 = arith.addi %iota3A_732, %broadcast_in_dim3A_741 : vector<16xi32>
    tpu.vector_store_idx %arg6[%gather3A_739, %add3A_742], %broadcast_in_dim3A_731 : memref<1000x128xf32, #tpu.memory_space<vmem>>[vector<16xi32>, vector<16xi32>], vector<16xf32>,
    %broadcast_in_dim3A_743 = arith.constant 325 : i32
    %broadcast_in_dim3A_744 = vector.broadcast %broadcast_in_dim3A_743 : i32 to vector<16xi32>
    %add3A_745 = arith.addi %mul3A_735, %broadcast_in_dim3A_744 : vector<16xi32>
    %gather3A_746 = tpu.vector_load_idx %arg5[%add3A_745] : memref<2560xi32, #tpu.memory_space<vmem>>[vector<16xi32>], vector<16xi32>,
    %broadcast_in_dim3A_747 = arith.constant 16 : i32
    %broadcast_in_dim3A_748 = vector.broadcast %broadcast_in_dim3A_747 : i32 to vector<16xi32>
    %add3A_749 = arith.addi %iota3A_732, %broadcast_in_dim3A_748 : vector<16xi32>
    tpu.vector_store_idx %arg6[%gather3A_746, %add3A_749], %broadcast_in_dim3A_731 : memref<1000x128xf32, #tpu.memory_space<vmem>>[vector<16xi32>, vector<16xi32>], vector<16xf32>,
    %broadcast_in_dim3A_750 = arith.constant 645 : i32
    %broadcast_in_dim3A_751 = vector.broadcast %broadcast_in_dim3A_750 : i32 to vector<16xi32>
    %add3A_752 = arith.addi %mul3A_735, %broadcast_in_dim3A_751 : vector<16xi32>
    %gather3A_753 = tpu.vector_load_idx %arg5[%add3A_752] : memref<2560xi32, #tpu.memory_space<vmem>>[vector<16xi32>], vector<16xi32>,
    %broadcast_in_dim3A_754 = arith.constant 32 : i32
    %broadcast_in_dim3A_755 = vector.broadcast %broadcast_in_dim3A_754 : i32 to vector<16xi32>
    %add3A_756 = arith.addi %iota3A_732, %broadcast_in_dim3A_755 : vector<16xi32>
    tpu.vector_store_idx %arg6[%gather3A_753, %add3A_756], %broadcast_in_dim3A_731 : memref<1000x128xf32, #tpu.memory_space<vmem>>[vector<16xi32>, vector<16xi32>], vector<16xf32>,
    %broadcast_in_dim3A_757 = arith.constant 965 : i32
    %broadcast_in_dim3A_758 = vector.broadcast %broadcast_in_dim3A_757 : i32 to vector<16xi32>
    %add3A_759 = arith.addi %mul3A_735, %broadcast_in_dim3A_758 : vector<16xi32>
    %gather3A_760 = tpu.vector_load_idx %arg5[%add3A_759] : memref<2560xi32, #tpu.memory_space<vmem>>[vector<16xi32>], vector<16xi32>,
    %broadcast_in_dim3A_761 = arith.constant 48 : i32
    %broadcast_in_dim3A_762 = vector.broadcast %broadcast_in_dim3A_761 : i32 to vector<16xi32>
    %add3A_763 = arith.addi %iota3A_732, %broadcast_in_dim3A_762 : vector<16xi32>
    tpu.vector_store_idx %arg6[%gather3A_760, %add3A_763], %broadcast_in_dim3A_731 : memref<1000x128xf32, #tpu.memory_space<vmem>>[vector<16xi32>, vector<16xi32>], vector<16xf32>,
    %broadcast_in_dim3A_764 = arith.constant 1285 : i32
    %broadcast_in_dim3A_765 = vector.broadcast %broadcast_in_dim3A_764 : i32 to vector<16xi32>
    %add3A_766 = arith.addi %mul3A_735, %broadcast_in_dim3A_765 : vector<16xi32>
    %gather3A_767 = tpu.vector_load_idx %arg5[%add3A_766] : memref<2560xi32, #tpu.memory_space<vmem>>[vector<16xi32>], vector<16xi32>,
    %broadcast_in_dim3A_768 = arith.constant 64 : i32
    %broadcast_in_dim3A_769 = vector.broadcast %broadcast_in_dim3A_768 : i32 to vector<16xi32>
    %add3A_770 = arith.addi %iota3A_732, %broadcast_in_dim3A_769 : vector<16xi32>
    tpu.vector_store_idx %arg6[%gather3A_767, %add3A_770], %broadcast_in_dim3A_731 : memref<1000x128xf32, #tpu.memory_space<vmem>>[vector<16xi32>, vector<16xi32>], vector<16xf32>,
    %broadcast_in_dim3A_771 = arith.constant 1605 : i32
    %broadcast_in_dim3A_772 = vector.broadcast %broadcast_in_dim3A_771 : i32 to vector<16xi32>
    %add3A_773 = arith.addi %mul3A_735, %broadcast_in_dim3A_772 : vector<16xi32>
    %gather3A_774 = tpu.vector_load_idx %arg5[%add3A_773] : memref<2560xi32, #tpu.memory_space<vmem>>[vector<16xi32>], vector<16xi32>,
    %broadcast_in_dim3A_775 = arith.constant 80 : i32
    %broadcast_in_dim3A_776 = vector.broadcast %broadcast_in_dim3A_775 : i32 to vector<16xi32>
    %add3A_777 = arith.addi %iota3A_732, %broadcast_in_dim3A_776 : vector<16xi32>
    tpu.vector_store_idx %arg6[%gather3A_774, %add3A_777], %broadcast_in_dim3A_731 : memref<1000x128xf32, #tpu.memory_space<vmem>>[vector<16xi32>, vector<16xi32>], vector<16xf32>,
    %broadcast_in_dim3A_778 = arith.constant 1925 : i32
    %broadcast_in_dim3A_779 = vector.broadcast %broadcast_in_dim3A_778 : i32 to vector<16xi32>
    %add3A_780 = arith.addi %mul3A_735, %broadcast_in_dim3A_779 : vector<16xi32>
    %gather3A_781 = tpu.vector_load_idx %arg5[%add3A_780] : memref<2560xi32, #tpu.memory_space<vmem>>[vector<16xi32>], vector<16xi32>,
    %broadcast_in_dim3A_782 = arith.constant 96 : i32
    %broadcast_in_dim3A_783 = vector.broadcast %broadcast_in_dim3A_782 : i32 to vector<16xi32>
    %add3A_784 = arith.addi %iota3A_732, %broadcast_in_dim3A_783 : vector<16xi32>
    tpu.vector_store_idx %arg6[%gather3A_781, %add3A_784], %broadcast_in_dim3A_731 : memref<1000x128xf32, #tpu.memory_space<vmem>>[vector<16xi32>, vector<16xi32>], vector<16xf32>,
    %broadcast_in_dim3A_785 = arith.constant 2245 : i32
    %broadcast_in_dim3A_786 = vector.broadcast %broadcast_in_dim3A_785 : i32 to vector<16xi32>
    %add3A_787 = arith.addi %mul3A_735, %broadcast_in_dim3A_786 : vector<16xi32>
    %gather3A_788 = tpu.vector_load_idx %arg5[%add3A_787] : memref<2560xi32, #tpu.memory_space<vmem>>[vector<16xi32>], vector<16xi32>,
    %broadcast_in_dim3A_789 = arith.constant 112 : i32
    %broadcast_in_dim3A_790 = vector.broadcast %broadcast_in_dim3A_789 : i32 to vector<16xi32>
    %add3A_791 = arith.addi %iota3A_732, %broadcast_in_dim3A_790 : vector<16xi32>
    tpu.vector_store_idx %arg6[%gather3A_788, %add3A_791], %broadcast_in_dim3A_731 : memref<1000x128xf32, #tpu.memory_space<vmem>>[vector<16xi32>, vector<16xi32>], vector<16xf32>,
    %dma_start3A_792 = arith.constant 5 : i32
    %dma_start3A_793 = arith.constant 0 : i32
    %dma_start3A_794 = arith.constant 0 : i32
    %dma_start3A_795 = tpu.memref_slice %arg4[%dma_start3A_792, %dma_start3A_794, %mul3A_2] : memref<20x1000x4096xf32, #tpu.memory_space<hbm>> -> memref<1x1000x128xf32, #tpu.memory_space<hbm>>
    %dma_start3A_796 = tpu.memref_squeeze %dma_start3A_795 : memref<1x1000x128xf32, #tpu.memory_space<hbm>> -> memref<1000x128xf32, #tpu.memory_space<hbm>>
    %dma_start3A_797 = tpu.memref_slice %arg7[%dma_start3A_793] : memref<2x!tpu.dma_semaphore, #tpu.memory_space<semaphore_mem>> -> memref<1x!tpu.dma_semaphore, #tpu.memory_space<semaphore_mem>>
    %dma_start3A_798 = tpu.memref_squeeze %dma_start3A_797 : memref<1x!tpu.dma_semaphore, #tpu.memory_space<semaphore_mem>> -> memref<!tpu.dma_semaphore, #tpu.memory_space<semaphore_mem>>
    %dma_start3A_799 = arith.constant 0 : i32
    %dma_start3A_800 = tpu.memref_slice %arg4[%dma_start3A_792, %dma_start3A_799, %mul3A_2] : memref<20x1000x4096xf32, #tpu.memory_space<hbm>> -> memref<1x1000x128xf32, #tpu.memory_space<hbm>>
    %dma_start3A_801 = tpu.memref_squeeze %dma_start3A_800 : memref<1x1000x128xf32, #tpu.memory_space<hbm>> -> memref<1000x128xf32, #tpu.memory_space<hbm>>
    tpu.enqueue_dma source(%arg6 : memref<1000x128xf32, #tpu.memory_space<vmem>>) target(%dma_start3A_801 : memref<1000x128xf32, #tpu.memory_space<hbm>>) target_semaphore(%dma_start3A_798 : memref<!tpu.dma_semaphore, #tpu.memory_space<semaphore_mem>>)
    %dma_wait3A_802 = arith.constant 5 : i32
    %dma_wait3A_803 = arith.constant 0 : i32
    %dma_wait3A_804 = arith.constant 0 : i32
    %dma_wait3A_805 = tpu.memref_slice %arg4[%dma_wait3A_802, %dma_wait3A_804, %mul3A_2] : memref<20x1000x4096xf32, #tpu.memory_space<hbm>> -> memref<1x1000x128xf32, #tpu.memory_space<hbm>>
    %dma_wait3A_806 = tpu.memref_squeeze %dma_wait3A_805 : memref<1x1000x128xf32, #tpu.memory_space<hbm>> -> memref<1000x128xf32, #tpu.memory_space<hbm>>
    %dma_wait3A_807 = tpu.memref_slice %arg7[%dma_wait3A_803] : memref<2x!tpu.dma_semaphore, #tpu.memory_space<semaphore_mem>> -> memref<1x!tpu.dma_semaphore, #tpu.memory_space<semaphore_mem>>
    %dma_wait3A_808 = tpu.memref_squeeze %dma_wait3A_807 : memref<1x!tpu.dma_semaphore, #tpu.memory_space<semaphore_mem>> -> memref<!tpu.dma_semaphore, #tpu.memory_space<semaphore_mem>>
    %dma_wait3A_809 = arith.constant 0 : i32
    %dma_wait3A_810 = tpu.memref_slice %arg4[%dma_wait3A_802, %dma_wait3A_809, %mul3A_2] : memref<20x1000x4096xf32, #tpu.memory_space<hbm>> -> memref<1x1000x128xf32, #tpu.memory_space<hbm>>
    %dma_wait3A_811 = tpu.memref_squeeze %dma_wait3A_810 : memref<1x1000x128xf32, #tpu.memory_space<hbm>> -> memref<1000x128xf32, #tpu.memory_space<hbm>>
    tpu.wait_dma2 semaphore(%dma_wait3A_808 : memref<!tpu.dma_semaphore, #tpu.memory_space<semaphore_mem>>) src(%arg6 : memref<1000x128xf32, #tpu.memory_space<vmem>>) dst(%dma_wait3A_811 : memref<1000x128xf32, #tpu.memory_space<hbm>>)
    %broadcast_in_dim3A_812 = arith.constant 0.000000e+00 : f32
    %broadcast_in_dim3A_813 = vector.broadcast %broadcast_in_dim3A_812 : f32 to vector<16xf32>
    %iota3A_814 = tpu.iota {dimensions = array<i32: 0>} : vector<16xi32>
    %broadcast_in_dim3A_815 = arith.constant 20 : i32
    %broadcast_in_dim3A_816 = vector.broadcast %broadcast_in_dim3A_815 : i32 to vector<16xi32>
    %mul3A_817 = arith.muli %iota3A_814, %broadcast_in_dim3A_816 : vector<16xi32>
    %broadcast_in_dim3A_818 = arith.constant 5 : i32
    %broadcast_in_dim3A_819 = vector.broadcast %broadcast_in_dim3A_818 : i32 to vector<16xi32>
    %add3A_820 = arith.addi %mul3A_817, %broadcast_in_dim3A_819 : vector<16xi32>
    %gather3A_821 = tpu.vector_load_idx %arg5[%add3A_820] : memref<2560xi32, #tpu.memory_space<vmem>>[vector<16xi32>], vector<16xi32>,
    %broadcast_in_dim3A_822 = arith.constant 0 : i32
    %broadcast_in_dim3A_823 = vector.broadcast %broadcast_in_dim3A_822 : i32 to vector<16xi32>
    %add3A_824 = arith.addi %iota3A_814, %broadcast_in_dim3A_823 : vector<16xi32>
    tpu.vector_store_idx %arg6[%gather3A_821, %add3A_824], %broadcast_in_dim3A_813 : memref<1000x128xf32, #tpu.memory_space<vmem>>[vector<16xi32>, vector<16xi32>], vector<16xf32>,
    %broadcast_in_dim3A_825 = arith.constant 325 : i32
    %broadcast_in_dim3A_826 = vector.broadcast %broadcast_in_dim3A_825 : i32 to vector<16xi32>
    %add3A_827 = arith.addi %mul3A_817, %broadcast_in_dim3A_826 : vector<16xi32>
    %gather3A_828 = tpu.vector_load_idx %arg5[%add3A_827] : memref<2560xi32, #tpu.memory_space<vmem>>[vector<16xi32>], vector<16xi32>,
    %broadcast_in_dim3A_829 = arith.constant 16 : i32
    %broadcast_in_dim3A_830 = vector.broadcast %broadcast_in_dim3A_829 : i32 to vector<16xi32>
    %add3A_831 = arith.addi %iota3A_814, %broadcast_in_dim3A_830 : vector<16xi32>
    tpu.vector_store_idx %arg6[%gather3A_828, %add3A_831], %broadcast_in_dim3A_813 : memref<1000x128xf32, #tpu.memory_space<vmem>>[vector<16xi32>, vector<16xi32>], vector<16xf32>,
    %broadcast_in_dim3A_832 = arith.constant 645 : i32
    %broadcast_in_dim3A_833 = vector.broadcast %broadcast_in_dim3A_832 : i32 to vector<16xi32>
    %add3A_834 = arith.addi %mul3A_817, %broadcast_in_dim3A_833 : vector<16xi32>
    %gather3A_835 = tpu.vector_load_idx %arg5[%add3A_834] : memref<2560xi32, #tpu.memory_space<vmem>>[vector<16xi32>], vector<16xi32>,
    %broadcast_in_dim3A_836 = arith.constant 32 : i32
    %broadcast_in_dim3A_837 = vector.broadcast %broadcast_in_dim3A_836 : i32 to vector<16xi32>
    %add3A_838 = arith.addi %iota3A_814, %broadcast_in_dim3A_837 : vector<16xi32>
    tpu.vector_store_idx %arg6[%gather3A_835, %add3A_838], %broadcast_in_dim3A_813 : memref<1000x128xf32, #tpu.memory_space<vmem>>[vector<16xi32>, vector<16xi32>], vector<16xf32>,
    %broadcast_in_dim3A_839 = arith.constant 965 : i32
    %broadcast_in_dim3A_840 = vector.broadcast %broadcast_in_dim3A_839 : i32 to vector<16xi32>
    %add3A_841 = arith.addi %mul3A_817, %broadcast_in_dim3A_840 : vector<16xi32>
    %gather3A_842 = tpu.vector_load_idx %arg5[%add3A_841] : memref<2560xi32, #tpu.memory_space<vmem>>[vector<16xi32>], vector<16xi32>,
    %broadcast_in_dim3A_843 = arith.constant 48 : i32
    %broadcast_in_dim3A_844 = vector.broadcast %broadcast_in_dim3A_843 : i32 to vector<16xi32>
    %add3A_845 = arith.addi %iota3A_814, %broadcast_in_dim3A_844 : vector<16xi32>
    tpu.vector_store_idx %arg6[%gather3A_842, %add3A_845], %broadcast_in_dim3A_813 : memref<1000x128xf32, #tpu.memory_space<vmem>>[vector<16xi32>, vector<16xi32>], vector<16xf32>,
    %broadcast_in_dim3A_846 = arith.constant 1285 : i32
    %broadcast_in_dim3A_847 = vector.broadcast %broadcast_in_dim3A_846 : i32 to vector<16xi32>
    %add3A_848 = arith.addi %mul3A_817, %broadcast_in_dim3A_847 : vector<16xi32>
    %gather3A_849 = tpu.vector_load_idx %arg5[%add3A_848] : memref<2560xi32, #tpu.memory_space<vmem>>[vector<16xi32>], vector<16xi32>,
    %broadcast_in_dim3A_850 = arith.constant 64 : i32
    %broadcast_in_dim3A_851 = vector.broadcast %broadcast_in_dim3A_850 : i32 to vector<16xi32>
    %add3A_852 = arith.addi %iota3A_814, %broadcast_in_dim3A_851 : vector<16xi32>
    tpu.vector_store_idx %arg6[%gather3A_849, %add3A_852], %broadcast_in_dim3A_813 : memref<1000x128xf32, #tpu.memory_space<vmem>>[vector<16xi32>, vector<16xi32>], vector<16xf32>,
    %broadcast_in_dim3A_853 = arith.constant 1605 : i32
    %broadcast_in_dim3A_854 = vector.broadcast %broadcast_in_dim3A_853 : i32 to vector<16xi32>
    %add3A_855 = arith.addi %mul3A_817, %broadcast_in_dim3A_854 : vector<16xi32>
    %gather3A_856 = tpu.vector_load_idx %arg5[%add3A_855] : memref<2560xi32, #tpu.memory_space<vmem>>[vector<16xi32>], vector<16xi32>,
    %broadcast_in_dim3A_857 = arith.constant 80 : i32
    %broadcast_in_dim3A_858 = vector.broadcast %broadcast_in_dim3A_857 : i32 to vector<16xi32>
    %add3A_859 = arith.addi %iota3A_814, %broadcast_in_dim3A_858 : vector<16xi32>
    tpu.vector_store_idx %arg6[%gather3A_856, %add3A_859], %broadcast_in_dim3A_813 : memref<1000x128xf32, #tpu.memory_space<vmem>>[vector<16xi32>, vector<16xi32>], vector<16xf32>,
    %broadcast_in_dim3A_860 = arith.constant 1925 : i32
    %broadcast_in_dim3A_861 = vector.broadcast %broadcast_in_dim3A_860 : i32 to vector<16xi32>
    %add3A_862 = arith.addi %mul3A_817, %broadcast_in_dim3A_861 : vector<16xi32>
    %gather3A_863 = tpu.vector_load_idx %arg5[%add3A_862] : memref<2560xi32, #tpu.memory_space<vmem>>[vector<16xi32>], vector<16xi32>,
    %broadcast_in_dim3A_864 = arith.constant 96 : i32
    %broadcast_in_dim3A_865 = vector.broadcast %broadcast_in_dim3A_864 : i32 to vector<16xi32>
    %add3A_866 = arith.addi %iota3A_814, %broadcast_in_dim3A_865 : vector<16xi32>
    tpu.vector_store_idx %arg6[%gather3A_863, %add3A_866], %broadcast_in_dim3A_813 : memref<1000x128xf32, #tpu.memory_space<vmem>>[vector<16xi32>, vector<16xi32>], vector<16xf32>,
    %broadcast_in_dim3A_867 = arith.constant 2245 : i32
    %broadcast_in_dim3A_868 = vector.broadcast %broadcast_in_dim3A_867 : i32 to vector<16xi32>
    %add3A_869 = arith.addi %mul3A_817, %broadcast_in_dim3A_868 : vector<16xi32>
    %gather3A_870 = tpu.vector_load_idx %arg5[%add3A_869] : memref<2560xi32, #tpu.memory_space<vmem>>[vector<16xi32>], vector<16xi32>,
    %broadcast_in_dim3A_871 = arith.constant 112 : i32
    %broadcast_in_dim3A_872 = vector.broadcast %broadcast_in_dim3A_871 : i32 to vector<16xi32>
    %add3A_873 = arith.addi %iota3A_814, %broadcast_in_dim3A_872 : vector<16xi32>
    tpu.vector_store_idx %arg6[%gather3A_870, %add3A_873], %broadcast_in_dim3A_813 : memref<1000x128xf32, #tpu.memory_space<vmem>>[vector<16xi32>, vector<16xi32>], vector<16xf32>,
    %broadcast_in_dim3A_874 = arith.constant 1.000000e+00 : f32
    %broadcast_in_dim3A_875 = vector.broadcast %broadcast_in_dim3A_874 : f32 to vector<16xf32>
    %iota3A_876 = tpu.iota {dimensions = array<i32: 0>} : vector<16xi32>
    %broadcast_in_dim3A_877 = arith.constant 20 : i32
    %broadcast_in_dim3A_878 = vector.broadcast %broadcast_in_dim3A_877 : i32 to vector<16xi32>
    %mul3A_879 = arith.muli %iota3A_876, %broadcast_in_dim3A_878 : vector<16xi32>
    %broadcast_in_dim3A_880 = arith.constant 6 : i32
    %broadcast_in_dim3A_881 = vector.broadcast %broadcast_in_dim3A_880 : i32 to vector<16xi32>
    %add3A_882 = arith.addi %mul3A_879, %broadcast_in_dim3A_881 : vector<16xi32>
    %gather3A_883 = tpu.vector_load_idx %arg5[%add3A_882] : memref<2560xi32, #tpu.memory_space<vmem>>[vector<16xi32>], vector<16xi32>,
    %broadcast_in_dim3A_884 = arith.constant 0 : i32
    %broadcast_in_dim3A_885 = vector.broadcast %broadcast_in_dim3A_884 : i32 to vector<16xi32>
    %add3A_886 = arith.addi %iota3A_876, %broadcast_in_dim3A_885 : vector<16xi32>
    tpu.vector_store_idx %arg6[%gather3A_883, %add3A_886], %broadcast_in_dim3A_875 : memref<1000x128xf32, #tpu.memory_space<vmem>>[vector<16xi32>, vector<16xi32>], vector<16xf32>,
    %broadcast_in_dim3A_887 = arith.constant 326 : i32
    %broadcast_in_dim3A_888 = vector.broadcast %broadcast_in_dim3A_887 : i32 to vector<16xi32>
    %add3A_889 = arith.addi %mul3A_879, %broadcast_in_dim3A_888 : vector<16xi32>
    %gather3A_890 = tpu.vector_load_idx %arg5[%add3A_889] : memref<2560xi32, #tpu.memory_space<vmem>>[vector<16xi32>], vector<16xi32>,
    %broadcast_in_dim3A_891 = arith.constant 16 : i32
    %broadcast_in_dim3A_892 = vector.broadcast %broadcast_in_dim3A_891 : i32 to vector<16xi32>
    %add3A_893 = arith.addi %iota3A_876, %broadcast_in_dim3A_892 : vector<16xi32>
    tpu.vector_store_idx %arg6[%gather3A_890, %add3A_893], %broadcast_in_dim3A_875 : memref<1000x128xf32, #tpu.memory_space<vmem>>[vector<16xi32>, vector<16xi32>], vector<16xf32>,
    %broadcast_in_dim3A_894 = arith.constant 646 : i32
    %broadcast_in_dim3A_895 = vector.broadcast %broadcast_in_dim3A_894 : i32 to vector<16xi32>
    %add3A_896 = arith.addi %mul3A_879, %broadcast_in_dim3A_895 : vector<16xi32>
    %gather3A_897 = tpu.vector_load_idx %arg5[%add3A_896] : memref<2560xi32, #tpu.memory_space<vmem>>[vector<16xi32>], vector<16xi32>,
    %broadcast_in_dim3A_898 = arith.constant 32 : i32
    %broadcast_in_dim3A_899 = vector.broadcast %broadcast_in_dim3A_898 : i32 to vector<16xi32>
    %add3A_900 = arith.addi %iota3A_876, %broadcast_in_dim3A_899 : vector<16xi32>
    tpu.vector_store_idx %arg6[%gather3A_897, %add3A_900], %broadcast_in_dim3A_875 : memref<1000x128xf32, #tpu.memory_space<vmem>>[vector<16xi32>, vector<16xi32>], vector<16xf32>,
    %broadcast_in_dim3A_901 = arith.constant 966 : i32
    %broadcast_in_dim3A_902 = vector.broadcast %broadcast_in_dim3A_901 : i32 to vector<16xi32>
    %add3A_903 = arith.addi %mul3A_879, %broadcast_in_dim3A_902 : vector<16xi32>
    %gather3A_904 = tpu.vector_load_idx %arg5[%add3A_903] : memref<2560xi32, #tpu.memory_space<vmem>>[vector<16xi32>], vector<16xi32>,
    %broadcast_in_dim3A_905 = arith.constant 48 : i32
    %broadcast_in_dim3A_906 = vector.broadcast %broadcast_in_dim3A_905 : i32 to vector<16xi32>
    %add3A_907 = arith.addi %iota3A_876, %broadcast_in_dim3A_906 : vector<16xi32>
    tpu.vector_store_idx %arg6[%gather3A_904, %add3A_907], %broadcast_in_dim3A_875 : memref<1000x128xf32, #tpu.memory_space<vmem>>[vector<16xi32>, vector<16xi32>], vector<16xf32>,
    %broadcast_in_dim3A_908 = arith.constant 1286 : i32
    %broadcast_in_dim3A_909 = vector.broadcast %broadcast_in_dim3A_908 : i32 to vector<16xi32>
    %add3A_910 = arith.addi %mul3A_879, %broadcast_in_dim3A_909 : vector<16xi32>
    %gather3A_911 = tpu.vector_load_idx %arg5[%add3A_910] : memref<2560xi32, #tpu.memory_space<vmem>>[vector<16xi32>], vector<16xi32>,
    %broadcast_in_dim3A_912 = arith.constant 64 : i32
    %broadcast_in_dim3A_913 = vector.broadcast %broadcast_in_dim3A_912 : i32 to vector<16xi32>
    %add3A_914 = arith.addi %iota3A_876, %broadcast_in_dim3A_913 : vector<16xi32>
    tpu.vector_store_idx %arg6[%gather3A_911, %add3A_914], %broadcast_in_dim3A_875 : memref<1000x128xf32, #tpu.memory_space<vmem>>[vector<16xi32>, vector<16xi32>], vector<16xf32>,
    %broadcast_in_dim3A_915 = arith.constant 1606 : i32
    %broadcast_in_dim3A_916 = vector.broadcast %broadcast_in_dim3A_915 : i32 to vector<16xi32>
    %add3A_917 = arith.addi %mul3A_879, %broadcast_in_dim3A_916 : vector<16xi32>
    %gather3A_918 = tpu.vector_load_idx %arg5[%add3A_917] : memref<2560xi32, #tpu.memory_space<vmem>>[vector<16xi32>], vector<16xi32>,
    %broadcast_in_dim3A_919 = arith.constant 80 : i32
    %broadcast_in_dim3A_920 = vector.broadcast %broadcast_in_dim3A_919 : i32 to vector<16xi32>
    %add3A_921 = arith.addi %iota3A_876, %broadcast_in_dim3A_920 : vector<16xi32>
    tpu.vector_store_idx %arg6[%gather3A_918, %add3A_921], %broadcast_in_dim3A_875 : memref<1000x128xf32, #tpu.memory_space<vmem>>[vector<16xi32>, vector<16xi32>], vector<16xf32>,
    %broadcast_in_dim3A_922 = arith.constant 1926 : i32
    %broadcast_in_dim3A_923 = vector.broadcast %broadcast_in_dim3A_922 : i32 to vector<16xi32>
    %add3A_924 = arith.addi %mul3A_879, %broadcast_in_dim3A_923 : vector<16xi32>
    %gather3A_925 = tpu.vector_load_idx %arg5[%add3A_924] : memref<2560xi32, #tpu.memory_space<vmem>>[vector<16xi32>], vector<16xi32>,
    %broadcast_in_dim3A_926 = arith.constant 96 : i32
    %broadcast_in_dim3A_927 = vector.broadcast %broadcast_in_dim3A_926 : i32 to vector<16xi32>
    %add3A_928 = arith.addi %iota3A_876, %broadcast_in_dim3A_927 : vector<16xi32>
    tpu.vector_store_idx %arg6[%gather3A_925, %add3A_928], %broadcast_in_dim3A_875 : memref<1000x128xf32, #tpu.memory_space<vmem>>[vector<16xi32>, vector<16xi32>], vector<16xf32>,
    %broadcast_in_dim3A_929 = arith.constant 2246 : i32
    %broadcast_in_dim3A_930 = vector.broadcast %broadcast_in_dim3A_929 : i32 to vector<16xi32>
    %add3A_931 = arith.addi %mul3A_879, %broadcast_in_dim3A_930 : vector<16xi32>
    %gather3A_932 = tpu.vector_load_idx %arg5[%add3A_931] : memref<2560xi32, #tpu.memory_space<vmem>>[vector<16xi32>], vector<16xi32>,
    %broadcast_in_dim3A_933 = arith.constant 112 : i32
    %broadcast_in_dim3A_934 = vector.broadcast %broadcast_in_dim3A_933 : i32 to vector<16xi32>
    %add3A_935 = arith.addi %iota3A_876, %broadcast_in_dim3A_934 : vector<16xi32>
    tpu.vector_store_idx %arg6[%gather3A_932, %add3A_935], %broadcast_in_dim3A_875 : memref<1000x128xf32, #tpu.memory_space<vmem>>[vector<16xi32>, vector<16xi32>], vector<16xf32>,
    %dma_start3A_936 = arith.constant 6 : i32
    %dma_start3A_937 = arith.constant 0 : i32
    %dma_start3A_938 = arith.constant 0 : i32
    %dma_start3A_939 = tpu.memref_slice %arg4[%dma_start3A_936, %dma_start3A_938, %mul3A_2] : memref<20x1000x4096xf32, #tpu.memory_space<hbm>> -> memref<1x1000x128xf32, #tpu.memory_space<hbm>>
    %dma_start3A_940 = tpu.memref_squeeze %dma_start3A_939 : memref<1x1000x128xf32, #tpu.memory_space<hbm>> -> memref<1000x128xf32, #tpu.memory_space<hbm>>
    %dma_start3A_941 = tpu.memref_slice %arg7[%dma_start3A_937] : memref<2x!tpu.dma_semaphore, #tpu.memory_space<semaphore_mem>> -> memref<1x!tpu.dma_semaphore, #tpu.memory_space<semaphore_mem>>
    %dma_start3A_942 = tpu.memref_squeeze %dma_start3A_941 : memref<1x!tpu.dma_semaphore, #tpu.memory_space<semaphore_mem>> -> memref<!tpu.dma_semaphore, #tpu.memory_space<semaphore_mem>>
    %dma_start3A_943 = arith.constant 0 : i32
    %dma_start3A_944 = tpu.memref_slice %arg4[%dma_start3A_936, %dma_start3A_943, %mul3A_2] : memref<20x1000x4096xf32, #tpu.memory_space<hbm>> -> memref<1x1000x128xf32, #tpu.memory_space<hbm>>
    %dma_start3A_945 = tpu.memref_squeeze %dma_start3A_944 : memref<1x1000x128xf32, #tpu.memory_space<hbm>> -> memref<1000x128xf32, #tpu.memory_space<hbm>>
    tpu.enqueue_dma source(%arg6 : memref<1000x128xf32, #tpu.memory_space<vmem>>) target(%dma_start3A_945 : memref<1000x128xf32, #tpu.memory_space<hbm>>) target_semaphore(%dma_start3A_942 : memref<!tpu.dma_semaphore, #tpu.memory_space<semaphore_mem>>)
    %dma_wait3A_946 = arith.constant 6 : i32
    %dma_wait3A_947 = arith.constant 0 : i32
    %dma_wait3A_948 = arith.constant 0 : i32
    %dma_wait3A_949 = tpu.memref_slice %arg4[%dma_wait3A_946, %dma_wait3A_948, %mul3A_2] : memref<20x1000x4096xf32, #tpu.memory_space<hbm>> -> memref<1x1000x128xf32, #tpu.memory_space<hbm>>
    %dma_wait3A_950 = tpu.memref_squeeze %dma_wait3A_949 : memref<1x1000x128xf32, #tpu.memory_space<hbm>> -> memref<1000x128xf32, #tpu.memory_space<hbm>>
    %dma_wait3A_951 = tpu.memref_slice %arg7[%dma_wait3A_947] : memref<2x!tpu.dma_semaphore, #tpu.memory_space<semaphore_mem>> -> memref<1x!tpu.dma_semaphore, #tpu.memory_space<semaphore_mem>>
    %dma_wait3A_952 = tpu.memref_squeeze %dma_wait3A_951 : memref<1x!tpu.dma_semaphore, #tpu.memory_space<semaphore_mem>> -> memref<!tpu.dma_semaphore, #tpu.memory_space<semaphore_mem>>
    %dma_wait3A_953 = arith.constant 0 : i32
    %dma_wait3A_954 = tpu.memref_slice %arg4[%dma_wait3A_946, %dma_wait3A_953, %mul3A_2] : memref<20x1000x4096xf32, #tpu.memory_space<hbm>> -> memref<1x1000x128xf32, #tpu.memory_space<hbm>>
    %dma_wait3A_955 = tpu.memref_squeeze %dma_wait3A_954 : memref<1x1000x128xf32, #tpu.memory_space<hbm>> -> memref<1000x128xf32, #tpu.memory_space<hbm>>
    tpu.wait_dma2 semaphore(%dma_wait3A_952 : memref<!tpu.dma_semaphore, #tpu.memory_space<semaphore_mem>>) src(%arg6 : memref<1000x128xf32, #tpu.memory_space<vmem>>) dst(%dma_wait3A_955 : memref<1000x128xf32, #tpu.memory_space<hbm>>)
    %broadcast_in_dim3A_956 = arith.constant 0.000000e+00 : f32
    %broadcast_in_dim3A_957 = vector.broadcast %broadcast_in_dim3A_956 : f32 to vector<16xf32>
    %iota3A_958 = tpu.iota {dimensions = array<i32: 0>} : vector<16xi32>
    %broadcast_in_dim3A_959 = arith.constant 20 : i32
    %broadcast_in_dim3A_960 = vector.broadcast %broadcast_in_dim3A_959 : i32 to vector<16xi32>
    %mul3A_961 = arith.muli %iota3A_958, %broadcast_in_dim3A_960 : vector<16xi32>
    %broadcast_in_dim3A_962 = arith.constant 6 : i32
    %broadcast_in_dim3A_963 = vector.broadcast %broadcast_in_dim3A_962 : i32 to vector<16xi32>
    %add3A_964 = arith.addi %mul3A_961, %broadcast_in_dim3A_963 : vector<16xi32>
    %gather3A_965 = tpu.vector_load_idx %arg5[%add3A_964] : memref<2560xi32, #tpu.memory_space<vmem>>[vector<16xi32>], vector<16xi32>,
    %broadcast_in_dim3A_966 = arith.constant 0 : i32
    %broadcast_in_dim3A_967 = vector.broadcast %broadcast_in_dim3A_966 : i32 to vector<16xi32>
    %add3A_968 = arith.addi %iota3A_958, %broadcast_in_dim3A_967 : vector<16xi32>
    tpu.vector_store_idx %arg6[%gather3A_965, %add3A_968], %broadcast_in_dim3A_957 : memref<1000x128xf32, #tpu.memory_space<vmem>>[vector<16xi32>, vector<16xi32>], vector<16xf32>,
    %broadcast_in_dim3A_969 = arith.constant 326 : i32
    %broadcast_in_dim3A_970 = vector.broadcast %broadcast_in_dim3A_969 : i32 to vector<16xi32>
    %add3A_971 = arith.addi %mul3A_961, %broadcast_in_dim3A_970 : vector<16xi32>
    %gather3A_972 = tpu.vector_load_idx %arg5[%add3A_971] : memref<2560xi32, #tpu.memory_space<vmem>>[vector<16xi32>], vector<16xi32>,
    %broadcast_in_dim3A_973 = arith.constant 16 : i32
    %broadcast_in_dim3A_974 = vector.broadcast %broadcast_in_dim3A_973 : i32 to vector<16xi32>
    %add3A_975 = arith.addi %iota3A_958, %broadcast_in_dim3A_974 : vector<16xi32>
    tpu.vector_store_idx %arg6[%gather3A_972, %add3A_975], %broadcast_in_dim3A_957 : memref<1000x128xf32, #tpu.memory_space<vmem>>[vector<16xi32>, vector<16xi32>], vector<16xf32>,
    %broadcast_in_dim3A_976 = arith.constant 646 : i32
    %broadcast_in_dim3A_977 = vector.broadcast %broadcast_in_dim3A_976 : i32 to vector<16xi32>
    %add3A_978 = arith.addi %mul3A_961, %broadcast_in_dim3A_977 : vector<16xi32>
    %gather3A_979 = tpu.vector_load_idx %arg5[%add3A_978] : memref<2560xi32, #tpu.memory_space<vmem>>[vector<16xi32>], vector<16xi32>,
    %broadcast_in_dim3A_980 = arith.constant 32 : i32
    %broadcast_in_dim3A_981 = vector.broadcast %broadcast_in_dim3A_980 : i32 to vector<16xi32>
    %add3A_982 = arith.addi %iota3A_958, %broadcast_in_dim3A_981 : vector<16xi32>
    tpu.vector_store_idx %arg6[%gather3A_979, %add3A_982], %broadcast_in_dim3A_957 : memref<1000x128xf32, #tpu.memory_space<vmem>>[vector<16xi32>, vector<16xi32>], vector<16xf32>,
    %broadcast_in_dim3A_983 = arith.constant 966 : i32
    %broadcast_in_dim3A_984 = vector.broadcast %broadcast_in_dim3A_983 : i32 to vector<16xi32>
    %add3A_985 = arith.addi %mul3A_961, %broadcast_in_dim3A_984 : vector<16xi32>
    %gather3A_986 = tpu.vector_load_idx %arg5[%add3A_985] : memref<2560xi32, #tpu.memory_space<vmem>>[vector<16xi32>], vector<16xi32>,
    %broadcast_in_dim3A_987 = arith.constant 48 : i32
    %broadcast_in_dim3A_988 = vector.broadcast %broadcast_in_dim3A_987 : i32 to vector<16xi32>
    %add3A_989 = arith.addi %iota3A_958, %broadcast_in_dim3A_988 : vector<16xi32>
    tpu.vector_store_idx %arg6[%gather3A_986, %add3A_989], %broadcast_in_dim3A_957 : memref<1000x128xf32, #tpu.memory_space<vmem>>[vector<16xi32>, vector<16xi32>], vector<16xf32>,
    %broadcast_in_dim3A_990 = arith.constant 1286 : i32
    %broadcast_in_dim3A_991 = vector.broadcast %broadcast_in_dim3A_990 : i32 to vector<16xi32>
    %add3A_992 = arith.addi %mul3A_961, %broadcast_in_dim3A_991 : vector<16xi32>
    %gather3A_993 = tpu.vector_load_idx %arg5[%add3A_992] : memref<2560xi32, #tpu.memory_space<vmem>>[vector<16xi32>], vector<16xi32>,
    %broadcast_in_dim3A_994 = arith.constant 64 : i32
    %broadcast_in_dim3A_995 = vector.broadcast %broadcast_in_dim3A_994 : i32 to vector<16xi32>
    %add3A_996 = arith.addi %iota3A_958, %broadcast_in_dim3A_995 : vector<16xi32>
    tpu.vector_store_idx %arg6[%gather3A_993, %add3A_996], %broadcast_in_dim3A_957 : memref<1000x128xf32, #tpu.memory_space<vmem>>[vector<16xi32>, vector<16xi32>], vector<16xf32>,
    %broadcast_in_dim3A_997 = arith.constant 1606 : i32
    %broadcast_in_dim3A_998 = vector.broadcast %broadcast_in_dim3A_997 : i32 to vector<16xi32>
    %add3A_999 = arith.addi %mul3A_961, %broadcast_in_dim3A_998 : vector<16xi32>
    %gather3A_1000 = tpu.vector_load_idx %arg5[%add3A_999] : memref<2560xi32, #tpu.memory_space<vmem>>[vector<16xi32>], vector<16xi32>,
    %broadcast_in_dim3A_1001 = arith.constant 80 : i32
    %broadcast_in_dim3A_1002 = vector.broadcast %broadcast_in_dim3A_1001 : i32 to vector<16xi32>
    %add3A_1003 = arith.addi %iota3A_958, %broadcast_in_dim3A_1002 : vector<16xi32>
    tpu.vector_store_idx %arg6[%gather3A_1000, %add3A_1003], %broadcast_in_dim3A_957 : memref<1000x128xf32, #tpu.memory_space<vmem>>[vector<16xi32>, vector<16xi32>], vector<16xf32>,
    %broadcast_in_dim3A_1004 = arith.constant 1926 : i32
    %broadcast_in_dim3A_1005 = vector.broadcast %broadcast_in_dim3A_1004 : i32 to vector<16xi32>
    %add3A_1006 = arith.addi %mul3A_961, %broadcast_in_dim3A_1005 : vector<16xi32>
    %gather3A_1007 = tpu.vector_load_idx %arg5[%add3A_1006] : memref<2560xi32, #tpu.memory_space<vmem>>[vector<16xi32>], vector<16xi32>,
    %broadcast_in_dim3A_1008 = arith.constant 96 : i32
    %broadcast_in_dim3A_1009 = vector.broadcast %broadcast_in_dim3A_1008 : i32 to vector<16xi32>
    %add3A_1010 = arith.addi %iota3A_958, %broadcast_in_dim3A_1009 : vector<16xi32>
    tpu.vector_store_idx %arg6[%gather3A_1007, %add3A_1010], %broadcast_in_dim3A_957 : memref<1000x128xf32, #tpu.memory_space<vmem>>[vector<16xi32>, vector<16xi32>], vector<16xf32>,
    %broadcast_in_dim3A_1011 = arith.constant 2246 : i32
    %broadcast_in_dim3A_1012 = vector.broadcast %broadcast_in_dim3A_1011 : i32 to vector<16xi32>
    %add3A_1013 = arith.addi %mul3A_961, %broadcast_in_dim3A_1012 : vector<16xi32>
    %gather3A_1014 = tpu.vector_load_idx %arg5[%add3A_1013] : memref<2560xi32, #tpu.memory_space<vmem>>[vector<16xi32>], vector<16xi32>,
    %broadcast_in_dim3A_1015 = arith.constant 112 : i32
    %broadcast_in_dim3A_1016 = vector.broadcast %broadcast_in_dim3A_1015 : i32 to vector<16xi32>
    %add3A_1017 = arith.addi %iota3A_958, %broadcast_in_dim3A_1016 : vector<16xi32>
    tpu.vector_store_idx %arg6[%gather3A_1014, %add3A_1017], %broadcast_in_dim3A_957 : memref<1000x128xf32, #tpu.memory_space<vmem>>[vector<16xi32>, vector<16xi32>], vector<16xf32>,
    %broadcast_in_dim3A_1018 = arith.constant 1.000000e+00 : f32
    %broadcast_in_dim3A_1019 = vector.broadcast %broadcast_in_dim3A_1018 : f32 to vector<16xf32>
    %iota3A_1020 = tpu.iota {dimensions = array<i32: 0>} : vector<16xi32>
    %broadcast_in_dim3A_1021 = arith.constant 20 : i32
    %broadcast_in_dim3A_1022 = vector.broadcast %broadcast_in_dim3A_1021 : i32 to vector<16xi32>
    %mul3A_1023 = arith.muli %iota3A_1020, %broadcast_in_dim3A_1022 : vector<16xi32>
    %broadcast_in_dim3A_1024 = arith.constant 7 : i32
    %broadcast_in_dim3A_1025 = vector.broadcast %broadcast_in_dim3A_1024 : i32 to vector<16xi32>
    %add3A_1026 = arith.addi %mul3A_1023, %broadcast_in_dim3A_1025 : vector<16xi32>
    %gather3A_1027 = tpu.vector_load_idx %arg5[%add3A_1026] : memref<2560xi32, #tpu.memory_space<vmem>>[vector<16xi32>], vector<16xi32>,
    %broadcast_in_dim3A_1028 = arith.constant 0 : i32
    %broadcast_in_dim3A_1029 = vector.broadcast %broadcast_in_dim3A_1028 : i32 to vector<16xi32>
    %add3A_1030 = arith.addi %iota3A_1020, %broadcast_in_dim3A_1029 : vector<16xi32>
    tpu.vector_store_idx %arg6[%gather3A_1027, %add3A_1030], %broadcast_in_dim3A_1019 : memref<1000x128xf32, #tpu.memory_space<vmem>>[vector<16xi32>, vector<16xi32>], vector<16xf32>,
    %broadcast_in_dim3A_1031 = arith.constant 327 : i32
    %broadcast_in_dim3A_1032 = vector.broadcast %broadcast_in_dim3A_1031 : i32 to vector<16xi32>
    %add3A_1033 = arith.addi %mul3A_1023, %broadcast_in_dim3A_1032 : vector<16xi32>
    %gather3A_1034 = tpu.vector_load_idx %arg5[%add3A_1033] : memref<2560xi32, #tpu.memory_space<vmem>>[vector<16xi32>], vector<16xi32>,
    %broadcast_in_dim3A_1035 = arith.constant 16 : i32
    %broadcast_in_dim3A_1036 = vector.broadcast %broadcast_in_dim3A_1035 : i32 to vector<16xi32>
    %add3A_1037 = arith.addi %iota3A_1020, %broadcast_in_dim3A_1036 : vector<16xi32>
    tpu.vector_store_idx %arg6[%gather3A_1034, %add3A_1037], %broadcast_in_dim3A_1019 : memref<1000x128xf32, #tpu.memory_space<vmem>>[vector<16xi32>, vector<16xi32>], vector<16xf32>,
    %broadcast_in_dim3A_1038 = arith.constant 647 : i32
    %broadcast_in_dim3A_1039 = vector.broadcast %broadcast_in_dim3A_1038 : i32 to vector<16xi32>
    %add3A_1040 = arith.addi %mul3A_1023, %broadcast_in_dim3A_1039 : vector<16xi32>
    %gather3A_1041 = tpu.vector_load_idx %arg5[%add3A_1040] : memref<2560xi32, #tpu.memory_space<vmem>>[vector<16xi32>], vector<16xi32>,
    %broadcast_in_dim3A_1042 = arith.constant 32 : i32
    %broadcast_in_dim3A_1043 = vector.broadcast %broadcast_in_dim3A_1042 : i32 to vector<16xi32>
    %add3A_1044 = arith.addi %iota3A_1020, %broadcast_in_dim3A_1043 : vector<16xi32>
    tpu.vector_store_idx %arg6[%gather3A_1041, %add3A_1044], %broadcast_in_dim3A_1019 : memref<1000x128xf32, #tpu.memory_space<vmem>>[vector<16xi32>, vector<16xi32>], vector<16xf32>,
    %broadcast_in_dim3A_1045 = arith.constant 967 : i32
    %broadcast_in_dim3A_1046 = vector.broadcast %broadcast_in_dim3A_1045 : i32 to vector<16xi32>
    %add3A_1047 = arith.addi %mul3A_1023, %broadcast_in_dim3A_1046 : vector<16xi32>
    %gather3A_1048 = tpu.vector_load_idx %arg5[%add3A_1047] : memref<2560xi32, #tpu.memory_space<vmem>>[vector<16xi32>], vector<16xi32>,
    %broadcast_in_dim3A_1049 = arith.constant 48 : i32
    %broadcast_in_dim3A_1050 = vector.broadcast %broadcast_in_dim3A_1049 : i32 to vector<16xi32>
    %add3A_1051 = arith.addi %iota3A_1020, %broadcast_in_dim3A_1050 : vector<16xi32>
    tpu.vector_store_idx %arg6[%gather3A_1048, %add3A_1051], %broadcast_in_dim3A_1019 : memref<1000x128xf32, #tpu.memory_space<vmem>>[vector<16xi32>, vector<16xi32>], vector<16xf32>,
    %broadcast_in_dim3A_1052 = arith.constant 1287 : i32
    %broadcast_in_dim3A_1053 = vector.broadcast %broadcast_in_dim3A_1052 : i32 to vector<16xi32>
    %add3A_1054 = arith.addi %mul3A_1023, %broadcast_in_dim3A_1053 : vector<16xi32>
    %gather3A_1055 = tpu.vector_load_idx %arg5[%add3A_1054] : memref<2560xi32, #tpu.memory_space<vmem>>[vector<16xi32>], vector<16xi32>,
    %broadcast_in_dim3A_1056 = arith.constant 64 : i32
    %broadcast_in_dim3A_1057 = vector.broadcast %broadcast_in_dim3A_1056 : i32 to vector<16xi32>
    %add3A_1058 = arith.addi %iota3A_1020, %broadcast_in_dim3A_1057 : vector<16xi32>
    tpu.vector_store_idx %arg6[%gather3A_1055, %add3A_1058], %broadcast_in_dim3A_1019 : memref<1000x128xf32, #tpu.memory_space<vmem>>[vector<16xi32>, vector<16xi32>], vector<16xf32>,
    %broadcast_in_dim3A_1059 = arith.constant 1607 : i32
    %broadcast_in_dim3A_1060 = vector.broadcast %broadcast_in_dim3A_1059 : i32 to vector<16xi32>
    %add3A_1061 = arith.addi %mul3A_1023, %broadcast_in_dim3A_1060 : vector<16xi32>
    %gather3A_1062 = tpu.vector_load_idx %arg5[%add3A_1061] : memref<2560xi32, #tpu.memory_space<vmem>>[vector<16xi32>], vector<16xi32>,
    %broadcast_in_dim3A_1063 = arith.constant 80 : i32
    %broadcast_in_dim3A_1064 = vector.broadcast %broadcast_in_dim3A_1063 : i32 to vector<16xi32>
    %add3A_1065 = arith.addi %iota3A_1020, %broadcast_in_dim3A_1064 : vector<16xi32>
    tpu.vector_store_idx %arg6[%gather3A_1062, %add3A_1065], %broadcast_in_dim3A_1019 : memref<1000x128xf32, #tpu.memory_space<vmem>>[vector<16xi32>, vector<16xi32>], vector<16xf32>,
    %broadcast_in_dim3A_1066 = arith.constant 1927 : i32
    %broadcast_in_dim3A_1067 = vector.broadcast %broadcast_in_dim3A_1066 : i32 to vector<16xi32>
    %add3A_1068 = arith.addi %mul3A_1023, %broadcast_in_dim3A_1067 : vector<16xi32>
    %gather3A_1069 = tpu.vector_load_idx %arg5[%add3A_1068] : memref<2560xi32, #tpu.memory_space<vmem>>[vector<16xi32>], vector<16xi32>,
    %broadcast_in_dim3A_1070 = arith.constant 96 : i32
    %broadcast_in_dim3A_1071 = vector.broadcast %broadcast_in_dim3A_1070 : i32 to vector<16xi32>
    %add3A_1072 = arith.addi %iota3A_1020, %broadcast_in_dim3A_1071 : vector<16xi32>
    tpu.vector_store_idx %arg6[%gather3A_1069, %add3A_1072], %broadcast_in_dim3A_1019 : memref<1000x128xf32, #tpu.memory_space<vmem>>[vector<16xi32>, vector<16xi32>], vector<16xf32>,
    %broadcast_in_dim3A_1073 = arith.constant 2247 : i32
    %broadcast_in_dim3A_1074 = vector.broadcast %broadcast_in_dim3A_1073 : i32 to vector<16xi32>
    %add3A_1075 = arith.addi %mul3A_1023, %broadcast_in_dim3A_1074 : vector<16xi32>
    %gather3A_1076 = tpu.vector_load_idx %arg5[%add3A_1075] : memref<2560xi32, #tpu.memory_space<vmem>>[vector<16xi32>], vector<16xi32>,
    %broadcast_in_dim3A_1077 = arith.constant 112 : i32
    %broadcast_in_dim3A_1078 = vector.broadcast %broadcast_in_dim3A_1077 : i32 to vector<16xi32>
    %add3A_1079 = arith.addi %iota3A_1020, %broadcast_in_dim3A_1078 : vector<16xi32>
    tpu.vector_store_idx %arg6[%gather3A_1076, %add3A_1079], %broadcast_in_dim3A_1019 : memref<1000x128xf32, #tpu.memory_space<vmem>>[vector<16xi32>, vector<16xi32>], vector<16xf32>,
    %dma_start3A_1080 = arith.constant 7 : i32
    %dma_start3A_1081 = arith.constant 0 : i32
    %dma_start3A_1082 = arith.constant 0 : i32
    %dma_start3A_1083 = tpu.memref_slice %arg4[%dma_start3A_1080, %dma_start3A_1082, %mul3A_2] : memref<20x1000x4096xf32, #tpu.memory_space<hbm>> -> memref<1x1000x128xf32, #tpu.memory_space<hbm>>
    %dma_start3A_1084 = tpu.memref_squeeze %dma_start3A_1083 : memref<1x1000x128xf32, #tpu.memory_space<hbm>> -> memref<1000x128xf32, #tpu.memory_space<hbm>>
    %dma_start3A_1085 = tpu.memref_slice %arg7[%dma_start3A_1081] : memref<2x!tpu.dma_semaphore, #tpu.memory_space<semaphore_mem>> -> memref<1x!tpu.dma_semaphore, #tpu.memory_space<semaphore_mem>>
    %dma_start3A_1086 = tpu.memref_squeeze %dma_start3A_1085 : memref<1x!tpu.dma_semaphore, #tpu.memory_space<semaphore_mem>> -> memref<!tpu.dma_semaphore, #tpu.memory_space<semaphore_mem>>
    %dma_start3A_1087 = arith.constant 0 : i32
    %dma_start3A_1088 = tpu.memref_slice %arg4[%dma_start3A_1080, %dma_start3A_1087, %mul3A_2] : memref<20x1000x4096xf32, #tpu.memory_space<hbm>> -> memref<1x1000x128xf32, #tpu.memory_space<hbm>>
    %dma_start3A_1089 = tpu.memref_squeeze %dma_start3A_1088 : memref<1x1000x128xf32, #tpu.memory_space<hbm>> -> memref<1000x128xf32, #tpu.memory_space<hbm>>
    tpu.enqueue_dma source(%arg6 : memref<1000x128xf32, #tpu.memory_space<vmem>>) target(%dma_start3A_1089 : memref<1000x128xf32, #tpu.memory_space<hbm>>) target_semaphore(%dma_start3A_1086 : memref<!tpu.dma_semaphore, #tpu.memory_space<semaphore_mem>>)
    %dma_wait3A_1090 = arith.constant 7 : i32
    %dma_wait3A_1091 = arith.constant 0 : i32
    %dma_wait3A_1092 = arith.constant 0 : i32
    %dma_wait3A_1093 = tpu.memref_slice %arg4[%dma_wait3A_1090, %dma_wait3A_1092, %mul3A_2] : memref<20x1000x4096xf32, #tpu.memory_space<hbm>> -> memref<1x1000x128xf32, #tpu.memory_space<hbm>>
    %dma_wait3A_1094 = tpu.memref_squeeze %dma_wait3A_1093 : memref<1x1000x128xf32, #tpu.memory_space<hbm>> -> memref<1000x128xf32, #tpu.memory_space<hbm>>
    %dma_wait3A_1095 = tpu.memref_slice %arg7[%dma_wait3A_1091] : memref<2x!tpu.dma_semaphore, #tpu.memory_space<semaphore_mem>> -> memref<1x!tpu.dma_semaphore, #tpu.memory_space<semaphore_mem>>
    %dma_wait3A_1096 = tpu.memref_squeeze %dma_wait3A_1095 : memref<1x!tpu.dma_semaphore, #tpu.memory_space<semaphore_mem>> -> memref<!tpu.dma_semaphore, #tpu.memory_space<semaphore_mem>>
    %dma_wait3A_1097 = arith.constant 0 : i32
    %dma_wait3A_1098 = tpu.memref_slice %arg4[%dma_wait3A_1090, %dma_wait3A_1097, %mul3A_2] : memref<20x1000x4096xf32, #tpu.memory_space<hbm>> -> memref<1x1000x128xf32, #tpu.memory_space<hbm>>
    %dma_wait3A_1099 = tpu.memref_squeeze %dma_wait3A_1098 : memref<1x1000x128xf32, #tpu.memory_space<hbm>> -> memref<1000x128xf32, #tpu.memory_space<hbm>>
    tpu.wait_dma2 semaphore(%dma_wait3A_1096 : memref<!tpu.dma_semaphore, #tpu.memory_space<semaphore_mem>>) src(%arg6 : memref<1000x128xf32, #tpu.memory_space<vmem>>) dst(%dma_wait3A_1099 : memref<1000x128xf32, #tpu.memory_space<hbm>>)
    %broadcast_in_dim3A_1100 = arith.constant 0.000000e+00 : f32
    %broadcast_in_dim3A_1101 = vector.broadcast %broadcast_in_dim3A_1100 : f32 to vector<16xf32>
    %iota3A_1102 = tpu.iota {dimensions = array<i32: 0>} : vector<16xi32>
    %broadcast_in_dim3A_1103 = arith.constant 20 : i32
    %broadcast_in_dim3A_1104 = vector.broadcast %broadcast_in_dim3A_1103 : i32 to vector<16xi32>
    %mul3A_1105 = arith.muli %iota3A_1102, %broadcast_in_dim3A_1104 : vector<16xi32>
    %broadcast_in_dim3A_1106 = arith.constant 7 : i32
    %broadcast_in_dim3A_1107 = vector.broadcast %broadcast_in_dim3A_1106 : i32 to vector<16xi32>
    %add3A_1108 = arith.addi %mul3A_1105, %broadcast_in_dim3A_1107 : vector<16xi32>
    %gather3A_1109 = tpu.vector_load_idx %arg5[%add3A_1108] : memref<2560xi32, #tpu.memory_space<vmem>>[vector<16xi32>], vector<16xi32>,
    %broadcast_in_dim3A_1110 = arith.constant 0 : i32
    %broadcast_in_dim3A_1111 = vector.broadcast %broadcast_in_dim3A_1110 : i32 to vector<16xi32>
    %add3A_1112 = arith.addi %iota3A_1102, %broadcast_in_dim3A_1111 : vector<16xi32>
    tpu.vector_store_idx %arg6[%gather3A_1109, %add3A_1112], %broadcast_in_dim3A_1101 : memref<1000x128xf32, #tpu.memory_space<vmem>>[vector<16xi32>, vector<16xi32>], vector<16xf32>,
    %broadcast_in_dim3A_1113 = arith.constant 327 : i32
    %broadcast_in_dim3A_1114 = vector.broadcast %broadcast_in_dim3A_1113 : i32 to vector<16xi32>
    %add3A_1115 = arith.addi %mul3A_1105, %broadcast_in_dim3A_1114 : vector<16xi32>
    %gather3A_1116 = tpu.vector_load_idx %arg5[%add3A_1115] : memref<2560xi32, #tpu.memory_space<vmem>>[vector<16xi32>], vector<16xi32>,
    %broadcast_in_dim3A_1117 = arith.constant 16 : i32
    %broadcast_in_dim3A_1118 = vector.broadcast %broadcast_in_dim3A_1117 : i32 to vector<16xi32>
    %add3A_1119 = arith.addi %iota3A_1102, %broadcast_in_dim3A_1118 : vector<16xi32>
    tpu.vector_store_idx %arg6[%gather3A_1116, %add3A_1119], %broadcast_in_dim3A_1101 : memref<1000x128xf32, #tpu.memory_space<vmem>>[vector<16xi32>, vector<16xi32>], vector<16xf32>,
    %broadcast_in_dim3A_1120 = arith.constant 647 : i32
    %broadcast_in_dim3A_1121 = vector.broadcast %broadcast_in_dim3A_1120 : i32 to vector<16xi32>
    %add3A_1122 = arith.addi %mul3A_1105, %broadcast_in_dim3A_1121 : vector<16xi32>
    %gather3A_1123 = tpu.vector_load_idx %arg5[%add3A_1122] : memref<2560xi32, #tpu.memory_space<vmem>>[vector<16xi32>], vector<16xi32>,
    %broadcast_in_dim3A_1124 = arith.constant 32 : i32
    %broadcast_in_dim3A_1125 = vector.broadcast %broadcast_in_dim3A_1124 : i32 to vector<16xi32>
    %add3A_1126 = arith.addi %iota3A_1102, %broadcast_in_dim3A_1125 : vector<16xi32>
    tpu.vector_store_idx %arg6[%gather3A_1123, %add3A_1126], %broadcast_in_dim3A_1101 : memref<1000x128xf32, #tpu.memory_space<vmem>>[vector<16xi32>, vector<16xi32>], vector<16xf32>,
    %broadcast_in_dim3A_1127 = arith.constant 967 : i32
    %broadcast_in_dim3A_1128 = vector.broadcast %broadcast_in_dim3A_1127 : i32 to vector<16xi32>
    %add3A_1129 = arith.addi %mul3A_1105, %broadcast_in_dim3A_1128 : vector<16xi32>
    %gather3A_1130 = tpu.vector_load_idx %arg5[%add3A_1129] : memref<2560xi32, #tpu.memory_space<vmem>>[vector<16xi32>], vector<16xi32>,
    %broadcast_in_dim3A_1131 = arith.constant 48 : i32
    %broadcast_in_dim3A_1132 = vector.broadcast %broadcast_in_dim3A_1131 : i32 to vector<16xi32>
    %add3A_1133 = arith.addi %iota3A_1102, %broadcast_in_dim3A_1132 : vector<16xi32>
    tpu.vector_store_idx %arg6[%gather3A_1130, %add3A_1133], %broadcast_in_dim3A_1101 : memref<1000x128xf32, #tpu.memory_space<vmem>>[vector<16xi32>, vector<16xi32>], vector<16xf32>,
    %broadcast_in_dim3A_1134 = arith.constant 1287 : i32
    %broadcast_in_dim3A_1135 = vector.broadcast %broadcast_in_dim3A_1134 : i32 to vector<16xi32>
    %add3A_1136 = arith.addi %mul3A_1105, %broadcast_in_dim3A_1135 : vector<16xi32>
    %gather3A_1137 = tpu.vector_load_idx %arg5[%add3A_1136] : memref<2560xi32, #tpu.memory_space<vmem>>[vector<16xi32>], vector<16xi32>,
    %broadcast_in_dim3A_1138 = arith.constant 64 : i32
    %broadcast_in_dim3A_1139 = vector.broadcast %broadcast_in_dim3A_1138 : i32 to vector<16xi32>
    %add3A_1140 = arith.addi %iota3A_1102, %broadcast_in_dim3A_1139 : vector<16xi32>
    tpu.vector_store_idx %arg6[%gather3A_1137, %add3A_1140], %broadcast_in_dim3A_1101 : memref<1000x128xf32, #tpu.memory_space<vmem>>[vector<16xi32>, vector<16xi32>], vector<16xf32>,
    %broadcast_in_dim3A_1141 = arith.constant 1607 : i32
    %broadcast_in_dim3A_1142 = vector.broadcast %broadcast_in_dim3A_1141 : i32 to vector<16xi32>
    %add3A_1143 = arith.addi %mul3A_1105, %broadcast_in_dim3A_1142 : vector<16xi32>
    %gather3A_1144 = tpu.vector_load_idx %arg5[%add3A_1143] : memref<2560xi32, #tpu.memory_space<vmem>>[vector<16xi32>], vector<16xi32>,
    %broadcast_in_dim3A_1145 = arith.constant 80 : i32
    %broadcast_in_dim3A_1146 = vector.broadcast %broadcast_in_dim3A_1145 : i32 to vector<16xi32>
    %add3A_1147 = arith.addi %iota3A_1102, %broadcast_in_dim3A_1146 : vector<16xi32>
    tpu.vector_store_idx %arg6[%gather3A_1144, %add3A_1147], %broadcast_in_dim3A_1101 : memref<1000x128xf32, #tpu.memory_space<vmem>>[vector<16xi32>, vector<16xi32>], vector<16xf32>,
    %broadcast_in_dim3A_1148 = arith.constant 1927 : i32
    %broadcast_in_dim3A_1149 = vector.broadcast %broadcast_in_dim3A_1148 : i32 to vector<16xi32>
    %add3A_1150 = arith.addi %mul3A_1105, %broadcast_in_dim3A_1149 : vector<16xi32>
    %gather3A_1151 = tpu.vector_load_idx %arg5[%add3A_1150] : memref<2560xi32, #tpu.memory_space<vmem>>[vector<16xi32>], vector<16xi32>,
    %broadcast_in_dim3A_1152 = arith.constant 96 : i32
    %broadcast_in_dim3A_1153 = vector.broadcast %broadcast_in_dim3A_1152 : i32 to vector<16xi32>
    %add3A_1154 = arith.addi %iota3A_1102, %broadcast_in_dim3A_1153 : vector<16xi32>
    tpu.vector_store_idx %arg6[%gather3A_1151, %add3A_1154], %broadcast_in_dim3A_1101 : memref<1000x128xf32, #tpu.memory_space<vmem>>[vector<16xi32>, vector<16xi32>], vector<16xf32>,
    %broadcast_in_dim3A_1155 = arith.constant 2247 : i32
    %broadcast_in_dim3A_1156 = vector.broadcast %broadcast_in_dim3A_1155 : i32 to vector<16xi32>
    %add3A_1157 = arith.addi %mul3A_1105, %broadcast_in_dim3A_1156 : vector<16xi32>
    %gather3A_1158 = tpu.vector_load_idx %arg5[%add3A_1157] : memref<2560xi32, #tpu.memory_space<vmem>>[vector<16xi32>], vector<16xi32>,
    %broadcast_in_dim3A_1159 = arith.constant 112 : i32
    %broadcast_in_dim3A_1160 = vector.broadcast %broadcast_in_dim3A_1159 : i32 to vector<16xi32>
    %add3A_1161 = arith.addi %iota3A_1102, %broadcast_in_dim3A_1160 : vector<16xi32>
    tpu.vector_store_idx %arg6[%gather3A_1158, %add3A_1161], %broadcast_in_dim3A_1101 : memref<1000x128xf32, #tpu.memory_space<vmem>>[vector<16xi32>, vector<16xi32>], vector<16xf32>,
    %broadcast_in_dim3A_1162 = arith.constant 1.000000e+00 : f32
    %broadcast_in_dim3A_1163 = vector.broadcast %broadcast_in_dim3A_1162 : f32 to vector<16xf32>
    %iota3A_1164 = tpu.iota {dimensions = array<i32: 0>} : vector<16xi32>
    %broadcast_in_dim3A_1165 = arith.constant 20 : i32
    %broadcast_in_dim3A_1166 = vector.broadcast %broadcast_in_dim3A_1165 : i32 to vector<16xi32>
    %mul3A_1167 = arith.muli %iota3A_1164, %broadcast_in_dim3A_1166 : vector<16xi32>
    %broadcast_in_dim3A_1168 = arith.constant 8 : i32
    %broadcast_in_dim3A_1169 = vector.broadcast %broadcast_in_dim3A_1168 : i32 to vector<16xi32>
    %add3A_1170 = arith.addi %mul3A_1167, %broadcast_in_dim3A_1169 : vector<16xi32>
    %gather3A_1171 = tpu.vector_load_idx %arg5[%add3A_1170] : memref<2560xi32, #tpu.memory_space<vmem>>[vector<16xi32>], vector<16xi32>,
    %broadcast_in_dim3A_1172 = arith.constant 0 : i32
    %broadcast_in_dim3A_1173 = vector.broadcast %broadcast_in_dim3A_1172 : i32 to vector<16xi32>
    %add3A_1174 = arith.addi %iota3A_1164, %broadcast_in_dim3A_1173 : vector<16xi32>
    tpu.vector_store_idx %arg6[%gather3A_1171, %add3A_1174], %broadcast_in_dim3A_1163 : memref<1000x128xf32, #tpu.memory_space<vmem>>[vector<16xi32>, vector<16xi32>], vector<16xf32>,
    %broadcast_in_dim3A_1175 = arith.constant 328 : i32
    %broadcast_in_dim3A_1176 = vector.broadcast %broadcast_in_dim3A_1175 : i32 to vector<16xi32>
    %add3A_1177 = arith.addi %mul3A_1167, %broadcast_in_dim3A_1176 : vector<16xi32>
    %gather3A_1178 = tpu.vector_load_idx %arg5[%add3A_1177] : memref<2560xi32, #tpu.memory_space<vmem>>[vector<16xi32>], vector<16xi32>,
    %broadcast_in_dim3A_1179 = arith.constant 16 : i32
    %broadcast_in_dim3A_1180 = vector.broadcast %broadcast_in_dim3A_1179 : i32 to vector<16xi32>
    %add3A_1181 = arith.addi %iota3A_1164, %broadcast_in_dim3A_1180 : vector<16xi32>
    tpu.vector_store_idx %arg6[%gather3A_1178, %add3A_1181], %broadcast_in_dim3A_1163 : memref<1000x128xf32, #tpu.memory_space<vmem>>[vector<16xi32>, vector<16xi32>], vector<16xf32>,
    %broadcast_in_dim3A_1182 = arith.constant 648 : i32
    %broadcast_in_dim3A_1183 = vector.broadcast %broadcast_in_dim3A_1182 : i32 to vector<16xi32>
    %add3A_1184 = arith.addi %mul3A_1167, %broadcast_in_dim3A_1183 : vector<16xi32>
    %gather3A_1185 = tpu.vector_load_idx %arg5[%add3A_1184] : memref<2560xi32, #tpu.memory_space<vmem>>[vector<16xi32>], vector<16xi32>,
    %broadcast_in_dim3A_1186 = arith.constant 32 : i32
    %broadcast_in_dim3A_1187 = vector.broadcast %broadcast_in_dim3A_1186 : i32 to vector<16xi32>
    %add3A_1188 = arith.addi %iota3A_1164, %broadcast_in_dim3A_1187 : vector<16xi32>
    tpu.vector_store_idx %arg6[%gather3A_1185, %add3A_1188], %broadcast_in_dim3A_1163 : memref<1000x128xf32, #tpu.memory_space<vmem>>[vector<16xi32>, vector<16xi32>], vector<16xf32>,
    %broadcast_in_dim3A_1189 = arith.constant 968 : i32
    %broadcast_in_dim3A_1190 = vector.broadcast %broadcast_in_dim3A_1189 : i32 to vector<16xi32>
    %add3A_1191 = arith.addi %mul3A_1167, %broadcast_in_dim3A_1190 : vector<16xi32>
    %gather3A_1192 = tpu.vector_load_idx %arg5[%add3A_1191] : memref<2560xi32, #tpu.memory_space<vmem>>[vector<16xi32>], vector<16xi32>,
    %broadcast_in_dim3A_1193 = arith.constant 48 : i32
    %broadcast_in_dim3A_1194 = vector.broadcast %broadcast_in_dim3A_1193 : i32 to vector<16xi32>
    %add3A_1195 = arith.addi %iota3A_1164, %broadcast_in_dim3A_1194 : vector<16xi32>
    tpu.vector_store_idx %arg6[%gather3A_1192, %add3A_1195], %broadcast_in_dim3A_1163 : memref<1000x128xf32, #tpu.memory_space<vmem>>[vector<16xi32>, vector<16xi32>], vector<16xf32>,
    %broadcast_in_dim3A_1196 = arith.constant 1288 : i32
    %broadcast_in_dim3A_1197 = vector.broadcast %broadcast_in_dim3A_1196 : i32 to vector<16xi32>
    %add3A_1198 = arith.addi %mul3A_1167, %broadcast_in_dim3A_1197 : vector<16xi32>
    %gather3A_1199 = tpu.vector_load_idx %arg5[%add3A_1198] : memref<2560xi32, #tpu.memory_space<vmem>>[vector<16xi32>], vector<16xi32>,
    %broadcast_in_dim3A_1200 = arith.constant 64 : i32
    %broadcast_in_dim3A_1201 = vector.broadcast %broadcast_in_dim3A_1200 : i32 to vector<16xi32>
    %add3A_1202 = arith.addi %iota3A_1164, %broadcast_in_dim3A_1201 : vector<16xi32>
    tpu.vector_store_idx %arg6[%gather3A_1199, %add3A_1202], %broadcast_in_dim3A_1163 : memref<1000x128xf32, #tpu.memory_space<vmem>>[vector<16xi32>, vector<16xi32>], vector<16xf32>,
    %broadcast_in_dim3A_1203 = arith.constant 1608 : i32
    %broadcast_in_dim3A_1204 = vector.broadcast %broadcast_in_dim3A_1203 : i32 to vector<16xi32>
    %add3A_1205 = arith.addi %mul3A_1167, %broadcast_in_dim3A_1204 : vector<16xi32>
    %gather3A_1206 = tpu.vector_load_idx %arg5[%add3A_1205] : memref<2560xi32, #tpu.memory_space<vmem>>[vector<16xi32>], vector<16xi32>,
    %broadcast_in_dim3A_1207 = arith.constant 80 : i32
    %broadcast_in_dim3A_1208 = vector.broadcast %broadcast_in_dim3A_1207 : i32 to vector<16xi32>
    %add3A_1209 = arith.addi %iota3A_1164, %broadcast_in_dim3A_1208 : vector<16xi32>
    tpu.vector_store_idx %arg6[%gather3A_1206, %add3A_1209], %broadcast_in_dim3A_1163 : memref<1000x128xf32, #tpu.memory_space<vmem>>[vector<16xi32>, vector<16xi32>], vector<16xf32>,
    %broadcast_in_dim3A_1210 = arith.constant 1928 : i32
    %broadcast_in_dim3A_1211 = vector.broadcast %broadcast_in_dim3A_1210 : i32 to vector<16xi32>
    %add3A_1212 = arith.addi %mul3A_1167, %broadcast_in_dim3A_1211 : vector<16xi32>
    %gather3A_1213 = tpu.vector_load_idx %arg5[%add3A_1212] : memref<2560xi32, #tpu.memory_space<vmem>>[vector<16xi32>], vector<16xi32>,
    %broadcast_in_dim3A_1214 = arith.constant 96 : i32
    %broadcast_in_dim3A_1215 = vector.broadcast %broadcast_in_dim3A_1214 : i32 to vector<16xi32>
    %add3A_1216 = arith.addi %iota3A_1164, %broadcast_in_dim3A_1215 : vector<16xi32>
    tpu.vector_store_idx %arg6[%gather3A_1213, %add3A_1216], %broadcast_in_dim3A_1163 : memref<1000x128xf32, #tpu.memory_space<vmem>>[vector<16xi32>, vector<16xi32>], vector<16xf32>,
    %broadcast_in_dim3A_1217 = arith.constant 2248 : i32
    %broadcast_in_dim3A_1218 = vector.broadcast %broadcast_in_dim3A_1217 : i32 to vector<16xi32>
    %add3A_1219 = arith.addi %mul3A_1167, %broadcast_in_dim3A_1218 : vector<16xi32>
    %gather3A_1220 = tpu.vector_load_idx %arg5[%add3A_1219] : memref<2560xi32, #tpu.memory_space<vmem>>[vector<16xi32>], vector<16xi32>,
    %broadcast_in_dim3A_1221 = arith.constant 112 : i32
    %broadcast_in_dim3A_1222 = vector.broadcast %broadcast_in_dim3A_1221 : i32 to vector<16xi32>
    %add3A_1223 = arith.addi %iota3A_1164, %broadcast_in_dim3A_1222 : vector<16xi32>
    tpu.vector_store_idx %arg6[%gather3A_1220, %add3A_1223], %broadcast_in_dim3A_1163 : memref<1000x128xf32, #tpu.memory_space<vmem>>[vector<16xi32>, vector<16xi32>], vector<16xf32>,
    %dma_start3A_1224 = arith.constant 8 : i32
    %dma_start3A_1225 = arith.constant 0 : i32
    %dma_start3A_1226 = arith.constant 0 : i32
    %dma_start3A_1227 = tpu.memref_slice %arg4[%dma_start3A_1224, %dma_start3A_1226, %mul3A_2] : memref<20x1000x4096xf32, #tpu.memory_space<hbm>> -> memref<1x1000x128xf32, #tpu.memory_space<hbm>>
    %dma_start3A_1228 = tpu.memref_squeeze %dma_start3A_1227 : memref<1x1000x128xf32, #tpu.memory_space<hbm>> -> memref<1000x128xf32, #tpu.memory_space<hbm>>
    %dma_start3A_1229 = tpu.memref_slice %arg7[%dma_start3A_1225] : memref<2x!tpu.dma_semaphore, #tpu.memory_space<semaphore_mem>> -> memref<1x!tpu.dma_semaphore, #tpu.memory_space<semaphore_mem>>
    %dma_start3A_1230 = tpu.memref_squeeze %dma_start3A_1229 : memref<1x!tpu.dma_semaphore, #tpu.memory_space<semaphore_mem>> -> memref<!tpu.dma_semaphore, #tpu.memory_space<semaphore_mem>>
    %dma_start3A_1231 = arith.constant 0 : i32
    %dma_start3A_1232 = tpu.memref_slice %arg4[%dma_start3A_1224, %dma_start3A_1231, %mul3A_2] : memref<20x1000x4096xf32, #tpu.memory_space<hbm>> -> memref<1x1000x128xf32, #tpu.memory_space<hbm>>
    %dma_start3A_1233 = tpu.memref_squeeze %dma_start3A_1232 : memref<1x1000x128xf32, #tpu.memory_space<hbm>> -> memref<1000x128xf32, #tpu.memory_space<hbm>>
    tpu.enqueue_dma source(%arg6 : memref<1000x128xf32, #tpu.memory_space<vmem>>) target(%dma_start3A_1233 : memref<1000x128xf32, #tpu.memory_space<hbm>>) target_semaphore(%dma_start3A_1230 : memref<!tpu.dma_semaphore, #tpu.memory_space<semaphore_mem>>)
    %dma_wait3A_1234 = arith.constant 8 : i32
    %dma_wait3A_1235 = arith.constant 0 : i32
    %dma_wait3A_1236 = arith.constant 0 : i32
    %dma_wait3A_1237 = tpu.memref_slice %arg4[%dma_wait3A_1234, %dma_wait3A_1236, %mul3A_2] : memref<20x1000x4096xf32, #tpu.memory_space<hbm>> -> memref<1x1000x128xf32, #tpu.memory_space<hbm>>
    %dma_wait3A_1238 = tpu.memref_squeeze %dma_wait3A_1237 : memref<1x1000x128xf32, #tpu.memory_space<hbm>> -> memref<1000x128xf32, #tpu.memory_space<hbm>>
    %dma_wait3A_1239 = tpu.memref_slice %arg7[%dma_wait3A_1235] : memref<2x!tpu.dma_semaphore, #tpu.memory_space<semaphore_mem>> -> memref<1x!tpu.dma_semaphore, #tpu.memory_space<semaphore_mem>>
    %dma_wait3A_1240 = tpu.memref_squeeze %dma_wait3A_1239 : memref<1x!tpu.dma_semaphore, #tpu.memory_space<semaphore_mem>> -> memref<!tpu.dma_semaphore, #tpu.memory_space<semaphore_mem>>
    %dma_wait3A_1241 = arith.constant 0 : i32
    %dma_wait3A_1242 = tpu.memref_slice %arg4[%dma_wait3A_1234, %dma_wait3A_1241, %mul3A_2] : memref<20x1000x4096xf32, #tpu.memory_space<hbm>> -> memref<1x1000x128xf32, #tpu.memory_space<hbm>>
    %dma_wait3A_1243 = tpu.memref_squeeze %dma_wait3A_1242 : memref<1x1000x128xf32, #tpu.memory_space<hbm>> -> memref<1000x128xf32, #tpu.memory_space<hbm>>
    tpu.wait_dma2 semaphore(%dma_wait3A_1240 : memref<!tpu.dma_semaphore, #tpu.memory_space<semaphore_mem>>) src(%arg6 : memref<1000x128xf32, #tpu.memory_space<vmem>>) dst(%dma_wait3A_1243 : memref<1000x128xf32, #tpu.memory_space<hbm>>)
    %broadcast_in_dim3A_1244 = arith.constant 0.000000e+00 : f32
    %broadcast_in_dim3A_1245 = vector.broadcast %broadcast_in_dim3A_1244 : f32 to vector<16xf32>
    %iota3A_1246 = tpu.iota {dimensions = array<i32: 0>} : vector<16xi32>
    %broadcast_in_dim3A_1247 = arith.constant 20 : i32
    %broadcast_in_dim3A_1248 = vector.broadcast %broadcast_in_dim3A_1247 : i32 to vector<16xi32>
    %mul3A_1249 = arith.muli %iota3A_1246, %broadcast_in_dim3A_1248 : vector<16xi32>
    %broadcast_in_dim3A_1250 = arith.constant 8 : i32
    %broadcast_in_dim3A_1251 = vector.broadcast %broadcast_in_dim3A_1250 : i32 to vector<16xi32>
    %add3A_1252 = arith.addi %mul3A_1249, %broadcast_in_dim3A_1251 : vector<16xi32>
    %gather3A_1253 = tpu.vector_load_idx %arg5[%add3A_1252] : memref<2560xi32, #tpu.memory_space<vmem>>[vector<16xi32>], vector<16xi32>,
    %broadcast_in_dim3A_1254 = arith.constant 0 : i32
    %broadcast_in_dim3A_1255 = vector.broadcast %broadcast_in_dim3A_1254 : i32 to vector<16xi32>
    %add3A_1256 = arith.addi %iota3A_1246, %broadcast_in_dim3A_1255 : vector<16xi32>
    tpu.vector_store_idx %arg6[%gather3A_1253, %add3A_1256], %broadcast_in_dim3A_1245 : memref<1000x128xf32, #tpu.memory_space<vmem>>[vector<16xi32>, vector<16xi32>], vector<16xf32>,
    %broadcast_in_dim3A_1257 = arith.constant 328 : i32
    %broadcast_in_dim3A_1258 = vector.broadcast %broadcast_in_dim3A_1257 : i32 to vector<16xi32>
    %add3A_1259 = arith.addi %mul3A_1249, %broadcast_in_dim3A_1258 : vector<16xi32>
    %gather3A_1260 = tpu.vector_load_idx %arg5[%add3A_1259] : memref<2560xi32, #tpu.memory_space<vmem>>[vector<16xi32>], vector<16xi32>,
    %broadcast_in_dim3A_1261 = arith.constant 16 : i32
    %broadcast_in_dim3A_1262 = vector.broadcast %broadcast_in_dim3A_1261 : i32 to vector<16xi32>
    %add3A_1263 = arith.addi %iota3A_1246, %broadcast_in_dim3A_1262 : vector<16xi32>
    tpu.vector_store_idx %arg6[%gather3A_1260, %add3A_1263], %broadcast_in_dim3A_1245 : memref<1000x128xf32, #tpu.memory_space<vmem>>[vector<16xi32>, vector<16xi32>], vector<16xf32>,
    %broadcast_in_dim3A_1264 = arith.constant 648 : i32
    %broadcast_in_dim3A_1265 = vector.broadcast %broadcast_in_dim3A_1264 : i32 to vector<16xi32>
    %add3A_1266 = arith.addi %mul3A_1249, %broadcast_in_dim3A_1265 : vector<16xi32>
    %gather3A_1267 = tpu.vector_load_idx %arg5[%add3A_1266] : memref<2560xi32, #tpu.memory_space<vmem>>[vector<16xi32>], vector<16xi32>,
    %broadcast_in_dim3A_1268 = arith.constant 32 : i32
    %broadcast_in_dim3A_1269 = vector.broadcast %broadcast_in_dim3A_1268 : i32 to vector<16xi32>
    %add3A_1270 = arith.addi %iota3A_1246, %broadcast_in_dim3A_1269 : vector<16xi32>
    tpu.vector_store_idx %arg6[%gather3A_1267, %add3A_1270], %broadcast_in_dim3A_1245 : memref<1000x128xf32, #tpu.memory_space<vmem>>[vector<16xi32>, vector<16xi32>], vector<16xf32>,
    %broadcast_in_dim3A_1271 = arith.constant 968 : i32
    %broadcast_in_dim3A_1272 = vector.broadcast %broadcast_in_dim3A_1271 : i32 to vector<16xi32>
    %add3A_1273 = arith.addi %mul3A_1249, %broadcast_in_dim3A_1272 : vector<16xi32>
    %gather3A_1274 = tpu.vector_load_idx %arg5[%add3A_1273] : memref<2560xi32, #tpu.memory_space<vmem>>[vector<16xi32>], vector<16xi32>,
    %broadcast_in_dim3A_1275 = arith.constant 48 : i32
    %broadcast_in_dim3A_1276 = vector.broadcast %broadcast_in_dim3A_1275 : i32 to vector<16xi32>
    %add3A_1277 = arith.addi %iota3A_1246, %broadcast_in_dim3A_1276 : vector<16xi32>
    tpu.vector_store_idx %arg6[%gather3A_1274, %add3A_1277], %broadcast_in_dim3A_1245 : memref<1000x128xf32, #tpu.memory_space<vmem>>[vector<16xi32>, vector<16xi32>], vector<16xf32>,
    %broadcast_in_dim3A_1278 = arith.constant 1288 : i32
    %broadcast_in_dim3A_1279 = vector.broadcast %broadcast_in_dim3A_1278 : i32 to vector<16xi32>
    %add3A_1280 = arith.addi %mul3A_1249, %broadcast_in_dim3A_1279 : vector<16xi32>
    %gather3A_1281 = tpu.vector_load_idx %arg5[%add3A_1280] : memref<2560xi32, #tpu.memory_space<vmem>>[vector<16xi32>], vector<16xi32>,
    %broadcast_in_dim3A_1282 = arith.constant 64 : i32
    %broadcast_in_dim3A_1283 = vector.broadcast %broadcast_in_dim3A_1282 : i32 to vector<16xi32>
    %add3A_1284 = arith.addi %iota3A_1246, %broadcast_in_dim3A_1283 : vector<16xi32>
    tpu.vector_store_idx %arg6[%gather3A_1281, %add3A_1284], %broadcast_in_dim3A_1245 : memref<1000x128xf32, #tpu.memory_space<vmem>>[vector<16xi32>, vector<16xi32>], vector<16xf32>,
    %broadcast_in_dim3A_1285 = arith.constant 1608 : i32
    %broadcast_in_dim3A_1286 = vector.broadcast %broadcast_in_dim3A_1285 : i32 to vector<16xi32>
    %add3A_1287 = arith.addi %mul3A_1249, %broadcast_in_dim3A_1286 : vector<16xi32>
    %gather3A_1288 = tpu.vector_load_idx %arg5[%add3A_1287] : memref<2560xi32, #tpu.memory_space<vmem>>[vector<16xi32>], vector<16xi32>,
    %broadcast_in_dim3A_1289 = arith.constant 80 : i32
    %broadcast_in_dim3A_1290 = vector.broadcast %broadcast_in_dim3A_1289 : i32 to vector<16xi32>
    %add3A_1291 = arith.addi %iota3A_1246, %broadcast_in_dim3A_1290 : vector<16xi32>
    tpu.vector_store_idx %arg6[%gather3A_1288, %add3A_1291], %broadcast_in_dim3A_1245 : memref<1000x128xf32, #tpu.memory_space<vmem>>[vector<16xi32>, vector<16xi32>], vector<16xf32>,
    %broadcast_in_dim3A_1292 = arith.constant 1928 : i32
    %broadcast_in_dim3A_1293 = vector.broadcast %broadcast_in_dim3A_1292 : i32 to vector<16xi32>
    %add3A_1294 = arith.addi %mul3A_1249, %broadcast_in_dim3A_1293 : vector<16xi32>
    %gather3A_1295 = tpu.vector_load_idx %arg5[%add3A_1294] : memref<2560xi32, #tpu.memory_space<vmem>>[vector<16xi32>], vector<16xi32>,
    %broadcast_in_dim3A_1296 = arith.constant 96 : i32
    %broadcast_in_dim3A_1297 = vector.broadcast %broadcast_in_dim3A_1296 : i32 to vector<16xi32>
    %add3A_1298 = arith.addi %iota3A_1246, %broadcast_in_dim3A_1297 : vector<16xi32>
    tpu.vector_store_idx %arg6[%gather3A_1295, %add3A_1298], %broadcast_in_dim3A_1245 : memref<1000x128xf32, #tpu.memory_space<vmem>>[vector<16xi32>, vector<16xi32>], vector<16xf32>,
    %broadcast_in_dim3A_1299 = arith.constant 2248 : i32
    %broadcast_in_dim3A_1300 = vector.broadcast %broadcast_in_dim3A_1299 : i32 to vector<16xi32>
    %add3A_1301 = arith.addi %mul3A_1249, %broadcast_in_dim3A_1300 : vector<16xi32>
    %gather3A_1302 = tpu.vector_load_idx %arg5[%add3A_1301] : memref<2560xi32, #tpu.memory_space<vmem>>[vector<16xi32>], vector<16xi32>,
    %broadcast_in_dim3A_1303 = arith.constant 112 : i32
    %broadcast_in_dim3A_1304 = vector.broadcast %broadcast_in_dim3A_1303 : i32 to vector<16xi32>
    %add3A_1305 = arith.addi %iota3A_1246, %broadcast_in_dim3A_1304 : vector<16xi32>
    tpu.vector_store_idx %arg6[%gather3A_1302, %add3A_1305], %broadcast_in_dim3A_1245 : memref<1000x128xf32, #tpu.memory_space<vmem>>[vector<16xi32>, vector<16xi32>], vector<16xf32>,
    %broadcast_in_dim3A_1306 = arith.constant 1.000000e+00 : f32
    %broadcast_in_dim3A_1307 = vector.broadcast %broadcast_in_dim3A_1306 : f32 to vector<16xf32>
    %iota3A_1308 = tpu.iota {dimensions = array<i32: 0>} : vector<16xi32>
    %broadcast_in_dim3A_1309 = arith.constant 20 : i32
    %broadcast_in_dim3A_1310 = vector.broadcast %broadcast_in_dim3A_1309 : i32 to vector<16xi32>
    %mul3A_1311 = arith.muli %iota3A_1308, %broadcast_in_dim3A_1310 : vector<16xi32>
    %broadcast_in_dim3A_1312 = arith.constant 9 : i32
    %broadcast_in_dim3A_1313 = vector.broadcast %broadcast_in_dim3A_1312 : i32 to vector<16xi32>
    %add3A_1314 = arith.addi %mul3A_1311, %broadcast_in_dim3A_1313 : vector<16xi32>
    %gather3A_1315 = tpu.vector_load_idx %arg5[%add3A_1314] : memref<2560xi32, #tpu.memory_space<vmem>>[vector<16xi32>], vector<16xi32>,
    %broadcast_in_dim3A_1316 = arith.constant 0 : i32
    %broadcast_in_dim3A_1317 = vector.broadcast %broadcast_in_dim3A_1316 : i32 to vector<16xi32>
    %add3A_1318 = arith.addi %iota3A_1308, %broadcast_in_dim3A_1317 : vector<16xi32>
    tpu.vector_store_idx %arg6[%gather3A_1315, %add3A_1318], %broadcast_in_dim3A_1307 : memref<1000x128xf32, #tpu.memory_space<vmem>>[vector<16xi32>, vector<16xi32>], vector<16xf32>,
    %broadcast_in_dim3A_1319 = arith.constant 329 : i32
    %broadcast_in_dim3A_1320 = vector.broadcast %broadcast_in_dim3A_1319 : i32 to vector<16xi32>
    %add3A_1321 = arith.addi %mul3A_1311, %broadcast_in_dim3A_1320 : vector<16xi32>
    %gather3A_1322 = tpu.vector_load_idx %arg5[%add3A_1321] : memref<2560xi32, #tpu.memory_space<vmem>>[vector<16xi32>], vector<16xi32>,
    %broadcast_in_dim3A_1323 = arith.constant 16 : i32
    %broadcast_in_dim3A_1324 = vector.broadcast %broadcast_in_dim3A_1323 : i32 to vector<16xi32>
    %add3A_1325 = arith.addi %iota3A_1308, %broadcast_in_dim3A_1324 : vector<16xi32>
    tpu.vector_store_idx %arg6[%gather3A_1322, %add3A_1325], %broadcast_in_dim3A_1307 : memref<1000x128xf32, #tpu.memory_space<vmem>>[vector<16xi32>, vector<16xi32>], vector<16xf32>,
    %broadcast_in_dim3A_1326 = arith.constant 649 : i32
    %broadcast_in_dim3A_1327 = vector.broadcast %broadcast_in_dim3A_1326 : i32 to vector<16xi32>
    %add3A_1328 = arith.addi %mul3A_1311, %broadcast_in_dim3A_1327 : vector<16xi32>
    %gather3A_1329 = tpu.vector_load_idx %arg5[%add3A_1328] : memref<2560xi32, #tpu.memory_space<vmem>>[vector<16xi32>], vector<16xi32>,
    %broadcast_in_dim3A_1330 = arith.constant 32 : i32
    %broadcast_in_dim3A_1331 = vector.broadcast %broadcast_in_dim3A_1330 : i32 to vector<16xi32>
    %add3A_1332 = arith.addi %iota3A_1308, %broadcast_in_dim3A_1331 : vector<16xi32>
    tpu.vector_store_idx %arg6[%gather3A_1329, %add3A_1332], %broadcast_in_dim3A_1307 : memref<1000x128xf32, #tpu.memory_space<vmem>>[vector<16xi32>, vector<16xi32>], vector<16xf32>,
    %broadcast_in_dim3A_1333 = arith.constant 969 : i32
    %broadcast_in_dim3A_1334 = vector.broadcast %broadcast_in_dim3A_1333 : i32 to vector<16xi32>
    %add3A_1335 = arith.addi %mul3A_1311, %broadcast_in_dim3A_1334 : vector<16xi32>
    %gather3A_1336 = tpu.vector_load_idx %arg5[%add3A_1335] : memref<2560xi32, #tpu.memory_space<vmem>>[vector<16xi32>], vector<16xi32>,
    %broadcast_in_dim3A_1337 = arith.constant 48 : i32
    %broadcast_in_dim3A_1338 = vector.broadcast %broadcast_in_dim3A_1337 : i32 to vector<16xi32>
    %add3A_1339 = arith.addi %iota3A_1308, %broadcast_in_dim3A_1338 : vector<16xi32>
    tpu.vector_store_idx %arg6[%gather3A_1336, %add3A_1339], %broadcast_in_dim3A_1307 : memref<1000x128xf32, #tpu.memory_space<vmem>>[vector<16xi32>, vector<16xi32>], vector<16xf32>,
    %broadcast_in_dim3A_1340 = arith.constant 1289 : i32
    %broadcast_in_dim3A_1341 = vector.broadcast %broadcast_in_dim3A_1340 : i32 to vector<16xi32>
    %add3A_1342 = arith.addi %mul3A_1311, %broadcast_in_dim3A_1341 : vector<16xi32>
    %gather3A_1343 = tpu.vector_load_idx %arg5[%add3A_1342] : memref<2560xi32, #tpu.memory_space<vmem>>[vector<16xi32>], vector<16xi32>,
    %broadcast_in_dim3A_1344 = arith.constant 64 : i32
    %broadcast_in_dim3A_1345 = vector.broadcast %broadcast_in_dim3A_1344 : i32 to vector<16xi32>
    %add3A_1346 = arith.addi %iota3A_1308, %broadcast_in_dim3A_1345 : vector<16xi32>
    tpu.vector_store_idx %arg6[%gather3A_1343, %add3A_1346], %broadcast_in_dim3A_1307 : memref<1000x128xf32, #tpu.memory_space<vmem>>[vector<16xi32>, vector<16xi32>], vector<16xf32>,
    %broadcast_in_dim3A_1347 = arith.constant 1609 : i32
    %broadcast_in_dim3A_1348 = vector.broadcast %broadcast_in_dim3A_1347 : i32 to vector<16xi32>
    %add3A_1349 = arith.addi %mul3A_1311, %broadcast_in_dim3A_1348 : vector<16xi32>
    %gather3A_1350 = tpu.vector_load_idx %arg5[%add3A_1349] : memref<2560xi32, #tpu.memory_space<vmem>>[vector<16xi32>], vector<16xi32>,
    %broadcast_in_dim3A_1351 = arith.constant 80 : i32
    %broadcast_in_dim3A_1352 = vector.broadcast %broadcast_in_dim3A_1351 : i32 to vector<16xi32>
    %add3A_1353 = arith.addi %iota3A_1308, %broadcast_in_dim3A_1352 : vector<16xi32>
    tpu.vector_store_idx %arg6[%gather3A_1350, %add3A_1353], %broadcast_in_dim3A_1307 : memref<1000x128xf32, #tpu.memory_space<vmem>>[vector<16xi32>, vector<16xi32>], vector<16xf32>,
    %broadcast_in_dim3A_1354 = arith.constant 1929 : i32
    %broadcast_in_dim3A_1355 = vector.broadcast %broadcast_in_dim3A_1354 : i32 to vector<16xi32>
    %add3A_1356 = arith.addi %mul3A_1311, %broadcast_in_dim3A_1355 : vector<16xi32>
    %gather3A_1357 = tpu.vector_load_idx %arg5[%add3A_1356] : memref<2560xi32, #tpu.memory_space<vmem>>[vector<16xi32>], vector<16xi32>,
    %broadcast_in_dim3A_1358 = arith.constant 96 : i32
    %broadcast_in_dim3A_1359 = vector.broadcast %broadcast_in_dim3A_1358 : i32 to vector<16xi32>
    %add3A_1360 = arith.addi %iota3A_1308, %broadcast_in_dim3A_1359 : vector<16xi32>
    tpu.vector_store_idx %arg6[%gather3A_1357, %add3A_1360], %broadcast_in_dim3A_1307 : memref<1000x128xf32, #tpu.memory_space<vmem>>[vector<16xi32>, vector<16xi32>], vector<16xf32>,
    %broadcast_in_dim3A_1361 = arith.constant 2249 : i32
    %broadcast_in_dim3A_1362 = vector.broadcast %broadcast_in_dim3A_1361 : i32 to vector<16xi32>
    %add3A_1363 = arith.addi %mul3A_1311, %broadcast_in_dim3A_1362 : vector<16xi32>
    %gather3A_1364 = tpu.vector_load_idx %arg5[%add3A_1363] : memref<2560xi32, #tpu.memory_space<vmem>>[vector<16xi32>], vector<16xi32>,
    %broadcast_in_dim3A_1365 = arith.constant 112 : i32
    %broadcast_in_dim3A_1366 = vector.broadcast %broadcast_in_dim3A_1365 : i32 to vector<16xi32>
    %add3A_1367 = arith.addi %iota3A_1308, %broadcast_in_dim3A_1366 : vector<16xi32>
    tpu.vector_store_idx %arg6[%gather3A_1364, %add3A_1367], %broadcast_in_dim3A_1307 : memref<1000x128xf32, #tpu.memory_space<vmem>>[vector<16xi32>, vector<16xi32>], vector<16xf32>,
    %dma_start3A_1368 = arith.constant 9 : i32
    %dma_start3A_1369 = arith.constant 0 : i32
    %dma_start3A_1370 = arith.constant 0 : i32
    %dma_start3A_1371 = tpu.memref_slice %arg4[%dma_start3A_1368, %dma_start3A_1370, %mul3A_2] : memref<20x1000x4096xf32, #tpu.memory_space<hbm>> -> memref<1x1000x128xf32, #tpu.memory_space<hbm>>
    %dma_start3A_1372 = tpu.memref_squeeze %dma_start3A_1371 : memref<1x1000x128xf32, #tpu.memory_space<hbm>> -> memref<1000x128xf32, #tpu.memory_space<hbm>>
    %dma_start3A_1373 = tpu.memref_slice %arg7[%dma_start3A_1369] : memref<2x!tpu.dma_semaphore, #tpu.memory_space<semaphore_mem>> -> memref<1x!tpu.dma_semaphore, #tpu.memory_space<semaphore_mem>>
    %dma_start3A_1374 = tpu.memref_squeeze %dma_start3A_1373 : memref<1x!tpu.dma_semaphore, #tpu.memory_space<semaphore_mem>> -> memref<!tpu.dma_semaphore, #tpu.memory_space<semaphore_mem>>
    %dma_start3A_1375 = arith.constant 0 : i32
    %dma_start3A_1376 = tpu.memref_slice %arg4[%dma_start3A_1368, %dma_start3A_1375, %mul3A_2] : memref<20x1000x4096xf32, #tpu.memory_space<hbm>> -> memref<1x1000x128xf32, #tpu.memory_space<hbm>>
    %dma_start3A_1377 = tpu.memref_squeeze %dma_start3A_1376 : memref<1x1000x128xf32, #tpu.memory_space<hbm>> -> memref<1000x128xf32, #tpu.memory_space<hbm>>
    tpu.enqueue_dma source(%arg6 : memref<1000x128xf32, #tpu.memory_space<vmem>>) target(%dma_start3A_1377 : memref<1000x128xf32, #tpu.memory_space<hbm>>) target_semaphore(%dma_start3A_1374 : memref<!tpu.dma_semaphore, #tpu.memory_space<semaphore_mem>>)
    %dma_wait3A_1378 = arith.constant 9 : i32
    %dma_wait3A_1379 = arith.constant 0 : i32
    %dma_wait3A_1380 = arith.constant 0 : i32
    %dma_wait3A_1381 = tpu.memref_slice %arg4[%dma_wait3A_1378, %dma_wait3A_1380, %mul3A_2] : memref<20x1000x4096xf32, #tpu.memory_space<hbm>> -> memref<1x1000x128xf32, #tpu.memory_space<hbm>>
    %dma_wait3A_1382 = tpu.memref_squeeze %dma_wait3A_1381 : memref<1x1000x128xf32, #tpu.memory_space<hbm>> -> memref<1000x128xf32, #tpu.memory_space<hbm>>
    %dma_wait3A_1383 = tpu.memref_slice %arg7[%dma_wait3A_1379] : memref<2x!tpu.dma_semaphore, #tpu.memory_space<semaphore_mem>> -> memref<1x!tpu.dma_semaphore, #tpu.memory_space<semaphore_mem>>
    %dma_wait3A_1384 = tpu.memref_squeeze %dma_wait3A_1383 : memref<1x!tpu.dma_semaphore, #tpu.memory_space<semaphore_mem>> -> memref<!tpu.dma_semaphore, #tpu.memory_space<semaphore_mem>>
    %dma_wait3A_1385 = arith.constant 0 : i32
    %dma_wait3A_1386 = tpu.memref_slice %arg4[%dma_wait3A_1378, %dma_wait3A_1385, %mul3A_2] : memref<20x1000x4096xf32, #tpu.memory_space<hbm>> -> memref<1x1000x128xf32, #tpu.memory_space<hbm>>
    %dma_wait3A_1387 = tpu.memref_squeeze %dma_wait3A_1386 : memref<1x1000x128xf32, #tpu.memory_space<hbm>> -> memref<1000x128xf32, #tpu.memory_space<hbm>>
    tpu.wait_dma2 semaphore(%dma_wait3A_1384 : memref<!tpu.dma_semaphore, #tpu.memory_space<semaphore_mem>>) src(%arg6 : memref<1000x128xf32, #tpu.memory_space<vmem>>) dst(%dma_wait3A_1387 : memref<1000x128xf32, #tpu.memory_space<hbm>>)
    %broadcast_in_dim3A_1388 = arith.constant 0.000000e+00 : f32
    %broadcast_in_dim3A_1389 = vector.broadcast %broadcast_in_dim3A_1388 : f32 to vector<16xf32>
    %iota3A_1390 = tpu.iota {dimensions = array<i32: 0>} : vector<16xi32>
    %broadcast_in_dim3A_1391 = arith.constant 20 : i32
    %broadcast_in_dim3A_1392 = vector.broadcast %broadcast_in_dim3A_1391 : i32 to vector<16xi32>
    %mul3A_1393 = arith.muli %iota3A_1390, %broadcast_in_dim3A_1392 : vector<16xi32>
    %broadcast_in_dim3A_1394 = arith.constant 9 : i32
    %broadcast_in_dim3A_1395 = vector.broadcast %broadcast_in_dim3A_1394 : i32 to vector<16xi32>
    %add3A_1396 = arith.addi %mul3A_1393, %broadcast_in_dim3A_1395 : vector<16xi32>
    %gather3A_1397 = tpu.vector_load_idx %arg5[%add3A_1396] : memref<2560xi32, #tpu.memory_space<vmem>>[vector<16xi32>], vector<16xi32>,
    %broadcast_in_dim3A_1398 = arith.constant 0 : i32
    %broadcast_in_dim3A_1399 = vector.broadcast %broadcast_in_dim3A_1398 : i32 to vector<16xi32>
    %add3A_1400 = arith.addi %iota3A_1390, %broadcast_in_dim3A_1399 : vector<16xi32>
    tpu.vector_store_idx %arg6[%gather3A_1397, %add3A_1400], %broadcast_in_dim3A_1389 : memref<1000x128xf32, #tpu.memory_space<vmem>>[vector<16xi32>, vector<16xi32>], vector<16xf32>,
    %broadcast_in_dim3A_1401 = arith.constant 329 : i32
    %broadcast_in_dim3A_1402 = vector.broadcast %broadcast_in_dim3A_1401 : i32 to vector<16xi32>
    %add3A_1403 = arith.addi %mul3A_1393, %broadcast_in_dim3A_1402 : vector<16xi32>
    %gather3A_1404 = tpu.vector_load_idx %arg5[%add3A_1403] : memref<2560xi32, #tpu.memory_space<vmem>>[vector<16xi32>], vector<16xi32>,
    %broadcast_in_dim3A_1405 = arith.constant 16 : i32
    %broadcast_in_dim3A_1406 = vector.broadcast %broadcast_in_dim3A_1405 : i32 to vector<16xi32>
    %add3A_1407 = arith.addi %iota3A_1390, %broadcast_in_dim3A_1406 : vector<16xi32>
    tpu.vector_store_idx %arg6[%gather3A_1404, %add3A_1407], %broadcast_in_dim3A_1389 : memref<1000x128xf32, #tpu.memory_space<vmem>>[vector<16xi32>, vector<16xi32>], vector<16xf32>,
    %broadcast_in_dim3A_1408 = arith.constant 649 : i32
    %broadcast_in_dim3A_1409 = vector.broadcast %broadcast_in_dim3A_1408 : i32 to vector<16xi32>
    %add3A_1410 = arith.addi %mul3A_1393, %broadcast_in_dim3A_1409 : vector<16xi32>
    %gather3A_1411 = tpu.vector_load_idx %arg5[%add3A_1410] : memref<2560xi32, #tpu.memory_space<vmem>>[vector<16xi32>], vector<16xi32>,
    %broadcast_in_dim3A_1412 = arith.constant 32 : i32
    %broadcast_in_dim3A_1413 = vector.broadcast %broadcast_in_dim3A_1412 : i32 to vector<16xi32>
    %add3A_1414 = arith.addi %iota3A_1390, %broadcast_in_dim3A_1413 : vector<16xi32>
    tpu.vector_store_idx %arg6[%gather3A_1411, %add3A_1414], %broadcast_in_dim3A_1389 : memref<1000x128xf32, #tpu.memory_space<vmem>>[vector<16xi32>, vector<16xi32>], vector<16xf32>,
    %broadcast_in_dim3A_1415 = arith.constant 969 : i32
    %broadcast_in_dim3A_1416 = vector.broadcast %broadcast_in_dim3A_1415 : i32 to vector<16xi32>
    %add3A_1417 = arith.addi %mul3A_1393, %broadcast_in_dim3A_1416 : vector<16xi32>
    %gather3A_1418 = tpu.vector_load_idx %arg5[%add3A_1417] : memref<2560xi32, #tpu.memory_space<vmem>>[vector<16xi32>], vector<16xi32>,
    %broadcast_in_dim3A_1419 = arith.constant 48 : i32
    %broadcast_in_dim3A_1420 = vector.broadcast %broadcast_in_dim3A_1419 : i32 to vector<16xi32>
    %add3A_1421 = arith.addi %iota3A_1390, %broadcast_in_dim3A_1420 : vector<16xi32>
    tpu.vector_store_idx %arg6[%gather3A_1418, %add3A_1421], %broadcast_in_dim3A_1389 : memref<1000x128xf32, #tpu.memory_space<vmem>>[vector<16xi32>, vector<16xi32>], vector<16xf32>,
    %broadcast_in_dim3A_1422 = arith.constant 1289 : i32
    %broadcast_in_dim3A_1423 = vector.broadcast %broadcast_in_dim3A_1422 : i32 to vector<16xi32>
    %add3A_1424 = arith.addi %mul3A_1393, %broadcast_in_dim3A_1423 : vector<16xi32>
    %gather3A_1425 = tpu.vector_load_idx %arg5[%add3A_1424] : memref<2560xi32, #tpu.memory_space<vmem>>[vector<16xi32>], vector<16xi32>,
    %broadcast_in_dim3A_1426 = arith.constant 64 : i32
    %broadcast_in_dim3A_1427 = vector.broadcast %broadcast_in_dim3A_1426 : i32 to vector<16xi32>
    %add3A_1428 = arith.addi %iota3A_1390, %broadcast_in_dim3A_1427 : vector<16xi32>
    tpu.vector_store_idx %arg6[%gather3A_1425, %add3A_1428], %broadcast_in_dim3A_1389 : memref<1000x128xf32, #tpu.memory_space<vmem>>[vector<16xi32>, vector<16xi32>], vector<16xf32>,
    %broadcast_in_dim3A_1429 = arith.constant 1609 : i32
    %broadcast_in_dim3A_1430 = vector.broadcast %broadcast_in_dim3A_1429 : i32 to vector<16xi32>
    %add3A_1431 = arith.addi %mul3A_1393, %broadcast_in_dim3A_1430 : vector<16xi32>
    %gather3A_1432 = tpu.vector_load_idx %arg5[%add3A_1431] : memref<2560xi32, #tpu.memory_space<vmem>>[vector<16xi32>], vector<16xi32>,
    %broadcast_in_dim3A_1433 = arith.constant 80 : i32
    %broadcast_in_dim3A_1434 = vector.broadcast %broadcast_in_dim3A_1433 : i32 to vector<16xi32>
    %add3A_1435 = arith.addi %iota3A_1390, %broadcast_in_dim3A_1434 : vector<16xi32>
    tpu.vector_store_idx %arg6[%gather3A_1432, %add3A_1435], %broadcast_in_dim3A_1389 : memref<1000x128xf32, #tpu.memory_space<vmem>>[vector<16xi32>, vector<16xi32>], vector<16xf32>,
    %broadcast_in_dim3A_1436 = arith.constant 1929 : i32
    %broadcast_in_dim3A_1437 = vector.broadcast %broadcast_in_dim3A_1436 : i32 to vector<16xi32>
    %add3A_1438 = arith.addi %mul3A_1393, %broadcast_in_dim3A_1437 : vector<16xi32>
    %gather3A_1439 = tpu.vector_load_idx %arg5[%add3A_1438] : memref<2560xi32, #tpu.memory_space<vmem>>[vector<16xi32>], vector<16xi32>,
    %broadcast_in_dim3A_1440 = arith.constant 96 : i32
    %broadcast_in_dim3A_1441 = vector.broadcast %broadcast_in_dim3A_1440 : i32 to vector<16xi32>
    %add3A_1442 = arith.addi %iota3A_1390, %broadcast_in_dim3A_1441 : vector<16xi32>
    tpu.vector_store_idx %arg6[%gather3A_1439, %add3A_1442], %broadcast_in_dim3A_1389 : memref<1000x128xf32, #tpu.memory_space<vmem>>[vector<16xi32>, vector<16xi32>], vector<16xf32>,
    %broadcast_in_dim3A_1443 = arith.constant 2249 : i32
    %broadcast_in_dim3A_1444 = vector.broadcast %broadcast_in_dim3A_1443 : i32 to vector<16xi32>
    %add3A_1445 = arith.addi %mul3A_1393, %broadcast_in_dim3A_1444 : vector<16xi32>
    %gather3A_1446 = tpu.vector_load_idx %arg5[%add3A_1445] : memref<2560xi32, #tpu.memory_space<vmem>>[vector<16xi32>], vector<16xi32>,
    %broadcast_in_dim3A_1447 = arith.constant 112 : i32
    %broadcast_in_dim3A_1448 = vector.broadcast %broadcast_in_dim3A_1447 : i32 to vector<16xi32>
    %add3A_1449 = arith.addi %iota3A_1390, %broadcast_in_dim3A_1448 : vector<16xi32>
    tpu.vector_store_idx %arg6[%gather3A_1446, %add3A_1449], %broadcast_in_dim3A_1389 : memref<1000x128xf32, #tpu.memory_space<vmem>>[vector<16xi32>, vector<16xi32>], vector<16xf32>,
    %broadcast_in_dim3A_1450 = arith.constant 1.000000e+00 : f32
    %broadcast_in_dim3A_1451 = vector.broadcast %broadcast_in_dim3A_1450 : f32 to vector<16xf32>
    %iota3A_1452 = tpu.iota {dimensions = array<i32: 0>} : vector<16xi32>
    %broadcast_in_dim3A_1453 = arith.constant 20 : i32
    %broadcast_in_dim3A_1454 = vector.broadcast %broadcast_in_dim3A_1453 : i32 to vector<16xi32>
    %mul3A_1455 = arith.muli %iota3A_1452, %broadcast_in_dim3A_1454 : vector<16xi32>
    %broadcast_in_dim3A_1456 = arith.constant 10 : i32
    %broadcast_in_dim3A_1457 = vector.broadcast %broadcast_in_dim3A_1456 : i32 to vector<16xi32>
    %add3A_1458 = arith.addi %mul3A_1455, %broadcast_in_dim3A_1457 : vector<16xi32>
    %gather3A_1459 = tpu.vector_load_idx %arg5[%add3A_1458] : memref<2560xi32, #tpu.memory_space<vmem>>[vector<16xi32>], vector<16xi32>,
    %broadcast_in_dim3A_1460 = arith.constant 0 : i32
    %broadcast_in_dim3A_1461 = vector.broadcast %broadcast_in_dim3A_1460 : i32 to vector<16xi32>
    %add3A_1462 = arith.addi %iota3A_1452, %broadcast_in_dim3A_1461 : vector<16xi32>
    tpu.vector_store_idx %arg6[%gather3A_1459, %add3A_1462], %broadcast_in_dim3A_1451 : memref<1000x128xf32, #tpu.memory_space<vmem>>[vector<16xi32>, vector<16xi32>], vector<16xf32>,
    %broadcast_in_dim3A_1463 = arith.constant 330 : i32
    %broadcast_in_dim3A_1464 = vector.broadcast %broadcast_in_dim3A_1463 : i32 to vector<16xi32>
    %add3A_1465 = arith.addi %mul3A_1455, %broadcast_in_dim3A_1464 : vector<16xi32>
    %gather3A_1466 = tpu.vector_load_idx %arg5[%add3A_1465] : memref<2560xi32, #tpu.memory_space<vmem>>[vector<16xi32>], vector<16xi32>,
    %broadcast_in_dim3A_1467 = arith.constant 16 : i32
    %broadcast_in_dim3A_1468 = vector.broadcast %broadcast_in_dim3A_1467 : i32 to vector<16xi32>
    %add3A_1469 = arith.addi %iota3A_1452, %broadcast_in_dim3A_1468 : vector<16xi32>
    tpu.vector_store_idx %arg6[%gather3A_1466, %add3A_1469], %broadcast_in_dim3A_1451 : memref<1000x128xf32, #tpu.memory_space<vmem>>[vector<16xi32>, vector<16xi32>], vector<16xf32>,
    %broadcast_in_dim3A_1470 = arith.constant 650 : i32
    %broadcast_in_dim3A_1471 = vector.broadcast %broadcast_in_dim3A_1470 : i32 to vector<16xi32>
    %add3A_1472 = arith.addi %mul3A_1455, %broadcast_in_dim3A_1471 : vector<16xi32>
    %gather3A_1473 = tpu.vector_load_idx %arg5[%add3A_1472] : memref<2560xi32, #tpu.memory_space<vmem>>[vector<16xi32>], vector<16xi32>,
    %broadcast_in_dim3A_1474 = arith.constant 32 : i32
    %broadcast_in_dim3A_1475 = vector.broadcast %broadcast_in_dim3A_1474 : i32 to vector<16xi32>
    %add3A_1476 = arith.addi %iota3A_1452, %broadcast_in_dim3A_1475 : vector<16xi32>
    tpu.vector_store_idx %arg6[%gather3A_1473, %add3A_1476], %broadcast_in_dim3A_1451 : memref<1000x128xf32, #tpu.memory_space<vmem>>[vector<16xi32>, vector<16xi32>], vector<16xf32>,
    %broadcast_in_dim3A_1477 = arith.constant 970 : i32
    %broadcast_in_dim3A_1478 = vector.broadcast %broadcast_in_dim3A_1477 : i32 to vector<16xi32>
    %add3A_1479 = arith.addi %mul3A_1455, %broadcast_in_dim3A_1478 : vector<16xi32>
    %gather3A_1480 = tpu.vector_load_idx %arg5[%add3A_1479] : memref<2560xi32, #tpu.memory_space<vmem>>[vector<16xi32>], vector<16xi32>,
    %broadcast_in_dim3A_1481 = arith.constant 48 : i32
    %broadcast_in_dim3A_1482 = vector.broadcast %broadcast_in_dim3A_1481 : i32 to vector<16xi32>
    %add3A_1483 = arith.addi %iota3A_1452, %broadcast_in_dim3A_1482 : vector<16xi32>
    tpu.vector_store_idx %arg6[%gather3A_1480, %add3A_1483], %broadcast_in_dim3A_1451 : memref<1000x128xf32, #tpu.memory_space<vmem>>[vector<16xi32>, vector<16xi32>], vector<16xf32>,
    %broadcast_in_dim3A_1484 = arith.constant 1290 : i32
    %broadcast_in_dim3A_1485 = vector.broadcast %broadcast_in_dim3A_1484 : i32 to vector<16xi32>
    %add3A_1486 = arith.addi %mul3A_1455, %broadcast_in_dim3A_1485 : vector<16xi32>
    %gather3A_1487 = tpu.vector_load_idx %arg5[%add3A_1486] : memref<2560xi32, #tpu.memory_space<vmem>>[vector<16xi32>], vector<16xi32>,
    %broadcast_in_dim3A_1488 = arith.constant 64 : i32
    %broadcast_in_dim3A_1489 = vector.broadcast %broadcast_in_dim3A_1488 : i32 to vector<16xi32>
    %add3A_1490 = arith.addi %iota3A_1452, %broadcast_in_dim3A_1489 : vector<16xi32>
    tpu.vector_store_idx %arg6[%gather3A_1487, %add3A_1490], %broadcast_in_dim3A_1451 : memref<1000x128xf32, #tpu.memory_space<vmem>>[vector<16xi32>, vector<16xi32>], vector<16xf32>,
    %broadcast_in_dim3A_1491 = arith.constant 1610 : i32
    %broadcast_in_dim3A_1492 = vector.broadcast %broadcast_in_dim3A_1491 : i32 to vector<16xi32>
    %add3A_1493 = arith.addi %mul3A_1455, %broadcast_in_dim3A_1492 : vector<16xi32>
    %gather3A_1494 = tpu.vector_load_idx %arg5[%add3A_1493] : memref<2560xi32, #tpu.memory_space<vmem>>[vector<16xi32>], vector<16xi32>,
    %broadcast_in_dim3A_1495 = arith.constant 80 : i32
    %broadcast_in_dim3A_1496 = vector.broadcast %broadcast_in_dim3A_1495 : i32 to vector<16xi32>
    %add3A_1497 = arith.addi %iota3A_1452, %broadcast_in_dim3A_1496 : vector<16xi32>
    tpu.vector_store_idx %arg6[%gather3A_1494, %add3A_1497], %broadcast_in_dim3A_1451 : memref<1000x128xf32, #tpu.memory_space<vmem>>[vector<16xi32>, vector<16xi32>], vector<16xf32>,
    %broadcast_in_dim3A_1498 = arith.constant 1930 : i32
    %broadcast_in_dim3A_1499 = vector.broadcast %broadcast_in_dim3A_1498 : i32 to vector<16xi32>
    %add3A_1500 = arith.addi %mul3A_1455, %broadcast_in_dim3A_1499 : vector<16xi32>
    %gather3A_1501 = tpu.vector_load_idx %arg5[%add3A_1500] : memref<2560xi32, #tpu.memory_space<vmem>>[vector<16xi32>], vector<16xi32>,
    %broadcast_in_dim3A_1502 = arith.constant 96 : i32
    %broadcast_in_dim3A_1503 = vector.broadcast %broadcast_in_dim3A_1502 : i32 to vector<16xi32>
    %add3A_1504 = arith.addi %iota3A_1452, %broadcast_in_dim3A_1503 : vector<16xi32>
    tpu.vector_store_idx %arg6[%gather3A_1501, %add3A_1504], %broadcast_in_dim3A_1451 : memref<1000x128xf32, #tpu.memory_space<vmem>>[vector<16xi32>, vector<16xi32>], vector<16xf32>,
    %broadcast_in_dim3A_1505 = arith.constant 2250 : i32
    %broadcast_in_dim3A_1506 = vector.broadcast %broadcast_in_dim3A_1505 : i32 to vector<16xi32>
    %add3A_1507 = arith.addi %mul3A_1455, %broadcast_in_dim3A_1506 : vector<16xi32>
    %gather3A_1508 = tpu.vector_load_idx %arg5[%add3A_1507] : memref<2560xi32, #tpu.memory_space<vmem>>[vector<16xi32>], vector<16xi32>,
    %broadcast_in_dim3A_1509 = arith.constant 112 : i32
    %broadcast_in_dim3A_1510 = vector.broadcast %broadcast_in_dim3A_1509 : i32 to vector<16xi32>
    %add3A_1511 = arith.addi %iota3A_1452, %broadcast_in_dim3A_1510 : vector<16xi32>
    tpu.vector_store_idx %arg6[%gather3A_1508, %add3A_1511], %broadcast_in_dim3A_1451 : memref<1000x128xf32, #tpu.memory_space<vmem>>[vector<16xi32>, vector<16xi32>], vector<16xf32>,
    %dma_start3A_1512 = arith.constant 10 : i32
    %dma_start3A_1513 = arith.constant 0 : i32
    %dma_start3A_1514 = arith.constant 0 : i32
    %dma_start3A_1515 = tpu.memref_slice %arg4[%dma_start3A_1512, %dma_start3A_1514, %mul3A_2] : memref<20x1000x4096xf32, #tpu.memory_space<hbm>> -> memref<1x1000x128xf32, #tpu.memory_space<hbm>>
    %dma_start3A_1516 = tpu.memref_squeeze %dma_start3A_1515 : memref<1x1000x128xf32, #tpu.memory_space<hbm>> -> memref<1000x128xf32, #tpu.memory_space<hbm>>
    %dma_start3A_1517 = tpu.memref_slice %arg7[%dma_start3A_1513] : memref<2x!tpu.dma_semaphore, #tpu.memory_space<semaphore_mem>> -> memref<1x!tpu.dma_semaphore, #tpu.memory_space<semaphore_mem>>
    %dma_start3A_1518 = tpu.memref_squeeze %dma_start3A_1517 : memref<1x!tpu.dma_semaphore, #tpu.memory_space<semaphore_mem>> -> memref<!tpu.dma_semaphore, #tpu.memory_space<semaphore_mem>>
    %dma_start3A_1519 = arith.constant 0 : i32
    %dma_start3A_1520 = tpu.memref_slice %arg4[%dma_start3A_1512, %dma_start3A_1519, %mul3A_2] : memref<20x1000x4096xf32, #tpu.memory_space<hbm>> -> memref<1x1000x128xf32, #tpu.memory_space<hbm>>
    %dma_start3A_1521 = tpu.memref_squeeze %dma_start3A_1520 : memref<1x1000x128xf32, #tpu.memory_space<hbm>> -> memref<1000x128xf32, #tpu.memory_space<hbm>>
    tpu.enqueue_dma source(%arg6 : memref<1000x128xf32, #tpu.memory_space<vmem>>) target(%dma_start3A_1521 : memref<1000x128xf32, #tpu.memory_space<hbm>>) target_semaphore(%dma_start3A_1518 : memref<!tpu.dma_semaphore, #tpu.memory_space<semaphore_mem>>)
    %dma_wait3A_1522 = arith.constant 10 : i32
    %dma_wait3A_1523 = arith.constant 0 : i32
    %dma_wait3A_1524 = arith.constant 0 : i32
    %dma_wait3A_1525 = tpu.memref_slice %arg4[%dma_wait3A_1522, %dma_wait3A_1524, %mul3A_2] : memref<20x1000x4096xf32, #tpu.memory_space<hbm>> -> memref<1x1000x128xf32, #tpu.memory_space<hbm>>
    %dma_wait3A_1526 = tpu.memref_squeeze %dma_wait3A_1525 : memref<1x1000x128xf32, #tpu.memory_space<hbm>> -> memref<1000x128xf32, #tpu.memory_space<hbm>>
    %dma_wait3A_1527 = tpu.memref_slice %arg7[%dma_wait3A_1523] : memref<2x!tpu.dma_semaphore, #tpu.memory_space<semaphore_mem>> -> memref<1x!tpu.dma_semaphore, #tpu.memory_space<semaphore_mem>>
    %dma_wait3A_1528 = tpu.memref_squeeze %dma_wait3A_1527 : memref<1x!tpu.dma_semaphore, #tpu.memory_space<semaphore_mem>> -> memref<!tpu.dma_semaphore, #tpu.memory_space<semaphore_mem>>
    %dma_wait3A_1529 = arith.constant 0 : i32
    %dma_wait3A_1530 = tpu.memref_slice %arg4[%dma_wait3A_1522, %dma_wait3A_1529, %mul3A_2] : memref<20x1000x4096xf32, #tpu.memory_space<hbm>> -> memref<1x1000x128xf32, #tpu.memory_space<hbm>>
    %dma_wait3A_1531 = tpu.memref_squeeze %dma_wait3A_1530 : memref<1x1000x128xf32, #tpu.memory_space<hbm>> -> memref<1000x128xf32, #tpu.memory_space<hbm>>
    tpu.wait_dma2 semaphore(%dma_wait3A_1528 : memref<!tpu.dma_semaphore, #tpu.memory_space<semaphore_mem>>) src(%arg6 : memref<1000x128xf32, #tpu.memory_space<vmem>>) dst(%dma_wait3A_1531 : memref<1000x128xf32, #tpu.memory_space<hbm>>)
    %broadcast_in_dim3A_1532 = arith.constant 0.000000e+00 : f32
    %broadcast_in_dim3A_1533 = vector.broadcast %broadcast_in_dim3A_1532 : f32 to vector<16xf32>
    %iota3A_1534 = tpu.iota {dimensions = array<i32: 0>} : vector<16xi32>
    %broadcast_in_dim3A_1535 = arith.constant 20 : i32
    %broadcast_in_dim3A_1536 = vector.broadcast %broadcast_in_dim3A_1535 : i32 to vector<16xi32>
    %mul3A_1537 = arith.muli %iota3A_1534, %broadcast_in_dim3A_1536 : vector<16xi32>
    %broadcast_in_dim3A_1538 = arith.constant 10 : i32
    %broadcast_in_dim3A_1539 = vector.broadcast %broadcast_in_dim3A_1538 : i32 to vector<16xi32>
    %add3A_1540 = arith.addi %mul3A_1537, %broadcast_in_dim3A_1539 : vector<16xi32>
    %gather3A_1541 = tpu.vector_load_idx %arg5[%add3A_1540] : memref<2560xi32, #tpu.memory_space<vmem>>[vector<16xi32>], vector<16xi32>,
    %broadcast_in_dim3A_1542 = arith.constant 0 : i32
    %broadcast_in_dim3A_1543 = vector.broadcast %broadcast_in_dim3A_1542 : i32 to vector<16xi32>
    %add3A_1544 = arith.addi %iota3A_1534, %broadcast_in_dim3A_1543 : vector<16xi32>
    tpu.vector_store_idx %arg6[%gather3A_1541, %add3A_1544], %broadcast_in_dim3A_1533 : memref<1000x128xf32, #tpu.memory_space<vmem>>[vector<16xi32>, vector<16xi32>], vector<16xf32>,
    %broadcast_in_dim3A_1545 = arith.constant 330 : i32
    %broadcast_in_dim3A_1546 = vector.broadcast %broadcast_in_dim3A_1545 : i32 to vector<16xi32>
    %add3A_1547 = arith.addi %mul3A_1537, %broadcast_in_dim3A_1546 : vector<16xi32>
    %gather3A_1548 = tpu.vector_load_idx %arg5[%add3A_1547] : memref<2560xi32, #tpu.memory_space<vmem>>[vector<16xi32>], vector<16xi32>,
    %broadcast_in_dim3A_1549 = arith.constant 16 : i32
    %broadcast_in_dim3A_1550 = vector.broadcast %broadcast_in_dim3A_1549 : i32 to vector<16xi32>
    %add3A_1551 = arith.addi %iota3A_1534, %broadcast_in_dim3A_1550 : vector<16xi32>
    tpu.vector_store_idx %arg6[%gather3A_1548, %add3A_1551], %broadcast_in_dim3A_1533 : memref<1000x128xf32, #tpu.memory_space<vmem>>[vector<16xi32>, vector<16xi32>], vector<16xf32>,
    %broadcast_in_dim3A_1552 = arith.constant 650 : i32
    %broadcast_in_dim3A_1553 = vector.broadcast %broadcast_in_dim3A_1552 : i32 to vector<16xi32>
    %add3A_1554 = arith.addi %mul3A_1537, %broadcast_in_dim3A_1553 : vector<16xi32>
    %gather3A_1555 = tpu.vector_load_idx %arg5[%add3A_1554] : memref<2560xi32, #tpu.memory_space<vmem>>[vector<16xi32>], vector<16xi32>,
    %broadcast_in_dim3A_1556 = arith.constant 32 : i32
    %broadcast_in_dim3A_1557 = vector.broadcast %broadcast_in_dim3A_1556 : i32 to vector<16xi32>
    %add3A_1558 = arith.addi %iota3A_1534, %broadcast_in_dim3A_1557 : vector<16xi32>
    tpu.vector_store_idx %arg6[%gather3A_1555, %add3A_1558], %broadcast_in_dim3A_1533 : memref<1000x128xf32, #tpu.memory_space<vmem>>[vector<16xi32>, vector<16xi32>], vector<16xf32>,
    %broadcast_in_dim3A_1559 = arith.constant 970 : i32
    %broadcast_in_dim3A_1560 = vector.broadcast %broadcast_in_dim3A_1559 : i32 to vector<16xi32>
    %add3A_1561 = arith.addi %mul3A_1537, %broadcast_in_dim3A_1560 : vector<16xi32>
    %gather3A_1562 = tpu.vector_load_idx %arg5[%add3A_1561] : memref<2560xi32, #tpu.memory_space<vmem>>[vector<16xi32>], vector<16xi32>,
    %broadcast_in_dim3A_1563 = arith.constant 48 : i32
    %broadcast_in_dim3A_1564 = vector.broadcast %broadcast_in_dim3A_1563 : i32 to vector<16xi32>
    %add3A_1565 = arith.addi %iota3A_1534, %broadcast_in_dim3A_1564 : vector<16xi32>
    tpu.vector_store_idx %arg6[%gather3A_1562, %add3A_1565], %broadcast_in_dim3A_1533 : memref<1000x128xf32, #tpu.memory_space<vmem>>[vector<16xi32>, vector<16xi32>], vector<16xf32>,
    %broadcast_in_dim3A_1566 = arith.constant 1290 : i32
    %broadcast_in_dim3A_1567 = vector.broadcast %broadcast_in_dim3A_1566 : i32 to vector<16xi32>
    %add3A_1568 = arith.addi %mul3A_1537, %broadcast_in_dim3A_1567 : vector<16xi32>
    %gather3A_1569 = tpu.vector_load_idx %arg5[%add3A_1568] : memref<2560xi32, #tpu.memory_space<vmem>>[vector<16xi32>], vector<16xi32>,
    %broadcast_in_dim3A_1570 = arith.constant 64 : i32
    %broadcast_in_dim3A_1571 = vector.broadcast %broadcast_in_dim3A_1570 : i32 to vector<16xi32>
    %add3A_1572 = arith.addi %iota3A_1534, %broadcast_in_dim3A_1571 : vector<16xi32>
    tpu.vector_store_idx %arg6[%gather3A_1569, %add3A_1572], %broadcast_in_dim3A_1533 : memref<1000x128xf32, #tpu.memory_space<vmem>>[vector<16xi32>, vector<16xi32>], vector<16xf32>,
    %broadcast_in_dim3A_1573 = arith.constant 1610 : i32
    %broadcast_in_dim3A_1574 = vector.broadcast %broadcast_in_dim3A_1573 : i32 to vector<16xi32>
    %add3A_1575 = arith.addi %mul3A_1537, %broadcast_in_dim3A_1574 : vector<16xi32>
    %gather3A_1576 = tpu.vector_load_idx %arg5[%add3A_1575] : memref<2560xi32, #tpu.memory_space<vmem>>[vector<16xi32>], vector<16xi32>,
    %broadcast_in_dim3A_1577 = arith.constant 80 : i32
    %broadcast_in_dim3A_1578 = vector.broadcast %broadcast_in_dim3A_1577 : i32 to vector<16xi32>
    %add3A_1579 = arith.addi %iota3A_1534, %broadcast_in_dim3A_1578 : vector<16xi32>
    tpu.vector_store_idx %arg6[%gather3A_1576, %add3A_1579], %broadcast_in_dim3A_1533 : memref<1000x128xf32, #tpu.memory_space<vmem>>[vector<16xi32>, vector<16xi32>], vector<16xf32>,
    %broadcast_in_dim3A_1580 = arith.constant 1930 : i32
    %broadcast_in_dim3A_1581 = vector.broadcast %broadcast_in_dim3A_1580 : i32 to vector<16xi32>
    %add3A_1582 = arith.addi %mul3A_1537, %broadcast_in_dim3A_1581 : vector<16xi32>
    %gather3A_1583 = tpu.vector_load_idx %arg5[%add3A_1582] : memref<2560xi32, #tpu.memory_space<vmem>>[vector<16xi32>], vector<16xi32>,
    %broadcast_in_dim3A_1584 = arith.constant 96 : i32
    %broadcast_in_dim3A_1585 = vector.broadcast %broadcast_in_dim3A_1584 : i32 to vector<16xi32>
    %add3A_1586 = arith.addi %iota3A_1534, %broadcast_in_dim3A_1585 : vector<16xi32>
    tpu.vector_store_idx %arg6[%gather3A_1583, %add3A_1586], %broadcast_in_dim3A_1533 : memref<1000x128xf32, #tpu.memory_space<vmem>>[vector<16xi32>, vector<16xi32>], vector<16xf32>,
    %broadcast_in_dim3A_1587 = arith.constant 2250 : i32
    %broadcast_in_dim3A_1588 = vector.broadcast %broadcast_in_dim3A_1587 : i32 to vector<16xi32>
    %add3A_1589 = arith.addi %mul3A_1537, %broadcast_in_dim3A_1588 : vector<16xi32>
    %gather3A_1590 = tpu.vector_load_idx %arg5[%add3A_1589] : memref<2560xi32, #tpu.memory_space<vmem>>[vector<16xi32>], vector<16xi32>,
    %broadcast_in_dim3A_1591 = arith.constant 112 : i32
    %broadcast_in_dim3A_1592 = vector.broadcast %broadcast_in_dim3A_1591 : i32 to vector<16xi32>
    %add3A_1593 = arith.addi %iota3A_1534, %broadcast_in_dim3A_1592 : vector<16xi32>
    tpu.vector_store_idx %arg6[%gather3A_1590, %add3A_1593], %broadcast_in_dim3A_1533 : memref<1000x128xf32, #tpu.memory_space<vmem>>[vector<16xi32>, vector<16xi32>], vector<16xf32>,
    %broadcast_in_dim3A_1594 = arith.constant 1.000000e+00 : f32
    %broadcast_in_dim3A_1595 = vector.broadcast %broadcast_in_dim3A_1594 : f32 to vector<16xf32>
    %iota3A_1596 = tpu.iota {dimensions = array<i32: 0>} : vector<16xi32>
    %broadcast_in_dim3A_1597 = arith.constant 20 : i32
    %broadcast_in_dim3A_1598 = vector.broadcast %broadcast_in_dim3A_1597 : i32 to vector<16xi32>
    %mul3A_1599 = arith.muli %iota3A_1596, %broadcast_in_dim3A_1598 : vector<16xi32>
    %broadcast_in_dim3A_1600 = arith.constant 11 : i32
    %broadcast_in_dim3A_1601 = vector.broadcast %broadcast_in_dim3A_1600 : i32 to vector<16xi32>
    %add3A_1602 = arith.addi %mul3A_1599, %broadcast_in_dim3A_1601 : vector<16xi32>
    %gather3A_1603 = tpu.vector_load_idx %arg5[%add3A_1602] : memref<2560xi32, #tpu.memory_space<vmem>>[vector<16xi32>], vector<16xi32>,
    %broadcast_in_dim3A_1604 = arith.constant 0 : i32
    %broadcast_in_dim3A_1605 = vector.broadcast %broadcast_in_dim3A_1604 : i32 to vector<16xi32>
    %add3A_1606 = arith.addi %iota3A_1596, %broadcast_in_dim3A_1605 : vector<16xi32>
    tpu.vector_store_idx %arg6[%gather3A_1603, %add3A_1606], %broadcast_in_dim3A_1595 : memref<1000x128xf32, #tpu.memory_space<vmem>>[vector<16xi32>, vector<16xi32>], vector<16xf32>,
    %broadcast_in_dim3A_1607 = arith.constant 331 : i32
    %broadcast_in_dim3A_1608 = vector.broadcast %broadcast_in_dim3A_1607 : i32 to vector<16xi32>
    %add3A_1609 = arith.addi %mul3A_1599, %broadcast_in_dim3A_1608 : vector<16xi32>
    %gather3A_1610 = tpu.vector_load_idx %arg5[%add3A_1609] : memref<2560xi32, #tpu.memory_space<vmem>>[vector<16xi32>], vector<16xi32>,
    %broadcast_in_dim3A_1611 = arith.constant 16 : i32
    %broadcast_in_dim3A_1612 = vector.broadcast %broadcast_in_dim3A_1611 : i32 to vector<16xi32>
    %add3A_1613 = arith.addi %iota3A_1596, %broadcast_in_dim3A_1612 : vector<16xi32>
    tpu.vector_store_idx %arg6[%gather3A_1610, %add3A_1613], %broadcast_in_dim3A_1595 : memref<1000x128xf32, #tpu.memory_space<vmem>>[vector<16xi32>, vector<16xi32>], vector<16xf32>,
    %broadcast_in_dim3A_1614 = arith.constant 651 : i32
    %broadcast_in_dim3A_1615 = vector.broadcast %broadcast_in_dim3A_1614 : i32 to vector<16xi32>
    %add3A_1616 = arith.addi %mul3A_1599, %broadcast_in_dim3A_1615 : vector<16xi32>
    %gather3A_1617 = tpu.vector_load_idx %arg5[%add3A_1616] : memref<2560xi32, #tpu.memory_space<vmem>>[vector<16xi32>], vector<16xi32>,
    %broadcast_in_dim3A_1618 = arith.constant 32 : i32
    %broadcast_in_dim3A_1619 = vector.broadcast %broadcast_in_dim3A_1618 : i32 to vector<16xi32>
    %add3A_1620 = arith.addi %iota3A_1596, %broadcast_in_dim3A_1619 : vector<16xi32>
    tpu.vector_store_idx %arg6[%gather3A_1617, %add3A_1620], %broadcast_in_dim3A_1595 : memref<1000x128xf32, #tpu.memory_space<vmem>>[vector<16xi32>, vector<16xi32>], vector<16xf32>,
    %broadcast_in_dim3A_1621 = arith.constant 971 : i32
    %broadcast_in_dim3A_1622 = vector.broadcast %broadcast_in_dim3A_1621 : i32 to vector<16xi32>
    %add3A_1623 = arith.addi %mul3A_1599, %broadcast_in_dim3A_1622 : vector<16xi32>
    %gather3A_1624 = tpu.vector_load_idx %arg5[%add3A_1623] : memref<2560xi32, #tpu.memory_space<vmem>>[vector<16xi32>], vector<16xi32>,
    %broadcast_in_dim3A_1625 = arith.constant 48 : i32
    %broadcast_in_dim3A_1626 = vector.broadcast %broadcast_in_dim3A_1625 : i32 to vector<16xi32>
    %add3A_1627 = arith.addi %iota3A_1596, %broadcast_in_dim3A_1626 : vector<16xi32>
    tpu.vector_store_idx %arg6[%gather3A_1624, %add3A_1627], %broadcast_in_dim3A_1595 : memref<1000x128xf32, #tpu.memory_space<vmem>>[vector<16xi32>, vector<16xi32>], vector<16xf32>,
    %broadcast_in_dim3A_1628 = arith.constant 1291 : i32
    %broadcast_in_dim3A_1629 = vector.broadcast %broadcast_in_dim3A_1628 : i32 to vector<16xi32>
    %add3A_1630 = arith.addi %mul3A_1599, %broadcast_in_dim3A_1629 : vector<16xi32>
    %gather3A_1631 = tpu.vector_load_idx %arg5[%add3A_1630] : memref<2560xi32, #tpu.memory_space<vmem>>[vector<16xi32>], vector<16xi32>,
    %broadcast_in_dim3A_1632 = arith.constant 64 : i32
    %broadcast_in_dim3A_1633 = vector.broadcast %broadcast_in_dim3A_1632 : i32 to vector<16xi32>
    %add3A_1634 = arith.addi %iota3A_1596, %broadcast_in_dim3A_1633 : vector<16xi32>
    tpu.vector_store_idx %arg6[%gather3A_1631, %add3A_1634], %broadcast_in_dim3A_1595 : memref<1000x128xf32, #tpu.memory_space<vmem>>[vector<16xi32>, vector<16xi32>], vector<16xf32>,
    %broadcast_in_dim3A_1635 = arith.constant 1611 : i32
    %broadcast_in_dim3A_1636 = vector.broadcast %broadcast_in_dim3A_1635 : i32 to vector<16xi32>
    %add3A_1637 = arith.addi %mul3A_1599, %broadcast_in_dim3A_1636 : vector<16xi32>
    %gather3A_1638 = tpu.vector_load_idx %arg5[%add3A_1637] : memref<2560xi32, #tpu.memory_space<vmem>>[vector<16xi32>], vector<16xi32>,
    %broadcast_in_dim3A_1639 = arith.constant 80 : i32
    %broadcast_in_dim3A_1640 = vector.broadcast %broadcast_in_dim3A_1639 : i32 to vector<16xi32>
    %add3A_1641 = arith.addi %iota3A_1596, %broadcast_in_dim3A_1640 : vector<16xi32>
    tpu.vector_store_idx %arg6[%gather3A_1638, %add3A_1641], %broadcast_in_dim3A_1595 : memref<1000x128xf32, #tpu.memory_space<vmem>>[vector<16xi32>, vector<16xi32>], vector<16xf32>,
    %broadcast_in_dim3A_1642 = arith.constant 1931 : i32
    %broadcast_in_dim3A_1643 = vector.broadcast %broadcast_in_dim3A_1642 : i32 to vector<16xi32>
    %add3A_1644 = arith.addi %mul3A_1599, %broadcast_in_dim3A_1643 : vector<16xi32>
    %gather3A_1645 = tpu.vector_load_idx %arg5[%add3A_1644] : memref<2560xi32, #tpu.memory_space<vmem>>[vector<16xi32>], vector<16xi32>,
    %broadcast_in_dim3A_1646 = arith.constant 96 : i32
    %broadcast_in_dim3A_1647 = vector.broadcast %broadcast_in_dim3A_1646 : i32 to vector<16xi32>
    %add3A_1648 = arith.addi %iota3A_1596, %broadcast_in_dim3A_1647 : vector<16xi32>
    tpu.vector_store_idx %arg6[%gather3A_1645, %add3A_1648], %broadcast_in_dim3A_1595 : memref<1000x128xf32, #tpu.memory_space<vmem>>[vector<16xi32>, vector<16xi32>], vector<16xf32>,
    %broadcast_in_dim3A_1649 = arith.constant 2251 : i32
    %broadcast_in_dim3A_1650 = vector.broadcast %broadcast_in_dim3A_1649 : i32 to vector<16xi32>
    %add3A_1651 = arith.addi %mul3A_1599, %broadcast_in_dim3A_1650 : vector<16xi32>
    %gather3A_1652 = tpu.vector_load_idx %arg5[%add3A_1651] : memref<2560xi32, #tpu.memory_space<vmem>>[vector<16xi32>], vector<16xi32>,
    %broadcast_in_dim3A_1653 = arith.constant 112 : i32
    %broadcast_in_dim3A_1654 = vector.broadcast %broadcast_in_dim3A_1653 : i32 to vector<16xi32>
    %add3A_1655 = arith.addi %iota3A_1596, %broadcast_in_dim3A_1654 : vector<16xi32>
    tpu.vector_store_idx %arg6[%gather3A_1652, %add3A_1655], %broadcast_in_dim3A_1595 : memref<1000x128xf32, #tpu.memory_space<vmem>>[vector<16xi32>, vector<16xi32>], vector<16xf32>,
    %dma_start3A_1656 = arith.constant 11 : i32
    %dma_start3A_1657 = arith.constant 0 : i32
    %dma_start3A_1658 = arith.constant 0 : i32
    %dma_start3A_1659 = tpu.memref_slice %arg4[%dma_start3A_1656, %dma_start3A_1658, %mul3A_2] : memref<20x1000x4096xf32, #tpu.memory_space<hbm>> -> memref<1x1000x128xf32, #tpu.memory_space<hbm>>
    %dma_start3A_1660 = tpu.memref_squeeze %dma_start3A_1659 : memref<1x1000x128xf32, #tpu.memory_space<hbm>> -> memref<1000x128xf32, #tpu.memory_space<hbm>>
    %dma_start3A_1661 = tpu.memref_slice %arg7[%dma_start3A_1657] : memref<2x!tpu.dma_semaphore, #tpu.memory_space<semaphore_mem>> -> memref<1x!tpu.dma_semaphore, #tpu.memory_space<semaphore_mem>>
    %dma_start3A_1662 = tpu.memref_squeeze %dma_start3A_1661 : memref<1x!tpu.dma_semaphore, #tpu.memory_space<semaphore_mem>> -> memref<!tpu.dma_semaphore, #tpu.memory_space<semaphore_mem>>
    %dma_start3A_1663 = arith.constant 0 : i32
    %dma_start3A_1664 = tpu.memref_slice %arg4[%dma_start3A_1656, %dma_start3A_1663, %mul3A_2] : memref<20x1000x4096xf32, #tpu.memory_space<hbm>> -> memref<1x1000x128xf32, #tpu.memory_space<hbm>>
    %dma_start3A_1665 = tpu.memref_squeeze %dma_start3A_1664 : memref<1x1000x128xf32, #tpu.memory_space<hbm>> -> memref<1000x128xf32, #tpu.memory_space<hbm>>
    tpu.enqueue_dma source(%arg6 : memref<1000x128xf32, #tpu.memory_space<vmem>>) target(%dma_start3A_1665 : memref<1000x128xf32, #tpu.memory_space<hbm>>) target_semaphore(%dma_start3A_1662 : memref<!tpu.dma_semaphore, #tpu.memory_space<semaphore_mem>>)
    %dma_wait3A_1666 = arith.constant 11 : i32
    %dma_wait3A_1667 = arith.constant 0 : i32
    %dma_wait3A_1668 = arith.constant 0 : i32
    %dma_wait3A_1669 = tpu.memref_slice %arg4[%dma_wait3A_1666, %dma_wait3A_1668, %mul3A_2] : memref<20x1000x4096xf32, #tpu.memory_space<hbm>> -> memref<1x1000x128xf32, #tpu.memory_space<hbm>>
    %dma_wait3A_1670 = tpu.memref_squeeze %dma_wait3A_1669 : memref<1x1000x128xf32, #tpu.memory_space<hbm>> -> memref<1000x128xf32, #tpu.memory_space<hbm>>
    %dma_wait3A_1671 = tpu.memref_slice %arg7[%dma_wait3A_1667] : memref<2x!tpu.dma_semaphore, #tpu.memory_space<semaphore_mem>> -> memref<1x!tpu.dma_semaphore, #tpu.memory_space<semaphore_mem>>
    %dma_wait3A_1672 = tpu.memref_squeeze %dma_wait3A_1671 : memref<1x!tpu.dma_semaphore, #tpu.memory_space<semaphore_mem>> -> memref<!tpu.dma_semaphore, #tpu.memory_space<semaphore_mem>>
    %dma_wait3A_1673 = arith.constant 0 : i32
    %dma_wait3A_1674 = tpu.memref_slice %arg4[%dma_wait3A_1666, %dma_wait3A_1673, %mul3A_2] : memref<20x1000x4096xf32, #tpu.memory_space<hbm>> -> memref<1x1000x128xf32, #tpu.memory_space<hbm>>
    %dma_wait3A_1675 = tpu.memref_squeeze %dma_wait3A_1674 : memref<1x1000x128xf32, #tpu.memory_space<hbm>> -> memref<1000x128xf32, #tpu.memory_space<hbm>>
    tpu.wait_dma2 semaphore(%dma_wait3A_1672 : memref<!tpu.dma_semaphore, #tpu.memory_space<semaphore_mem>>) src(%arg6 : memref<1000x128xf32, #tpu.memory_space<vmem>>) dst(%dma_wait3A_1675 : memref<1000x128xf32, #tpu.memory_space<hbm>>)
    %broadcast_in_dim3A_1676 = arith.constant 0.000000e+00 : f32
    %broadcast_in_dim3A_1677 = vector.broadcast %broadcast_in_dim3A_1676 : f32 to vector<16xf32>
    %iota3A_1678 = tpu.iota {dimensions = array<i32: 0>} : vector<16xi32>
    %broadcast_in_dim3A_1679 = arith.constant 20 : i32
    %broadcast_in_dim3A_1680 = vector.broadcast %broadcast_in_dim3A_1679 : i32 to vector<16xi32>
    %mul3A_1681 = arith.muli %iota3A_1678, %broadcast_in_dim3A_1680 : vector<16xi32>
    %broadcast_in_dim3A_1682 = arith.constant 11 : i32
    %broadcast_in_dim3A_1683 = vector.broadcast %broadcast_in_dim3A_1682 : i32 to vector<16xi32>
    %add3A_1684 = arith.addi %mul3A_1681, %broadcast_in_dim3A_1683 : vector<16xi32>
    %gather3A_1685 = tpu.vector_load_idx %arg5[%add3A_1684] : memref<2560xi32, #tpu.memory_space<vmem>>[vector<16xi32>], vector<16xi32>,
    %broadcast_in_dim3A_1686 = arith.constant 0 : i32
    %broadcast_in_dim3A_1687 = vector.broadcast %broadcast_in_dim3A_1686 : i32 to vector<16xi32>
    %add3A_1688 = arith.addi %iota3A_1678, %broadcast_in_dim3A_1687 : vector<16xi32>
    tpu.vector_store_idx %arg6[%gather3A_1685, %add3A_1688], %broadcast_in_dim3A_1677 : memref<1000x128xf32, #tpu.memory_space<vmem>>[vector<16xi32>, vector<16xi32>], vector<16xf32>,
    %broadcast_in_dim3A_1689 = arith.constant 331 : i32
    %broadcast_in_dim3A_1690 = vector.broadcast %broadcast_in_dim3A_1689 : i32 to vector<16xi32>
    %add3A_1691 = arith.addi %mul3A_1681, %broadcast_in_dim3A_1690 : vector<16xi32>
    %gather3A_1692 = tpu.vector_load_idx %arg5[%add3A_1691] : memref<2560xi32, #tpu.memory_space<vmem>>[vector<16xi32>], vector<16xi32>,
    %broadcast_in_dim3A_1693 = arith.constant 16 : i32
    %broadcast_in_dim3A_1694 = vector.broadcast %broadcast_in_dim3A_1693 : i32 to vector<16xi32>
    %add3A_1695 = arith.addi %iota3A_1678, %broadcast_in_dim3A_1694 : vector<16xi32>
    tpu.vector_store_idx %arg6[%gather3A_1692, %add3A_1695], %broadcast_in_dim3A_1677 : memref<1000x128xf32, #tpu.memory_space<vmem>>[vector<16xi32>, vector<16xi32>], vector<16xf32>,
    %broadcast_in_dim3A_1696 = arith.constant 651 : i32
    %broadcast_in_dim3A_1697 = vector.broadcast %broadcast_in_dim3A_1696 : i32 to vector<16xi32>
    %add3A_1698 = arith.addi %mul3A_1681, %broadcast_in_dim3A_1697 : vector<16xi32>
    %gather3A_1699 = tpu.vector_load_idx %arg5[%add3A_1698] : memref<2560xi32, #tpu.memory_space<vmem>>[vector<16xi32>], vector<16xi32>,
    %broadcast_in_dim3A_1700 = arith.constant 32 : i32
    %broadcast_in_dim3A_1701 = vector.broadcast %broadcast_in_dim3A_1700 : i32 to vector<16xi32>
    %add3A_1702 = arith.addi %iota3A_1678, %broadcast_in_dim3A_1701 : vector<16xi32>
    tpu.vector_store_idx %arg6[%gather3A_1699, %add3A_1702], %broadcast_in_dim3A_1677 : memref<1000x128xf32, #tpu.memory_space<vmem>>[vector<16xi32>, vector<16xi32>], vector<16xf32>,
    %broadcast_in_dim3A_1703 = arith.constant 971 : i32
    %broadcast_in_dim3A_1704 = vector.broadcast %broadcast_in_dim3A_1703 : i32 to vector<16xi32>
    %add3A_1705 = arith.addi %mul3A_1681, %broadcast_in_dim3A_1704 : vector<16xi32>
    %gather3A_1706 = tpu.vector_load_idx %arg5[%add3A_1705] : memref<2560xi32, #tpu.memory_space<vmem>>[vector<16xi32>], vector<16xi32>,
    %broadcast_in_dim3A_1707 = arith.constant 48 : i32
    %broadcast_in_dim3A_1708 = vector.broadcast %broadcast_in_dim3A_1707 : i32 to vector<16xi32>
    %add3A_1709 = arith.addi %iota3A_1678, %broadcast_in_dim3A_1708 : vector<16xi32>
    tpu.vector_store_idx %arg6[%gather3A_1706, %add3A_1709], %broadcast_in_dim3A_1677 : memref<1000x128xf32, #tpu.memory_space<vmem>>[vector<16xi32>, vector<16xi32>], vector<16xf32>,
    %broadcast_in_dim3A_1710 = arith.constant 1291 : i32
    %broadcast_in_dim3A_1711 = vector.broadcast %broadcast_in_dim3A_1710 : i32 to vector<16xi32>
    %add3A_1712 = arith.addi %mul3A_1681, %broadcast_in_dim3A_1711 : vector<16xi32>
    %gather3A_1713 = tpu.vector_load_idx %arg5[%add3A_1712] : memref<2560xi32, #tpu.memory_space<vmem>>[vector<16xi32>], vector<16xi32>,
    %broadcast_in_dim3A_1714 = arith.constant 64 : i32
    %broadcast_in_dim3A_1715 = vector.broadcast %broadcast_in_dim3A_1714 : i32 to vector<16xi32>
    %add3A_1716 = arith.addi %iota3A_1678, %broadcast_in_dim3A_1715 : vector<16xi32>
    tpu.vector_store_idx %arg6[%gather3A_1713, %add3A_1716], %broadcast_in_dim3A_1677 : memref<1000x128xf32, #tpu.memory_space<vmem>>[vector<16xi32>, vector<16xi32>], vector<16xf32>,
    %broadcast_in_dim3A_1717 = arith.constant 1611 : i32
    %broadcast_in_dim3A_1718 = vector.broadcast %broadcast_in_dim3A_1717 : i32 to vector<16xi32>
    %add3A_1719 = arith.addi %mul3A_1681, %broadcast_in_dim3A_1718 : vector<16xi32>
    %gather3A_1720 = tpu.vector_load_idx %arg5[%add3A_1719] : memref<2560xi32, #tpu.memory_space<vmem>>[vector<16xi32>], vector<16xi32>,
    %broadcast_in_dim3A_1721 = arith.constant 80 : i32
    %broadcast_in_dim3A_1722 = vector.broadcast %broadcast_in_dim3A_1721 : i32 to vector<16xi32>
    %add3A_1723 = arith.addi %iota3A_1678, %broadcast_in_dim3A_1722 : vector<16xi32>
    tpu.vector_store_idx %arg6[%gather3A_1720, %add3A_1723], %broadcast_in_dim3A_1677 : memref<1000x128xf32, #tpu.memory_space<vmem>>[vector<16xi32>, vector<16xi32>], vector<16xf32>,
    %broadcast_in_dim3A_1724 = arith.constant 1931 : i32
    %broadcast_in_dim3A_1725 = vector.broadcast %broadcast_in_dim3A_1724 : i32 to vector<16xi32>
    %add3A_1726 = arith.addi %mul3A_1681, %broadcast_in_dim3A_1725 : vector<16xi32>
    %gather3A_1727 = tpu.vector_load_idx %arg5[%add3A_1726] : memref<2560xi32, #tpu.memory_space<vmem>>[vector<16xi32>], vector<16xi32>,
    %broadcast_in_dim3A_1728 = arith.constant 96 : i32
    %broadcast_in_dim3A_1729 = vector.broadcast %broadcast_in_dim3A_1728 : i32 to vector<16xi32>
    %add3A_1730 = arith.addi %iota3A_1678, %broadcast_in_dim3A_1729 : vector<16xi32>
    tpu.vector_store_idx %arg6[%gather3A_1727, %add3A_1730], %broadcast_in_dim3A_1677 : memref<1000x128xf32, #tpu.memory_space<vmem>>[vector<16xi32>, vector<16xi32>], vector<16xf32>,
    %broadcast_in_dim3A_1731 = arith.constant 2251 : i32
    %broadcast_in_dim3A_1732 = vector.broadcast %broadcast_in_dim3A_1731 : i32 to vector<16xi32>
    %add3A_1733 = arith.addi %mul3A_1681, %broadcast_in_dim3A_1732 : vector<16xi32>
    %gather3A_1734 = tpu.vector_load_idx %arg5[%add3A_1733] : memref<2560xi32, #tpu.memory_space<vmem>>[vector<16xi32>], vector<16xi32>,
    %broadcast_in_dim3A_1735 = arith.constant 112 : i32
    %broadcast_in_dim3A_1736 = vector.broadcast %broadcast_in_dim3A_1735 : i32 to vector<16xi32>
    %add3A_1737 = arith.addi %iota3A_1678, %broadcast_in_dim3A_1736 : vector<16xi32>
    tpu.vector_store_idx %arg6[%gather3A_1734, %add3A_1737], %broadcast_in_dim3A_1677 : memref<1000x128xf32, #tpu.memory_space<vmem>>[vector<16xi32>, vector<16xi32>], vector<16xf32>,
    %broadcast_in_dim3A_1738 = arith.constant 1.000000e+00 : f32
    %broadcast_in_dim3A_1739 = vector.broadcast %broadcast_in_dim3A_1738 : f32 to vector<16xf32>
    %iota3A_1740 = tpu.iota {dimensions = array<i32: 0>} : vector<16xi32>
    %broadcast_in_dim3A_1741 = arith.constant 20 : i32
    %broadcast_in_dim3A_1742 = vector.broadcast %broadcast_in_dim3A_1741 : i32 to vector<16xi32>
    %mul3A_1743 = arith.muli %iota3A_1740, %broadcast_in_dim3A_1742 : vector<16xi32>
    %broadcast_in_dim3A_1744 = arith.constant 12 : i32
    %broadcast_in_dim3A_1745 = vector.broadcast %broadcast_in_dim3A_1744 : i32 to vector<16xi32>
    %add3A_1746 = arith.addi %mul3A_1743, %broadcast_in_dim3A_1745 : vector<16xi32>
    %gather3A_1747 = tpu.vector_load_idx %arg5[%add3A_1746] : memref<2560xi32, #tpu.memory_space<vmem>>[vector<16xi32>], vector<16xi32>,
    %broadcast_in_dim3A_1748 = arith.constant 0 : i32
    %broadcast_in_dim3A_1749 = vector.broadcast %broadcast_in_dim3A_1748 : i32 to vector<16xi32>
    %add3A_1750 = arith.addi %iota3A_1740, %broadcast_in_dim3A_1749 : vector<16xi32>
    tpu.vector_store_idx %arg6[%gather3A_1747, %add3A_1750], %broadcast_in_dim3A_1739 : memref<1000x128xf32, #tpu.memory_space<vmem>>[vector<16xi32>, vector<16xi32>], vector<16xf32>,
    %broadcast_in_dim3A_1751 = arith.constant 332 : i32
    %broadcast_in_dim3A_1752 = vector.broadcast %broadcast_in_dim3A_1751 : i32 to vector<16xi32>
    %add3A_1753 = arith.addi %mul3A_1743, %broadcast_in_dim3A_1752 : vector<16xi32>
    %gather3A_1754 = tpu.vector_load_idx %arg5[%add3A_1753] : memref<2560xi32, #tpu.memory_space<vmem>>[vector<16xi32>], vector<16xi32>,
    %broadcast_in_dim3A_1755 = arith.constant 16 : i32
    %broadcast_in_dim3A_1756 = vector.broadcast %broadcast_in_dim3A_1755 : i32 to vector<16xi32>
    %add3A_1757 = arith.addi %iota3A_1740, %broadcast_in_dim3A_1756 : vector<16xi32>
    tpu.vector_store_idx %arg6[%gather3A_1754, %add3A_1757], %broadcast_in_dim3A_1739 : memref<1000x128xf32, #tpu.memory_space<vmem>>[vector<16xi32>, vector<16xi32>], vector<16xf32>,
    %broadcast_in_dim3A_1758 = arith.constant 652 : i32
    %broadcast_in_dim3A_1759 = vector.broadcast %broadcast_in_dim3A_1758 : i32 to vector<16xi32>
    %add3A_1760 = arith.addi %mul3A_1743, %broadcast_in_dim3A_1759 : vector<16xi32>
    %gather3A_1761 = tpu.vector_load_idx %arg5[%add3A_1760] : memref<2560xi32, #tpu.memory_space<vmem>>[vector<16xi32>], vector<16xi32>,
    %broadcast_in_dim3A_1762 = arith.constant 32 : i32
    %broadcast_in_dim3A_1763 = vector.broadcast %broadcast_in_dim3A_1762 : i32 to vector<16xi32>
    %add3A_1764 = arith.addi %iota3A_1740, %broadcast_in_dim3A_1763 : vector<16xi32>
    tpu.vector_store_idx %arg6[%gather3A_1761, %add3A_1764], %broadcast_in_dim3A_1739 : memref<1000x128xf32, #tpu.memory_space<vmem>>[vector<16xi32>, vector<16xi32>], vector<16xf32>,
    %broadcast_in_dim3A_1765 = arith.constant 972 : i32
    %broadcast_in_dim3A_1766 = vector.broadcast %broadcast_in_dim3A_1765 : i32 to vector<16xi32>
    %add3A_1767 = arith.addi %mul3A_1743, %broadcast_in_dim3A_1766 : vector<16xi32>
    %gather3A_1768 = tpu.vector_load_idx %arg5[%add3A_1767] : memref<2560xi32, #tpu.memory_space<vmem>>[vector<16xi32>], vector<16xi32>,
    %broadcast_in_dim3A_1769 = arith.constant 48 : i32
    %broadcast_in_dim3A_1770 = vector.broadcast %broadcast_in_dim3A_1769 : i32 to vector<16xi32>
    %add3A_1771 = arith.addi %iota3A_1740, %broadcast_in_dim3A_1770 : vector<16xi32>
    tpu.vector_store_idx %arg6[%gather3A_1768, %add3A_1771], %broadcast_in_dim3A_1739 : memref<1000x128xf32, #tpu.memory_space<vmem>>[vector<16xi32>, vector<16xi32>], vector<16xf32>,
    %broadcast_in_dim3A_1772 = arith.constant 1292 : i32
    %broadcast_in_dim3A_1773 = vector.broadcast %broadcast_in_dim3A_1772 : i32 to vector<16xi32>
    %add3A_1774 = arith.addi %mul3A_1743, %broadcast_in_dim3A_1773 : vector<16xi32>
    %gather3A_1775 = tpu.vector_load_idx %arg5[%add3A_1774] : memref<2560xi32, #tpu.memory_space<vmem>>[vector<16xi32>], vector<16xi32>,
    %broadcast_in_dim3A_1776 = arith.constant 64 : i32
    %broadcast_in_dim3A_1777 = vector.broadcast %broadcast_in_dim3A_1776 : i32 to vector<16xi32>
    %add3A_1778 = arith.addi %iota3A_1740, %broadcast_in_dim3A_1777 : vector<16xi32>
    tpu.vector_store_idx %arg6[%gather3A_1775, %add3A_1778], %broadcast_in_dim3A_1739 : memref<1000x128xf32, #tpu.memory_space<vmem>>[vector<16xi32>, vector<16xi32>], vector<16xf32>,
    %broadcast_in_dim3A_1779 = arith.constant 1612 : i32
    %broadcast_in_dim3A_1780 = vector.broadcast %broadcast_in_dim3A_1779 : i32 to vector<16xi32>
    %add3A_1781 = arith.addi %mul3A_1743, %broadcast_in_dim3A_1780 : vector<16xi32>
    %gather3A_1782 = tpu.vector_load_idx %arg5[%add3A_1781] : memref<2560xi32, #tpu.memory_space<vmem>>[vector<16xi32>], vector<16xi32>,
    %broadcast_in_dim3A_1783 = arith.constant 80 : i32
    %broadcast_in_dim3A_1784 = vector.broadcast %broadcast_in_dim3A_1783 : i32 to vector<16xi32>
    %add3A_1785 = arith.addi %iota3A_1740, %broadcast_in_dim3A_1784 : vector<16xi32>
    tpu.vector_store_idx %arg6[%gather3A_1782, %add3A_1785], %broadcast_in_dim3A_1739 : memref<1000x128xf32, #tpu.memory_space<vmem>>[vector<16xi32>, vector<16xi32>], vector<16xf32>,
    %broadcast_in_dim3A_1786 = arith.constant 1932 : i32
    %broadcast_in_dim3A_1787 = vector.broadcast %broadcast_in_dim3A_1786 : i32 to vector<16xi32>
    %add3A_1788 = arith.addi %mul3A_1743, %broadcast_in_dim3A_1787 : vector<16xi32>
    %gather3A_1789 = tpu.vector_load_idx %arg5[%add3A_1788] : memref<2560xi32, #tpu.memory_space<vmem>>[vector<16xi32>], vector<16xi32>,
    %broadcast_in_dim3A_1790 = arith.constant 96 : i32
    %broadcast_in_dim3A_1791 = vector.broadcast %broadcast_in_dim3A_1790 : i32 to vector<16xi32>
    %add3A_1792 = arith.addi %iota3A_1740, %broadcast_in_dim3A_1791 : vector<16xi32>
    tpu.vector_store_idx %arg6[%gather3A_1789, %add3A_1792], %broadcast_in_dim3A_1739 : memref<1000x128xf32, #tpu.memory_space<vmem>>[vector<16xi32>, vector<16xi32>], vector<16xf32>,
    %broadcast_in_dim3A_1793 = arith.constant 2252 : i32
    %broadcast_in_dim3A_1794 = vector.broadcast %broadcast_in_dim3A_1793 : i32 to vector<16xi32>
    %add3A_1795 = arith.addi %mul3A_1743, %broadcast_in_dim3A_1794 : vector<16xi32>
    %gather3A_1796 = tpu.vector_load_idx %arg5[%add3A_1795] : memref<2560xi32, #tpu.memory_space<vmem>>[vector<16xi32>], vector<16xi32>,
    %broadcast_in_dim3A_1797 = arith.constant 112 : i32
    %broadcast_in_dim3A_1798 = vector.broadcast %broadcast_in_dim3A_1797 : i32 to vector<16xi32>
    %add3A_1799 = arith.addi %iota3A_1740, %broadcast_in_dim3A_1798 : vector<16xi32>
    tpu.vector_store_idx %arg6[%gather3A_1796, %add3A_1799], %broadcast_in_dim3A_1739 : memref<1000x128xf32, #tpu.memory_space<vmem>>[vector<16xi32>, vector<16xi32>], vector<16xf32>,
    %dma_start3A_1800 = arith.constant 12 : i32
    %dma_start3A_1801 = arith.constant 0 : i32
    %dma_start3A_1802 = arith.constant 0 : i32
    %dma_start3A_1803 = tpu.memref_slice %arg4[%dma_start3A_1800, %dma_start3A_1802, %mul3A_2] : memref<20x1000x4096xf32, #tpu.memory_space<hbm>> -> memref<1x1000x128xf32, #tpu.memory_space<hbm>>
    %dma_start3A_1804 = tpu.memref_squeeze %dma_start3A_1803 : memref<1x1000x128xf32, #tpu.memory_space<hbm>> -> memref<1000x128xf32, #tpu.memory_space<hbm>>
    %dma_start3A_1805 = tpu.memref_slice %arg7[%dma_start3A_1801] : memref<2x!tpu.dma_semaphore, #tpu.memory_space<semaphore_mem>> -> memref<1x!tpu.dma_semaphore, #tpu.memory_space<semaphore_mem>>
    %dma_start3A_1806 = tpu.memref_squeeze %dma_start3A_1805 : memref<1x!tpu.dma_semaphore, #tpu.memory_space<semaphore_mem>> -> memref<!tpu.dma_semaphore, #tpu.memory_space<semaphore_mem>>
    %dma_start3A_1807 = arith.constant 0 : i32
    %dma_start3A_1808 = tpu.memref_slice %arg4[%dma_start3A_1800, %dma_start3A_1807, %mul3A_2] : memref<20x1000x4096xf32, #tpu.memory_space<hbm>> -> memref<1x1000x128xf32, #tpu.memory_space<hbm>>
    %dma_start3A_1809 = tpu.memref_squeeze %dma_start3A_1808 : memref<1x1000x128xf32, #tpu.memory_space<hbm>> -> memref<1000x128xf32, #tpu.memory_space<hbm>>
    tpu.enqueue_dma source(%arg6 : memref<1000x128xf32, #tpu.memory_space<vmem>>) target(%dma_start3A_1809 : memref<1000x128xf32, #tpu.memory_space<hbm>>) target_semaphore(%dma_start3A_1806 : memref<!tpu.dma_semaphore, #tpu.memory_space<semaphore_mem>>)
    %dma_wait3A_1810 = arith.constant 12 : i32
    %dma_wait3A_1811 = arith.constant 0 : i32
    %dma_wait3A_1812 = arith.constant 0 : i32
    %dma_wait3A_1813 = tpu.memref_slice %arg4[%dma_wait3A_1810, %dma_wait3A_1812, %mul3A_2] : memref<20x1000x4096xf32, #tpu.memory_space<hbm>> -> memref<1x1000x128xf32, #tpu.memory_space<hbm>>
    %dma_wait3A_1814 = tpu.memref_squeeze %dma_wait3A_1813 : memref<1x1000x128xf32, #tpu.memory_space<hbm>> -> memref<1000x128xf32, #tpu.memory_space<hbm>>
    %dma_wait3A_1815 = tpu.memref_slice %arg7[%dma_wait3A_1811] : memref<2x!tpu.dma_semaphore, #tpu.memory_space<semaphore_mem>> -> memref<1x!tpu.dma_semaphore, #tpu.memory_space<semaphore_mem>>
    %dma_wait3A_1816 = tpu.memref_squeeze %dma_wait3A_1815 : memref<1x!tpu.dma_semaphore, #tpu.memory_space<semaphore_mem>> -> memref<!tpu.dma_semaphore, #tpu.memory_space<semaphore_mem>>
    %dma_wait3A_1817 = arith.constant 0 : i32
    %dma_wait3A_1818 = tpu.memref_slice %arg4[%dma_wait3A_1810, %dma_wait3A_1817, %mul3A_2] : memref<20x1000x4096xf32, #tpu.memory_space<hbm>> -> memref<1x1000x128xf32, #tpu.memory_space<hbm>>
    %dma_wait3A_1819 = tpu.memref_squeeze %dma_wait3A_1818 : memref<1x1000x128xf32, #tpu.memory_space<hbm>> -> memref<1000x128xf32, #tpu.memory_space<hbm>>
    tpu.wait_dma2 semaphore(%dma_wait3A_1816 : memref<!tpu.dma_semaphore, #tpu.memory_space<semaphore_mem>>) src(%arg6 : memref<1000x128xf32, #tpu.memory_space<vmem>>) dst(%dma_wait3A_1819 : memref<1000x128xf32, #tpu.memory_space<hbm>>)
    %broadcast_in_dim3A_1820 = arith.constant 0.000000e+00 : f32
    %broadcast_in_dim3A_1821 = vector.broadcast %broadcast_in_dim3A_1820 : f32 to vector<16xf32>
    %iota3A_1822 = tpu.iota {dimensions = array<i32: 0>} : vector<16xi32>
    %broadcast_in_dim3A_1823 = arith.constant 20 : i32
    %broadcast_in_dim3A_1824 = vector.broadcast %broadcast_in_dim3A_1823 : i32 to vector<16xi32>
    %mul3A_1825 = arith.muli %iota3A_1822, %broadcast_in_dim3A_1824 : vector<16xi32>
    %broadcast_in_dim3A_1826 = arith.constant 12 : i32
    %broadcast_in_dim3A_1827 = vector.broadcast %broadcast_in_dim3A_1826 : i32 to vector<16xi32>
    %add3A_1828 = arith.addi %mul3A_1825, %broadcast_in_dim3A_1827 : vector<16xi32>
    %gather3A_1829 = tpu.vector_load_idx %arg5[%add3A_1828] : memref<2560xi32, #tpu.memory_space<vmem>>[vector<16xi32>], vector<16xi32>,
    %broadcast_in_dim3A_1830 = arith.constant 0 : i32
    %broadcast_in_dim3A_1831 = vector.broadcast %broadcast_in_dim3A_1830 : i32 to vector<16xi32>
    %add3A_1832 = arith.addi %iota3A_1822, %broadcast_in_dim3A_1831 : vector<16xi32>
    tpu.vector_store_idx %arg6[%gather3A_1829, %add3A_1832], %broadcast_in_dim3A_1821 : memref<1000x128xf32, #tpu.memory_space<vmem>>[vector<16xi32>, vector<16xi32>], vector<16xf32>,
    %broadcast_in_dim3A_1833 = arith.constant 332 : i32
    %broadcast_in_dim3A_1834 = vector.broadcast %broadcast_in_dim3A_1833 : i32 to vector<16xi32>
    %add3A_1835 = arith.addi %mul3A_1825, %broadcast_in_dim3A_1834 : vector<16xi32>
    %gather3A_1836 = tpu.vector_load_idx %arg5[%add3A_1835] : memref<2560xi32, #tpu.memory_space<vmem>>[vector<16xi32>], vector<16xi32>,
    %broadcast_in_dim3A_1837 = arith.constant 16 : i32
    %broadcast_in_dim3A_1838 = vector.broadcast %broadcast_in_dim3A_1837 : i32 to vector<16xi32>
    %add3A_1839 = arith.addi %iota3A_1822, %broadcast_in_dim3A_1838 : vector<16xi32>
    tpu.vector_store_idx %arg6[%gather3A_1836, %add3A_1839], %broadcast_in_dim3A_1821 : memref<1000x128xf32, #tpu.memory_space<vmem>>[vector<16xi32>, vector<16xi32>], vector<16xf32>,
    %broadcast_in_dim3A_1840 = arith.constant 652 : i32
    %broadcast_in_dim3A_1841 = vector.broadcast %broadcast_in_dim3A_1840 : i32 to vector<16xi32>
    %add3A_1842 = arith.addi %mul3A_1825, %broadcast_in_dim3A_1841 : vector<16xi32>
    %gather3A_1843 = tpu.vector_load_idx %arg5[%add3A_1842] : memref<2560xi32, #tpu.memory_space<vmem>>[vector<16xi32>], vector<16xi32>,
    %broadcast_in_dim3A_1844 = arith.constant 32 : i32
    %broadcast_in_dim3A_1845 = vector.broadcast %broadcast_in_dim3A_1844 : i32 to vector<16xi32>
    %add3A_1846 = arith.addi %iota3A_1822, %broadcast_in_dim3A_1845 : vector<16xi32>
    tpu.vector_store_idx %arg6[%gather3A_1843, %add3A_1846], %broadcast_in_dim3A_1821 : memref<1000x128xf32, #tpu.memory_space<vmem>>[vector<16xi32>, vector<16xi32>], vector<16xf32>,
    %broadcast_in_dim3A_1847 = arith.constant 972 : i32
    %broadcast_in_dim3A_1848 = vector.broadcast %broadcast_in_dim3A_1847 : i32 to vector<16xi32>
    %add3A_1849 = arith.addi %mul3A_1825, %broadcast_in_dim3A_1848 : vector<16xi32>
    %gather3A_1850 = tpu.vector_load_idx %arg5[%add3A_1849] : memref<2560xi32, #tpu.memory_space<vmem>>[vector<16xi32>], vector<16xi32>,
    %broadcast_in_dim3A_1851 = arith.constant 48 : i32
    %broadcast_in_dim3A_1852 = vector.broadcast %broadcast_in_dim3A_1851 : i32 to vector<16xi32>
    %add3A_1853 = arith.addi %iota3A_1822, %broadcast_in_dim3A_1852 : vector<16xi32>
    tpu.vector_store_idx %arg6[%gather3A_1850, %add3A_1853], %broadcast_in_dim3A_1821 : memref<1000x128xf32, #tpu.memory_space<vmem>>[vector<16xi32>, vector<16xi32>], vector<16xf32>,
    %broadcast_in_dim3A_1854 = arith.constant 1292 : i32
    %broadcast_in_dim3A_1855 = vector.broadcast %broadcast_in_dim3A_1854 : i32 to vector<16xi32>
    %add3A_1856 = arith.addi %mul3A_1825, %broadcast_in_dim3A_1855 : vector<16xi32>
    %gather3A_1857 = tpu.vector_load_idx %arg5[%add3A_1856] : memref<2560xi32, #tpu.memory_space<vmem>>[vector<16xi32>], vector<16xi32>,
    %broadcast_in_dim3A_1858 = arith.constant 64 : i32
    %broadcast_in_dim3A_1859 = vector.broadcast %broadcast_in_dim3A_1858 : i32 to vector<16xi32>
    %add3A_1860 = arith.addi %iota3A_1822, %broadcast_in_dim3A_1859 : vector<16xi32>
    tpu.vector_store_idx %arg6[%gather3A_1857, %add3A_1860], %broadcast_in_dim3A_1821 : memref<1000x128xf32, #tpu.memory_space<vmem>>[vector<16xi32>, vector<16xi32>], vector<16xf32>,
    %broadcast_in_dim3A_1861 = arith.constant 1612 : i32
    %broadcast_in_dim3A_1862 = vector.broadcast %broadcast_in_dim3A_1861 : i32 to vector<16xi32>
    %add3A_1863 = arith.addi %mul3A_1825, %broadcast_in_dim3A_1862 : vector<16xi32>
    %gather3A_1864 = tpu.vector_load_idx %arg5[%add3A_1863] : memref<2560xi32, #tpu.memory_space<vmem>>[vector<16xi32>], vector<16xi32>,
    %broadcast_in_dim3A_1865 = arith.constant 80 : i32
    %broadcast_in_dim3A_1866 = vector.broadcast %broadcast_in_dim3A_1865 : i32 to vector<16xi32>
    %add3A_1867 = arith.addi %iota3A_1822, %broadcast_in_dim3A_1866 : vector<16xi32>
    tpu.vector_store_idx %arg6[%gather3A_1864, %add3A_1867], %broadcast_in_dim3A_1821 : memref<1000x128xf32, #tpu.memory_space<vmem>>[vector<16xi32>, vector<16xi32>], vector<16xf32>,
    %broadcast_in_dim3A_1868 = arith.constant 1932 : i32
    %broadcast_in_dim3A_1869 = vector.broadcast %broadcast_in_dim3A_1868 : i32 to vector<16xi32>
    %add3A_1870 = arith.addi %mul3A_1825, %broadcast_in_dim3A_1869 : vector<16xi32>
    %gather3A_1871 = tpu.vector_load_idx %arg5[%add3A_1870] : memref<2560xi32, #tpu.memory_space<vmem>>[vector<16xi32>], vector<16xi32>,
    %broadcast_in_dim3A_1872 = arith.constant 96 : i32
    %broadcast_in_dim3A_1873 = vector.broadcast %broadcast_in_dim3A_1872 : i32 to vector<16xi32>
    %add3A_1874 = arith.addi %iota3A_1822, %broadcast_in_dim3A_1873 : vector<16xi32>
    tpu.vector_store_idx %arg6[%gather3A_1871, %add3A_1874], %broadcast_in_dim3A_1821 : memref<1000x128xf32, #tpu.memory_space<vmem>>[vector<16xi32>, vector<16xi32>], vector<16xf32>,
    %broadcast_in_dim3A_1875 = arith.constant 2252 : i32
    %broadcast_in_dim3A_1876 = vector.broadcast %broadcast_in_dim3A_1875 : i32 to vector<16xi32>
    %add3A_1877 = arith.addi %mul3A_1825, %broadcast_in_dim3A_1876 : vector<16xi32>
    %gather3A_1878 = tpu.vector_load_idx %arg5[%add3A_1877] : memref<2560xi32, #tpu.memory_space<vmem>>[vector<16xi32>], vector<16xi32>,
    %broadcast_in_dim3A_1879 = arith.constant 112 : i32
    %broadcast_in_dim3A_1880 = vector.broadcast %broadcast_in_dim3A_1879 : i32 to vector<16xi32>
    %add3A_1881 = arith.addi %iota3A_1822, %broadcast_in_dim3A_1880 : vector<16xi32>
    tpu.vector_store_idx %arg6[%gather3A_1878, %add3A_1881], %broadcast_in_dim3A_1821 : memref<1000x128xf32, #tpu.memory_space<vmem>>[vector<16xi32>, vector<16xi32>], vector<16xf32>,
    %broadcast_in_dim3A_1882 = arith.constant 1.000000e+00 : f32
    %broadcast_in_dim3A_1883 = vector.broadcast %broadcast_in_dim3A_1882 : f32 to vector<16xf32>
    %iota3A_1884 = tpu.iota {dimensions = array<i32: 0>} : vector<16xi32>
    %broadcast_in_dim3A_1885 = arith.constant 20 : i32
    %broadcast_in_dim3A_1886 = vector.broadcast %broadcast_in_dim3A_1885 : i32 to vector<16xi32>
    %mul3A_1887 = arith.muli %iota3A_1884, %broadcast_in_dim3A_1886 : vector<16xi32>
    %broadcast_in_dim3A_1888 = arith.constant 13 : i32
    %broadcast_in_dim3A_1889 = vector.broadcast %broadcast_in_dim3A_1888 : i32 to vector<16xi32>
    %add3A_1890 = arith.addi %mul3A_1887, %broadcast_in_dim3A_1889 : vector<16xi32>
    %gather3A_1891 = tpu.vector_load_idx %arg5[%add3A_1890] : memref<2560xi32, #tpu.memory_space<vmem>>[vector<16xi32>], vector<16xi32>,
    %broadcast_in_dim3A_1892 = arith.constant 0 : i32
    %broadcast_in_dim3A_1893 = vector.broadcast %broadcast_in_dim3A_1892 : i32 to vector<16xi32>
    %add3A_1894 = arith.addi %iota3A_1884, %broadcast_in_dim3A_1893 : vector<16xi32>
    tpu.vector_store_idx %arg6[%gather3A_1891, %add3A_1894], %broadcast_in_dim3A_1883 : memref<1000x128xf32, #tpu.memory_space<vmem>>[vector<16xi32>, vector<16xi32>], vector<16xf32>,
    %broadcast_in_dim3A_1895 = arith.constant 333 : i32
    %broadcast_in_dim3A_1896 = vector.broadcast %broadcast_in_dim3A_1895 : i32 to vector<16xi32>
    %add3A_1897 = arith.addi %mul3A_1887, %broadcast_in_dim3A_1896 : vector<16xi32>
    %gather3A_1898 = tpu.vector_load_idx %arg5[%add3A_1897] : memref<2560xi32, #tpu.memory_space<vmem>>[vector<16xi32>], vector<16xi32>,
    %broadcast_in_dim3A_1899 = arith.constant 16 : i32
    %broadcast_in_dim3A_1900 = vector.broadcast %broadcast_in_dim3A_1899 : i32 to vector<16xi32>
    %add3A_1901 = arith.addi %iota3A_1884, %broadcast_in_dim3A_1900 : vector<16xi32>
    tpu.vector_store_idx %arg6[%gather3A_1898, %add3A_1901], %broadcast_in_dim3A_1883 : memref<1000x128xf32, #tpu.memory_space<vmem>>[vector<16xi32>, vector<16xi32>], vector<16xf32>,
    %broadcast_in_dim3A_1902 = arith.constant 653 : i32
    %broadcast_in_dim3A_1903 = vector.broadcast %broadcast_in_dim3A_1902 : i32 to vector<16xi32>
    %add3A_1904 = arith.addi %mul3A_1887, %broadcast_in_dim3A_1903 : vector<16xi32>
    %gather3A_1905 = tpu.vector_load_idx %arg5[%add3A_1904] : memref<2560xi32, #tpu.memory_space<vmem>>[vector<16xi32>], vector<16xi32>,
    %broadcast_in_dim3A_1906 = arith.constant 32 : i32
    %broadcast_in_dim3A_1907 = vector.broadcast %broadcast_in_dim3A_1906 : i32 to vector<16xi32>
    %add3A_1908 = arith.addi %iota3A_1884, %broadcast_in_dim3A_1907 : vector<16xi32>
    tpu.vector_store_idx %arg6[%gather3A_1905, %add3A_1908], %broadcast_in_dim3A_1883 : memref<1000x128xf32, #tpu.memory_space<vmem>>[vector<16xi32>, vector<16xi32>], vector<16xf32>,
    %broadcast_in_dim3A_1909 = arith.constant 973 : i32
    %broadcast_in_dim3A_1910 = vector.broadcast %broadcast_in_dim3A_1909 : i32 to vector<16xi32>
    %add3A_1911 = arith.addi %mul3A_1887, %broadcast_in_dim3A_1910 : vector<16xi32>
    %gather3A_1912 = tpu.vector_load_idx %arg5[%add3A_1911] : memref<2560xi32, #tpu.memory_space<vmem>>[vector<16xi32>], vector<16xi32>,
    %broadcast_in_dim3A_1913 = arith.constant 48 : i32
    %broadcast_in_dim3A_1914 = vector.broadcast %broadcast_in_dim3A_1913 : i32 to vector<16xi32>
    %add3A_1915 = arith.addi %iota3A_1884, %broadcast_in_dim3A_1914 : vector<16xi32>
    tpu.vector_store_idx %arg6[%gather3A_1912, %add3A_1915], %broadcast_in_dim3A_1883 : memref<1000x128xf32, #tpu.memory_space<vmem>>[vector<16xi32>, vector<16xi32>], vector<16xf32>,
    %broadcast_in_dim3A_1916 = arith.constant 1293 : i32
    %broadcast_in_dim3A_1917 = vector.broadcast %broadcast_in_dim3A_1916 : i32 to vector<16xi32>
    %add3A_1918 = arith.addi %mul3A_1887, %broadcast_in_dim3A_1917 : vector<16xi32>
    %gather3A_1919 = tpu.vector_load_idx %arg5[%add3A_1918] : memref<2560xi32, #tpu.memory_space<vmem>>[vector<16xi32>], vector<16xi32>,
    %broadcast_in_dim3A_1920 = arith.constant 64 : i32
    %broadcast_in_dim3A_1921 = vector.broadcast %broadcast_in_dim3A_1920 : i32 to vector<16xi32>
    %add3A_1922 = arith.addi %iota3A_1884, %broadcast_in_dim3A_1921 : vector<16xi32>
    tpu.vector_store_idx %arg6[%gather3A_1919, %add3A_1922], %broadcast_in_dim3A_1883 : memref<1000x128xf32, #tpu.memory_space<vmem>>[vector<16xi32>, vector<16xi32>], vector<16xf32>,
    %broadcast_in_dim3A_1923 = arith.constant 1613 : i32
    %broadcast_in_dim3A_1924 = vector.broadcast %broadcast_in_dim3A_1923 : i32 to vector<16xi32>
    %add3A_1925 = arith.addi %mul3A_1887, %broadcast_in_dim3A_1924 : vector<16xi32>
    %gather3A_1926 = tpu.vector_load_idx %arg5[%add3A_1925] : memref<2560xi32, #tpu.memory_space<vmem>>[vector<16xi32>], vector<16xi32>,
    %broadcast_in_dim3A_1927 = arith.constant 80 : i32
    %broadcast_in_dim3A_1928 = vector.broadcast %broadcast_in_dim3A_1927 : i32 to vector<16xi32>
    %add3A_1929 = arith.addi %iota3A_1884, %broadcast_in_dim3A_1928 : vector<16xi32>
    tpu.vector_store_idx %arg6[%gather3A_1926, %add3A_1929], %broadcast_in_dim3A_1883 : memref<1000x128xf32, #tpu.memory_space<vmem>>[vector<16xi32>, vector<16xi32>], vector<16xf32>,
    %broadcast_in_dim3A_1930 = arith.constant 1933 : i32
    %broadcast_in_dim3A_1931 = vector.broadcast %broadcast_in_dim3A_1930 : i32 to vector<16xi32>
    %add3A_1932 = arith.addi %mul3A_1887, %broadcast_in_dim3A_1931 : vector<16xi32>
    %gather3A_1933 = tpu.vector_load_idx %arg5[%add3A_1932] : memref<2560xi32, #tpu.memory_space<vmem>>[vector<16xi32>], vector<16xi32>,
    %broadcast_in_dim3A_1934 = arith.constant 96 : i32
    %broadcast_in_dim3A_1935 = vector.broadcast %broadcast_in_dim3A_1934 : i32 to vector<16xi32>
    %add3A_1936 = arith.addi %iota3A_1884, %broadcast_in_dim3A_1935 : vector<16xi32>
    tpu.vector_store_idx %arg6[%gather3A_1933, %add3A_1936], %broadcast_in_dim3A_1883 : memref<1000x128xf32, #tpu.memory_space<vmem>>[vector<16xi32>, vector<16xi32>], vector<16xf32>,
    %broadcast_in_dim3A_1937 = arith.constant 2253 : i32
    %broadcast_in_dim3A_1938 = vector.broadcast %broadcast_in_dim3A_1937 : i32 to vector<16xi32>
    %add3A_1939 = arith.addi %mul3A_1887, %broadcast_in_dim3A_1938 : vector<16xi32>
    %gather3A_1940 = tpu.vector_load_idx %arg5[%add3A_1939] : memref<2560xi32, #tpu.memory_space<vmem>>[vector<16xi32>], vector<16xi32>,
    %broadcast_in_dim3A_1941 = arith.constant 112 : i32
    %broadcast_in_dim3A_1942 = vector.broadcast %broadcast_in_dim3A_1941 : i32 to vector<16xi32>
    %add3A_1943 = arith.addi %iota3A_1884, %broadcast_in_dim3A_1942 : vector<16xi32>
    tpu.vector_store_idx %arg6[%gather3A_1940, %add3A_1943], %broadcast_in_dim3A_1883 : memref<1000x128xf32, #tpu.memory_space<vmem>>[vector<16xi32>, vector<16xi32>], vector<16xf32>,
    %dma_start3A_1944 = arith.constant 13 : i32
    %dma_start3A_1945 = arith.constant 0 : i32
    %dma_start3A_1946 = arith.constant 0 : i32
    %dma_start3A_1947 = tpu.memref_slice %arg4[%dma_start3A_1944, %dma_start3A_1946, %mul3A_2] : memref<20x1000x4096xf32, #tpu.memory_space<hbm>> -> memref<1x1000x128xf32, #tpu.memory_space<hbm>>
    %dma_start3A_1948 = tpu.memref_squeeze %dma_start3A_1947 : memref<1x1000x128xf32, #tpu.memory_space<hbm>> -> memref<1000x128xf32, #tpu.memory_space<hbm>>
    %dma_start3A_1949 = tpu.memref_slice %arg7[%dma_start3A_1945] : memref<2x!tpu.dma_semaphore, #tpu.memory_space<semaphore_mem>> -> memref<1x!tpu.dma_semaphore, #tpu.memory_space<semaphore_mem>>
    %dma_start3A_1950 = tpu.memref_squeeze %dma_start3A_1949 : memref<1x!tpu.dma_semaphore, #tpu.memory_space<semaphore_mem>> -> memref<!tpu.dma_semaphore, #tpu.memory_space<semaphore_mem>>
    %dma_start3A_1951 = arith.constant 0 : i32
    %dma_start3A_1952 = tpu.memref_slice %arg4[%dma_start3A_1944, %dma_start3A_1951, %mul3A_2] : memref<20x1000x4096xf32, #tpu.memory_space<hbm>> -> memref<1x1000x128xf32, #tpu.memory_space<hbm>>
    %dma_start3A_1953 = tpu.memref_squeeze %dma_start3A_1952 : memref<1x1000x128xf32, #tpu.memory_space<hbm>> -> memref<1000x128xf32, #tpu.memory_space<hbm>>
    tpu.enqueue_dma source(%arg6 : memref<1000x128xf32, #tpu.memory_space<vmem>>) target(%dma_start3A_1953 : memref<1000x128xf32, #tpu.memory_space<hbm>>) target_semaphore(%dma_start3A_1950 : memref<!tpu.dma_semaphore, #tpu.memory_space<semaphore_mem>>)
    %dma_wait3A_1954 = arith.constant 13 : i32
    %dma_wait3A_1955 = arith.constant 0 : i32
    %dma_wait3A_1956 = arith.constant 0 : i32
    %dma_wait3A_1957 = tpu.memref_slice %arg4[%dma_wait3A_1954, %dma_wait3A_1956, %mul3A_2] : memref<20x1000x4096xf32, #tpu.memory_space<hbm>> -> memref<1x1000x128xf32, #tpu.memory_space<hbm>>
    %dma_wait3A_1958 = tpu.memref_squeeze %dma_wait3A_1957 : memref<1x1000x128xf32, #tpu.memory_space<hbm>> -> memref<1000x128xf32, #tpu.memory_space<hbm>>
    %dma_wait3A_1959 = tpu.memref_slice %arg7[%dma_wait3A_1955] : memref<2x!tpu.dma_semaphore, #tpu.memory_space<semaphore_mem>> -> memref<1x!tpu.dma_semaphore, #tpu.memory_space<semaphore_mem>>
    %dma_wait3A_1960 = tpu.memref_squeeze %dma_wait3A_1959 : memref<1x!tpu.dma_semaphore, #tpu.memory_space<semaphore_mem>> -> memref<!tpu.dma_semaphore, #tpu.memory_space<semaphore_mem>>
    %dma_wait3A_1961 = arith.constant 0 : i32
    %dma_wait3A_1962 = tpu.memref_slice %arg4[%dma_wait3A_1954, %dma_wait3A_1961, %mul3A_2] : memref<20x1000x4096xf32, #tpu.memory_space<hbm>> -> memref<1x1000x128xf32, #tpu.memory_space<hbm>>
    %dma_wait3A_1963 = tpu.memref_squeeze %dma_wait3A_1962 : memref<1x1000x128xf32, #tpu.memory_space<hbm>> -> memref<1000x128xf32, #tpu.memory_space<hbm>>
    tpu.wait_dma2 semaphore(%dma_wait3A_1960 : memref<!tpu.dma_semaphore, #tpu.memory_space<semaphore_mem>>) src(%arg6 : memref<1000x128xf32, #tpu.memory_space<vmem>>) dst(%dma_wait3A_1963 : memref<1000x128xf32, #tpu.memory_space<hbm>>)
    %broadcast_in_dim3A_1964 = arith.constant 0.000000e+00 : f32
    %broadcast_in_dim3A_1965 = vector.broadcast %broadcast_in_dim3A_1964 : f32 to vector<16xf32>
    %iota3A_1966 = tpu.iota {dimensions = array<i32: 0>} : vector<16xi32>
    %broadcast_in_dim3A_1967 = arith.constant 20 : i32
    %broadcast_in_dim3A_1968 = vector.broadcast %broadcast_in_dim3A_1967 : i32 to vector<16xi32>
    %mul3A_1969 = arith.muli %iota3A_1966, %broadcast_in_dim3A_1968 : vector<16xi32>
    %broadcast_in_dim3A_1970 = arith.constant 13 : i32
    %broadcast_in_dim3A_1971 = vector.broadcast %broadcast_in_dim3A_1970 : i32 to vector<16xi32>
    %add3A_1972 = arith.addi %mul3A_1969, %broadcast_in_dim3A_1971 : vector<16xi32>
    %gather3A_1973 = tpu.vector_load_idx %arg5[%add3A_1972] : memref<2560xi32, #tpu.memory_space<vmem>>[vector<16xi32>], vector<16xi32>,
    %broadcast_in_dim3A_1974 = arith.constant 0 : i32
    %broadcast_in_dim3A_1975 = vector.broadcast %broadcast_in_dim3A_1974 : i32 to vector<16xi32>
    %add3A_1976 = arith.addi %iota3A_1966, %broadcast_in_dim3A_1975 : vector<16xi32>
    tpu.vector_store_idx %arg6[%gather3A_1973, %add3A_1976], %broadcast_in_dim3A_1965 : memref<1000x128xf32, #tpu.memory_space<vmem>>[vector<16xi32>, vector<16xi32>], vector<16xf32>,
    %broadcast_in_dim3A_1977 = arith.constant 333 : i32
    %broadcast_in_dim3A_1978 = vector.broadcast %broadcast_in_dim3A_1977 : i32 to vector<16xi32>
    %add3A_1979 = arith.addi %mul3A_1969, %broadcast_in_dim3A_1978 : vector<16xi32>
    %gather3A_1980 = tpu.vector_load_idx %arg5[%add3A_1979] : memref<2560xi32, #tpu.memory_space<vmem>>[vector<16xi32>], vector<16xi32>,
    %broadcast_in_dim3A_1981 = arith.constant 16 : i32
    %broadcast_in_dim3A_1982 = vector.broadcast %broadcast_in_dim3A_1981 : i32 to vector<16xi32>
    %add3A_1983 = arith.addi %iota3A_1966, %broadcast_in_dim3A_1982 : vector<16xi32>
    tpu.vector_store_idx %arg6[%gather3A_1980, %add3A_1983], %broadcast_in_dim3A_1965 : memref<1000x128xf32, #tpu.memory_space<vmem>>[vector<16xi32>, vector<16xi32>], vector<16xf32>,
    %broadcast_in_dim3A_1984 = arith.constant 653 : i32
    %broadcast_in_dim3A_1985 = vector.broadcast %broadcast_in_dim3A_1984 : i32 to vector<16xi32>
    %add3A_1986 = arith.addi %mul3A_1969, %broadcast_in_dim3A_1985 : vector<16xi32>
    %gather3A_1987 = tpu.vector_load_idx %arg5[%add3A_1986] : memref<2560xi32, #tpu.memory_space<vmem>>[vector<16xi32>], vector<16xi32>,
    %broadcast_in_dim3A_1988 = arith.constant 32 : i32
    %broadcast_in_dim3A_1989 = vector.broadcast %broadcast_in_dim3A_1988 : i32 to vector<16xi32>
    %add3A_1990 = arith.addi %iota3A_1966, %broadcast_in_dim3A_1989 : vector<16xi32>
    tpu.vector_store_idx %arg6[%gather3A_1987, %add3A_1990], %broadcast_in_dim3A_1965 : memref<1000x128xf32, #tpu.memory_space<vmem>>[vector<16xi32>, vector<16xi32>], vector<16xf32>,
    %broadcast_in_dim3A_1991 = arith.constant 973 : i32
    %broadcast_in_dim3A_1992 = vector.broadcast %broadcast_in_dim3A_1991 : i32 to vector<16xi32>
    %add3A_1993 = arith.addi %mul3A_1969, %broadcast_in_dim3A_1992 : vector<16xi32>
    %gather3A_1994 = tpu.vector_load_idx %arg5[%add3A_1993] : memref<2560xi32, #tpu.memory_space<vmem>>[vector<16xi32>], vector<16xi32>,
    %broadcast_in_dim3A_1995 = arith.constant 48 : i32
    %broadcast_in_dim3A_1996 = vector.broadcast %broadcast_in_dim3A_1995 : i32 to vector<16xi32>
    %add3A_1997 = arith.addi %iota3A_1966, %broadcast_in_dim3A_1996 : vector<16xi32>
    tpu.vector_store_idx %arg6[%gather3A_1994, %add3A_1997], %broadcast_in_dim3A_1965 : memref<1000x128xf32, #tpu.memory_space<vmem>>[vector<16xi32>, vector<16xi32>], vector<16xf32>,
    %broadcast_in_dim3A_1998 = arith.constant 1293 : i32
    %broadcast_in_dim3A_1999 = vector.broadcast %broadcast_in_dim3A_1998 : i32 to vector<16xi32>
    %add3A_2000 = arith.addi %mul3A_1969, %broadcast_in_dim3A_1999 : vector<16xi32>
    %gather3A_2001 = tpu.vector_load_idx %arg5[%add3A_2000] : memref<2560xi32, #tpu.memory_space<vmem>>[vector<16xi32>], vector<16xi32>,
    %broadcast_in_dim3A_2002 = arith.constant 64 : i32
    %broadcast_in_dim3A_2003 = vector.broadcast %broadcast_in_dim3A_2002 : i32 to vector<16xi32>
    %add3A_2004 = arith.addi %iota3A_1966, %broadcast_in_dim3A_2003 : vector<16xi32>
    tpu.vector_store_idx %arg6[%gather3A_2001, %add3A_2004], %broadcast_in_dim3A_1965 : memref<1000x128xf32, #tpu.memory_space<vmem>>[vector<16xi32>, vector<16xi32>], vector<16xf32>,
    %broadcast_in_dim3A_2005 = arith.constant 1613 : i32
    %broadcast_in_dim3A_2006 = vector.broadcast %broadcast_in_dim3A_2005 : i32 to vector<16xi32>
    %add3A_2007 = arith.addi %mul3A_1969, %broadcast_in_dim3A_2006 : vector<16xi32>
    %gather3A_2008 = tpu.vector_load_idx %arg5[%add3A_2007] : memref<2560xi32, #tpu.memory_space<vmem>>[vector<16xi32>], vector<16xi32>,
    %broadcast_in_dim3A_2009 = arith.constant 80 : i32
    %broadcast_in_dim3A_2010 = vector.broadcast %broadcast_in_dim3A_2009 : i32 to vector<16xi32>
    %add3A_2011 = arith.addi %iota3A_1966, %broadcast_in_dim3A_2010 : vector<16xi32>
    tpu.vector_store_idx %arg6[%gather3A_2008, %add3A_2011], %broadcast_in_dim3A_1965 : memref<1000x128xf32, #tpu.memory_space<vmem>>[vector<16xi32>, vector<16xi32>], vector<16xf32>,
    %broadcast_in_dim3A_2012 = arith.constant 1933 : i32
    %broadcast_in_dim3A_2013 = vector.broadcast %broadcast_in_dim3A_2012 : i32 to vector<16xi32>
    %add3A_2014 = arith.addi %mul3A_1969, %broadcast_in_dim3A_2013 : vector<16xi32>
    %gather3A_2015 = tpu.vector_load_idx %arg5[%add3A_2014] : memref<2560xi32, #tpu.memory_space<vmem>>[vector<16xi32>], vector<16xi32>,
    %broadcast_in_dim3A_2016 = arith.constant 96 : i32
    %broadcast_in_dim3A_2017 = vector.broadcast %broadcast_in_dim3A_2016 : i32 to vector<16xi32>
    %add3A_2018 = arith.addi %iota3A_1966, %broadcast_in_dim3A_2017 : vector<16xi32>
    tpu.vector_store_idx %arg6[%gather3A_2015, %add3A_2018], %broadcast_in_dim3A_1965 : memref<1000x128xf32, #tpu.memory_space<vmem>>[vector<16xi32>, vector<16xi32>], vector<16xf32>,
    %broadcast_in_dim3A_2019 = arith.constant 2253 : i32
    %broadcast_in_dim3A_2020 = vector.broadcast %broadcast_in_dim3A_2019 : i32 to vector<16xi32>
    %add3A_2021 = arith.addi %mul3A_1969, %broadcast_in_dim3A_2020 : vector<16xi32>
    %gather3A_2022 = tpu.vector_load_idx %arg5[%add3A_2021] : memref<2560xi32, #tpu.memory_space<vmem>>[vector<16xi32>], vector<16xi32>,
    %broadcast_in_dim3A_2023 = arith.constant 112 : i32
    %broadcast_in_dim3A_2024 = vector.broadcast %broadcast_in_dim3A_2023 : i32 to vector<16xi32>
    %add3A_2025 = arith.addi %iota3A_1966, %broadcast_in_dim3A_2024 : vector<16xi32>
    tpu.vector_store_idx %arg6[%gather3A_2022, %add3A_2025], %broadcast_in_dim3A_1965 : memref<1000x128xf32, #tpu.memory_space<vmem>>[vector<16xi32>, vector<16xi32>], vector<16xf32>,
    %broadcast_in_dim3A_2026 = arith.constant 1.000000e+00 : f32
    %broadcast_in_dim3A_2027 = vector.broadcast %broadcast_in_dim3A_2026 : f32 to vector<16xf32>
    %iota3A_2028 = tpu.iota {dimensions = array<i32: 0>} : vector<16xi32>
    %broadcast_in_dim3A_2029 = arith.constant 20 : i32
    %broadcast_in_dim3A_2030 = vector.broadcast %broadcast_in_dim3A_2029 : i32 to vector<16xi32>
    %mul3A_2031 = arith.muli %iota3A_2028, %broadcast_in_dim3A_2030 : vector<16xi32>
    %broadcast_in_dim3A_2032 = arith.constant 14 : i32
    %broadcast_in_dim3A_2033 = vector.broadcast %broadcast_in_dim3A_2032 : i32 to vector<16xi32>
    %add3A_2034 = arith.addi %mul3A_2031, %broadcast_in_dim3A_2033 : vector<16xi32>
    %gather3A_2035 = tpu.vector_load_idx %arg5[%add3A_2034] : memref<2560xi32, #tpu.memory_space<vmem>>[vector<16xi32>], vector<16xi32>,
    %broadcast_in_dim3A_2036 = arith.constant 0 : i32
    %broadcast_in_dim3A_2037 = vector.broadcast %broadcast_in_dim3A_2036 : i32 to vector<16xi32>
    %add3A_2038 = arith.addi %iota3A_2028, %broadcast_in_dim3A_2037 : vector<16xi32>
    tpu.vector_store_idx %arg6[%gather3A_2035, %add3A_2038], %broadcast_in_dim3A_2027 : memref<1000x128xf32, #tpu.memory_space<vmem>>[vector<16xi32>, vector<16xi32>], vector<16xf32>,
    %broadcast_in_dim3A_2039 = arith.constant 334 : i32
    %broadcast_in_dim3A_2040 = vector.broadcast %broadcast_in_dim3A_2039 : i32 to vector<16xi32>
    %add3A_2041 = arith.addi %mul3A_2031, %broadcast_in_dim3A_2040 : vector<16xi32>
    %gather3A_2042 = tpu.vector_load_idx %arg5[%add3A_2041] : memref<2560xi32, #tpu.memory_space<vmem>>[vector<16xi32>], vector<16xi32>,
    %broadcast_in_dim3A_2043 = arith.constant 16 : i32
    %broadcast_in_dim3A_2044 = vector.broadcast %broadcast_in_dim3A_2043 : i32 to vector<16xi32>
    %add3A_2045 = arith.addi %iota3A_2028, %broadcast_in_dim3A_2044 : vector<16xi32>
    tpu.vector_store_idx %arg6[%gather3A_2042, %add3A_2045], %broadcast_in_dim3A_2027 : memref<1000x128xf32, #tpu.memory_space<vmem>>[vector<16xi32>, vector<16xi32>], vector<16xf32>,
    %broadcast_in_dim3A_2046 = arith.constant 654 : i32
    %broadcast_in_dim3A_2047 = vector.broadcast %broadcast_in_dim3A_2046 : i32 to vector<16xi32>
    %add3A_2048 = arith.addi %mul3A_2031, %broadcast_in_dim3A_2047 : vector<16xi32>
    %gather3A_2049 = tpu.vector_load_idx %arg5[%add3A_2048] : memref<2560xi32, #tpu.memory_space<vmem>>[vector<16xi32>], vector<16xi32>,
    %broadcast_in_dim3A_2050 = arith.constant 32 : i32
    %broadcast_in_dim3A_2051 = vector.broadcast %broadcast_in_dim3A_2050 : i32 to vector<16xi32>
    %add3A_2052 = arith.addi %iota3A_2028, %broadcast_in_dim3A_2051 : vector<16xi32>
    tpu.vector_store_idx %arg6[%gather3A_2049, %add3A_2052], %broadcast_in_dim3A_2027 : memref<1000x128xf32, #tpu.memory_space<vmem>>[vector<16xi32>, vector<16xi32>], vector<16xf32>,
    %broadcast_in_dim3A_2053 = arith.constant 974 : i32
    %broadcast_in_dim3A_2054 = vector.broadcast %broadcast_in_dim3A_2053 : i32 to vector<16xi32>
    %add3A_2055 = arith.addi %mul3A_2031, %broadcast_in_dim3A_2054 : vector<16xi32>
    %gather3A_2056 = tpu.vector_load_idx %arg5[%add3A_2055] : memref<2560xi32, #tpu.memory_space<vmem>>[vector<16xi32>], vector<16xi32>,
    %broadcast_in_dim3A_2057 = arith.constant 48 : i32
    %broadcast_in_dim3A_2058 = vector.broadcast %broadcast_in_dim3A_2057 : i32 to vector<16xi32>
    %add3A_2059 = arith.addi %iota3A_2028, %broadcast_in_dim3A_2058 : vector<16xi32>
    tpu.vector_store_idx %arg6[%gather3A_2056, %add3A_2059], %broadcast_in_dim3A_2027 : memref<1000x128xf32, #tpu.memory_space<vmem>>[vector<16xi32>, vector<16xi32>], vector<16xf32>,
    %broadcast_in_dim3A_2060 = arith.constant 1294 : i32
    %broadcast_in_dim3A_2061 = vector.broadcast %broadcast_in_dim3A_2060 : i32 to vector<16xi32>
    %add3A_2062 = arith.addi %mul3A_2031, %broadcast_in_dim3A_2061 : vector<16xi32>
    %gather3A_2063 = tpu.vector_load_idx %arg5[%add3A_2062] : memref<2560xi32, #tpu.memory_space<vmem>>[vector<16xi32>], vector<16xi32>,
    %broadcast_in_dim3A_2064 = arith.constant 64 : i32
    %broadcast_in_dim3A_2065 = vector.broadcast %broadcast_in_dim3A_2064 : i32 to vector<16xi32>
    %add3A_2066 = arith.addi %iota3A_2028, %broadcast_in_dim3A_2065 : vector<16xi32>
    tpu.vector_store_idx %arg6[%gather3A_2063, %add3A_2066], %broadcast_in_dim3A_2027 : memref<1000x128xf32, #tpu.memory_space<vmem>>[vector<16xi32>, vector<16xi32>], vector<16xf32>,
    %broadcast_in_dim3A_2067 = arith.constant 1614 : i32
    %broadcast_in_dim3A_2068 = vector.broadcast %broadcast_in_dim3A_2067 : i32 to vector<16xi32>
    %add3A_2069 = arith.addi %mul3A_2031, %broadcast_in_dim3A_2068 : vector<16xi32>
    %gather3A_2070 = tpu.vector_load_idx %arg5[%add3A_2069] : memref<2560xi32, #tpu.memory_space<vmem>>[vector<16xi32>], vector<16xi32>,
    %broadcast_in_dim3A_2071 = arith.constant 80 : i32
    %broadcast_in_dim3A_2072 = vector.broadcast %broadcast_in_dim3A_2071 : i32 to vector<16xi32>
    %add3A_2073 = arith.addi %iota3A_2028, %broadcast_in_dim3A_2072 : vector<16xi32>
    tpu.vector_store_idx %arg6[%gather3A_2070, %add3A_2073], %broadcast_in_dim3A_2027 : memref<1000x128xf32, #tpu.memory_space<vmem>>[vector<16xi32>, vector<16xi32>], vector<16xf32>,
    %broadcast_in_dim3A_2074 = arith.constant 1934 : i32
    %broadcast_in_dim3A_2075 = vector.broadcast %broadcast_in_dim3A_2074 : i32 to vector<16xi32>
    %add3A_2076 = arith.addi %mul3A_2031, %broadcast_in_dim3A_2075 : vector<16xi32>
    %gather3A_2077 = tpu.vector_load_idx %arg5[%add3A_2076] : memref<2560xi32, #tpu.memory_space<vmem>>[vector<16xi32>], vector<16xi32>,
    %broadcast_in_dim3A_2078 = arith.constant 96 : i32
    %broadcast_in_dim3A_2079 = vector.broadcast %broadcast_in_dim3A_2078 : i32 to vector<16xi32>
    %add3A_2080 = arith.addi %iota3A_2028, %broadcast_in_dim3A_2079 : vector<16xi32>
    tpu.vector_store_idx %arg6[%gather3A_2077, %add3A_2080], %broadcast_in_dim3A_2027 : memref<1000x128xf32, #tpu.memory_space<vmem>>[vector<16xi32>, vector<16xi32>], vector<16xf32>,
    %broadcast_in_dim3A_2081 = arith.constant 2254 : i32
    %broadcast_in_dim3A_2082 = vector.broadcast %broadcast_in_dim3A_2081 : i32 to vector<16xi32>
    %add3A_2083 = arith.addi %mul3A_2031, %broadcast_in_dim3A_2082 : vector<16xi32>
    %gather3A_2084 = tpu.vector_load_idx %arg5[%add3A_2083] : memref<2560xi32, #tpu.memory_space<vmem>>[vector<16xi32>], vector<16xi32>,
    %broadcast_in_dim3A_2085 = arith.constant 112 : i32
    %broadcast_in_dim3A_2086 = vector.broadcast %broadcast_in_dim3A_2085 : i32 to vector<16xi32>
    %add3A_2087 = arith.addi %iota3A_2028, %broadcast_in_dim3A_2086 : vector<16xi32>
    tpu.vector_store_idx %arg6[%gather3A_2084, %add3A_2087], %broadcast_in_dim3A_2027 : memref<1000x128xf32, #tpu.memory_space<vmem>>[vector<16xi32>, vector<16xi32>], vector<16xf32>,
    %dma_start3A_2088 = arith.constant 14 : i32
    %dma_start3A_2089 = arith.constant 0 : i32
    %dma_start3A_2090 = arith.constant 0 : i32
    %dma_start3A_2091 = tpu.memref_slice %arg4[%dma_start3A_2088, %dma_start3A_2090, %mul3A_2] : memref<20x1000x4096xf32, #tpu.memory_space<hbm>> -> memref<1x1000x128xf32, #tpu.memory_space<hbm>>
    %dma_start3A_2092 = tpu.memref_squeeze %dma_start3A_2091 : memref<1x1000x128xf32, #tpu.memory_space<hbm>> -> memref<1000x128xf32, #tpu.memory_space<hbm>>
    %dma_start3A_2093 = tpu.memref_slice %arg7[%dma_start3A_2089] : memref<2x!tpu.dma_semaphore, #tpu.memory_space<semaphore_mem>> -> memref<1x!tpu.dma_semaphore, #tpu.memory_space<semaphore_mem>>
    %dma_start3A_2094 = tpu.memref_squeeze %dma_start3A_2093 : memref<1x!tpu.dma_semaphore, #tpu.memory_space<semaphore_mem>> -> memref<!tpu.dma_semaphore, #tpu.memory_space<semaphore_mem>>
    %dma_start3A_2095 = arith.constant 0 : i32
    %dma_start3A_2096 = tpu.memref_slice %arg4[%dma_start3A_2088, %dma_start3A_2095, %mul3A_2] : memref<20x1000x4096xf32, #tpu.memory_space<hbm>> -> memref<1x1000x128xf32, #tpu.memory_space<hbm>>
    %dma_start3A_2097 = tpu.memref_squeeze %dma_start3A_2096 : memref<1x1000x128xf32, #tpu.memory_space<hbm>> -> memref<1000x128xf32, #tpu.memory_space<hbm>>
    tpu.enqueue_dma source(%arg6 : memref<1000x128xf32, #tpu.memory_space<vmem>>) target(%dma_start3A_2097 : memref<1000x128xf32, #tpu.memory_space<hbm>>) target_semaphore(%dma_start3A_2094 : memref<!tpu.dma_semaphore, #tpu.memory_space<semaphore_mem>>)
    %dma_wait3A_2098 = arith.constant 14 : i32
    %dma_wait3A_2099 = arith.constant 0 : i32
    %dma_wait3A_2100 = arith.constant 0 : i32
    %dma_wait3A_2101 = tpu.memref_slice %arg4[%dma_wait3A_2098, %dma_wait3A_2100, %mul3A_2] : memref<20x1000x4096xf32, #tpu.memory_space<hbm>> -> memref<1x1000x128xf32, #tpu.memory_space<hbm>>
    %dma_wait3A_2102 = tpu.memref_squeeze %dma_wait3A_2101 : memref<1x1000x128xf32, #tpu.memory_space<hbm>> -> memref<1000x128xf32, #tpu.memory_space<hbm>>
    %dma_wait3A_2103 = tpu.memref_slice %arg7[%dma_wait3A_2099] : memref<2x!tpu.dma_semaphore, #tpu.memory_space<semaphore_mem>> -> memref<1x!tpu.dma_semaphore, #tpu.memory_space<semaphore_mem>>
    %dma_wait3A_2104 = tpu.memref_squeeze %dma_wait3A_2103 : memref<1x!tpu.dma_semaphore, #tpu.memory_space<semaphore_mem>> -> memref<!tpu.dma_semaphore, #tpu.memory_space<semaphore_mem>>
    %dma_wait3A_2105 = arith.constant 0 : i32
    %dma_wait3A_2106 = tpu.memref_slice %arg4[%dma_wait3A_2098, %dma_wait3A_2105, %mul3A_2] : memref<20x1000x4096xf32, #tpu.memory_space<hbm>> -> memref<1x1000x128xf32, #tpu.memory_space<hbm>>
    %dma_wait3A_2107 = tpu.memref_squeeze %dma_wait3A_2106 : memref<1x1000x128xf32, #tpu.memory_space<hbm>> -> memref<1000x128xf32, #tpu.memory_space<hbm>>
    tpu.wait_dma2 semaphore(%dma_wait3A_2104 : memref<!tpu.dma_semaphore, #tpu.memory_space<semaphore_mem>>) src(%arg6 : memref<1000x128xf32, #tpu.memory_space<vmem>>) dst(%dma_wait3A_2107 : memref<1000x128xf32, #tpu.memory_space<hbm>>)
    %broadcast_in_dim3A_2108 = arith.constant 0.000000e+00 : f32
    %broadcast_in_dim3A_2109 = vector.broadcast %broadcast_in_dim3A_2108 : f32 to vector<16xf32>
    %iota3A_2110 = tpu.iota {dimensions = array<i32: 0>} : vector<16xi32>
    %broadcast_in_dim3A_2111 = arith.constant 20 : i32
    %broadcast_in_dim3A_2112 = vector.broadcast %broadcast_in_dim3A_2111 : i32 to vector<16xi32>
    %mul3A_2113 = arith.muli %iota3A_2110, %broadcast_in_dim3A_2112 : vector<16xi32>
    %broadcast_in_dim3A_2114 = arith.constant 14 : i32
    %broadcast_in_dim3A_2115 = vector.broadcast %broadcast_in_dim3A_2114 : i32 to vector<16xi32>
    %add3A_2116 = arith.addi %mul3A_2113, %broadcast_in_dim3A_2115 : vector<16xi32>
    %gather3A_2117 = tpu.vector_load_idx %arg5[%add3A_2116] : memref<2560xi32, #tpu.memory_space<vmem>>[vector<16xi32>], vector<16xi32>,
    %broadcast_in_dim3A_2118 = arith.constant 0 : i32
    %broadcast_in_dim3A_2119 = vector.broadcast %broadcast_in_dim3A_2118 : i32 to vector<16xi32>
    %add3A_2120 = arith.addi %iota3A_2110, %broadcast_in_dim3A_2119 : vector<16xi32>
    tpu.vector_store_idx %arg6[%gather3A_2117, %add3A_2120], %broadcast_in_dim3A_2109 : memref<1000x128xf32, #tpu.memory_space<vmem>>[vector<16xi32>, vector<16xi32>], vector<16xf32>,
    %broadcast_in_dim3A_2121 = arith.constant 334 : i32
    %broadcast_in_dim3A_2122 = vector.broadcast %broadcast_in_dim3A_2121 : i32 to vector<16xi32>
    %add3A_2123 = arith.addi %mul3A_2113, %broadcast_in_dim3A_2122 : vector<16xi32>
    %gather3A_2124 = tpu.vector_load_idx %arg5[%add3A_2123] : memref<2560xi32, #tpu.memory_space<vmem>>[vector<16xi32>], vector<16xi32>,
    %broadcast_in_dim3A_2125 = arith.constant 16 : i32
    %broadcast_in_dim3A_2126 = vector.broadcast %broadcast_in_dim3A_2125 : i32 to vector<16xi32>
    %add3A_2127 = arith.addi %iota3A_2110, %broadcast_in_dim3A_2126 : vector<16xi32>
    tpu.vector_store_idx %arg6[%gather3A_2124, %add3A_2127], %broadcast_in_dim3A_2109 : memref<1000x128xf32, #tpu.memory_space<vmem>>[vector<16xi32>, vector<16xi32>], vector<16xf32>,
    %broadcast_in_dim3A_2128 = arith.constant 654 : i32
    %broadcast_in_dim3A_2129 = vector.broadcast %broadcast_in_dim3A_2128 : i32 to vector<16xi32>
    %add3A_2130 = arith.addi %mul3A_2113, %broadcast_in_dim3A_2129 : vector<16xi32>
    %gather3A_2131 = tpu.vector_load_idx %arg5[%add3A_2130] : memref<2560xi32, #tpu.memory_space<vmem>>[vector<16xi32>], vector<16xi32>,
    %broadcast_in_dim3A_2132 = arith.constant 32 : i32
    %broadcast_in_dim3A_2133 = vector.broadcast %broadcast_in_dim3A_2132 : i32 to vector<16xi32>
    %add3A_2134 = arith.addi %iota3A_2110, %broadcast_in_dim3A_2133 : vector<16xi32>
    tpu.vector_store_idx %arg6[%gather3A_2131, %add3A_2134], %broadcast_in_dim3A_2109 : memref<1000x128xf32, #tpu.memory_space<vmem>>[vector<16xi32>, vector<16xi32>], vector<16xf32>,
    %broadcast_in_dim3A_2135 = arith.constant 974 : i32
    %broadcast_in_dim3A_2136 = vector.broadcast %broadcast_in_dim3A_2135 : i32 to vector<16xi32>
    %add3A_2137 = arith.addi %mul3A_2113, %broadcast_in_dim3A_2136 : vector<16xi32>
    %gather3A_2138 = tpu.vector_load_idx %arg5[%add3A_2137] : memref<2560xi32, #tpu.memory_space<vmem>>[vector<16xi32>], vector<16xi32>,
    %broadcast_in_dim3A_2139 = arith.constant 48 : i32
    %broadcast_in_dim3A_2140 = vector.broadcast %broadcast_in_dim3A_2139 : i32 to vector<16xi32>
    %add3A_2141 = arith.addi %iota3A_2110, %broadcast_in_dim3A_2140 : vector<16xi32>
    tpu.vector_store_idx %arg6[%gather3A_2138, %add3A_2141], %broadcast_in_dim3A_2109 : memref<1000x128xf32, #tpu.memory_space<vmem>>[vector<16xi32>, vector<16xi32>], vector<16xf32>,
    %broadcast_in_dim3A_2142 = arith.constant 1294 : i32
    %broadcast_in_dim3A_2143 = vector.broadcast %broadcast_in_dim3A_2142 : i32 to vector<16xi32>
    %add3A_2144 = arith.addi %mul3A_2113, %broadcast_in_dim3A_2143 : vector<16xi32>
    %gather3A_2145 = tpu.vector_load_idx %arg5[%add3A_2144] : memref<2560xi32, #tpu.memory_space<vmem>>[vector<16xi32>], vector<16xi32>,
    %broadcast_in_dim3A_2146 = arith.constant 64 : i32
    %broadcast_in_dim3A_2147 = vector.broadcast %broadcast_in_dim3A_2146 : i32 to vector<16xi32>
    %add3A_2148 = arith.addi %iota3A_2110, %broadcast_in_dim3A_2147 : vector<16xi32>
    tpu.vector_store_idx %arg6[%gather3A_2145, %add3A_2148], %broadcast_in_dim3A_2109 : memref<1000x128xf32, #tpu.memory_space<vmem>>[vector<16xi32>, vector<16xi32>], vector<16xf32>,
    %broadcast_in_dim3A_2149 = arith.constant 1614 : i32
    %broadcast_in_dim3A_2150 = vector.broadcast %broadcast_in_dim3A_2149 : i32 to vector<16xi32>
    %add3A_2151 = arith.addi %mul3A_2113, %broadcast_in_dim3A_2150 : vector<16xi32>
    %gather3A_2152 = tpu.vector_load_idx %arg5[%add3A_2151] : memref<2560xi32, #tpu.memory_space<vmem>>[vector<16xi32>], vector<16xi32>,
    %broadcast_in_dim3A_2153 = arith.constant 80 : i32
    %broadcast_in_dim3A_2154 = vector.broadcast %broadcast_in_dim3A_2153 : i32 to vector<16xi32>
    %add3A_2155 = arith.addi %iota3A_2110, %broadcast_in_dim3A_2154 : vector<16xi32>
    tpu.vector_store_idx %arg6[%gather3A_2152, %add3A_2155], %broadcast_in_dim3A_2109 : memref<1000x128xf32, #tpu.memory_space<vmem>>[vector<16xi32>, vector<16xi32>], vector<16xf32>,
    %broadcast_in_dim3A_2156 = arith.constant 1934 : i32
    %broadcast_in_dim3A_2157 = vector.broadcast %broadcast_in_dim3A_2156 : i32 to vector<16xi32>
    %add3A_2158 = arith.addi %mul3A_2113, %broadcast_in_dim3A_2157 : vector<16xi32>
    %gather3A_2159 = tpu.vector_load_idx %arg5[%add3A_2158] : memref<2560xi32, #tpu.memory_space<vmem>>[vector<16xi32>], vector<16xi32>,
    %broadcast_in_dim3A_2160 = arith.constant 96 : i32
    %broadcast_in_dim3A_2161 = vector.broadcast %broadcast_in_dim3A_2160 : i32 to vector<16xi32>
    %add3A_2162 = arith.addi %iota3A_2110, %broadcast_in_dim3A_2161 : vector<16xi32>
    tpu.vector_store_idx %arg6[%gather3A_2159, %add3A_2162], %broadcast_in_dim3A_2109 : memref<1000x128xf32, #tpu.memory_space<vmem>>[vector<16xi32>, vector<16xi32>], vector<16xf32>,
    %broadcast_in_dim3A_2163 = arith.constant 2254 : i32
    %broadcast_in_dim3A_2164 = vector.broadcast %broadcast_in_dim3A_2163 : i32 to vector<16xi32>
    %add3A_2165 = arith.addi %mul3A_2113, %broadcast_in_dim3A_2164 : vector<16xi32>
    %gather3A_2166 = tpu.vector_load_idx %arg5[%add3A_2165] : memref<2560xi32, #tpu.memory_space<vmem>>[vector<16xi32>], vector<16xi32>,
    %broadcast_in_dim3A_2167 = arith.constant 112 : i32
    %broadcast_in_dim3A_2168 = vector.broadcast %broadcast_in_dim3A_2167 : i32 to vector<16xi32>
    %add3A_2169 = arith.addi %iota3A_2110, %broadcast_in_dim3A_2168 : vector<16xi32>
    tpu.vector_store_idx %arg6[%gather3A_2166, %add3A_2169], %broadcast_in_dim3A_2109 : memref<1000x128xf32, #tpu.memory_space<vmem>>[vector<16xi32>, vector<16xi32>], vector<16xf32>,
    %broadcast_in_dim3A_2170 = arith.constant 1.000000e+00 : f32
    %broadcast_in_dim3A_2171 = vector.broadcast %broadcast_in_dim3A_2170 : f32 to vector<16xf32>
    %iota3A_2172 = tpu.iota {dimensions = array<i32: 0>} : vector<16xi32>
    %broadcast_in_dim3A_2173 = arith.constant 20 : i32
    %broadcast_in_dim3A_2174 = vector.broadcast %broadcast_in_dim3A_2173 : i32 to vector<16xi32>
    %mul3A_2175 = arith.muli %iota3A_2172, %broadcast_in_dim3A_2174 : vector<16xi32>
    %broadcast_in_dim3A_2176 = arith.constant 15 : i32
    %broadcast_in_dim3A_2177 = vector.broadcast %broadcast_in_dim3A_2176 : i32 to vector<16xi32>
    %add3A_2178 = arith.addi %mul3A_2175, %broadcast_in_dim3A_2177 : vector<16xi32>
    %gather3A_2179 = tpu.vector_load_idx %arg5[%add3A_2178] : memref<2560xi32, #tpu.memory_space<vmem>>[vector<16xi32>], vector<16xi32>,
    %broadcast_in_dim3A_2180 = arith.constant 0 : i32
    %broadcast_in_dim3A_2181 = vector.broadcast %broadcast_in_dim3A_2180 : i32 to vector<16xi32>
    %add3A_2182 = arith.addi %iota3A_2172, %broadcast_in_dim3A_2181 : vector<16xi32>
    tpu.vector_store_idx %arg6[%gather3A_2179, %add3A_2182], %broadcast_in_dim3A_2171 : memref<1000x128xf32, #tpu.memory_space<vmem>>[vector<16xi32>, vector<16xi32>], vector<16xf32>,
    %broadcast_in_dim3A_2183 = arith.constant 335 : i32
    %broadcast_in_dim3A_2184 = vector.broadcast %broadcast_in_dim3A_2183 : i32 to vector<16xi32>
    %add3A_2185 = arith.addi %mul3A_2175, %broadcast_in_dim3A_2184 : vector<16xi32>
    %gather3A_2186 = tpu.vector_load_idx %arg5[%add3A_2185] : memref<2560xi32, #tpu.memory_space<vmem>>[vector<16xi32>], vector<16xi32>,
    %broadcast_in_dim3A_2187 = arith.constant 16 : i32
    %broadcast_in_dim3A_2188 = vector.broadcast %broadcast_in_dim3A_2187 : i32 to vector<16xi32>
    %add3A_2189 = arith.addi %iota3A_2172, %broadcast_in_dim3A_2188 : vector<16xi32>
    tpu.vector_store_idx %arg6[%gather3A_2186, %add3A_2189], %broadcast_in_dim3A_2171 : memref<1000x128xf32, #tpu.memory_space<vmem>>[vector<16xi32>, vector<16xi32>], vector<16xf32>,
    %broadcast_in_dim3A_2190 = arith.constant 655 : i32
    %broadcast_in_dim3A_2191 = vector.broadcast %broadcast_in_dim3A_2190 : i32 to vector<16xi32>
    %add3A_2192 = arith.addi %mul3A_2175, %broadcast_in_dim3A_2191 : vector<16xi32>
    %gather3A_2193 = tpu.vector_load_idx %arg5[%add3A_2192] : memref<2560xi32, #tpu.memory_space<vmem>>[vector<16xi32>], vector<16xi32>,
    %broadcast_in_dim3A_2194 = arith.constant 32 : i32
    %broadcast_in_dim3A_2195 = vector.broadcast %broadcast_in_dim3A_2194 : i32 to vector<16xi32>
    %add3A_2196 = arith.addi %iota3A_2172, %broadcast_in_dim3A_2195 : vector<16xi32>
    tpu.vector_store_idx %arg6[%gather3A_2193, %add3A_2196], %broadcast_in_dim3A_2171 : memref<1000x128xf32, #tpu.memory_space<vmem>>[vector<16xi32>, vector<16xi32>], vector<16xf32>,
    %broadcast_in_dim3A_2197 = arith.constant 975 : i32
    %broadcast_in_dim3A_2198 = vector.broadcast %broadcast_in_dim3A_2197 : i32 to vector<16xi32>
    %add3A_2199 = arith.addi %mul3A_2175, %broadcast_in_dim3A_2198 : vector<16xi32>
    %gather3A_2200 = tpu.vector_load_idx %arg5[%add3A_2199] : memref<2560xi32, #tpu.memory_space<vmem>>[vector<16xi32>], vector<16xi32>,
    %broadcast_in_dim3A_2201 = arith.constant 48 : i32
    %broadcast_in_dim3A_2202 = vector.broadcast %broadcast_in_dim3A_2201 : i32 to vector<16xi32>
    %add3A_2203 = arith.addi %iota3A_2172, %broadcast_in_dim3A_2202 : vector<16xi32>
    tpu.vector_store_idx %arg6[%gather3A_2200, %add3A_2203], %broadcast_in_dim3A_2171 : memref<1000x128xf32, #tpu.memory_space<vmem>>[vector<16xi32>, vector<16xi32>], vector<16xf32>,
    %broadcast_in_dim3A_2204 = arith.constant 1295 : i32
    %broadcast_in_dim3A_2205 = vector.broadcast %broadcast_in_dim3A_2204 : i32 to vector<16xi32>
    %add3A_2206 = arith.addi %mul3A_2175, %broadcast_in_dim3A_2205 : vector<16xi32>
    %gather3A_2207 = tpu.vector_load_idx %arg5[%add3A_2206] : memref<2560xi32, #tpu.memory_space<vmem>>[vector<16xi32>], vector<16xi32>,
    %broadcast_in_dim3A_2208 = arith.constant 64 : i32
    %broadcast_in_dim3A_2209 = vector.broadcast %broadcast_in_dim3A_2208 : i32 to vector<16xi32>
    %add3A_2210 = arith.addi %iota3A_2172, %broadcast_in_dim3A_2209 : vector<16xi32>
    tpu.vector_store_idx %arg6[%gather3A_2207, %add3A_2210], %broadcast_in_dim3A_2171 : memref<1000x128xf32, #tpu.memory_space<vmem>>[vector<16xi32>, vector<16xi32>], vector<16xf32>,
    %broadcast_in_dim3A_2211 = arith.constant 1615 : i32
    %broadcast_in_dim3A_2212 = vector.broadcast %broadcast_in_dim3A_2211 : i32 to vector<16xi32>
    %add3A_2213 = arith.addi %mul3A_2175, %broadcast_in_dim3A_2212 : vector<16xi32>
    %gather3A_2214 = tpu.vector_load_idx %arg5[%add3A_2213] : memref<2560xi32, #tpu.memory_space<vmem>>[vector<16xi32>], vector<16xi32>,
    %broadcast_in_dim3A_2215 = arith.constant 80 : i32
    %broadcast_in_dim3A_2216 = vector.broadcast %broadcast_in_dim3A_2215 : i32 to vector<16xi32>
    %add3A_2217 = arith.addi %iota3A_2172, %broadcast_in_dim3A_2216 : vector<16xi32>
    tpu.vector_store_idx %arg6[%gather3A_2214, %add3A_2217], %broadcast_in_dim3A_2171 : memref<1000x128xf32, #tpu.memory_space<vmem>>[vector<16xi32>, vector<16xi32>], vector<16xf32>,
    %broadcast_in_dim3A_2218 = arith.constant 1935 : i32
    %broadcast_in_dim3A_2219 = vector.broadcast %broadcast_in_dim3A_2218 : i32 to vector<16xi32>
    %add3A_2220 = arith.addi %mul3A_2175, %broadcast_in_dim3A_2219 : vector<16xi32>
    %gather3A_2221 = tpu.vector_load_idx %arg5[%add3A_2220] : memref<2560xi32, #tpu.memory_space<vmem>>[vector<16xi32>], vector<16xi32>,
    %broadcast_in_dim3A_2222 = arith.constant 96 : i32
    %broadcast_in_dim3A_2223 = vector.broadcast %broadcast_in_dim3A_2222 : i32 to vector<16xi32>
    %add3A_2224 = arith.addi %iota3A_2172, %broadcast_in_dim3A_2223 : vector<16xi32>
    tpu.vector_store_idx %arg6[%gather3A_2221, %add3A_2224], %broadcast_in_dim3A_2171 : memref<1000x128xf32, #tpu.memory_space<vmem>>[vector<16xi32>, vector<16xi32>], vector<16xf32>,
    %broadcast_in_dim3A_2225 = arith.constant 2255 : i32
    %broadcast_in_dim3A_2226 = vector.broadcast %broadcast_in_dim3A_2225 : i32 to vector<16xi32>
    %add3A_2227 = arith.addi %mul3A_2175, %broadcast_in_dim3A_2226 : vector<16xi32>
    %gather3A_2228 = tpu.vector_load_idx %arg5[%add3A_2227] : memref<2560xi32, #tpu.memory_space<vmem>>[vector<16xi32>], vector<16xi32>,
    %broadcast_in_dim3A_2229 = arith.constant 112 : i32
    %broadcast_in_dim3A_2230 = vector.broadcast %broadcast_in_dim3A_2229 : i32 to vector<16xi32>
    %add3A_2231 = arith.addi %iota3A_2172, %broadcast_in_dim3A_2230 : vector<16xi32>
    tpu.vector_store_idx %arg6[%gather3A_2228, %add3A_2231], %broadcast_in_dim3A_2171 : memref<1000x128xf32, #tpu.memory_space<vmem>>[vector<16xi32>, vector<16xi32>], vector<16xf32>,
    %dma_start3A_2232 = arith.constant 15 : i32
    %dma_start3A_2233 = arith.constant 0 : i32
    %dma_start3A_2234 = arith.constant 0 : i32
    %dma_start3A_2235 = tpu.memref_slice %arg4[%dma_start3A_2232, %dma_start3A_2234, %mul3A_2] : memref<20x1000x4096xf32, #tpu.memory_space<hbm>> -> memref<1x1000x128xf32, #tpu.memory_space<hbm>>
    %dma_start3A_2236 = tpu.memref_squeeze %dma_start3A_2235 : memref<1x1000x128xf32, #tpu.memory_space<hbm>> -> memref<1000x128xf32, #tpu.memory_space<hbm>>
    %dma_start3A_2237 = tpu.memref_slice %arg7[%dma_start3A_2233] : memref<2x!tpu.dma_semaphore, #tpu.memory_space<semaphore_mem>> -> memref<1x!tpu.dma_semaphore, #tpu.memory_space<semaphore_mem>>
    %dma_start3A_2238 = tpu.memref_squeeze %dma_start3A_2237 : memref<1x!tpu.dma_semaphore, #tpu.memory_space<semaphore_mem>> -> memref<!tpu.dma_semaphore, #tpu.memory_space<semaphore_mem>>
    %dma_start3A_2239 = arith.constant 0 : i32
    %dma_start3A_2240 = tpu.memref_slice %arg4[%dma_start3A_2232, %dma_start3A_2239, %mul3A_2] : memref<20x1000x4096xf32, #tpu.memory_space<hbm>> -> memref<1x1000x128xf32, #tpu.memory_space<hbm>>
    %dma_start3A_2241 = tpu.memref_squeeze %dma_start3A_2240 : memref<1x1000x128xf32, #tpu.memory_space<hbm>> -> memref<1000x128xf32, #tpu.memory_space<hbm>>
    tpu.enqueue_dma source(%arg6 : memref<1000x128xf32, #tpu.memory_space<vmem>>) target(%dma_start3A_2241 : memref<1000x128xf32, #tpu.memory_space<hbm>>) target_semaphore(%dma_start3A_2238 : memref<!tpu.dma_semaphore, #tpu.memory_space<semaphore_mem>>)
    %dma_wait3A_2242 = arith.constant 15 : i32
    %dma_wait3A_2243 = arith.constant 0 : i32
    %dma_wait3A_2244 = arith.constant 0 : i32
    %dma_wait3A_2245 = tpu.memref_slice %arg4[%dma_wait3A_2242, %dma_wait3A_2244, %mul3A_2] : memref<20x1000x4096xf32, #tpu.memory_space<hbm>> -> memref<1x1000x128xf32, #tpu.memory_space<hbm>>
    %dma_wait3A_2246 = tpu.memref_squeeze %dma_wait3A_2245 : memref<1x1000x128xf32, #tpu.memory_space<hbm>> -> memref<1000x128xf32, #tpu.memory_space<hbm>>
    %dma_wait3A_2247 = tpu.memref_slice %arg7[%dma_wait3A_2243] : memref<2x!tpu.dma_semaphore, #tpu.memory_space<semaphore_mem>> -> memref<1x!tpu.dma_semaphore, #tpu.memory_space<semaphore_mem>>
    %dma_wait3A_2248 = tpu.memref_squeeze %dma_wait3A_2247 : memref<1x!tpu.dma_semaphore, #tpu.memory_space<semaphore_mem>> -> memref<!tpu.dma_semaphore, #tpu.memory_space<semaphore_mem>>
    %dma_wait3A_2249 = arith.constant 0 : i32
    %dma_wait3A_2250 = tpu.memref_slice %arg4[%dma_wait3A_2242, %dma_wait3A_2249, %mul3A_2] : memref<20x1000x4096xf32, #tpu.memory_space<hbm>> -> memref<1x1000x128xf32, #tpu.memory_space<hbm>>
    %dma_wait3A_2251 = tpu.memref_squeeze %dma_wait3A_2250 : memref<1x1000x128xf32, #tpu.memory_space<hbm>> -> memref<1000x128xf32, #tpu.memory_space<hbm>>
    tpu.wait_dma2 semaphore(%dma_wait3A_2248 : memref<!tpu.dma_semaphore, #tpu.memory_space<semaphore_mem>>) src(%arg6 : memref<1000x128xf32, #tpu.memory_space<vmem>>) dst(%dma_wait3A_2251 : memref<1000x128xf32, #tpu.memory_space<hbm>>)
    %broadcast_in_dim3A_2252 = arith.constant 0.000000e+00 : f32
    %broadcast_in_dim3A_2253 = vector.broadcast %broadcast_in_dim3A_2252 : f32 to vector<16xf32>
    %iota3A_2254 = tpu.iota {dimensions = array<i32: 0>} : vector<16xi32>
    %broadcast_in_dim3A_2255 = arith.constant 20 : i32
    %broadcast_in_dim3A_2256 = vector.broadcast %broadcast_in_dim3A_2255 : i32 to vector<16xi32>
    %mul3A_2257 = arith.muli %iota3A_2254, %broadcast_in_dim3A_2256 : vector<16xi32>
    %broadcast_in_dim3A_2258 = arith.constant 15 : i32
    %broadcast_in_dim3A_2259 = vector.broadcast %broadcast_in_dim3A_2258 : i32 to vector<16xi32>
    %add3A_2260 = arith.addi %mul3A_2257, %broadcast_in_dim3A_2259 : vector<16xi32>
    %gather3A_2261 = tpu.vector_load_idx %arg5[%add3A_2260] : memref<2560xi32, #tpu.memory_space<vmem>>[vector<16xi32>], vector<16xi32>,
    %broadcast_in_dim3A_2262 = arith.constant 0 : i32
    %broadcast_in_dim3A_2263 = vector.broadcast %broadcast_in_dim3A_2262 : i32 to vector<16xi32>
    %add3A_2264 = arith.addi %iota3A_2254, %broadcast_in_dim3A_2263 : vector<16xi32>
    tpu.vector_store_idx %arg6[%gather3A_2261, %add3A_2264], %broadcast_in_dim3A_2253 : memref<1000x128xf32, #tpu.memory_space<vmem>>[vector<16xi32>, vector<16xi32>], vector<16xf32>,
    %broadcast_in_dim3A_2265 = arith.constant 335 : i32
    %broadcast_in_dim3A_2266 = vector.broadcast %broadcast_in_dim3A_2265 : i32 to vector<16xi32>
    %add3A_2267 = arith.addi %mul3A_2257, %broadcast_in_dim3A_2266 : vector<16xi32>
    %gather3A_2268 = tpu.vector_load_idx %arg5[%add3A_2267] : memref<2560xi32, #tpu.memory_space<vmem>>[vector<16xi32>], vector<16xi32>,
    %broadcast_in_dim3A_2269 = arith.constant 16 : i32
    %broadcast_in_dim3A_2270 = vector.broadcast %broadcast_in_dim3A_2269 : i32 to vector<16xi32>
    %add3A_2271 = arith.addi %iota3A_2254, %broadcast_in_dim3A_2270 : vector<16xi32>
    tpu.vector_store_idx %arg6[%gather3A_2268, %add3A_2271], %broadcast_in_dim3A_2253 : memref<1000x128xf32, #tpu.memory_space<vmem>>[vector<16xi32>, vector<16xi32>], vector<16xf32>,
    %broadcast_in_dim3A_2272 = arith.constant 655 : i32
    %broadcast_in_dim3A_2273 = vector.broadcast %broadcast_in_dim3A_2272 : i32 to vector<16xi32>
    %add3A_2274 = arith.addi %mul3A_2257, %broadcast_in_dim3A_2273 : vector<16xi32>
    %gather3A_2275 = tpu.vector_load_idx %arg5[%add3A_2274] : memref<2560xi32, #tpu.memory_space<vmem>>[vector<16xi32>], vector<16xi32>,
    %broadcast_in_dim3A_2276 = arith.constant 32 : i32
    %broadcast_in_dim3A_2277 = vector.broadcast %broadcast_in_dim3A_2276 : i32 to vector<16xi32>
    %add3A_2278 = arith.addi %iota3A_2254, %broadcast_in_dim3A_2277 : vector<16xi32>
    tpu.vector_store_idx %arg6[%gather3A_2275, %add3A_2278], %broadcast_in_dim3A_2253 : memref<1000x128xf32, #tpu.memory_space<vmem>>[vector<16xi32>, vector<16xi32>], vector<16xf32>,
    %broadcast_in_dim3A_2279 = arith.constant 975 : i32
    %broadcast_in_dim3A_2280 = vector.broadcast %broadcast_in_dim3A_2279 : i32 to vector<16xi32>
    %add3A_2281 = arith.addi %mul3A_2257, %broadcast_in_dim3A_2280 : vector<16xi32>
    %gather3A_2282 = tpu.vector_load_idx %arg5[%add3A_2281] : memref<2560xi32, #tpu.memory_space<vmem>>[vector<16xi32>], vector<16xi32>,
    %broadcast_in_dim3A_2283 = arith.constant 48 : i32
    %broadcast_in_dim3A_2284 = vector.broadcast %broadcast_in_dim3A_2283 : i32 to vector<16xi32>
    %add3A_2285 = arith.addi %iota3A_2254, %broadcast_in_dim3A_2284 : vector<16xi32>
    tpu.vector_store_idx %arg6[%gather3A_2282, %add3A_2285], %broadcast_in_dim3A_2253 : memref<1000x128xf32, #tpu.memory_space<vmem>>[vector<16xi32>, vector<16xi32>], vector<16xf32>,
    %broadcast_in_dim3A_2286 = arith.constant 1295 : i32
    %broadcast_in_dim3A_2287 = vector.broadcast %broadcast_in_dim3A_2286 : i32 to vector<16xi32>
    %add3A_2288 = arith.addi %mul3A_2257, %broadcast_in_dim3A_2287 : vector<16xi32>
    %gather3A_2289 = tpu.vector_load_idx %arg5[%add3A_2288] : memref<2560xi32, #tpu.memory_space<vmem>>[vector<16xi32>], vector<16xi32>,
    %broadcast_in_dim3A_2290 = arith.constant 64 : i32
    %broadcast_in_dim3A_2291 = vector.broadcast %broadcast_in_dim3A_2290 : i32 to vector<16xi32>
    %add3A_2292 = arith.addi %iota3A_2254, %broadcast_in_dim3A_2291 : vector<16xi32>
    tpu.vector_store_idx %arg6[%gather3A_2289, %add3A_2292], %broadcast_in_dim3A_2253 : memref<1000x128xf32, #tpu.memory_space<vmem>>[vector<16xi32>, vector<16xi32>], vector<16xf32>,
    %broadcast_in_dim3A_2293 = arith.constant 1615 : i32
    %broadcast_in_dim3A_2294 = vector.broadcast %broadcast_in_dim3A_2293 : i32 to vector<16xi32>
    %add3A_2295 = arith.addi %mul3A_2257, %broadcast_in_dim3A_2294 : vector<16xi32>
    %gather3A_2296 = tpu.vector_load_idx %arg5[%add3A_2295] : memref<2560xi32, #tpu.memory_space<vmem>>[vector<16xi32>], vector<16xi32>,
    %broadcast_in_dim3A_2297 = arith.constant 80 : i32
    %broadcast_in_dim3A_2298 = vector.broadcast %broadcast_in_dim3A_2297 : i32 to vector<16xi32>
    %add3A_2299 = arith.addi %iota3A_2254, %broadcast_in_dim3A_2298 : vector<16xi32>
    tpu.vector_store_idx %arg6[%gather3A_2296, %add3A_2299], %broadcast_in_dim3A_2253 : memref<1000x128xf32, #tpu.memory_space<vmem>>[vector<16xi32>, vector<16xi32>], vector<16xf32>,
    %broadcast_in_dim3A_2300 = arith.constant 1935 : i32
    %broadcast_in_dim3A_2301 = vector.broadcast %broadcast_in_dim3A_2300 : i32 to vector<16xi32>
    %add3A_2302 = arith.addi %mul3A_2257, %broadcast_in_dim3A_2301 : vector<16xi32>
    %gather3A_2303 = tpu.vector_load_idx %arg5[%add3A_2302] : memref<2560xi32, #tpu.memory_space<vmem>>[vector<16xi32>], vector<16xi32>,
    %broadcast_in_dim3A_2304 = arith.constant 96 : i32
    %broadcast_in_dim3A_2305 = vector.broadcast %broadcast_in_dim3A_2304 : i32 to vector<16xi32>
    %add3A_2306 = arith.addi %iota3A_2254, %broadcast_in_dim3A_2305 : vector<16xi32>
    tpu.vector_store_idx %arg6[%gather3A_2303, %add3A_2306], %broadcast_in_dim3A_2253 : memref<1000x128xf32, #tpu.memory_space<vmem>>[vector<16xi32>, vector<16xi32>], vector<16xf32>,
    %broadcast_in_dim3A_2307 = arith.constant 2255 : i32
    %broadcast_in_dim3A_2308 = vector.broadcast %broadcast_in_dim3A_2307 : i32 to vector<16xi32>
    %add3A_2309 = arith.addi %mul3A_2257, %broadcast_in_dim3A_2308 : vector<16xi32>
    %gather3A_2310 = tpu.vector_load_idx %arg5[%add3A_2309] : memref<2560xi32, #tpu.memory_space<vmem>>[vector<16xi32>], vector<16xi32>,
    %broadcast_in_dim3A_2311 = arith.constant 112 : i32
    %broadcast_in_dim3A_2312 = vector.broadcast %broadcast_in_dim3A_2311 : i32 to vector<16xi32>
    %add3A_2313 = arith.addi %iota3A_2254, %broadcast_in_dim3A_2312 : vector<16xi32>
    tpu.vector_store_idx %arg6[%gather3A_2310, %add3A_2313], %broadcast_in_dim3A_2253 : memref<1000x128xf32, #tpu.memory_space<vmem>>[vector<16xi32>, vector<16xi32>], vector<16xf32>,
    %broadcast_in_dim3A_2314 = arith.constant 1.000000e+00 : f32
    %broadcast_in_dim3A_2315 = vector.broadcast %broadcast_in_dim3A_2314 : f32 to vector<16xf32>
    %iota3A_2316 = tpu.iota {dimensions = array<i32: 0>} : vector<16xi32>
    %broadcast_in_dim3A_2317 = arith.constant 20 : i32
    %broadcast_in_dim3A_2318 = vector.broadcast %broadcast_in_dim3A_2317 : i32 to vector<16xi32>
    %mul3A_2319 = arith.muli %iota3A_2316, %broadcast_in_dim3A_2318 : vector<16xi32>
    %broadcast_in_dim3A_2320 = arith.constant 16 : i32
    %broadcast_in_dim3A_2321 = vector.broadcast %broadcast_in_dim3A_2320 : i32 to vector<16xi32>
    %add3A_2322 = arith.addi %mul3A_2319, %broadcast_in_dim3A_2321 : vector<16xi32>
    %gather3A_2323 = tpu.vector_load_idx %arg5[%add3A_2322] : memref<2560xi32, #tpu.memory_space<vmem>>[vector<16xi32>], vector<16xi32>,
    %broadcast_in_dim3A_2324 = arith.constant 0 : i32
    %broadcast_in_dim3A_2325 = vector.broadcast %broadcast_in_dim3A_2324 : i32 to vector<16xi32>
    %add3A_2326 = arith.addi %iota3A_2316, %broadcast_in_dim3A_2325 : vector<16xi32>
    tpu.vector_store_idx %arg6[%gather3A_2323, %add3A_2326], %broadcast_in_dim3A_2315 : memref<1000x128xf32, #tpu.memory_space<vmem>>[vector<16xi32>, vector<16xi32>], vector<16xf32>,
    %broadcast_in_dim3A_2327 = arith.constant 336 : i32
    %broadcast_in_dim3A_2328 = vector.broadcast %broadcast_in_dim3A_2327 : i32 to vector<16xi32>
    %add3A_2329 = arith.addi %mul3A_2319, %broadcast_in_dim3A_2328 : vector<16xi32>
    %gather3A_2330 = tpu.vector_load_idx %arg5[%add3A_2329] : memref<2560xi32, #tpu.memory_space<vmem>>[vector<16xi32>], vector<16xi32>,
    %broadcast_in_dim3A_2331 = arith.constant 16 : i32
    %broadcast_in_dim3A_2332 = vector.broadcast %broadcast_in_dim3A_2331 : i32 to vector<16xi32>
    %add3A_2333 = arith.addi %iota3A_2316, %broadcast_in_dim3A_2332 : vector<16xi32>
    tpu.vector_store_idx %arg6[%gather3A_2330, %add3A_2333], %broadcast_in_dim3A_2315 : memref<1000x128xf32, #tpu.memory_space<vmem>>[vector<16xi32>, vector<16xi32>], vector<16xf32>,
    %broadcast_in_dim3A_2334 = arith.constant 656 : i32
    %broadcast_in_dim3A_2335 = vector.broadcast %broadcast_in_dim3A_2334 : i32 to vector<16xi32>
    %add3A_2336 = arith.addi %mul3A_2319, %broadcast_in_dim3A_2335 : vector<16xi32>
    %gather3A_2337 = tpu.vector_load_idx %arg5[%add3A_2336] : memref<2560xi32, #tpu.memory_space<vmem>>[vector<16xi32>], vector<16xi32>,
    %broadcast_in_dim3A_2338 = arith.constant 32 : i32
    %broadcast_in_dim3A_2339 = vector.broadcast %broadcast_in_dim3A_2338 : i32 to vector<16xi32>
    %add3A_2340 = arith.addi %iota3A_2316, %broadcast_in_dim3A_2339 : vector<16xi32>
    tpu.vector_store_idx %arg6[%gather3A_2337, %add3A_2340], %broadcast_in_dim3A_2315 : memref<1000x128xf32, #tpu.memory_space<vmem>>[vector<16xi32>, vector<16xi32>], vector<16xf32>,
    %broadcast_in_dim3A_2341 = arith.constant 976 : i32
    %broadcast_in_dim3A_2342 = vector.broadcast %broadcast_in_dim3A_2341 : i32 to vector<16xi32>
    %add3A_2343 = arith.addi %mul3A_2319, %broadcast_in_dim3A_2342 : vector<16xi32>
    %gather3A_2344 = tpu.vector_load_idx %arg5[%add3A_2343] : memref<2560xi32, #tpu.memory_space<vmem>>[vector<16xi32>], vector<16xi32>,
    %broadcast_in_dim3A_2345 = arith.constant 48 : i32
    %broadcast_in_dim3A_2346 = vector.broadcast %broadcast_in_dim3A_2345 : i32 to vector<16xi32>
    %add3A_2347 = arith.addi %iota3A_2316, %broadcast_in_dim3A_2346 : vector<16xi32>
    tpu.vector_store_idx %arg6[%gather3A_2344, %add3A_2347], %broadcast_in_dim3A_2315 : memref<1000x128xf32, #tpu.memory_space<vmem>>[vector<16xi32>, vector<16xi32>], vector<16xf32>,
    %broadcast_in_dim3A_2348 = arith.constant 1296 : i32
    %broadcast_in_dim3A_2349 = vector.broadcast %broadcast_in_dim3A_2348 : i32 to vector<16xi32>
    %add3A_2350 = arith.addi %mul3A_2319, %broadcast_in_dim3A_2349 : vector<16xi32>
    %gather3A_2351 = tpu.vector_load_idx %arg5[%add3A_2350] : memref<2560xi32, #tpu.memory_space<vmem>>[vector<16xi32>], vector<16xi32>,
    %broadcast_in_dim3A_2352 = arith.constant 64 : i32
    %broadcast_in_dim3A_2353 = vector.broadcast %broadcast_in_dim3A_2352 : i32 to vector<16xi32>
    %add3A_2354 = arith.addi %iota3A_2316, %broadcast_in_dim3A_2353 : vector<16xi32>
    tpu.vector_store_idx %arg6[%gather3A_2351, %add3A_2354], %broadcast_in_dim3A_2315 : memref<1000x128xf32, #tpu.memory_space<vmem>>[vector<16xi32>, vector<16xi32>], vector<16xf32>,
    %broadcast_in_dim3A_2355 = arith.constant 1616 : i32
    %broadcast_in_dim3A_2356 = vector.broadcast %broadcast_in_dim3A_2355 : i32 to vector<16xi32>
    %add3A_2357 = arith.addi %mul3A_2319, %broadcast_in_dim3A_2356 : vector<16xi32>
    %gather3A_2358 = tpu.vector_load_idx %arg5[%add3A_2357] : memref<2560xi32, #tpu.memory_space<vmem>>[vector<16xi32>], vector<16xi32>,
    %broadcast_in_dim3A_2359 = arith.constant 80 : i32
    %broadcast_in_dim3A_2360 = vector.broadcast %broadcast_in_dim3A_2359 : i32 to vector<16xi32>
    %add3A_2361 = arith.addi %iota3A_2316, %broadcast_in_dim3A_2360 : vector<16xi32>
    tpu.vector_store_idx %arg6[%gather3A_2358, %add3A_2361], %broadcast_in_dim3A_2315 : memref<1000x128xf32, #tpu.memory_space<vmem>>[vector<16xi32>, vector<16xi32>], vector<16xf32>,
    %broadcast_in_dim3A_2362 = arith.constant 1936 : i32
    %broadcast_in_dim3A_2363 = vector.broadcast %broadcast_in_dim3A_2362 : i32 to vector<16xi32>
    %add3A_2364 = arith.addi %mul3A_2319, %broadcast_in_dim3A_2363 : vector<16xi32>
    %gather3A_2365 = tpu.vector_load_idx %arg5[%add3A_2364] : memref<2560xi32, #tpu.memory_space<vmem>>[vector<16xi32>], vector<16xi32>,
    %broadcast_in_dim3A_2366 = arith.constant 96 : i32
    %broadcast_in_dim3A_2367 = vector.broadcast %broadcast_in_dim3A_2366 : i32 to vector<16xi32>
    %add3A_2368 = arith.addi %iota3A_2316, %broadcast_in_dim3A_2367 : vector<16xi32>
    tpu.vector_store_idx %arg6[%gather3A_2365, %add3A_2368], %broadcast_in_dim3A_2315 : memref<1000x128xf32, #tpu.memory_space<vmem>>[vector<16xi32>, vector<16xi32>], vector<16xf32>,
    %broadcast_in_dim3A_2369 = arith.constant 2256 : i32
    %broadcast_in_dim3A_2370 = vector.broadcast %broadcast_in_dim3A_2369 : i32 to vector<16xi32>
    %add3A_2371 = arith.addi %mul3A_2319, %broadcast_in_dim3A_2370 : vector<16xi32>
    %gather3A_2372 = tpu.vector_load_idx %arg5[%add3A_2371] : memref<2560xi32, #tpu.memory_space<vmem>>[vector<16xi32>], vector<16xi32>,
    %broadcast_in_dim3A_2373 = arith.constant 112 : i32
    %broadcast_in_dim3A_2374 = vector.broadcast %broadcast_in_dim3A_2373 : i32 to vector<16xi32>
    %add3A_2375 = arith.addi %iota3A_2316, %broadcast_in_dim3A_2374 : vector<16xi32>
    tpu.vector_store_idx %arg6[%gather3A_2372, %add3A_2375], %broadcast_in_dim3A_2315 : memref<1000x128xf32, #tpu.memory_space<vmem>>[vector<16xi32>, vector<16xi32>], vector<16xf32>,
    %dma_start3A_2376 = arith.constant 16 : i32
    %dma_start3A_2377 = arith.constant 0 : i32
    %dma_start3A_2378 = arith.constant 0 : i32
    %dma_start3A_2379 = tpu.memref_slice %arg4[%dma_start3A_2376, %dma_start3A_2378, %mul3A_2] : memref<20x1000x4096xf32, #tpu.memory_space<hbm>> -> memref<1x1000x128xf32, #tpu.memory_space<hbm>>
    %dma_start3A_2380 = tpu.memref_squeeze %dma_start3A_2379 : memref<1x1000x128xf32, #tpu.memory_space<hbm>> -> memref<1000x128xf32, #tpu.memory_space<hbm>>
    %dma_start3A_2381 = tpu.memref_slice %arg7[%dma_start3A_2377] : memref<2x!tpu.dma_semaphore, #tpu.memory_space<semaphore_mem>> -> memref<1x!tpu.dma_semaphore, #tpu.memory_space<semaphore_mem>>
    %dma_start3A_2382 = tpu.memref_squeeze %dma_start3A_2381 : memref<1x!tpu.dma_semaphore, #tpu.memory_space<semaphore_mem>> -> memref<!tpu.dma_semaphore, #tpu.memory_space<semaphore_mem>>
    %dma_start3A_2383 = arith.constant 0 : i32
    %dma_start3A_2384 = tpu.memref_slice %arg4[%dma_start3A_2376, %dma_start3A_2383, %mul3A_2] : memref<20x1000x4096xf32, #tpu.memory_space<hbm>> -> memref<1x1000x128xf32, #tpu.memory_space<hbm>>
    %dma_start3A_2385 = tpu.memref_squeeze %dma_start3A_2384 : memref<1x1000x128xf32, #tpu.memory_space<hbm>> -> memref<1000x128xf32, #tpu.memory_space<hbm>>
    tpu.enqueue_dma source(%arg6 : memref<1000x128xf32, #tpu.memory_space<vmem>>) target(%dma_start3A_2385 : memref<1000x128xf32, #tpu.memory_space<hbm>>) target_semaphore(%dma_start3A_2382 : memref<!tpu.dma_semaphore, #tpu.memory_space<semaphore_mem>>)
    %dma_wait3A_2386 = arith.constant 16 : i32
    %dma_wait3A_2387 = arith.constant 0 : i32
    %dma_wait3A_2388 = arith.constant 0 : i32
    %dma_wait3A_2389 = tpu.memref_slice %arg4[%dma_wait3A_2386, %dma_wait3A_2388, %mul3A_2] : memref<20x1000x4096xf32, #tpu.memory_space<hbm>> -> memref<1x1000x128xf32, #tpu.memory_space<hbm>>
    %dma_wait3A_2390 = tpu.memref_squeeze %dma_wait3A_2389 : memref<1x1000x128xf32, #tpu.memory_space<hbm>> -> memref<1000x128xf32, #tpu.memory_space<hbm>>
    %dma_wait3A_2391 = tpu.memref_slice %arg7[%dma_wait3A_2387] : memref<2x!tpu.dma_semaphore, #tpu.memory_space<semaphore_mem>> -> memref<1x!tpu.dma_semaphore, #tpu.memory_space<semaphore_mem>>
    %dma_wait3A_2392 = tpu.memref_squeeze %dma_wait3A_2391 : memref<1x!tpu.dma_semaphore, #tpu.memory_space<semaphore_mem>> -> memref<!tpu.dma_semaphore, #tpu.memory_space<semaphore_mem>>
    %dma_wait3A_2393 = arith.constant 0 : i32
    %dma_wait3A_2394 = tpu.memref_slice %arg4[%dma_wait3A_2386, %dma_wait3A_2393, %mul3A_2] : memref<20x1000x4096xf32, #tpu.memory_space<hbm>> -> memref<1x1000x128xf32, #tpu.memory_space<hbm>>
    %dma_wait3A_2395 = tpu.memref_squeeze %dma_wait3A_2394 : memref<1x1000x128xf32, #tpu.memory_space<hbm>> -> memref<1000x128xf32, #tpu.memory_space<hbm>>
    tpu.wait_dma2 semaphore(%dma_wait3A_2392 : memref<!tpu.dma_semaphore, #tpu.memory_space<semaphore_mem>>) src(%arg6 : memref<1000x128xf32, #tpu.memory_space<vmem>>) dst(%dma_wait3A_2395 : memref<1000x128xf32, #tpu.memory_space<hbm>>)
    %broadcast_in_dim3A_2396 = arith.constant 0.000000e+00 : f32
    %broadcast_in_dim3A_2397 = vector.broadcast %broadcast_in_dim3A_2396 : f32 to vector<16xf32>
    %iota3A_2398 = tpu.iota {dimensions = array<i32: 0>} : vector<16xi32>
    %broadcast_in_dim3A_2399 = arith.constant 20 : i32
    %broadcast_in_dim3A_2400 = vector.broadcast %broadcast_in_dim3A_2399 : i32 to vector<16xi32>
    %mul3A_2401 = arith.muli %iota3A_2398, %broadcast_in_dim3A_2400 : vector<16xi32>
    %broadcast_in_dim3A_2402 = arith.constant 16 : i32
    %broadcast_in_dim3A_2403 = vector.broadcast %broadcast_in_dim3A_2402 : i32 to vector<16xi32>
    %add3A_2404 = arith.addi %mul3A_2401, %broadcast_in_dim3A_2403 : vector<16xi32>
    %gather3A_2405 = tpu.vector_load_idx %arg5[%add3A_2404] : memref<2560xi32, #tpu.memory_space<vmem>>[vector<16xi32>], vector<16xi32>,
    %broadcast_in_dim3A_2406 = arith.constant 0 : i32
    %broadcast_in_dim3A_2407 = vector.broadcast %broadcast_in_dim3A_2406 : i32 to vector<16xi32>
    %add3A_2408 = arith.addi %iota3A_2398, %broadcast_in_dim3A_2407 : vector<16xi32>
    tpu.vector_store_idx %arg6[%gather3A_2405, %add3A_2408], %broadcast_in_dim3A_2397 : memref<1000x128xf32, #tpu.memory_space<vmem>>[vector<16xi32>, vector<16xi32>], vector<16xf32>,
    %broadcast_in_dim3A_2409 = arith.constant 336 : i32
    %broadcast_in_dim3A_2410 = vector.broadcast %broadcast_in_dim3A_2409 : i32 to vector<16xi32>
    %add3A_2411 = arith.addi %mul3A_2401, %broadcast_in_dim3A_2410 : vector<16xi32>
    %gather3A_2412 = tpu.vector_load_idx %arg5[%add3A_2411] : memref<2560xi32, #tpu.memory_space<vmem>>[vector<16xi32>], vector<16xi32>,
    %broadcast_in_dim3A_2413 = arith.constant 16 : i32
    %broadcast_in_dim3A_2414 = vector.broadcast %broadcast_in_dim3A_2413 : i32 to vector<16xi32>
    %add3A_2415 = arith.addi %iota3A_2398, %broadcast_in_dim3A_2414 : vector<16xi32>
    tpu.vector_store_idx %arg6[%gather3A_2412, %add3A_2415], %broadcast_in_dim3A_2397 : memref<1000x128xf32, #tpu.memory_space<vmem>>[vector<16xi32>, vector<16xi32>], vector<16xf32>,
    %broadcast_in_dim3A_2416 = arith.constant 656 : i32
    %broadcast_in_dim3A_2417 = vector.broadcast %broadcast_in_dim3A_2416 : i32 to vector<16xi32>
    %add3A_2418 = arith.addi %mul3A_2401, %broadcast_in_dim3A_2417 : vector<16xi32>
    %gather3A_2419 = tpu.vector_load_idx %arg5[%add3A_2418] : memref<2560xi32, #tpu.memory_space<vmem>>[vector<16xi32>], vector<16xi32>,
    %broadcast_in_dim3A_2420 = arith.constant 32 : i32
    %broadcast_in_dim3A_2421 = vector.broadcast %broadcast_in_dim3A_2420 : i32 to vector<16xi32>
    %add3A_2422 = arith.addi %iota3A_2398, %broadcast_in_dim3A_2421 : vector<16xi32>
    tpu.vector_store_idx %arg6[%gather3A_2419, %add3A_2422], %broadcast_in_dim3A_2397 : memref<1000x128xf32, #tpu.memory_space<vmem>>[vector<16xi32>, vector<16xi32>], vector<16xf32>,
    %broadcast_in_dim3A_2423 = arith.constant 976 : i32
    %broadcast_in_dim3A_2424 = vector.broadcast %broadcast_in_dim3A_2423 : i32 to vector<16xi32>
    %add3A_2425 = arith.addi %mul3A_2401, %broadcast_in_dim3A_2424 : vector<16xi32>
    %gather3A_2426 = tpu.vector_load_idx %arg5[%add3A_2425] : memref<2560xi32, #tpu.memory_space<vmem>>[vector<16xi32>], vector<16xi32>,
    %broadcast_in_dim3A_2427 = arith.constant 48 : i32
    %broadcast_in_dim3A_2428 = vector.broadcast %broadcast_in_dim3A_2427 : i32 to vector<16xi32>
    %add3A_2429 = arith.addi %iota3A_2398, %broadcast_in_dim3A_2428 : vector<16xi32>
    tpu.vector_store_idx %arg6[%gather3A_2426, %add3A_2429], %broadcast_in_dim3A_2397 : memref<1000x128xf32, #tpu.memory_space<vmem>>[vector<16xi32>, vector<16xi32>], vector<16xf32>,
    %broadcast_in_dim3A_2430 = arith.constant 1296 : i32
    %broadcast_in_dim3A_2431 = vector.broadcast %broadcast_in_dim3A_2430 : i32 to vector<16xi32>
    %add3A_2432 = arith.addi %mul3A_2401, %broadcast_in_dim3A_2431 : vector<16xi32>
    %gather3A_2433 = tpu.vector_load_idx %arg5[%add3A_2432] : memref<2560xi32, #tpu.memory_space<vmem>>[vector<16xi32>], vector<16xi32>,
    %broadcast_in_dim3A_2434 = arith.constant 64 : i32
    %broadcast_in_dim3A_2435 = vector.broadcast %broadcast_in_dim3A_2434 : i32 to vector<16xi32>
    %add3A_2436 = arith.addi %iota3A_2398, %broadcast_in_dim3A_2435 : vector<16xi32>
    tpu.vector_store_idx %arg6[%gather3A_2433, %add3A_2436], %broadcast_in_dim3A_2397 : memref<1000x128xf32, #tpu.memory_space<vmem>>[vector<16xi32>, vector<16xi32>], vector<16xf32>,
    %broadcast_in_dim3A_2437 = arith.constant 1616 : i32
    %broadcast_in_dim3A_2438 = vector.broadcast %broadcast_in_dim3A_2437 : i32 to vector<16xi32>
    %add3A_2439 = arith.addi %mul3A_2401, %broadcast_in_dim3A_2438 : vector<16xi32>
    %gather3A_2440 = tpu.vector_load_idx %arg5[%add3A_2439] : memref<2560xi32, #tpu.memory_space<vmem>>[vector<16xi32>], vector<16xi32>,
    %broadcast_in_dim3A_2441 = arith.constant 80 : i32
    %broadcast_in_dim3A_2442 = vector.broadcast %broadcast_in_dim3A_2441 : i32 to vector<16xi32>
    %add3A_2443 = arith.addi %iota3A_2398, %broadcast_in_dim3A_2442 : vector<16xi32>
    tpu.vector_store_idx %arg6[%gather3A_2440, %add3A_2443], %broadcast_in_dim3A_2397 : memref<1000x128xf32, #tpu.memory_space<vmem>>[vector<16xi32>, vector<16xi32>], vector<16xf32>,
    %broadcast_in_dim3A_2444 = arith.constant 1936 : i32
    %broadcast_in_dim3A_2445 = vector.broadcast %broadcast_in_dim3A_2444 : i32 to vector<16xi32>
    %add3A_2446 = arith.addi %mul3A_2401, %broadcast_in_dim3A_2445 : vector<16xi32>
    %gather3A_2447 = tpu.vector_load_idx %arg5[%add3A_2446] : memref<2560xi32, #tpu.memory_space<vmem>>[vector<16xi32>], vector<16xi32>,
    %broadcast_in_dim3A_2448 = arith.constant 96 : i32
    %broadcast_in_dim3A_2449 = vector.broadcast %broadcast_in_dim3A_2448 : i32 to vector<16xi32>
    %add3A_2450 = arith.addi %iota3A_2398, %broadcast_in_dim3A_2449 : vector<16xi32>
    tpu.vector_store_idx %arg6[%gather3A_2447, %add3A_2450], %broadcast_in_dim3A_2397 : memref<1000x128xf32, #tpu.memory_space<vmem>>[vector<16xi32>, vector<16xi32>], vector<16xf32>,
    %broadcast_in_dim3A_2451 = arith.constant 2256 : i32
    %broadcast_in_dim3A_2452 = vector.broadcast %broadcast_in_dim3A_2451 : i32 to vector<16xi32>
    %add3A_2453 = arith.addi %mul3A_2401, %broadcast_in_dim3A_2452 : vector<16xi32>
    %gather3A_2454 = tpu.vector_load_idx %arg5[%add3A_2453] : memref<2560xi32, #tpu.memory_space<vmem>>[vector<16xi32>], vector<16xi32>,
    %broadcast_in_dim3A_2455 = arith.constant 112 : i32
    %broadcast_in_dim3A_2456 = vector.broadcast %broadcast_in_dim3A_2455 : i32 to vector<16xi32>
    %add3A_2457 = arith.addi %iota3A_2398, %broadcast_in_dim3A_2456 : vector<16xi32>
    tpu.vector_store_idx %arg6[%gather3A_2454, %add3A_2457], %broadcast_in_dim3A_2397 : memref<1000x128xf32, #tpu.memory_space<vmem>>[vector<16xi32>, vector<16xi32>], vector<16xf32>,
    %broadcast_in_dim3A_2458 = arith.constant 1.000000e+00 : f32
    %broadcast_in_dim3A_2459 = vector.broadcast %broadcast_in_dim3A_2458 : f32 to vector<16xf32>
    %iota3A_2460 = tpu.iota {dimensions = array<i32: 0>} : vector<16xi32>
    %broadcast_in_dim3A_2461 = arith.constant 20 : i32
    %broadcast_in_dim3A_2462 = vector.broadcast %broadcast_in_dim3A_2461 : i32 to vector<16xi32>
    %mul3A_2463 = arith.muli %iota3A_2460, %broadcast_in_dim3A_2462 : vector<16xi32>
    %broadcast_in_dim3A_2464 = arith.constant 17 : i32
    %broadcast_in_dim3A_2465 = vector.broadcast %broadcast_in_dim3A_2464 : i32 to vector<16xi32>
    %add3A_2466 = arith.addi %mul3A_2463, %broadcast_in_dim3A_2465 : vector<16xi32>
    %gather3A_2467 = tpu.vector_load_idx %arg5[%add3A_2466] : memref<2560xi32, #tpu.memory_space<vmem>>[vector<16xi32>], vector<16xi32>,
    %broadcast_in_dim3A_2468 = arith.constant 0 : i32
    %broadcast_in_dim3A_2469 = vector.broadcast %broadcast_in_dim3A_2468 : i32 to vector<16xi32>
    %add3A_2470 = arith.addi %iota3A_2460, %broadcast_in_dim3A_2469 : vector<16xi32>
    tpu.vector_store_idx %arg6[%gather3A_2467, %add3A_2470], %broadcast_in_dim3A_2459 : memref<1000x128xf32, #tpu.memory_space<vmem>>[vector<16xi32>, vector<16xi32>], vector<16xf32>,
    %broadcast_in_dim3A_2471 = arith.constant 337 : i32
    %broadcast_in_dim3A_2472 = vector.broadcast %broadcast_in_dim3A_2471 : i32 to vector<16xi32>
    %add3A_2473 = arith.addi %mul3A_2463, %broadcast_in_dim3A_2472 : vector<16xi32>
    %gather3A_2474 = tpu.vector_load_idx %arg5[%add3A_2473] : memref<2560xi32, #tpu.memory_space<vmem>>[vector<16xi32>], vector<16xi32>,
    %broadcast_in_dim3A_2475 = arith.constant 16 : i32
    %broadcast_in_dim3A_2476 = vector.broadcast %broadcast_in_dim3A_2475 : i32 to vector<16xi32>
    %add3A_2477 = arith.addi %iota3A_2460, %broadcast_in_dim3A_2476 : vector<16xi32>
    tpu.vector_store_idx %arg6[%gather3A_2474, %add3A_2477], %broadcast_in_dim3A_2459 : memref<1000x128xf32, #tpu.memory_space<vmem>>[vector<16xi32>, vector<16xi32>], vector<16xf32>,
    %broadcast_in_dim3A_2478 = arith.constant 657 : i32
    %broadcast_in_dim3A_2479 = vector.broadcast %broadcast_in_dim3A_2478 : i32 to vector<16xi32>
    %add3A_2480 = arith.addi %mul3A_2463, %broadcast_in_dim3A_2479 : vector<16xi32>
    %gather3A_2481 = tpu.vector_load_idx %arg5[%add3A_2480] : memref<2560xi32, #tpu.memory_space<vmem>>[vector<16xi32>], vector<16xi32>,
    %broadcast_in_dim3A_2482 = arith.constant 32 : i32
    %broadcast_in_dim3A_2483 = vector.broadcast %broadcast_in_dim3A_2482 : i32 to vector<16xi32>
    %add3A_2484 = arith.addi %iota3A_2460, %broadcast_in_dim3A_2483 : vector<16xi32>
    tpu.vector_store_idx %arg6[%gather3A_2481, %add3A_2484], %broadcast_in_dim3A_2459 : memref<1000x128xf32, #tpu.memory_space<vmem>>[vector<16xi32>, vector<16xi32>], vector<16xf32>,
    %broadcast_in_dim3A_2485 = arith.constant 977 : i32
    %broadcast_in_dim3A_2486 = vector.broadcast %broadcast_in_dim3A_2485 : i32 to vector<16xi32>
    %add3A_2487 = arith.addi %mul3A_2463, %broadcast_in_dim3A_2486 : vector<16xi32>
    %gather3A_2488 = tpu.vector_load_idx %arg5[%add3A_2487] : memref<2560xi32, #tpu.memory_space<vmem>>[vector<16xi32>], vector<16xi32>,
    %broadcast_in_dim3A_2489 = arith.constant 48 : i32
    %broadcast_in_dim3A_2490 = vector.broadcast %broadcast_in_dim3A_2489 : i32 to vector<16xi32>
    %add3A_2491 = arith.addi %iota3A_2460, %broadcast_in_dim3A_2490 : vector<16xi32>
    tpu.vector_store_idx %arg6[%gather3A_2488, %add3A_2491], %broadcast_in_dim3A_2459 : memref<1000x128xf32, #tpu.memory_space<vmem>>[vector<16xi32>, vector<16xi32>], vector<16xf32>,
    %broadcast_in_dim3A_2492 = arith.constant 1297 : i32
    %broadcast_in_dim3A_2493 = vector.broadcast %broadcast_in_dim3A_2492 : i32 to vector<16xi32>
    %add3A_2494 = arith.addi %mul3A_2463, %broadcast_in_dim3A_2493 : vector<16xi32>
    %gather3A_2495 = tpu.vector_load_idx %arg5[%add3A_2494] : memref<2560xi32, #tpu.memory_space<vmem>>[vector<16xi32>], vector<16xi32>,
    %broadcast_in_dim3A_2496 = arith.constant 64 : i32
    %broadcast_in_dim3A_2497 = vector.broadcast %broadcast_in_dim3A_2496 : i32 to vector<16xi32>
    %add3A_2498 = arith.addi %iota3A_2460, %broadcast_in_dim3A_2497 : vector<16xi32>
    tpu.vector_store_idx %arg6[%gather3A_2495, %add3A_2498], %broadcast_in_dim3A_2459 : memref<1000x128xf32, #tpu.memory_space<vmem>>[vector<16xi32>, vector<16xi32>], vector<16xf32>,
    %broadcast_in_dim3A_2499 = arith.constant 1617 : i32
    %broadcast_in_dim3A_2500 = vector.broadcast %broadcast_in_dim3A_2499 : i32 to vector<16xi32>
    %add3A_2501 = arith.addi %mul3A_2463, %broadcast_in_dim3A_2500 : vector<16xi32>
    %gather3A_2502 = tpu.vector_load_idx %arg5[%add3A_2501] : memref<2560xi32, #tpu.memory_space<vmem>>[vector<16xi32>], vector<16xi32>,
    %broadcast_in_dim3A_2503 = arith.constant 80 : i32
    %broadcast_in_dim3A_2504 = vector.broadcast %broadcast_in_dim3A_2503 : i32 to vector<16xi32>
    %add3A_2505 = arith.addi %iota3A_2460, %broadcast_in_dim3A_2504 : vector<16xi32>
    tpu.vector_store_idx %arg6[%gather3A_2502, %add3A_2505], %broadcast_in_dim3A_2459 : memref<1000x128xf32, #tpu.memory_space<vmem>>[vector<16xi32>, vector<16xi32>], vector<16xf32>,
    %broadcast_in_dim3A_2506 = arith.constant 1937 : i32
    %broadcast_in_dim3A_2507 = vector.broadcast %broadcast_in_dim3A_2506 : i32 to vector<16xi32>
    %add3A_2508 = arith.addi %mul3A_2463, %broadcast_in_dim3A_2507 : vector<16xi32>
    %gather3A_2509 = tpu.vector_load_idx %arg5[%add3A_2508] : memref<2560xi32, #tpu.memory_space<vmem>>[vector<16xi32>], vector<16xi32>,
    %broadcast_in_dim3A_2510 = arith.constant 96 : i32
    %broadcast_in_dim3A_2511 = vector.broadcast %broadcast_in_dim3A_2510 : i32 to vector<16xi32>
    %add3A_2512 = arith.addi %iota3A_2460, %broadcast_in_dim3A_2511 : vector<16xi32>
    tpu.vector_store_idx %arg6[%gather3A_2509, %add3A_2512], %broadcast_in_dim3A_2459 : memref<1000x128xf32, #tpu.memory_space<vmem>>[vector<16xi32>, vector<16xi32>], vector<16xf32>,
    %broadcast_in_dim3A_2513 = arith.constant 2257 : i32
    %broadcast_in_dim3A_2514 = vector.broadcast %broadcast_in_dim3A_2513 : i32 to vector<16xi32>
    %add3A_2515 = arith.addi %mul3A_2463, %broadcast_in_dim3A_2514 : vector<16xi32>
    %gather3A_2516 = tpu.vector_load_idx %arg5[%add3A_2515] : memref<2560xi32, #tpu.memory_space<vmem>>[vector<16xi32>], vector<16xi32>,
    %broadcast_in_dim3A_2517 = arith.constant 112 : i32
    %broadcast_in_dim3A_2518 = vector.broadcast %broadcast_in_dim3A_2517 : i32 to vector<16xi32>
    %add3A_2519 = arith.addi %iota3A_2460, %broadcast_in_dim3A_2518 : vector<16xi32>
    tpu.vector_store_idx %arg6[%gather3A_2516, %add3A_2519], %broadcast_in_dim3A_2459 : memref<1000x128xf32, #tpu.memory_space<vmem>>[vector<16xi32>, vector<16xi32>], vector<16xf32>,
    %dma_start3A_2520 = arith.constant 17 : i32
    %dma_start3A_2521 = arith.constant 0 : i32
    %dma_start3A_2522 = arith.constant 0 : i32
    %dma_start3A_2523 = tpu.memref_slice %arg4[%dma_start3A_2520, %dma_start3A_2522, %mul3A_2] : memref<20x1000x4096xf32, #tpu.memory_space<hbm>> -> memref<1x1000x128xf32, #tpu.memory_space<hbm>>
    %dma_start3A_2524 = tpu.memref_squeeze %dma_start3A_2523 : memref<1x1000x128xf32, #tpu.memory_space<hbm>> -> memref<1000x128xf32, #tpu.memory_space<hbm>>
    %dma_start3A_2525 = tpu.memref_slice %arg7[%dma_start3A_2521] : memref<2x!tpu.dma_semaphore, #tpu.memory_space<semaphore_mem>> -> memref<1x!tpu.dma_semaphore, #tpu.memory_space<semaphore_mem>>
    %dma_start3A_2526 = tpu.memref_squeeze %dma_start3A_2525 : memref<1x!tpu.dma_semaphore, #tpu.memory_space<semaphore_mem>> -> memref<!tpu.dma_semaphore, #tpu.memory_space<semaphore_mem>>
    %dma_start3A_2527 = arith.constant 0 : i32
    %dma_start3A_2528 = tpu.memref_slice %arg4[%dma_start3A_2520, %dma_start3A_2527, %mul3A_2] : memref<20x1000x4096xf32, #tpu.memory_space<hbm>> -> memref<1x1000x128xf32, #tpu.memory_space<hbm>>
    %dma_start3A_2529 = tpu.memref_squeeze %dma_start3A_2528 : memref<1x1000x128xf32, #tpu.memory_space<hbm>> -> memref<1000x128xf32, #tpu.memory_space<hbm>>
    tpu.enqueue_dma source(%arg6 : memref<1000x128xf32, #tpu.memory_space<vmem>>) target(%dma_start3A_2529 : memref<1000x128xf32, #tpu.memory_space<hbm>>) target_semaphore(%dma_start3A_2526 : memref<!tpu.dma_semaphore, #tpu.memory_space<semaphore_mem>>)
    %dma_wait3A_2530 = arith.constant 17 : i32
    %dma_wait3A_2531 = arith.constant 0 : i32
    %dma_wait3A_2532 = arith.constant 0 : i32
    %dma_wait3A_2533 = tpu.memref_slice %arg4[%dma_wait3A_2530, %dma_wait3A_2532, %mul3A_2] : memref<20x1000x4096xf32, #tpu.memory_space<hbm>> -> memref<1x1000x128xf32, #tpu.memory_space<hbm>>
    %dma_wait3A_2534 = tpu.memref_squeeze %dma_wait3A_2533 : memref<1x1000x128xf32, #tpu.memory_space<hbm>> -> memref<1000x128xf32, #tpu.memory_space<hbm>>
    %dma_wait3A_2535 = tpu.memref_slice %arg7[%dma_wait3A_2531] : memref<2x!tpu.dma_semaphore, #tpu.memory_space<semaphore_mem>> -> memref<1x!tpu.dma_semaphore, #tpu.memory_space<semaphore_mem>>
    %dma_wait3A_2536 = tpu.memref_squeeze %dma_wait3A_2535 : memref<1x!tpu.dma_semaphore, #tpu.memory_space<semaphore_mem>> -> memref<!tpu.dma_semaphore, #tpu.memory_space<semaphore_mem>>
    %dma_wait3A_2537 = arith.constant 0 : i32
    %dma_wait3A_2538 = tpu.memref_slice %arg4[%dma_wait3A_2530, %dma_wait3A_2537, %mul3A_2] : memref<20x1000x4096xf32, #tpu.memory_space<hbm>> -> memref<1x1000x128xf32, #tpu.memory_space<hbm>>
    %dma_wait3A_2539 = tpu.memref_squeeze %dma_wait3A_2538 : memref<1x1000x128xf32, #tpu.memory_space<hbm>> -> memref<1000x128xf32, #tpu.memory_space<hbm>>
    tpu.wait_dma2 semaphore(%dma_wait3A_2536 : memref<!tpu.dma_semaphore, #tpu.memory_space<semaphore_mem>>) src(%arg6 : memref<1000x128xf32, #tpu.memory_space<vmem>>) dst(%dma_wait3A_2539 : memref<1000x128xf32, #tpu.memory_space<hbm>>)
    %broadcast_in_dim3A_2540 = arith.constant 0.000000e+00 : f32
    %broadcast_in_dim3A_2541 = vector.broadcast %broadcast_in_dim3A_2540 : f32 to vector<16xf32>
    %iota3A_2542 = tpu.iota {dimensions = array<i32: 0>} : vector<16xi32>
    %broadcast_in_dim3A_2543 = arith.constant 20 : i32
    %broadcast_in_dim3A_2544 = vector.broadcast %broadcast_in_dim3A_2543 : i32 to vector<16xi32>
    %mul3A_2545 = arith.muli %iota3A_2542, %broadcast_in_dim3A_2544 : vector<16xi32>
    %broadcast_in_dim3A_2546 = arith.constant 17 : i32
    %broadcast_in_dim3A_2547 = vector.broadcast %broadcast_in_dim3A_2546 : i32 to vector<16xi32>
    %add3A_2548 = arith.addi %mul3A_2545, %broadcast_in_dim3A_2547 : vector<16xi32>
    %gather3A_2549 = tpu.vector_load_idx %arg5[%add3A_2548] : memref<2560xi32, #tpu.memory_space<vmem>>[vector<16xi32>], vector<16xi32>,
    %broadcast_in_dim3A_2550 = arith.constant 0 : i32
    %broadcast_in_dim3A_2551 = vector.broadcast %broadcast_in_dim3A_2550 : i32 to vector<16xi32>
    %add3A_2552 = arith.addi %iota3A_2542, %broadcast_in_dim3A_2551 : vector<16xi32>
    tpu.vector_store_idx %arg6[%gather3A_2549, %add3A_2552], %broadcast_in_dim3A_2541 : memref<1000x128xf32, #tpu.memory_space<vmem>>[vector<16xi32>, vector<16xi32>], vector<16xf32>,
    %broadcast_in_dim3A_2553 = arith.constant 337 : i32
    %broadcast_in_dim3A_2554 = vector.broadcast %broadcast_in_dim3A_2553 : i32 to vector<16xi32>
    %add3A_2555 = arith.addi %mul3A_2545, %broadcast_in_dim3A_2554 : vector<16xi32>
    %gather3A_2556 = tpu.vector_load_idx %arg5[%add3A_2555] : memref<2560xi32, #tpu.memory_space<vmem>>[vector<16xi32>], vector<16xi32>,
    %broadcast_in_dim3A_2557 = arith.constant 16 : i32
    %broadcast_in_dim3A_2558 = vector.broadcast %broadcast_in_dim3A_2557 : i32 to vector<16xi32>
    %add3A_2559 = arith.addi %iota3A_2542, %broadcast_in_dim3A_2558 : vector<16xi32>
    tpu.vector_store_idx %arg6[%gather3A_2556, %add3A_2559], %broadcast_in_dim3A_2541 : memref<1000x128xf32, #tpu.memory_space<vmem>>[vector<16xi32>, vector<16xi32>], vector<16xf32>,
    %broadcast_in_dim3A_2560 = arith.constant 657 : i32
    %broadcast_in_dim3A_2561 = vector.broadcast %broadcast_in_dim3A_2560 : i32 to vector<16xi32>
    %add3A_2562 = arith.addi %mul3A_2545, %broadcast_in_dim3A_2561 : vector<16xi32>
    %gather3A_2563 = tpu.vector_load_idx %arg5[%add3A_2562] : memref<2560xi32, #tpu.memory_space<vmem>>[vector<16xi32>], vector<16xi32>,
    %broadcast_in_dim3A_2564 = arith.constant 32 : i32
    %broadcast_in_dim3A_2565 = vector.broadcast %broadcast_in_dim3A_2564 : i32 to vector<16xi32>
    %add3A_2566 = arith.addi %iota3A_2542, %broadcast_in_dim3A_2565 : vector<16xi32>
    tpu.vector_store_idx %arg6[%gather3A_2563, %add3A_2566], %broadcast_in_dim3A_2541 : memref<1000x128xf32, #tpu.memory_space<vmem>>[vector<16xi32>, vector<16xi32>], vector<16xf32>,
    %broadcast_in_dim3A_2567 = arith.constant 977 : i32
    %broadcast_in_dim3A_2568 = vector.broadcast %broadcast_in_dim3A_2567 : i32 to vector<16xi32>
    %add3A_2569 = arith.addi %mul3A_2545, %broadcast_in_dim3A_2568 : vector<16xi32>
    %gather3A_2570 = tpu.vector_load_idx %arg5[%add3A_2569] : memref<2560xi32, #tpu.memory_space<vmem>>[vector<16xi32>], vector<16xi32>,
    %broadcast_in_dim3A_2571 = arith.constant 48 : i32
    %broadcast_in_dim3A_2572 = vector.broadcast %broadcast_in_dim3A_2571 : i32 to vector<16xi32>
    %add3A_2573 = arith.addi %iota3A_2542, %broadcast_in_dim3A_2572 : vector<16xi32>
    tpu.vector_store_idx %arg6[%gather3A_2570, %add3A_2573], %broadcast_in_dim3A_2541 : memref<1000x128xf32, #tpu.memory_space<vmem>>[vector<16xi32>, vector<16xi32>], vector<16xf32>,
    %broadcast_in_dim3A_2574 = arith.constant 1297 : i32
    %broadcast_in_dim3A_2575 = vector.broadcast %broadcast_in_dim3A_2574 : i32 to vector<16xi32>
    %add3A_2576 = arith.addi %mul3A_2545, %broadcast_in_dim3A_2575 : vector<16xi32>
    %gather3A_2577 = tpu.vector_load_idx %arg5[%add3A_2576] : memref<2560xi32, #tpu.memory_space<vmem>>[vector<16xi32>], vector<16xi32>,
    %broadcast_in_dim3A_2578 = arith.constant 64 : i32
    %broadcast_in_dim3A_2579 = vector.broadcast %broadcast_in_dim3A_2578 : i32 to vector<16xi32>
    %add3A_2580 = arith.addi %iota3A_2542, %broadcast_in_dim3A_2579 : vector<16xi32>
    tpu.vector_store_idx %arg6[%gather3A_2577, %add3A_2580], %broadcast_in_dim3A_2541 : memref<1000x128xf32, #tpu.memory_space<vmem>>[vector<16xi32>, vector<16xi32>], vector<16xf32>,
    %broadcast_in_dim3A_2581 = arith.constant 1617 : i32
    %broadcast_in_dim3A_2582 = vector.broadcast %broadcast_in_dim3A_2581 : i32 to vector<16xi32>
    %add3A_2583 = arith.addi %mul3A_2545, %broadcast_in_dim3A_2582 : vector<16xi32>
    %gather3A_2584 = tpu.vector_load_idx %arg5[%add3A_2583] : memref<2560xi32, #tpu.memory_space<vmem>>[vector<16xi32>], vector<16xi32>,
    %broadcast_in_dim3A_2585 = arith.constant 80 : i32
    %broadcast_in_dim3A_2586 = vector.broadcast %broadcast_in_dim3A_2585 : i32 to vector<16xi32>
    %add3A_2587 = arith.addi %iota3A_2542, %broadcast_in_dim3A_2586 : vector<16xi32>
    tpu.vector_store_idx %arg6[%gather3A_2584, %add3A_2587], %broadcast_in_dim3A_2541 : memref<1000x128xf32, #tpu.memory_space<vmem>>[vector<16xi32>, vector<16xi32>], vector<16xf32>,
    %broadcast_in_dim3A_2588 = arith.constant 1937 : i32
    %broadcast_in_dim3A_2589 = vector.broadcast %broadcast_in_dim3A_2588 : i32 to vector<16xi32>
    %add3A_2590 = arith.addi %mul3A_2545, %broadcast_in_dim3A_2589 : vector<16xi32>
    %gather3A_2591 = tpu.vector_load_idx %arg5[%add3A_2590] : memref<2560xi32, #tpu.memory_space<vmem>>[vector<16xi32>], vector<16xi32>,
    %broadcast_in_dim3A_2592 = arith.constant 96 : i32
    %broadcast_in_dim3A_2593 = vector.broadcast %broadcast_in_dim3A_2592 : i32 to vector<16xi32>
    %add3A_2594 = arith.addi %iota3A_2542, %broadcast_in_dim3A_2593 : vector<16xi32>
    tpu.vector_store_idx %arg6[%gather3A_2591, %add3A_2594], %broadcast_in_dim3A_2541 : memref<1000x128xf32, #tpu.memory_space<vmem>>[vector<16xi32>, vector<16xi32>], vector<16xf32>,
    %broadcast_in_dim3A_2595 = arith.constant 2257 : i32
    %broadcast_in_dim3A_2596 = vector.broadcast %broadcast_in_dim3A_2595 : i32 to vector<16xi32>
    %add3A_2597 = arith.addi %mul3A_2545, %broadcast_in_dim3A_2596 : vector<16xi32>
    %gather3A_2598 = tpu.vector_load_idx %arg5[%add3A_2597] : memref<2560xi32, #tpu.memory_space<vmem>>[vector<16xi32>], vector<16xi32>,
    %broadcast_in_dim3A_2599 = arith.constant 112 : i32
    %broadcast_in_dim3A_2600 = vector.broadcast %broadcast_in_dim3A_2599 : i32 to vector<16xi32>
    %add3A_2601 = arith.addi %iota3A_2542, %broadcast_in_dim3A_2600 : vector<16xi32>
    tpu.vector_store_idx %arg6[%gather3A_2598, %add3A_2601], %broadcast_in_dim3A_2541 : memref<1000x128xf32, #tpu.memory_space<vmem>>[vector<16xi32>, vector<16xi32>], vector<16xf32>,
    %broadcast_in_dim3A_2602 = arith.constant 1.000000e+00 : f32
    %broadcast_in_dim3A_2603 = vector.broadcast %broadcast_in_dim3A_2602 : f32 to vector<16xf32>
    %iota3A_2604 = tpu.iota {dimensions = array<i32: 0>} : vector<16xi32>
    %broadcast_in_dim3A_2605 = arith.constant 20 : i32
    %broadcast_in_dim3A_2606 = vector.broadcast %broadcast_in_dim3A_2605 : i32 to vector<16xi32>
    %mul3A_2607 = arith.muli %iota3A_2604, %broadcast_in_dim3A_2606 : vector<16xi32>
    %broadcast_in_dim3A_2608 = arith.constant 18 : i32
    %broadcast_in_dim3A_2609 = vector.broadcast %broadcast_in_dim3A_2608 : i32 to vector<16xi32>
    %add3A_2610 = arith.addi %mul3A_2607, %broadcast_in_dim3A_2609 : vector<16xi32>
    %gather3A_2611 = tpu.vector_load_idx %arg5[%add3A_2610] : memref<2560xi32, #tpu.memory_space<vmem>>[vector<16xi32>], vector<16xi32>,
    %broadcast_in_dim3A_2612 = arith.constant 0 : i32
    %broadcast_in_dim3A_2613 = vector.broadcast %broadcast_in_dim3A_2612 : i32 to vector<16xi32>
    %add3A_2614 = arith.addi %iota3A_2604, %broadcast_in_dim3A_2613 : vector<16xi32>
    tpu.vector_store_idx %arg6[%gather3A_2611, %add3A_2614], %broadcast_in_dim3A_2603 : memref<1000x128xf32, #tpu.memory_space<vmem>>[vector<16xi32>, vector<16xi32>], vector<16xf32>,
    %broadcast_in_dim3A_2615 = arith.constant 338 : i32
    %broadcast_in_dim3A_2616 = vector.broadcast %broadcast_in_dim3A_2615 : i32 to vector<16xi32>
    %add3A_2617 = arith.addi %mul3A_2607, %broadcast_in_dim3A_2616 : vector<16xi32>
    %gather3A_2618 = tpu.vector_load_idx %arg5[%add3A_2617] : memref<2560xi32, #tpu.memory_space<vmem>>[vector<16xi32>], vector<16xi32>,
    %broadcast_in_dim3A_2619 = arith.constant 16 : i32
    %broadcast_in_dim3A_2620 = vector.broadcast %broadcast_in_dim3A_2619 : i32 to vector<16xi32>
    %add3A_2621 = arith.addi %iota3A_2604, %broadcast_in_dim3A_2620 : vector<16xi32>
    tpu.vector_store_idx %arg6[%gather3A_2618, %add3A_2621], %broadcast_in_dim3A_2603 : memref<1000x128xf32, #tpu.memory_space<vmem>>[vector<16xi32>, vector<16xi32>], vector<16xf32>,
    %broadcast_in_dim3A_2622 = arith.constant 658 : i32
    %broadcast_in_dim3A_2623 = vector.broadcast %broadcast_in_dim3A_2622 : i32 to vector<16xi32>
    %add3A_2624 = arith.addi %mul3A_2607, %broadcast_in_dim3A_2623 : vector<16xi32>
    %gather3A_2625 = tpu.vector_load_idx %arg5[%add3A_2624] : memref<2560xi32, #tpu.memory_space<vmem>>[vector<16xi32>], vector<16xi32>,
    %broadcast_in_dim3A_2626 = arith.constant 32 : i32
    %broadcast_in_dim3A_2627 = vector.broadcast %broadcast_in_dim3A_2626 : i32 to vector<16xi32>
    %add3A_2628 = arith.addi %iota3A_2604, %broadcast_in_dim3A_2627 : vector<16xi32>
    tpu.vector_store_idx %arg6[%gather3A_2625, %add3A_2628], %broadcast_in_dim3A_2603 : memref<1000x128xf32, #tpu.memory_space<vmem>>[vector<16xi32>, vector<16xi32>], vector<16xf32>,
    %broadcast_in_dim3A_2629 = arith.constant 978 : i32
    %broadcast_in_dim3A_2630 = vector.broadcast %broadcast_in_dim3A_2629 : i32 to vector<16xi32>
    %add3A_2631 = arith.addi %mul3A_2607, %broadcast_in_dim3A_2630 : vector<16xi32>
    %gather3A_2632 = tpu.vector_load_idx %arg5[%add3A_2631] : memref<2560xi32, #tpu.memory_space<vmem>>[vector<16xi32>], vector<16xi32>,
    %broadcast_in_dim3A_2633 = arith.constant 48 : i32
    %broadcast_in_dim3A_2634 = vector.broadcast %broadcast_in_dim3A_2633 : i32 to vector<16xi32>
    %add3A_2635 = arith.addi %iota3A_2604, %broadcast_in_dim3A_2634 : vector<16xi32>
    tpu.vector_store_idx %arg6[%gather3A_2632, %add3A_2635], %broadcast_in_dim3A_2603 : memref<1000x128xf32, #tpu.memory_space<vmem>>[vector<16xi32>, vector<16xi32>], vector<16xf32>,
    %broadcast_in_dim3A_2636 = arith.constant 1298 : i32
    %broadcast_in_dim3A_2637 = vector.broadcast %broadcast_in_dim3A_2636 : i32 to vector<16xi32>
    %add3A_2638 = arith.addi %mul3A_2607, %broadcast_in_dim3A_2637 : vector<16xi32>
    %gather3A_2639 = tpu.vector_load_idx %arg5[%add3A_2638] : memref<2560xi32, #tpu.memory_space<vmem>>[vector<16xi32>], vector<16xi32>,
    %broadcast_in_dim3A_2640 = arith.constant 64 : i32
    %broadcast_in_dim3A_2641 = vector.broadcast %broadcast_in_dim3A_2640 : i32 to vector<16xi32>
    %add3A_2642 = arith.addi %iota3A_2604, %broadcast_in_dim3A_2641 : vector<16xi32>
    tpu.vector_store_idx %arg6[%gather3A_2639, %add3A_2642], %broadcast_in_dim3A_2603 : memref<1000x128xf32, #tpu.memory_space<vmem>>[vector<16xi32>, vector<16xi32>], vector<16xf32>,
    %broadcast_in_dim3A_2643 = arith.constant 1618 : i32
    %broadcast_in_dim3A_2644 = vector.broadcast %broadcast_in_dim3A_2643 : i32 to vector<16xi32>
    %add3A_2645 = arith.addi %mul3A_2607, %broadcast_in_dim3A_2644 : vector<16xi32>
    %gather3A_2646 = tpu.vector_load_idx %arg5[%add3A_2645] : memref<2560xi32, #tpu.memory_space<vmem>>[vector<16xi32>], vector<16xi32>,
    %broadcast_in_dim3A_2647 = arith.constant 80 : i32
    %broadcast_in_dim3A_2648 = vector.broadcast %broadcast_in_dim3A_2647 : i32 to vector<16xi32>
    %add3A_2649 = arith.addi %iota3A_2604, %broadcast_in_dim3A_2648 : vector<16xi32>
    tpu.vector_store_idx %arg6[%gather3A_2646, %add3A_2649], %broadcast_in_dim3A_2603 : memref<1000x128xf32, #tpu.memory_space<vmem>>[vector<16xi32>, vector<16xi32>], vector<16xf32>,
    %broadcast_in_dim3A_2650 = arith.constant 1938 : i32
    %broadcast_in_dim3A_2651 = vector.broadcast %broadcast_in_dim3A_2650 : i32 to vector<16xi32>
    %add3A_2652 = arith.addi %mul3A_2607, %broadcast_in_dim3A_2651 : vector<16xi32>
    %gather3A_2653 = tpu.vector_load_idx %arg5[%add3A_2652] : memref<2560xi32, #tpu.memory_space<vmem>>[vector<16xi32>], vector<16xi32>,
    %broadcast_in_dim3A_2654 = arith.constant 96 : i32
    %broadcast_in_dim3A_2655 = vector.broadcast %broadcast_in_dim3A_2654 : i32 to vector<16xi32>
    %add3A_2656 = arith.addi %iota3A_2604, %broadcast_in_dim3A_2655 : vector<16xi32>
    tpu.vector_store_idx %arg6[%gather3A_2653, %add3A_2656], %broadcast_in_dim3A_2603 : memref<1000x128xf32, #tpu.memory_space<vmem>>[vector<16xi32>, vector<16xi32>], vector<16xf32>,
    %broadcast_in_dim3A_2657 = arith.constant 2258 : i32
    %broadcast_in_dim3A_2658 = vector.broadcast %broadcast_in_dim3A_2657 : i32 to vector<16xi32>
    %add3A_2659 = arith.addi %mul3A_2607, %broadcast_in_dim3A_2658 : vector<16xi32>
    %gather3A_2660 = tpu.vector_load_idx %arg5[%add3A_2659] : memref<2560xi32, #tpu.memory_space<vmem>>[vector<16xi32>], vector<16xi32>,
    %broadcast_in_dim3A_2661 = arith.constant 112 : i32
    %broadcast_in_dim3A_2662 = vector.broadcast %broadcast_in_dim3A_2661 : i32 to vector<16xi32>
    %add3A_2663 = arith.addi %iota3A_2604, %broadcast_in_dim3A_2662 : vector<16xi32>
    tpu.vector_store_idx %arg6[%gather3A_2660, %add3A_2663], %broadcast_in_dim3A_2603 : memref<1000x128xf32, #tpu.memory_space<vmem>>[vector<16xi32>, vector<16xi32>], vector<16xf32>,
    %dma_start3A_2664 = arith.constant 18 : i32
    %dma_start3A_2665 = arith.constant 0 : i32
    %dma_start3A_2666 = arith.constant 0 : i32
    %dma_start3A_2667 = tpu.memref_slice %arg4[%dma_start3A_2664, %dma_start3A_2666, %mul3A_2] : memref<20x1000x4096xf32, #tpu.memory_space<hbm>> -> memref<1x1000x128xf32, #tpu.memory_space<hbm>>
    %dma_start3A_2668 = tpu.memref_squeeze %dma_start3A_2667 : memref<1x1000x128xf32, #tpu.memory_space<hbm>> -> memref<1000x128xf32, #tpu.memory_space<hbm>>
    %dma_start3A_2669 = tpu.memref_slice %arg7[%dma_start3A_2665] : memref<2x!tpu.dma_semaphore, #tpu.memory_space<semaphore_mem>> -> memref<1x!tpu.dma_semaphore, #tpu.memory_space<semaphore_mem>>
    %dma_start3A_2670 = tpu.memref_squeeze %dma_start3A_2669 : memref<1x!tpu.dma_semaphore, #tpu.memory_space<semaphore_mem>> -> memref<!tpu.dma_semaphore, #tpu.memory_space<semaphore_mem>>
    %dma_start3A_2671 = arith.constant 0 : i32
    %dma_start3A_2672 = tpu.memref_slice %arg4[%dma_start3A_2664, %dma_start3A_2671, %mul3A_2] : memref<20x1000x4096xf32, #tpu.memory_space<hbm>> -> memref<1x1000x128xf32, #tpu.memory_space<hbm>>
    %dma_start3A_2673 = tpu.memref_squeeze %dma_start3A_2672 : memref<1x1000x128xf32, #tpu.memory_space<hbm>> -> memref<1000x128xf32, #tpu.memory_space<hbm>>
    tpu.enqueue_dma source(%arg6 : memref<1000x128xf32, #tpu.memory_space<vmem>>) target(%dma_start3A_2673 : memref<1000x128xf32, #tpu.memory_space<hbm>>) target_semaphore(%dma_start3A_2670 : memref<!tpu.dma_semaphore, #tpu.memory_space<semaphore_mem>>)
    %dma_wait3A_2674 = arith.constant 18 : i32
    %dma_wait3A_2675 = arith.constant 0 : i32
    %dma_wait3A_2676 = arith.constant 0 : i32
    %dma_wait3A_2677 = tpu.memref_slice %arg4[%dma_wait3A_2674, %dma_wait3A_2676, %mul3A_2] : memref<20x1000x4096xf32, #tpu.memory_space<hbm>> -> memref<1x1000x128xf32, #tpu.memory_space<hbm>>
    %dma_wait3A_2678 = tpu.memref_squeeze %dma_wait3A_2677 : memref<1x1000x128xf32, #tpu.memory_space<hbm>> -> memref<1000x128xf32, #tpu.memory_space<hbm>>
    %dma_wait3A_2679 = tpu.memref_slice %arg7[%dma_wait3A_2675] : memref<2x!tpu.dma_semaphore, #tpu.memory_space<semaphore_mem>> -> memref<1x!tpu.dma_semaphore, #tpu.memory_space<semaphore_mem>>
    %dma_wait3A_2680 = tpu.memref_squeeze %dma_wait3A_2679 : memref<1x!tpu.dma_semaphore, #tpu.memory_space<semaphore_mem>> -> memref<!tpu.dma_semaphore, #tpu.memory_space<semaphore_mem>>
    %dma_wait3A_2681 = arith.constant 0 : i32
    %dma_wait3A_2682 = tpu.memref_slice %arg4[%dma_wait3A_2674, %dma_wait3A_2681, %mul3A_2] : memref<20x1000x4096xf32, #tpu.memory_space<hbm>> -> memref<1x1000x128xf32, #tpu.memory_space<hbm>>
    %dma_wait3A_2683 = tpu.memref_squeeze %dma_wait3A_2682 : memref<1x1000x128xf32, #tpu.memory_space<hbm>> -> memref<1000x128xf32, #tpu.memory_space<hbm>>
    tpu.wait_dma2 semaphore(%dma_wait3A_2680 : memref<!tpu.dma_semaphore, #tpu.memory_space<semaphore_mem>>) src(%arg6 : memref<1000x128xf32, #tpu.memory_space<vmem>>) dst(%dma_wait3A_2683 : memref<1000x128xf32, #tpu.memory_space<hbm>>)
    %broadcast_in_dim3A_2684 = arith.constant 0.000000e+00 : f32
    %broadcast_in_dim3A_2685 = vector.broadcast %broadcast_in_dim3A_2684 : f32 to vector<16xf32>
    %iota3A_2686 = tpu.iota {dimensions = array<i32: 0>} : vector<16xi32>
    %broadcast_in_dim3A_2687 = arith.constant 20 : i32
    %broadcast_in_dim3A_2688 = vector.broadcast %broadcast_in_dim3A_2687 : i32 to vector<16xi32>
    %mul3A_2689 = arith.muli %iota3A_2686, %broadcast_in_dim3A_2688 : vector<16xi32>
    %broadcast_in_dim3A_2690 = arith.constant 18 : i32
    %broadcast_in_dim3A_2691 = vector.broadcast %broadcast_in_dim3A_2690 : i32 to vector<16xi32>
    %add3A_2692 = arith.addi %mul3A_2689, %broadcast_in_dim3A_2691 : vector<16xi32>
    %gather3A_2693 = tpu.vector_load_idx %arg5[%add3A_2692] : memref<2560xi32, #tpu.memory_space<vmem>>[vector<16xi32>], vector<16xi32>,
    %broadcast_in_dim3A_2694 = arith.constant 0 : i32
    %broadcast_in_dim3A_2695 = vector.broadcast %broadcast_in_dim3A_2694 : i32 to vector<16xi32>
    %add3A_2696 = arith.addi %iota3A_2686, %broadcast_in_dim3A_2695 : vector<16xi32>
    tpu.vector_store_idx %arg6[%gather3A_2693, %add3A_2696], %broadcast_in_dim3A_2685 : memref<1000x128xf32, #tpu.memory_space<vmem>>[vector<16xi32>, vector<16xi32>], vector<16xf32>,
    %broadcast_in_dim3A_2697 = arith.constant 338 : i32
    %broadcast_in_dim3A_2698 = vector.broadcast %broadcast_in_dim3A_2697 : i32 to vector<16xi32>
    %add3A_2699 = arith.addi %mul3A_2689, %broadcast_in_dim3A_2698 : vector<16xi32>
    %gather3A_2700 = tpu.vector_load_idx %arg5[%add3A_2699] : memref<2560xi32, #tpu.memory_space<vmem>>[vector<16xi32>], vector<16xi32>,
    %broadcast_in_dim3A_2701 = arith.constant 16 : i32
    %broadcast_in_dim3A_2702 = vector.broadcast %broadcast_in_dim3A_2701 : i32 to vector<16xi32>
    %add3A_2703 = arith.addi %iota3A_2686, %broadcast_in_dim3A_2702 : vector<16xi32>
    tpu.vector_store_idx %arg6[%gather3A_2700, %add3A_2703], %broadcast_in_dim3A_2685 : memref<1000x128xf32, #tpu.memory_space<vmem>>[vector<16xi32>, vector<16xi32>], vector<16xf32>,
    %broadcast_in_dim3A_2704 = arith.constant 658 : i32
    %broadcast_in_dim3A_2705 = vector.broadcast %broadcast_in_dim3A_2704 : i32 to vector<16xi32>
    %add3A_2706 = arith.addi %mul3A_2689, %broadcast_in_dim3A_2705 : vector<16xi32>
    %gather3A_2707 = tpu.vector_load_idx %arg5[%add3A_2706] : memref<2560xi32, #tpu.memory_space<vmem>>[vector<16xi32>], vector<16xi32>,
    %broadcast_in_dim3A_2708 = arith.constant 32 : i32
    %broadcast_in_dim3A_2709 = vector.broadcast %broadcast_in_dim3A_2708 : i32 to vector<16xi32>
    %add3A_2710 = arith.addi %iota3A_2686, %broadcast_in_dim3A_2709 : vector<16xi32>
    tpu.vector_store_idx %arg6[%gather3A_2707, %add3A_2710], %broadcast_in_dim3A_2685 : memref<1000x128xf32, #tpu.memory_space<vmem>>[vector<16xi32>, vector<16xi32>], vector<16xf32>,
    %broadcast_in_dim3A_2711 = arith.constant 978 : i32
    %broadcast_in_dim3A_2712 = vector.broadcast %broadcast_in_dim3A_2711 : i32 to vector<16xi32>
    %add3A_2713 = arith.addi %mul3A_2689, %broadcast_in_dim3A_2712 : vector<16xi32>
    %gather3A_2714 = tpu.vector_load_idx %arg5[%add3A_2713] : memref<2560xi32, #tpu.memory_space<vmem>>[vector<16xi32>], vector<16xi32>,
    %broadcast_in_dim3A_2715 = arith.constant 48 : i32
    %broadcast_in_dim3A_2716 = vector.broadcast %broadcast_in_dim3A_2715 : i32 to vector<16xi32>
    %add3A_2717 = arith.addi %iota3A_2686, %broadcast_in_dim3A_2716 : vector<16xi32>
    tpu.vector_store_idx %arg6[%gather3A_2714, %add3A_2717], %broadcast_in_dim3A_2685 : memref<1000x128xf32, #tpu.memory_space<vmem>>[vector<16xi32>, vector<16xi32>], vector<16xf32>,
    %broadcast_in_dim3A_2718 = arith.constant 1298 : i32
    %broadcast_in_dim3A_2719 = vector.broadcast %broadcast_in_dim3A_2718 : i32 to vector<16xi32>
    %add3A_2720 = arith.addi %mul3A_2689, %broadcast_in_dim3A_2719 : vector<16xi32>
    %gather3A_2721 = tpu.vector_load_idx %arg5[%add3A_2720] : memref<2560xi32, #tpu.memory_space<vmem>>[vector<16xi32>], vector<16xi32>,
    %broadcast_in_dim3A_2722 = arith.constant 64 : i32
    %broadcast_in_dim3A_2723 = vector.broadcast %broadcast_in_dim3A_2722 : i32 to vector<16xi32>
    %add3A_2724 = arith.addi %iota3A_2686, %broadcast_in_dim3A_2723 : vector<16xi32>
    tpu.vector_store_idx %arg6[%gather3A_2721, %add3A_2724], %broadcast_in_dim3A_2685 : memref<1000x128xf32, #tpu.memory_space<vmem>>[vector<16xi32>, vector<16xi32>], vector<16xf32>,
    %broadcast_in_dim3A_2725 = arith.constant 1618 : i32
    %broadcast_in_dim3A_2726 = vector.broadcast %broadcast_in_dim3A_2725 : i32 to vector<16xi32>
    %add3A_2727 = arith.addi %mul3A_2689, %broadcast_in_dim3A_2726 : vector<16xi32>
    %gather3A_2728 = tpu.vector_load_idx %arg5[%add3A_2727] : memref<2560xi32, #tpu.memory_space<vmem>>[vector<16xi32>], vector<16xi32>,
    %broadcast_in_dim3A_2729 = arith.constant 80 : i32
    %broadcast_in_dim3A_2730 = vector.broadcast %broadcast_in_dim3A_2729 : i32 to vector<16xi32>
    %add3A_2731 = arith.addi %iota3A_2686, %broadcast_in_dim3A_2730 : vector<16xi32>
    tpu.vector_store_idx %arg6[%gather3A_2728, %add3A_2731], %broadcast_in_dim3A_2685 : memref<1000x128xf32, #tpu.memory_space<vmem>>[vector<16xi32>, vector<16xi32>], vector<16xf32>,
    %broadcast_in_dim3A_2732 = arith.constant 1938 : i32
    %broadcast_in_dim3A_2733 = vector.broadcast %broadcast_in_dim3A_2732 : i32 to vector<16xi32>
    %add3A_2734 = arith.addi %mul3A_2689, %broadcast_in_dim3A_2733 : vector<16xi32>
    %gather3A_2735 = tpu.vector_load_idx %arg5[%add3A_2734] : memref<2560xi32, #tpu.memory_space<vmem>>[vector<16xi32>], vector<16xi32>,
    %broadcast_in_dim3A_2736 = arith.constant 96 : i32
    %broadcast_in_dim3A_2737 = vector.broadcast %broadcast_in_dim3A_2736 : i32 to vector<16xi32>
    %add3A_2738 = arith.addi %iota3A_2686, %broadcast_in_dim3A_2737 : vector<16xi32>
    tpu.vector_store_idx %arg6[%gather3A_2735, %add3A_2738], %broadcast_in_dim3A_2685 : memref<1000x128xf32, #tpu.memory_space<vmem>>[vector<16xi32>, vector<16xi32>], vector<16xf32>,
    %broadcast_in_dim3A_2739 = arith.constant 2258 : i32
    %broadcast_in_dim3A_2740 = vector.broadcast %broadcast_in_dim3A_2739 : i32 to vector<16xi32>
    %add3A_2741 = arith.addi %mul3A_2689, %broadcast_in_dim3A_2740 : vector<16xi32>
    %gather3A_2742 = tpu.vector_load_idx %arg5[%add3A_2741] : memref<2560xi32, #tpu.memory_space<vmem>>[vector<16xi32>], vector<16xi32>,
    %broadcast_in_dim3A_2743 = arith.constant 112 : i32
    %broadcast_in_dim3A_2744 = vector.broadcast %broadcast_in_dim3A_2743 : i32 to vector<16xi32>
    %add3A_2745 = arith.addi %iota3A_2686, %broadcast_in_dim3A_2744 : vector<16xi32>
    tpu.vector_store_idx %arg6[%gather3A_2742, %add3A_2745], %broadcast_in_dim3A_2685 : memref<1000x128xf32, #tpu.memory_space<vmem>>[vector<16xi32>, vector<16xi32>], vector<16xf32>,
    %broadcast_in_dim3A_2746 = arith.constant 1.000000e+00 : f32
    %broadcast_in_dim3A_2747 = vector.broadcast %broadcast_in_dim3A_2746 : f32 to vector<16xf32>
    %iota3A_2748 = tpu.iota {dimensions = array<i32: 0>} : vector<16xi32>
    %broadcast_in_dim3A_2749 = arith.constant 20 : i32
    %broadcast_in_dim3A_2750 = vector.broadcast %broadcast_in_dim3A_2749 : i32 to vector<16xi32>
    %mul3A_2751 = arith.muli %iota3A_2748, %broadcast_in_dim3A_2750 : vector<16xi32>
    %broadcast_in_dim3A_2752 = arith.constant 19 : i32
    %broadcast_in_dim3A_2753 = vector.broadcast %broadcast_in_dim3A_2752 : i32 to vector<16xi32>
    %add3A_2754 = arith.addi %mul3A_2751, %broadcast_in_dim3A_2753 : vector<16xi32>
    %gather3A_2755 = tpu.vector_load_idx %arg5[%add3A_2754] : memref<2560xi32, #tpu.memory_space<vmem>>[vector<16xi32>], vector<16xi32>,
    %broadcast_in_dim3A_2756 = arith.constant 0 : i32
    %broadcast_in_dim3A_2757 = vector.broadcast %broadcast_in_dim3A_2756 : i32 to vector<16xi32>
    %add3A_2758 = arith.addi %iota3A_2748, %broadcast_in_dim3A_2757 : vector<16xi32>
    tpu.vector_store_idx %arg6[%gather3A_2755, %add3A_2758], %broadcast_in_dim3A_2747 : memref<1000x128xf32, #tpu.memory_space<vmem>>[vector<16xi32>, vector<16xi32>], vector<16xf32>,
    %broadcast_in_dim3A_2759 = arith.constant 339 : i32
    %broadcast_in_dim3A_2760 = vector.broadcast %broadcast_in_dim3A_2759 : i32 to vector<16xi32>
    %add3A_2761 = arith.addi %mul3A_2751, %broadcast_in_dim3A_2760 : vector<16xi32>
    %gather3A_2762 = tpu.vector_load_idx %arg5[%add3A_2761] : memref<2560xi32, #tpu.memory_space<vmem>>[vector<16xi32>], vector<16xi32>,
    %broadcast_in_dim3A_2763 = arith.constant 16 : i32
    %broadcast_in_dim3A_2764 = vector.broadcast %broadcast_in_dim3A_2763 : i32 to vector<16xi32>
    %add3A_2765 = arith.addi %iota3A_2748, %broadcast_in_dim3A_2764 : vector<16xi32>
    tpu.vector_store_idx %arg6[%gather3A_2762, %add3A_2765], %broadcast_in_dim3A_2747 : memref<1000x128xf32, #tpu.memory_space<vmem>>[vector<16xi32>, vector<16xi32>], vector<16xf32>,
    %broadcast_in_dim3A_2766 = arith.constant 659 : i32
    %broadcast_in_dim3A_2767 = vector.broadcast %broadcast_in_dim3A_2766 : i32 to vector<16xi32>
    %add3A_2768 = arith.addi %mul3A_2751, %broadcast_in_dim3A_2767 : vector<16xi32>
    %gather3A_2769 = tpu.vector_load_idx %arg5[%add3A_2768] : memref<2560xi32, #tpu.memory_space<vmem>>[vector<16xi32>], vector<16xi32>,
    %broadcast_in_dim3A_2770 = arith.constant 32 : i32
    %broadcast_in_dim3A_2771 = vector.broadcast %broadcast_in_dim3A_2770 : i32 to vector<16xi32>
    %add3A_2772 = arith.addi %iota3A_2748, %broadcast_in_dim3A_2771 : vector<16xi32>
    tpu.vector_store_idx %arg6[%gather3A_2769, %add3A_2772], %broadcast_in_dim3A_2747 : memref<1000x128xf32, #tpu.memory_space<vmem>>[vector<16xi32>, vector<16xi32>], vector<16xf32>,
    %broadcast_in_dim3A_2773 = arith.constant 979 : i32
    %broadcast_in_dim3A_2774 = vector.broadcast %broadcast_in_dim3A_2773 : i32 to vector<16xi32>
    %add3A_2775 = arith.addi %mul3A_2751, %broadcast_in_dim3A_2774 : vector<16xi32>
    %gather3A_2776 = tpu.vector_load_idx %arg5[%add3A_2775] : memref<2560xi32, #tpu.memory_space<vmem>>[vector<16xi32>], vector<16xi32>,
    %broadcast_in_dim3A_2777 = arith.constant 48 : i32
    %broadcast_in_dim3A_2778 = vector.broadcast %broadcast_in_dim3A_2777 : i32 to vector<16xi32>
    %add3A_2779 = arith.addi %iota3A_2748, %broadcast_in_dim3A_2778 : vector<16xi32>
    tpu.vector_store_idx %arg6[%gather3A_2776, %add3A_2779], %broadcast_in_dim3A_2747 : memref<1000x128xf32, #tpu.memory_space<vmem>>[vector<16xi32>, vector<16xi32>], vector<16xf32>,
    %broadcast_in_dim3A_2780 = arith.constant 1299 : i32
    %broadcast_in_dim3A_2781 = vector.broadcast %broadcast_in_dim3A_2780 : i32 to vector<16xi32>
    %add3A_2782 = arith.addi %mul3A_2751, %broadcast_in_dim3A_2781 : vector<16xi32>
    %gather3A_2783 = tpu.vector_load_idx %arg5[%add3A_2782] : memref<2560xi32, #tpu.memory_space<vmem>>[vector<16xi32>], vector<16xi32>,
    %broadcast_in_dim3A_2784 = arith.constant 64 : i32
    %broadcast_in_dim3A_2785 = vector.broadcast %broadcast_in_dim3A_2784 : i32 to vector<16xi32>
    %add3A_2786 = arith.addi %iota3A_2748, %broadcast_in_dim3A_2785 : vector<16xi32>
    tpu.vector_store_idx %arg6[%gather3A_2783, %add3A_2786], %broadcast_in_dim3A_2747 : memref<1000x128xf32, #tpu.memory_space<vmem>>[vector<16xi32>, vector<16xi32>], vector<16xf32>,
    %broadcast_in_dim3A_2787 = arith.constant 1619 : i32
    %broadcast_in_dim3A_2788 = vector.broadcast %broadcast_in_dim3A_2787 : i32 to vector<16xi32>
    %add3A_2789 = arith.addi %mul3A_2751, %broadcast_in_dim3A_2788 : vector<16xi32>
    %gather3A_2790 = tpu.vector_load_idx %arg5[%add3A_2789] : memref<2560xi32, #tpu.memory_space<vmem>>[vector<16xi32>], vector<16xi32>,
    %broadcast_in_dim3A_2791 = arith.constant 80 : i32
    %broadcast_in_dim3A_2792 = vector.broadcast %broadcast_in_dim3A_2791 : i32 to vector<16xi32>
    %add3A_2793 = arith.addi %iota3A_2748, %broadcast_in_dim3A_2792 : vector<16xi32>
    tpu.vector_store_idx %arg6[%gather3A_2790, %add3A_2793], %broadcast_in_dim3A_2747 : memref<1000x128xf32, #tpu.memory_space<vmem>>[vector<16xi32>, vector<16xi32>], vector<16xf32>,
    %broadcast_in_dim3A_2794 = arith.constant 1939 : i32
    %broadcast_in_dim3A_2795 = vector.broadcast %broadcast_in_dim3A_2794 : i32 to vector<16xi32>
    %add3A_2796 = arith.addi %mul3A_2751, %broadcast_in_dim3A_2795 : vector<16xi32>
    %gather3A_2797 = tpu.vector_load_idx %arg5[%add3A_2796] : memref<2560xi32, #tpu.memory_space<vmem>>[vector<16xi32>], vector<16xi32>,
    %broadcast_in_dim3A_2798 = arith.constant 96 : i32
    %broadcast_in_dim3A_2799 = vector.broadcast %broadcast_in_dim3A_2798 : i32 to vector<16xi32>
    %add3A_2800 = arith.addi %iota3A_2748, %broadcast_in_dim3A_2799 : vector<16xi32>
    tpu.vector_store_idx %arg6[%gather3A_2797, %add3A_2800], %broadcast_in_dim3A_2747 : memref<1000x128xf32, #tpu.memory_space<vmem>>[vector<16xi32>, vector<16xi32>], vector<16xf32>,
    %broadcast_in_dim3A_2801 = arith.constant 2259 : i32
    %broadcast_in_dim3A_2802 = vector.broadcast %broadcast_in_dim3A_2801 : i32 to vector<16xi32>
    %add3A_2803 = arith.addi %mul3A_2751, %broadcast_in_dim3A_2802 : vector<16xi32>
    %gather3A_2804 = tpu.vector_load_idx %arg5[%add3A_2803] : memref<2560xi32, #tpu.memory_space<vmem>>[vector<16xi32>], vector<16xi32>,
    %broadcast_in_dim3A_2805 = arith.constant 112 : i32
    %broadcast_in_dim3A_2806 = vector.broadcast %broadcast_in_dim3A_2805 : i32 to vector<16xi32>
    %add3A_2807 = arith.addi %iota3A_2748, %broadcast_in_dim3A_2806 : vector<16xi32>
    tpu.vector_store_idx %arg6[%gather3A_2804, %add3A_2807], %broadcast_in_dim3A_2747 : memref<1000x128xf32, #tpu.memory_space<vmem>>[vector<16xi32>, vector<16xi32>], vector<16xf32>,
    %dma_start3A_2808 = arith.constant 19 : i32
    %dma_start3A_2809 = arith.constant 0 : i32
    %dma_start3A_2810 = arith.constant 0 : i32
    %dma_start3A_2811 = tpu.memref_slice %arg4[%dma_start3A_2808, %dma_start3A_2810, %mul3A_2] : memref<20x1000x4096xf32, #tpu.memory_space<hbm>> -> memref<1x1000x128xf32, #tpu.memory_space<hbm>>
    %dma_start3A_2812 = tpu.memref_squeeze %dma_start3A_2811 : memref<1x1000x128xf32, #tpu.memory_space<hbm>> -> memref<1000x128xf32, #tpu.memory_space<hbm>>
    %dma_start3A_2813 = tpu.memref_slice %arg7[%dma_start3A_2809] : memref<2x!tpu.dma_semaphore, #tpu.memory_space<semaphore_mem>> -> memref<1x!tpu.dma_semaphore, #tpu.memory_space<semaphore_mem>>
    %dma_start3A_2814 = tpu.memref_squeeze %dma_start3A_2813 : memref<1x!tpu.dma_semaphore, #tpu.memory_space<semaphore_mem>> -> memref<!tpu.dma_semaphore, #tpu.memory_space<semaphore_mem>>
    %dma_start3A_2815 = arith.constant 0 : i32
    %dma_start3A_2816 = tpu.memref_slice %arg4[%dma_start3A_2808, %dma_start3A_2815, %mul3A_2] : memref<20x1000x4096xf32, #tpu.memory_space<hbm>> -> memref<1x1000x128xf32, #tpu.memory_space<hbm>>
    %dma_start3A_2817 = tpu.memref_squeeze %dma_start3A_2816 : memref<1x1000x128xf32, #tpu.memory_space<hbm>> -> memref<1000x128xf32, #tpu.memory_space<hbm>>
    tpu.enqueue_dma source(%arg6 : memref<1000x128xf32, #tpu.memory_space<vmem>>) target(%dma_start3A_2817 : memref<1000x128xf32, #tpu.memory_space<hbm>>) target_semaphore(%dma_start3A_2814 : memref<!tpu.dma_semaphore, #tpu.memory_space<semaphore_mem>>)
    %dma_wait3A_2818 = arith.constant 19 : i32
    %dma_wait3A_2819 = arith.constant 0 : i32
    %dma_wait3A_2820 = arith.constant 0 : i32
    %dma_wait3A_2821 = tpu.memref_slice %arg4[%dma_wait3A_2818, %dma_wait3A_2820, %mul3A_2] : memref<20x1000x4096xf32, #tpu.memory_space<hbm>> -> memref<1x1000x128xf32, #tpu.memory_space<hbm>>
    %dma_wait3A_2822 = tpu.memref_squeeze %dma_wait3A_2821 : memref<1x1000x128xf32, #tpu.memory_space<hbm>> -> memref<1000x128xf32, #tpu.memory_space<hbm>>
    %dma_wait3A_2823 = tpu.memref_slice %arg7[%dma_wait3A_2819] : memref<2x!tpu.dma_semaphore, #tpu.memory_space<semaphore_mem>> -> memref<1x!tpu.dma_semaphore, #tpu.memory_space<semaphore_mem>>
    %dma_wait3A_2824 = tpu.memref_squeeze %dma_wait3A_2823 : memref<1x!tpu.dma_semaphore, #tpu.memory_space<semaphore_mem>> -> memref<!tpu.dma_semaphore, #tpu.memory_space<semaphore_mem>>
    %dma_wait3A_2825 = arith.constant 0 : i32
    %dma_wait3A_2826 = tpu.memref_slice %arg4[%dma_wait3A_2818, %dma_wait3A_2825, %mul3A_2] : memref<20x1000x4096xf32, #tpu.memory_space<hbm>> -> memref<1x1000x128xf32, #tpu.memory_space<hbm>>
    %dma_wait3A_2827 = tpu.memref_squeeze %dma_wait3A_2826 : memref<1x1000x128xf32, #tpu.memory_space<hbm>> -> memref<1000x128xf32, #tpu.memory_space<hbm>>
    tpu.wait_dma2 semaphore(%dma_wait3A_2824 : memref<!tpu.dma_semaphore, #tpu.memory_space<semaphore_mem>>) src(%arg6 : memref<1000x128xf32, #tpu.memory_space<vmem>>) dst(%dma_wait3A_2827 : memref<1000x128xf32, #tpu.memory_space<hbm>>)
    %broadcast_in_dim3A_2828 = arith.constant 0.000000e+00 : f32
    %broadcast_in_dim3A_2829 = vector.broadcast %broadcast_in_dim3A_2828 : f32 to vector<16xf32>
    %iota3A_2830 = tpu.iota {dimensions = array<i32: 0>} : vector<16xi32>
    %broadcast_in_dim3A_2831 = arith.constant 20 : i32
    %broadcast_in_dim3A_2832 = vector.broadcast %broadcast_in_dim3A_2831 : i32 to vector<16xi32>
    %mul3A_2833 = arith.muli %iota3A_2830, %broadcast_in_dim3A_2832 : vector<16xi32>
    %broadcast_in_dim3A_2834 = arith.constant 19 : i32
    %broadcast_in_dim3A_2835 = vector.broadcast %broadcast_in_dim3A_2834 : i32 to vector<16xi32>
    %add3A_2836 = arith.addi %mul3A_2833, %broadcast_in_dim3A_2835 : vector<16xi32>
    %gather3A_2837 = tpu.vector_load_idx %arg5[%add3A_2836] : memref<2560xi32, #tpu.memory_space<vmem>>[vector<16xi32>], vector<16xi32>,
    %broadcast_in_dim3A_2838 = arith.constant 0 : i32
    %broadcast_in_dim3A_2839 = vector.broadcast %broadcast_in_dim3A_2838 : i32 to vector<16xi32>
    %add3A_2840 = arith.addi %iota3A_2830, %broadcast_in_dim3A_2839 : vector<16xi32>
    tpu.vector_store_idx %arg6[%gather3A_2837, %add3A_2840], %broadcast_in_dim3A_2829 : memref<1000x128xf32, #tpu.memory_space<vmem>>[vector<16xi32>, vector<16xi32>], vector<16xf32>,
    %broadcast_in_dim3A_2841 = arith.constant 339 : i32
    %broadcast_in_dim3A_2842 = vector.broadcast %broadcast_in_dim3A_2841 : i32 to vector<16xi32>
    %add3A_2843 = arith.addi %mul3A_2833, %broadcast_in_dim3A_2842 : vector<16xi32>
    %gather3A_2844 = tpu.vector_load_idx %arg5[%add3A_2843] : memref<2560xi32, #tpu.memory_space<vmem>>[vector<16xi32>], vector<16xi32>,
    %broadcast_in_dim3A_2845 = arith.constant 16 : i32
    %broadcast_in_dim3A_2846 = vector.broadcast %broadcast_in_dim3A_2845 : i32 to vector<16xi32>
    %add3A_2847 = arith.addi %iota3A_2830, %broadcast_in_dim3A_2846 : vector<16xi32>
    tpu.vector_store_idx %arg6[%gather3A_2844, %add3A_2847], %broadcast_in_dim3A_2829 : memref<1000x128xf32, #tpu.memory_space<vmem>>[vector<16xi32>, vector<16xi32>], vector<16xf32>,
    %broadcast_in_dim3A_2848 = arith.constant 659 : i32
    %broadcast_in_dim3A_2849 = vector.broadcast %broadcast_in_dim3A_2848 : i32 to vector<16xi32>
    %add3A_2850 = arith.addi %mul3A_2833, %broadcast_in_dim3A_2849 : vector<16xi32>
    %gather3A_2851 = tpu.vector_load_idx %arg5[%add3A_2850] : memref<2560xi32, #tpu.memory_space<vmem>>[vector<16xi32>], vector<16xi32>,
    %broadcast_in_dim3A_2852 = arith.constant 32 : i32
    %broadcast_in_dim3A_2853 = vector.broadcast %broadcast_in_dim3A_2852 : i32 to vector<16xi32>
    %add3A_2854 = arith.addi %iota3A_2830, %broadcast_in_dim3A_2853 : vector<16xi32>
    tpu.vector_store_idx %arg6[%gather3A_2851, %add3A_2854], %broadcast_in_dim3A_2829 : memref<1000x128xf32, #tpu.memory_space<vmem>>[vector<16xi32>, vector<16xi32>], vector<16xf32>,
    %broadcast_in_dim3A_2855 = arith.constant 979 : i32
    %broadcast_in_dim3A_2856 = vector.broadcast %broadcast_in_dim3A_2855 : i32 to vector<16xi32>
    %add3A_2857 = arith.addi %mul3A_2833, %broadcast_in_dim3A_2856 : vector<16xi32>
    %gather3A_2858 = tpu.vector_load_idx %arg5[%add3A_2857] : memref<2560xi32, #tpu.memory_space<vmem>>[vector<16xi32>], vector<16xi32>,
    %broadcast_in_dim3A_2859 = arith.constant 48 : i32
    %broadcast_in_dim3A_2860 = vector.broadcast %broadcast_in_dim3A_2859 : i32 to vector<16xi32>
    %add3A_2861 = arith.addi %iota3A_2830, %broadcast_in_dim3A_2860 : vector<16xi32>
    tpu.vector_store_idx %arg6[%gather3A_2858, %add3A_2861], %broadcast_in_dim3A_2829 : memref<1000x128xf32, #tpu.memory_space<vmem>>[vector<16xi32>, vector<16xi32>], vector<16xf32>,
    %broadcast_in_dim3A_2862 = arith.constant 1299 : i32
    %broadcast_in_dim3A_2863 = vector.broadcast %broadcast_in_dim3A_2862 : i32 to vector<16xi32>
    %add3A_2864 = arith.addi %mul3A_2833, %broadcast_in_dim3A_2863 : vector<16xi32>
    %gather3A_2865 = tpu.vector_load_idx %arg5[%add3A_2864] : memref<2560xi32, #tpu.memory_space<vmem>>[vector<16xi32>], vector<16xi32>,
    %broadcast_in_dim3A_2866 = arith.constant 64 : i32
    %broadcast_in_dim3A_2867 = vector.broadcast %broadcast_in_dim3A_2866 : i32 to vector<16xi32>
    %add3A_2868 = arith.addi %iota3A_2830, %broadcast_in_dim3A_2867 : vector<16xi32>
    tpu.vector_store_idx %arg6[%gather3A_2865, %add3A_2868], %broadcast_in_dim3A_2829 : memref<1000x128xf32, #tpu.memory_space<vmem>>[vector<16xi32>, vector<16xi32>], vector<16xf32>,
    %broadcast_in_dim3A_2869 = arith.constant 1619 : i32
    %broadcast_in_dim3A_2870 = vector.broadcast %broadcast_in_dim3A_2869 : i32 to vector<16xi32>
    %add3A_2871 = arith.addi %mul3A_2833, %broadcast_in_dim3A_2870 : vector<16xi32>
    %gather3A_2872 = tpu.vector_load_idx %arg5[%add3A_2871] : memref<2560xi32, #tpu.memory_space<vmem>>[vector<16xi32>], vector<16xi32>,
    %broadcast_in_dim3A_2873 = arith.constant 80 : i32
    %broadcast_in_dim3A_2874 = vector.broadcast %broadcast_in_dim3A_2873 : i32 to vector<16xi32>
    %add3A_2875 = arith.addi %iota3A_2830, %broadcast_in_dim3A_2874 : vector<16xi32>
    tpu.vector_store_idx %arg6[%gather3A_2872, %add3A_2875], %broadcast_in_dim3A_2829 : memref<1000x128xf32, #tpu.memory_space<vmem>>[vector<16xi32>, vector<16xi32>], vector<16xf32>,
    %broadcast_in_dim3A_2876 = arith.constant 1939 : i32
    %broadcast_in_dim3A_2877 = vector.broadcast %broadcast_in_dim3A_2876 : i32 to vector<16xi32>
    %add3A_2878 = arith.addi %mul3A_2833, %broadcast_in_dim3A_2877 : vector<16xi32>
    %gather3A_2879 = tpu.vector_load_idx %arg5[%add3A_2878] : memref<2560xi32, #tpu.memory_space<vmem>>[vector<16xi32>], vector<16xi32>,
    %broadcast_in_dim3A_2880 = arith.constant 96 : i32
    %broadcast_in_dim3A_2881 = vector.broadcast %broadcast_in_dim3A_2880 : i32 to vector<16xi32>
    %add3A_2882 = arith.addi %iota3A_2830, %broadcast_in_dim3A_2881 : vector<16xi32>
    tpu.vector_store_idx %arg6[%gather3A_2879, %add3A_2882], %broadcast_in_dim3A_2829 : memref<1000x128xf32, #tpu.memory_space<vmem>>[vector<16xi32>, vector<16xi32>], vector<16xf32>,
    %broadcast_in_dim3A_2883 = arith.constant 2259 : i32
    %broadcast_in_dim3A_2884 = vector.broadcast %broadcast_in_dim3A_2883 : i32 to vector<16xi32>
    %add3A_2885 = arith.addi %mul3A_2833, %broadcast_in_dim3A_2884 : vector<16xi32>
    %gather3A_2886 = tpu.vector_load_idx %arg5[%add3A_2885] : memref<2560xi32, #tpu.memory_space<vmem>>[vector<16xi32>], vector<16xi32>,
    %broadcast_in_dim3A_2887 = arith.constant 112 : i32
    %broadcast_in_dim3A_2888 = vector.broadcast %broadcast_in_dim3A_2887 : i32 to vector<16xi32>
    %add3A_2889 = arith.addi %iota3A_2830, %broadcast_in_dim3A_2888 : vector<16xi32>
    tpu.vector_store_idx %arg6[%gather3A_2886, %add3A_2889], %broadcast_in_dim3A_2829 : memref<1000x128xf32, #tpu.memory_space<vmem>>[vector<16xi32>, vector<16xi32>], vector<16xf32>,
    return
  }
}

</mosaic_0001>

<sc_bundles>
// kernel: kernel.3.cloned.1.call-start
scs
__scs_entry_jumppad:
0x0: {  	(pc) =	sbr.rel $0x88, $3  }
0x1: {  	(tag) =	ssettag $0x0;
	lr =	simm.s32 $0x1  }
0x2: {  	[smem:$0x3FA0] =	sst lr;
	_ =	strace $0xD0000000  }
0x3: {  	_ = 	snop  }
0x4: {  	_ = 	snop  }
0x5: {  	_ = 	snop  }
0x6: {  	_ = 	snop  }
0x7: {  	_ = 	snop  }
__scs_overlays_trampoline_lowered:
0x8: {  	[smem:$0x3FAF] =	sst s0  }
0x9: {  	[smem:$0x3FB0] =	sst s1  }
0xa: {  	[smem:$0x3FB1] =	sst s2  }
0xb: {  	[smem:$0x3FB2] =	sst s3  }
0xc: {  	[smem:$0x3FB3] =	sst s4  }
0xd: {  	[smem:$0x3FB4] =	sst s5  }
0xe: {  	[smem:$0x3FB5] =	sst s6  }
0xf: {  	[smem:$0x3FB6] =	sst s7  }
0x10: {  	[smem:$0x3FB7] =	sst s8  }
0x11: {  	[smem:$0x3FB8] =	sst s9;
	s0 =	simm.s32 @!p0 $0x0  }
0x12: {  	s1 =	sld [smem:$0x3F9E];
	s0 =	simm.s32 @p0 $0x1  }
0x13: {  	[smem:$0x3FB9] =	sst s0;
	s0 =	simm.s32 @!p1 $0x0  }
0x14: {  	s2 =	sld [smem:$0x3F9D];
	s0 =	simm.s32 @p1 $0x1  }
0x15: {  	[smem:$0x3FBA] =	sst s0;
	s0 =	simm.s32 @!p2 $0x0  }
0x16: {  	s3 =	sld [smem:$0x3FDB];
	s0 =	simm.s32 @p2 $0x1  }
0x17: {  	s4 =	simm.s32 $0x1BF5;
	[smem:$0x3FBC] =	sst s0  }
0x18: {  	s0 =	sld [smem:$0x3F9F];
	_ =	swait.ge [sflag:s4], $0x0  }
0x19: {  	s7 =	sld [smem:$0x3FA0]  }
0x1a: {  	s8 =	sadd.s32 $0xFFFFE003, lr  }
0x1b: {  	s9 =	sadd.s32 $0xFFFFFEF7, lr;
	s5 =	simm.s32 $0xFFFFFFFF;
	p2 =	slt.u32 s8, $0xFFFFF086  }
0x1c: {  	p1 =	slt.u32 s9, $0xF7A;
	s5 =	simm.s32 @!p2 $0x0  }
0x1d: {  	s5 =	simm.s32 @p1 $0x1;
	p0 =	seq.s32 s7, s2  }
0x1e: {  	s7 =	smul.u32 @!p0 $0xF7A, s2;
	p2 =	seq.s32 @!p0 s5, $0x0  }
0x1f: {  	s9 =	smul.u32 $0xF7A, s1;
	s8 =	simm.s32 @!p0 $0x1BF5;
	p2 =	por !p2, p0  }
0x20: {  	[sflag:s8] =	ssyncset.s32 @!p0 $0xFFFFF086;
	s6 =	sadd.s32 @!p0 s3, s7;
	s7 =	simm.s32 @!p0 $0x108  }
0x21: {  	s3 =	sadd.s32 s3, s9;
	s6 =	sadd.s32 @!p0 $0x88, s6;
	s7 =	simm.s32 @p2 $0x1082  }
0x22: {  	[simem:s7], [sflag:s8] =	dma.local @!p0 [hbm:s6], $0xF7A  }
0x23: {  	s9 =	sor.u32 $0xD0000000, s2;
	s6 =	simm.s32 $0x108;
	_ =	swait.ge @!p0 [sflag:s8], $0x0  }
0x24: {  	s3 =	sadd.s32 $0x88, s3;
	s6 =	simm.s32 @!p1 $0x1082;
	[sflag:s4] =	ssyncset.s32 $0xFFFFF086  }
0x25: {  	[simem:s6], [sflag:s4] =	dma.local [hbm:s3], $0xF7A  }
0x26: {  	[smem:$0x3FA0] =	sst s1;
	(tag) =	ssettag s2;
	_ =	strace s9  }
0x27: {  	s1 =	sld [smem:$0x3FB0]  }
0x28: {  	s2 =	sld [smem:$0x3FB1]  }
0x29: {  	s4 =	sld [smem:$0x3FB3]  }
0x2a: {  	p0 =	seq.s32 s5, $0x0;
	s5 =	sld [smem:$0x3FB4]  }
0x2b: {  	s6 =	sld [smem:$0x3FB5]  }
0x2c: {  	s7 =	sld [smem:$0x3FB6]  }
0x2d: {  	s3 =	simm.s32 $0x108;
	s8 =	sld [smem:$0x3FB7]  }
0x2e: {  	s3 =	simm.s32 @!p0 $0x1082;
	s9 =	sld [smem:$0x3FB8]  }
0x2f: {  	lr =	sadd.s32 s0, s3;
	s0 =	sld [smem:$0x3FAF]  }
0x30: {  	s3 =	sld [smem:$0x3FB2]  }
0x31: {  	[smem:$0x3FBB] =	sst s10  }
0x32: {  	s10 =	sld [smem:$0x3FB9];
	_ =	sdelay $0x3  }
0x33: {  	p0 =	seq.s32 s10, $0x1;
	s10 =	sld [smem:$0x3FBB];
	_ =	sdelay $0x3  }
0x34: {  	[smem:$0x3FBB] =	sst s10  }
0x35: {  	s10 =	sld [smem:$0x3FBA];
	_ =	sdelay $0x3  }
0x36: {  	p1 =	seq.s32 s10, $0x1;
	s10 =	sld [smem:$0x3FBB];
	_ =	sdelay $0x3  }
0x37: {  	[smem:$0x3FBB] =	sst s10  }
0x38: {  	s10 =	sld [smem:$0x3FBC]  }
0x39: {  	_ = 	snop;
	(pc) =	sbr.ind lr, $3  }
0x3a: {  	_ = 	snop  }
0x3b: {  	_ = 	snop  }
0x3c: {  	p2 =	seq.s32 s10, $0x1;
	s10 =	sld [smem:$0x3FBB]  }
0x3d: {  	_ =	shalt  }
0x3e: {  	_ =	shalt  }
0x3f: {  	_ =	shalt  }
0x40: {  	_ =	shalt  }
0x41: {  	_ =	shalt  }
0x42: {  	_ =	shalt  }
0x43: {  	_ =	shalt  }
0x44: {  	_ =	shalt  }
0x45: {  	_ =	shalt  }
0x46: {  	_ =	shalt  }
0x47: {  	_ =	shalt  }
0x48: {  	_ =	shalt  }
0x49: {  	_ =	shalt  }
0x4a: {  	_ =	shalt  }
0x4b: {  	_ =	shalt  }
0x4c: {  	_ =	shalt  }
0x4d: {  	_ =	shalt  }
0x4e: {  	_ =	shalt  }
0x4f: {  	_ =	shalt  }
0x50: {  	_ =	shalt  }
0x51: {  	_ =	shalt  }
0x52: {  	_ =	shalt  }
0x53: {  	_ =	shalt  }
0x54: {  	_ =	shalt  }
0x55: {  	_ =	shalt  }
0x56: {  	_ =	shalt  }
0x57: {  	_ =	shalt  }
0x58: {  	_ =	shalt  }
0x59: {  	_ =	shalt  }
0x5a: {  	_ =	shalt  }
0x5b: {  	_ =	shalt  }
0x5c: {  	_ =	shalt  }
0x5d: {  	_ =	shalt  }
0x5e: {  	_ =	shalt  }
0x5f: {  	_ =	shalt  }
0x60: {  	_ =	shalt  }
0x61: {  	_ =	shalt  }
0x62: {  	_ =	shalt  }
0x63: {  	_ =	shalt  }
0x64: {  	_ =	shalt  }
0x65: {  	_ =	shalt  }
0x66: {  	_ =	shalt  }
0x67: {  	_ =	shalt  }
0x68: {  	_ =	shalt  }
0x69: {  	_ =	shalt  }
0x6a: {  	_ =	shalt  }
0x6b: {  	_ =	shalt  }
0x6c: {  	_ =	shalt  }
0x6d: {  	_ =	shalt  }
0x6e: {  	_ =	shalt  }
0x6f: {  	_ =	shalt  }
0x70: {  	_ =	shalt  }
0x71: {  	_ =	shalt  }
0x72: {  	_ =	shalt  }
0x73: {  	_ =	shalt  }
0x74: {  	_ =	shalt  }
0x75: {  	_ =	shalt  }
0x76: {  	_ =	shalt  }
0x77: {  	_ =	shalt  }
0x78: {  	_ =	shalt  }
0x79: {  	_ =	shalt  }
0x7a: {  	_ =	shalt  }
0x7b: {  	_ =	shalt  }
0x7c: {  	_ =	shalt  }
0x7d: {  	_ =	shalt  }
0x7e: {  	_ =	shalt  }
0x7f: {  	_ =	shalt  }
0x80: {  	_ =	shalt  }
0x81: {  	_ =	shalt  }
0x82: {  	_ =	shalt  }
0x83: {  	_ =	shalt  }
0x84: {  	_ =	shalt  }
0x85: {  	_ =	shalt  }
0x86: {  	_ =	shalt  }
0x87: {  	_ =	shalt  }
.Lfunc_end0:
.L_simem_size_0:
called_computation_lowered:
.L_overlay_start_0:
0x88: {  	s2 =	sld [smem:$0x3FD9]  }
0x89: {  	s3 =	sld [smem:$0x3FFE];
	_ =	sdelay $0x1  }
0x8a: {  	s1 =	srdreg.scid  }
0x8b: {  	s0 =	sand.u32 $0x1, s1  }
0x8c: {  	s17 =	sshll.u32 s0, $0xA;
	s2 =	sadd.s32 s3, s2  }
0x8d: {  	s2 =	sadd.s32 s2, s17  }
0x8e: {  	[smem:$0x3FC7] =	sst s2  }
0x8f: {  	_ = 	snop  }
0x90: {  	s2 =	sld [smem:$0x3FD0];
	(tm) =	ssettm $0x1  }
0x91: {  	s18 =	sld [smem:$0x3FFB];
	_ =	sdelay $0x3  }
0x92: {  	_ =	strace s18  }
0x93: {  	s3 =	sld [smem:$0x3FFC];
	_ =	sdelay $0x3  }
0x94: {  	_ =	strace s3  }
0x95: {  	s3 =	sld [smem:$0x3FFD];
	_ =	sdelay $0x3  }
0x96: {  	_ =	strace s3  }
0x97: {  	_ =	strace $0x8FFFFFFF  }
0x98: {  	s19 =	sld [smem:$0x3FDB];
	_ =	sdelay $0x1  }
0x99: {  	s4 =	simm.s32 $_scs_section_size  }
0x9a: {  	s5 =	simm.s32 $_size__tile_overlayer_lowered;
	s6 =	simm.s32 $_tile_overlayer_lowered  }
0x9b: {  	s22 =	simm.s32 $0x1BFF;
	s21 =	sshll.u32 s6, $0x1;
	s3 =	sadd.s32 s4, s19  }
0x9c: {  	s7 =	simm.s32 $0x0;
	s20 =	sshll.u32 s5, $0x1;
	s5 =	sadd.s32 s21, s3  }
0x9d: {  	[timem:s7], [sflag:s22] =	dma.local [hbm:s5], s20  }
0x9e: {  	_ =	swait.ge [sflag:s22], s20  }
0x9f: {  	s4 =	ssub.s32 $0x0, s20;
	[sflag:s22] =	ssyncset.done $0x0  }
0xa0: {  	[sflag:s22] =	ssyncadd.s32 s4;
	_ =	sdelay $0x1  }
0xa1: {  	s23 =	simm.s32 $0x1B8B  }
0xa2: {  	_ =	swait.ge [sflag:s23], $0x1  }
0xa3: {  	[sflag:s23] =	ssyncset.done $0x0  }
0xa4: {  	s25 =	simm.s32 $0x1B8E;
	s24 =	sld [smem:$0x3FFE];
	[sflag:s23] =	ssyncadd.s32 $0xFFFFFFFF  }
0xa5: {  	s26 =	simm.s32 $execute0_lowered;
	[smem:$0x3FD2] =	sst s25  }
0xa6: {  	s5 =	sshll.u32 s26, $0x1;
	_ =	strace $0x80000046;
	[dreg:$0x1] =	wrdreg $0xFFFFFFFF  }
0xa7: {  	s28 =	simm.s32 $_size_execute0_lowered;
	s3 =	sadd.s32 s3, s5;
	[dreg:$0x0] =	wrdreg $0x0  }
0xa8: {  	s5 =	sshll.u32 s28, $0x1;
	[dreg:$0x2] =	wrdreg s3  }
0xa9: {  	[dreg:$0x3] =	wrdreg s5  }
0xaa: {  	[dreg:$0x4] =	wrdreg $0xC0  }
0xab: {  	_ =	task [dreg:s7], $0x5FFFF  }
0xac: {  	[dreg:$0x1] =	wrdreg $0xFFFFFFFF  }
0xad: {  	[dreg:$0x0] =	wrdreg $0x60  }
0xae: {  	[dreg:$0x2] =	wrdreg s24  }
0xaf: {  	[dreg:$0x3] =	wrdreg s2  }
0xb0: {  	[dreg:$0x4] =	wrdreg $0x9  }
0xb1: {  	_ =	task.clear_ibuf [dreg:s7], $0x5FFFF;
	_ =	strace $0x90000046  }
0xb2: {  	s29 =	simm.s32 $0x9;
	_ =	strace $0x80000048  }
0xb3: {  	_ =	swait.ge [sflag:s29], $0x1  }
0xb4: {  	[sflag:s29] =	ssyncadd.s32 $0xFFFFFFFF  }
0xb5: {  	_ =	strace $0x90000048  }
0xb6: {  	_ =	sfence  }
0xb7: {  	s30 =	sld [smem:$0x0];
	_ =	sdelay $0x2  }
0xb8: {  	s31 =	sshll.u32 s1, $0xD;
	s1 =	sshrl.u32 s1, $0x2  }
0xb9: {  	s3 =	sand.u32 $0x4000, s31;
	s1 =	sadd.s32 s1, s30  }
0xba: {  	s0 =	sor.u32 s3, s0;
	s1 =	sshll.u32 s1, $0x11  }
0xbb: {  	s0 =	sor.u32 s1, s0  }
0xbc: {  	s0 =	sadd.s32 $0x8F2B, s0  }
0xbd: {  	[sflag:s0] =	ssyncadd.remote.s32 $0x1  }
0xbe: {  	_ =	sfence.sel $0xFFFF  }
0xbf: {  	[dreg:$0x0] =	wrdreg $0xFFFFFFFF;
	(pc) =	sbr.abs _section_cstart, $3  }
0xc0: {  	[dreg:$0x1] =	wrdreg $0xFFFFFFFF  }
0xc1: {  	_ =	task.clear_ibuf [dreg:s7], $0x2FFFF;
	_ =	strace $0x9FFFFFFF  }
0xc2: {  	(tm) =	ssettm $0x7FFFFFFF  }
0xc3: {  	_ =	shalt  }
tec
execute0_lowered:
.L_overlay_start_1:
0x0: {  	(tag) =	ssettag $0x1  }
0x1: {  	v0 =	vlaneseq.u32  }
0x2: {  	v2 =	vimm.f32 $1.000000000e+00;
	v17 =	vimm.f32 $0.0e+00;
	v1 =	vmul.u32 $0x14, v0  }
0x3: {  	v4 =	vor.u32 $0x10, v0;
	v6 =	vor.u32 $0x20, v0;
	v8 =	vor.u32 $0x30, v0  }
0x4: {  	v10 =	vor.u32 $0x40, v0;
	v12 =	vor.u32 $0x50, v0;
	v14 =	vor.u32 $0x60, v0  }
0x5: {  	v16 =	vor.u32 $0x70, v0;
	v3 =	vadd.s32 $0x140, v1;
	v20 =	vadd.s32 $0x281, v1  }
0x6: {  	v21 =	vadd.s32 $0x3C1, v1;
	v22 =	vadd.s32 $0x501, v1;
	[tilespmem:$0x1FF70] =	vst v3;
	v3 =	vadd.s32 $0x280, v1  }
0x7: {  	s1 =	srdreg.scid;
	s3 =	rddreg [dreg:$0x0];
	v23 =	vadd.s32 $0x641, v1;
	v24 =	vadd.s32 $0x781, v1;
	[tilespmem:$0x1FF80] =	vst v3;
	v3 =	vadd.s32 $0x3C0, v1  }
0x8: {  	s0 =	stileid.u32;
	s5 =	rddreg [dreg:$0x1];
	v25 =	vadd.s32 $0x8C1, v1;
	v26 =	vor.u32 $0x2, v1;
	[tilespmem:$0x1FF90] =	vst v3;
	v3 =	vadd.s32 $0x500, v1  }
0x9: {  	s2 =	simm.s32 $0x0;
	s25 =	simm.s32 $0xA00;
	s28 =	simm.s32 $0x2;
	v27 =	vadd.s32 $0x142, v1;
	v28 =	vadd.s32 $0x282, v1;
	[tilespmem:$0x1FFA0] =	vst v3;
	v3 =	vadd.s32 $0x640, v1  }
0xa: {  	s29 =	simm.s32 $0x400;
	s4 =	sand.u32 $0x1, s1;
	s26 =	sshll.u32 s0, $0x1;
	v29 =	vadd.s32 $0x3C2, v1;
	v30 =	vadd.s32 $0x502, v1;
	[tilespmem:$0x1FFB0] =	vst v3;
	v3 =	vadd.s32 $0x780, v1  }
0xb: {  	s30 =	simm.s32 $0x8000;
	s31 =	simm.s32 $0x1;
	s6 =	sor.u32 s4, s26;
	v31 =	vadd.s32 $0x642, v1;
	v32 =	vadd.s32 $0x782, v1;
	[tilespmem:$0x1FFC0] =	vst v3;
	v3 =	vadd.s32 $0x8C0, v1  }
0xc: {  	[smem:$0x7FF] =	sst s2;
	s4 =	ssub.s32 $0x2, s4;
	s7 =	smul.u32 $0x140, s6;
	v33 =	vadd.s32 $0x8C2, v1;
	v34 =	vor.u32 $0x3, v1;
	[tilespmem:$0x1FFD0] =	vst v3;
	v3 =	vor.u32 $0x1, v1  }
0xd: {  	s26 =	simm.s32 $0x3;
	s8 =	sshrl.u32 s4, $0x1;
	s6 =	sshll.u32 s6, $0x7;
	v35 =	vadd.s32 $0x143, v1;
	v36 =	vadd.s32 $0x283, v1;
	[tilespmem:$0x1FFE0] =	vst v3;
	v3 =	vadd.s32 $0x141, v1  }
0xe: {  	v37 =	vadd.s32 $0x3C3, v1;
	v38 =	vadd.s32 $0x503, v1;
	v39 =	vadd.s32 $0x643, v1;
	s24 =	ssub.s32 s4, s8;
	s7 =	sadd.s32 s7, s3;
	s3 =	sadd.s32 $0x2C00, s3;
	[tilespmem:$0x1FFF0] =	vst v3  }
0xf: {  	v40 =	vadd.s32 $0x783, v1;
	v41 =	vadd.s32 $0x8C3, v1;
	v42 =	vadd.s32 $0x4, v1;
	_ =	strace $0x80000047;
	[dreg:$0x3] =	wrdreg s3;
	s3 =	sadd.s32 s5, s6  }
0x10: {  	v43 =	vadd.s32 $0x144, v1;
	v44 =	vadd.s32 $0x284, v1;
	v45 =	vadd.s32 $0x3C4, v1;
	s24 =	smax.u32 s24, $0x1;
	s4 =	sadd.s32 $0x400, s7;
	s5 =	sadd.s32 $0x7D000, s3  }
0x11: {  	v46 =	vadd.s32 $0x504, v1;
	v47 =	vadd.s32 $0x644, v1;
	v48 =	vadd.s32 $0x784, v1;
	s6 =	sadd.s32 $0xFA000, s3;
	s7 =	sadd.s32 $0x177000, s3;
	s8 =	sadd.s32 $0x1F4000, s3  }
0x12: {  	v49 =	vadd.s32 $0x8C4, v1;
	v50 =	vadd.s32 $0x5, v1;
	v51 =	vadd.s32 $0x145, v1;
	s9 =	sadd.s32 $0x271000, s3;
	s10 =	sadd.s32 $0x2EE000, s3;
	s11 =	sadd.s32 $0x36B000, s3  }
0x13: {  	v52 =	vadd.s32 $0x285, v1;
	v53 =	vadd.s32 $0x3C5, v1;
	v54 =	vadd.s32 $0x505, v1;
	s12 =	sadd.s32 $0x3E8000, s3;
	s13 =	sadd.s32 $0x465000, s3;
	s14 =	sadd.s32 $0x4E2000, s3  }
0x14: {  	v55 =	vadd.s32 $0x645, v1;
	v56 =	vadd.s32 $0x785, v1;
	v57 =	vadd.s32 $0x8C5, v1;
	s15 =	sadd.s32 $0x55F000, s3;
	s16 =	sadd.s32 $0x5DC000, s3;
	s17 =	sadd.s32 $0x659000, s3  }
0x15: {  	v58 =	vadd.s32 $0x6, v1;
	v59 =	vadd.s32 $0x146, v1;
	v60 =	vadd.s32 $0x286, v1;
	s18 =	sadd.s32 $0x6D6000, s3;
	s19 =	sadd.s32 $0x753000, s3;
	s20 =	sadd.s32 $0x7D0000, s3  }
0x16: {  	v61 =	vadd.s32 $0x3C6, v1;
	v62 =	vadd.s32 $0x506, v1;
	v63 =	vadd.s32 $0x646, v1;
	s21 =	sadd.s32 $0x84D000, s3;
	s22 =	sadd.s32 $0x8CA000, s3;
	s23 =	sadd.s32 $0x947000, s3  }
.LBB2_1:
0x17: {  	[tilespmem:s2], [sflag:$0x2] =	stream.linear.gather [hbm4b:s4+s2], $0xA00, $0x38;
	[tilespmem:$0x1FE00] =	vst v63  }
0x18: {  	s1 =	rddreg [dreg:$0x3]  }
0x19: {  	[tilespmem:s25], [sflag:$0x3] =	stream.linear.gather [hbm4b:s1+s2], $0x1F400, $0x38;
	[tilespmem:$0x1FE00] =	vst v63  }
0x1a: {  	_ =	swait.ge [sflag:s26], $0x1F400  }
0x1b: {  	[sflag:s26] =	ssyncset.done $0x0  }
0x1c: {  	[sflag:s26] =	ssyncadd.s32 $0xFFFE0C00  }
0x1d: {  	_ =	swait.ge [sflag:s28], $0xA00  }
0x1e: {  	[sflag:s28] =	ssyncset.done $0x0  }
0x1f: {  	[sflag:s28] =	ssyncadd.s32 $0xFFFFF600  }
0x20: {  	v3 =	vld.idx.msk [tilespmem:v1+s2+$0x0], $0xffff;
	_ =	sdelay $0x3  }
0x21: {  	v5 =	vld [tilespmem:$0x1FF70]  }
0x22: {  	v3 =	vshll.u32 v3, $0x7  }
0x23: {  	v3 =	vor.u32 v0, v3;
	_ =	sdelay $0x4  }
0x24: {  	[tilespmem:v3+s25+$0x0] =	vst.idx.msk $0xffff, v2  }
0x25: {  	v3 =	vld.idx.msk [tilespmem:v5+s2+$0x0], $0xffff;
	_ =	sdelay $0x3  }
0x26: {  	v7 =	vld [tilespmem:$0x1FF80]  }
0x27: {  	v3 =	vshll.u32 v3, $0x7  }
0x28: {  	v3 =	vor.u32 v4, v3;
	_ =	sdelay $0x4  }
0x29: {  	[tilespmem:v3+s25+$0x0] =	vst.idx.msk $0xffff, v2  }
0x2a: {  	v3 =	vld.idx.msk [tilespmem:v7+s2+$0x0], $0xffff;
	_ =	sdelay $0x3  }
0x2b: {  	v9 =	vld [tilespmem:$0x1FF90]  }
0x2c: {  	v3 =	vshll.u32 v3, $0x7  }
0x2d: {  	v3 =	vor.u32 v6, v3;
	_ =	sdelay $0x4  }
0x2e: {  	[tilespmem:v3+s25+$0x0] =	vst.idx.msk $0xffff, v2  }
0x2f: {  	v3 =	vld.idx.msk [tilespmem:v9+s2+$0x0], $0xffff;
	_ =	sdelay $0x3  }
0x30: {  	v11 =	vld [tilespmem:$0x1FFA0]  }
0x31: {  	v3 =	vshll.u32 v3, $0x7  }
0x32: {  	v3 =	vor.u32 v8, v3;
	_ =	sdelay $0x4  }
0x33: {  	[tilespmem:v3+s25+$0x0] =	vst.idx.msk $0xffff, v2  }
0x34: {  	v3 =	vld.idx.msk [tilespmem:v11+s2+$0x0], $0xffff;
	_ =	sdelay $0x3  }
0x35: {  	v13 =	vld [tilespmem:$0x1FFB0]  }
0x36: {  	v3 =	vshll.u32 v3, $0x7  }
0x37: {  	v3 =	vor.u32 v10, v3;
	_ =	sdelay $0x4  }
0x38: {  	[tilespmem:v3+s25+$0x0] =	vst.idx.msk $0xffff, v2  }
0x39: {  	v3 =	vld.idx.msk [tilespmem:v13+s2+$0x0], $0xffff;
	_ =	sdelay $0x3  }
0x3a: {  	v15 =	vld [tilespmem:$0x1FFC0]  }
0x3b: {  	v3 =	vshll.u32 v3, $0x7  }
0x3c: {  	v3 =	vor.u32 v12, v3;
	_ =	sdelay $0x4  }
0x3d: {  	[tilespmem:v3+s25+$0x0] =	vst.idx.msk $0xffff, v2  }
0x3e: {  	v3 =	vld.idx.msk [tilespmem:v15+s2+$0x0], $0xffff;
	_ =	sdelay $0x3  }
0x3f: {  	v18 =	vld [tilespmem:$0x1FFD0]  }
0x40: {  	v3 =	vshll.u32 v3, $0x7  }
0x41: {  	v3 =	vor.u32 v14, v3;
	_ =	sdelay $0x4  }
0x42: {  	[tilespmem:v3+s25+$0x0] =	vst.idx.msk $0xffff, v2  }
0x43: {  	v3 =	vld.idx.msk [tilespmem:v18+s2+$0x0], $0xffff;
	_ =	sdelay $0x4  }
0x44: {  	v3 =	vshll.u32 v3, $0x7  }
0x45: {  	v3 =	vor.u32 v16, v3;
	_ =	sdelay $0x4  }
0x46: {  	[tilespmem:v3+s25+$0x0] =	vst.idx.msk $0xffff, v2  }
0x47: {  	[hbm4b:s3+s29] =	stream.strided.scatter [tilespmem:s25], [sflag:$0x1], $0x1F400, s30, s29, $0x38;
	[tilespmem:$0x1FE00] =	vst v63  }
0x48: {  	_ =	swait.ge [sflag:s31], $0x1F400  }
0x49: {  	[sflag:s31] =	ssyncset.done $0x0  }
0x4a: {  	[sflag:s31] =	ssyncadd.s32 $0xFFFE0C00  }
0x4b: {  	v3 =	vld.idx.msk [tilespmem:v1+s2+$0x0], $0xffff;
	_ =	sdelay $0x4  }
0x4c: {  	v3 =	vshll.u32 v3, $0x7  }
0x4d: {  	v3 =	vor.u32 v0, v3;
	_ =	sdelay $0x4  }
0x4e: {  	[tilespmem:v3+s25+$0x0] =	vst.idx.msk $0xffff, v17  }
0x4f: {  	v3 =	vld.idx.msk [tilespmem:v5+s2+$0x0], $0xffff;
	_ =	sdelay $0x4  }
0x50: {  	v3 =	vshll.u32 v3, $0x7  }
0x51: {  	v3 =	vor.u32 v4, v3;
	_ =	sdelay $0x4  }
0x52: {  	[tilespmem:v3+s25+$0x0] =	vst.idx.msk $0xffff, v17  }
0x53: {  	v3 =	vld.idx.msk [tilespmem:v7+s2+$0x0], $0xffff;
	_ =	sdelay $0x4  }
0x54: {  	v3 =	vshll.u32 v3, $0x7  }
0x55: {  	v3 =	vor.u32 v6, v3;
	_ =	sdelay $0x4  }
0x56: {  	[tilespmem:v3+s25+$0x0] =	vst.idx.msk $0xffff, v17  }
0x57: {  	v3 =	vld.idx.msk [tilespmem:v9+s2+$0x0], $0xffff;
	_ =	sdelay $0x4  }
0x58: {  	v3 =	vshll.u32 v3, $0x7  }
0x59: {  	v3 =	vor.u32 v8, v3;
	_ =	sdelay $0x4  }
0x5a: {  	[tilespmem:v3+s25+$0x0] =	vst.idx.msk $0xffff, v17  }
0x5b: {  	v3 =	vld.idx.msk [tilespmem:v11+s2+$0x0], $0xffff;
	_ =	sdelay $0x4  }
0x5c: {  	v3 =	vshll.u32 v3, $0x7  }
0x5d: {  	v3 =	vor.u32 v10, v3;
	_ =	sdelay $0x4  }
0x5e: {  	[tilespmem:v3+s25+$0x0] =	vst.idx.msk $0xffff, v17  }
0x5f: {  	v3 =	vld.idx.msk [tilespmem:v13+s2+$0x0], $0xffff;
	_ =	sdelay $0x4  }
0x60: {  	v3 =	vshll.u32 v3, $0x7  }
0x61: {  	v3 =	vor.u32 v12, v3;
	_ =	sdelay $0x4  }
0x62: {  	[tilespmem:v3+s25+$0x0] =	vst.idx.msk $0xffff, v17  }
0x63: {  	v3 =	vld.idx.msk [tilespmem:v15+s2+$0x0], $0xffff;
	_ =	sdelay $0x4  }
0x64: {  	v3 =	vshll.u32 v3, $0x7  }
0x65: {  	v3 =	vor.u32 v14, v3;
	_ =	sdelay $0x4  }
0x66: {  	[tilespmem:v3+s25+$0x0] =	vst.idx.msk $0xffff, v17  }
0x67: {  	v3 =	vld.idx.msk [tilespmem:v18+s2+$0x0], $0xffff;
	_ =	sdelay $0x3  }
0x68: {  	v5 =	vld [tilespmem:$0x1FFE0]  }
0x69: {  	v3 =	vshll.u32 v3, $0x7  }
0x6a: {  	v3 =	vor.u32 v16, v3;
	_ =	sdelay $0x4  }
0x6b: {  	[tilespmem:v3+s25+$0x0] =	vst.idx.msk $0xffff, v17  }
0x6c: {  	v3 =	vld.idx.msk [tilespmem:v5+s2+$0x0], $0xffff;
	_ =	sdelay $0x3  }
0x6d: {  	v7 =	vld [tilespmem:$0x1FFF0]  }
0x6e: {  	v3 =	vshll.u32 v3, $0x7  }
0x6f: {  	v3 =	vor.u32 v0, v3;
	_ =	sdelay $0x4  }
0x70: {  	[tilespmem:v3+s25+$0x0] =	vst.idx.msk $0xffff, v2  }
0x71: {  	v3 =	vld.idx.msk [tilespmem:v7+s2+$0x0], $0xffff;
	_ =	sdelay $0x4  }
0x72: {  	v3 =	vshll.u32 v3, $0x7  }
0x73: {  	v3 =	vor.u32 v4, v3;
	_ =	sdelay $0x4  }
0x74: {  	[tilespmem:v3+s25+$0x0] =	vst.idx.msk $0xffff, v2  }
0x75: {  	v3 =	vld.idx.msk [tilespmem:v20+s2+$0x0], $0xffff;
	_ =	sdelay $0x4  }
0x76: {  	v3 =	vshll.u32 v3, $0x7  }
0x77: {  	v3 =	vor.u32 v6, v3;
	_ =	sdelay $0x4  }
0x78: {  	[tilespmem:v3+s25+$0x0] =	vst.idx.msk $0xffff, v2  }
0x79: {  	v3 =	vld.idx.msk [tilespmem:v21+s2+$0x0], $0xffff;
	_ =	sdelay $0x4  }
0x7a: {  	v3 =	vshll.u32 v3, $0x7  }
0x7b: {  	v3 =	vor.u32 v8, v3;
	_ =	sdelay $0x4  }
0x7c: {  	[tilespmem:v3+s25+$0x0] =	vst.idx.msk $0xffff, v2  }
0x7d: {  	v3 =	vld.idx.msk [tilespmem:v22+s2+$0x0], $0xffff;
	_ =	sdelay $0x4  }
0x7e: {  	v3 =	vshll.u32 v3, $0x7  }
0x7f: {  	v3 =	vor.u32 v10, v3;
	_ =	sdelay $0x4  }
0x80: {  	[tilespmem:v3+s25+$0x0] =	vst.idx.msk $0xffff, v2  }
0x81: {  	v3 =	vld.idx.msk [tilespmem:v23+s2+$0x0], $0xffff;
	_ =	sdelay $0x4  }
0x82: {  	v3 =	vshll.u32 v3, $0x7  }
0x83: {  	v3 =	vor.u32 v12, v3;
	_ =	sdelay $0x4  }
0x84: {  	[tilespmem:v3+s25+$0x0] =	vst.idx.msk $0xffff, v2  }
0x85: {  	v3 =	vld.idx.msk [tilespmem:v24+s2+$0x0], $0xffff;
	_ =	sdelay $0x4  }
0x86: {  	v3 =	vshll.u32 v3, $0x7  }
0x87: {  	v3 =	vor.u32 v14, v3;
	_ =	sdelay $0x4  }
0x88: {  	[tilespmem:v3+s25+$0x0] =	vst.idx.msk $0xffff, v2  }
0x89: {  	v3 =	vld.idx.msk [tilespmem:v25+s2+$0x0], $0xffff;
	_ =	sdelay $0x4  }
0x8a: {  	v3 =	vshll.u32 v3, $0x7  }
0x8b: {  	v3 =	vor.u32 v16, v3;
	_ =	sdelay $0x4  }
0x8c: {  	[tilespmem:v3+s25+$0x0] =	vst.idx.msk $0xffff, v2  }
0x8d: {  	[hbm4b:s5+s29] =	stream.strided.scatter [tilespmem:s25], [sflag:$0x1], $0x1F400, s30, s29, $0x38;
	[tilespmem:$0x1FE00] =	vst v63  }
0x8e: {  	_ =	swait.ge [sflag:s31], $0x1F400  }
0x8f: {  	[sflag:s31] =	ssyncset.done $0x0  }
0x90: {  	[sflag:s31] =	ssyncadd.s32 $0xFFFE0C00  }
0x91: {  	v3 =	vld.idx.msk [tilespmem:v5+s2+$0x0], $0xffff;
	_ =	sdelay $0x4  }
0x92: {  	v3 =	vshll.u32 v3, $0x7  }
0x93: {  	v3 =	vor.u32 v0, v3;
	_ =	sdelay $0x4  }
0x94: {  	[tilespmem:v3+s25+$0x0] =	vst.idx.msk $0xffff, v17  }
0x95: {  	v3 =	vld.idx.msk [tilespmem:v7+s2+$0x0], $0xffff;
	_ =	sdelay $0x4  }
0x96: {  	v3 =	vshll.u32 v3, $0x7  }
0x97: {  	v3 =	vor.u32 v4, v3;
	_ =	sdelay $0x4  }
0x98: {  	[tilespmem:v3+s25+$0x0] =	vst.idx.msk $0xffff, v17  }
0x99: {  	v3 =	vld.idx.msk [tilespmem:v20+s2+$0x0], $0xffff;
	_ =	sdelay $0x4  }
0x9a: {  	v3 =	vshll.u32 v3, $0x7  }
0x9b: {  	v3 =	vor.u32 v6, v3;
	_ =	sdelay $0x4  }
0x9c: {  	[tilespmem:v3+s25+$0x0] =	vst.idx.msk $0xffff, v17  }
0x9d: {  	v3 =	vld.idx.msk [tilespmem:v21+s2+$0x0], $0xffff;
	_ =	sdelay $0x4  }
0x9e: {  	v3 =	vshll.u32 v3, $0x7  }
0x9f: {  	v3 =	vor.u32 v8, v3;
	_ =	sdelay $0x4  }
0xa0: {  	[tilespmem:v3+s25+$0x0] =	vst.idx.msk $0xffff, v17  }
0xa1: {  	v3 =	vld.idx.msk [tilespmem:v22+s2+$0x0], $0xffff;
	_ =	sdelay $0x4  }
0xa2: {  	v3 =	vshll.u32 v3, $0x7  }
0xa3: {  	v3 =	vor.u32 v10, v3;
	_ =	sdelay $0x4  }
0xa4: {  	[tilespmem:v3+s25+$0x0] =	vst.idx.msk $0xffff, v17  }
0xa5: {  	v3 =	vld.idx.msk [tilespmem:v23+s2+$0x0], $0xffff;
	_ =	sdelay $0x4  }
0xa6: {  	v3 =	vshll.u32 v3, $0x7  }
0xa7: {  	v3 =	vor.u32 v12, v3;
	_ =	sdelay $0x4  }
0xa8: {  	[tilespmem:v3+s25+$0x0] =	vst.idx.msk $0xffff, v17  }
0xa9: {  	v3 =	vld.idx.msk [tilespmem:v24+s2+$0x0], $0xffff;
	_ =	sdelay $0x4  }
0xaa: {  	v3 =	vshll.u32 v3, $0x7  }
0xab: {  	v3 =	vor.u32 v14, v3;
	_ =	sdelay $0x4  }
0xac: {  	[tilespmem:v3+s25+$0x0] =	vst.idx.msk $0xffff, v17  }
0xad: {  	v3 =	vld.idx.msk [tilespmem:v25+s2+$0x0], $0xffff;
	_ =	sdelay $0x4  }
0xae: {  	v3 =	vshll.u32 v3, $0x7  }
0xaf: {  	v3 =	vor.u32 v16, v3;
	_ =	sdelay $0x4  }
0xb0: {  	[tilespmem:v3+s25+$0x0] =	vst.idx.msk $0xffff, v17  }
0xb1: {  	v3 =	vld.idx.msk [tilespmem:v26+s2+$0x0], $0xffff;
	_ =	sdelay $0x4  }
0xb2: {  	v3 =	vshll.u32 v3, $0x7  }
0xb3: {  	v3 =	vor.u32 v0, v3;
	_ =	sdelay $0x4  }
0xb4: {  	[tilespmem:v3+s25+$0x0] =	vst.idx.msk $0xffff, v2  }
0xb5: {  	v3 =	vld.idx.msk [tilespmem:v27+s2+$0x0], $0xffff;
	_ =	sdelay $0x4  }
0xb6: {  	v3 =	vshll.u32 v3, $0x7  }
0xb7: {  	v3 =	vor.u32 v4, v3;
	_ =	sdelay $0x4  }
0xb8: {  	[tilespmem:v3+s25+$0x0] =	vst.idx.msk $0xffff, v2  }
0xb9: {  	v3 =	vld.idx.msk [tilespmem:v28+s2+$0x0], $0xffff;
	_ =	sdelay $0x4  }
0xba: {  	v3 =	vshll.u32 v3, $0x7  }
0xbb: {  	v3 =	vor.u32 v6, v3;
	_ =	sdelay $0x4  }
0xbc: {  	[tilespmem:v3+s25+$0x0] =	vst.idx.msk $0xffff, v2  }
0xbd: {  	v3 =	vld.idx.msk [tilespmem:v29+s2+$0x0], $0xffff;
	_ =	sdelay $0x4  }
0xbe: {  	v3 =	vshll.u32 v3, $0x7  }
0xbf: {  	v3 =	vor.u32 v8, v3;
	_ =	sdelay $0x4  }
0xc0: {  	[tilespmem:v3+s25+$0x0] =	vst.idx.msk $0xffff, v2  }
0xc1: {  	v3 =	vld.idx.msk [tilespmem:v30+s2+$0x0], $0xffff;
	_ =	sdelay $0x4  }
0xc2: {  	v3 =	vshll.u32 v3, $0x7  }
0xc3: {  	v3 =	vor.u32 v10, v3;
	_ =	sdelay $0x4  }
0xc4: {  	[tilespmem:v3+s25+$0x0] =	vst.idx.msk $0xffff, v2  }
0xc5: {  	v3 =	vld.idx.msk [tilespmem:v31+s2+$0x0], $0xffff;
	_ =	sdelay $0x4  }
0xc6: {  	v3 =	vshll.u32 v3, $0x7  }
0xc7: {  	v3 =	vor.u32 v12, v3;
	_ =	sdelay $0x4  }
0xc8: {  	[tilespmem:v3+s25+$0x0] =	vst.idx.msk $0xffff, v2  }
0xc9: {  	v3 =	vld.idx.msk [tilespmem:v32+s2+$0x0], $0xffff;
	_ =	sdelay $0x4  }
0xca: {  	v3 =	vshll.u32 v3, $0x7  }
0xcb: {  	v3 =	vor.u32 v14, v3;
	_ =	sdelay $0x4  }
0xcc: {  	[tilespmem:v3+s25+$0x0] =	vst.idx.msk $0xffff, v2  }
0xcd: {  	v3 =	vld.idx.msk [tilespmem:v33+s2+$0x0], $0xffff;
	_ =	sdelay $0x4  }
0xce: {  	v3 =	vshll.u32 v3, $0x7  }
0xcf: {  	v3 =	vor.u32 v16, v3;
	_ =	sdelay $0x4  }
0xd0: {  	[tilespmem:v3+s25+$0x0] =	vst.idx.msk $0xffff, v2  }
0xd1: {  	[hbm4b:s6+s29] =	stream.strided.scatter [tilespmem:s25], [sflag:$0x1], $0x1F400, s30, s29, $0x38;
	[tilespmem:$0x1FE00] =	vst v63  }
0xd2: {  	_ =	swait.ge [sflag:s31], $0x1F400  }
0xd3: {  	[sflag:s31] =	ssyncset.done $0x0  }
0xd4: {  	[sflag:s31] =	ssyncadd.s32 $0xFFFE0C00  }
0xd5: {  	v3 =	vld.idx.msk [tilespmem:v26+s2+$0x0], $0xffff;
	_ =	sdelay $0x4  }
0xd6: {  	v3 =	vshll.u32 v3, $0x7  }
0xd7: {  	v3 =	vor.u32 v0, v3;
	_ =	sdelay $0x4  }
0xd8: {  	[tilespmem:v3+s25+$0x0] =	vst.idx.msk $0xffff, v17  }
0xd9: {  	v3 =	vld.idx.msk [tilespmem:v27+s2+$0x0], $0xffff;
	_ =	sdelay $0x4  }
0xda: {  	v3 =	vshll.u32 v3, $0x7  }
0xdb: {  	v3 =	vor.u32 v4, v3;
	_ =	sdelay $0x4  }
0xdc: {  	[tilespmem:v3+s25+$0x0] =	vst.idx.msk $0xffff, v17  }
0xdd: {  	v3 =	vld.idx.msk [tilespmem:v28+s2+$0x0], $0xffff;
	_ =	sdelay $0x4  }
0xde: {  	v3 =	vshll.u32 v3, $0x7  }
0xdf: {  	v3 =	vor.u32 v6, v3;
	_ =	sdelay $0x4  }
0xe0: {  	[tilespmem:v3+s25+$0x0] =	vst.idx.msk $0xffff, v17  }
0xe1: {  	v3 =	vld.idx.msk [tilespmem:v29+s2+$0x0], $0xffff;
	_ =	sdelay $0x4  }
0xe2: {  	v3 =	vshll.u32 v3, $0x7  }
0xe3: {  	v3 =	vor.u32 v8, v3;
	_ =	sdelay $0x4  }
0xe4: {  	[tilespmem:v3+s25+$0x0] =	vst.idx.msk $0xffff, v17  }
0xe5: {  	v3 =	vld.idx.msk [tilespmem:v30+s2+$0x0], $0xffff;
	_ =	sdelay $0x4  }
0xe6: {  	v3 =	vshll.u32 v3, $0x7  }
0xe7: {  	v3 =	vor.u32 v10, v3;
	_ =	sdelay $0x4  }
0xe8: {  	[tilespmem:v3+s25+$0x0] =	vst.idx.msk $0xffff, v17  }
0xe9: {  	v3 =	vld.idx.msk [tilespmem:v31+s2+$0x0], $0xffff;
	_ =	sdelay $0x4  }
0xea: {  	v3 =	vshll.u32 v3, $0x7  }
0xeb: {  	v3 =	vor.u32 v12, v3;
	_ =	sdelay $0x4  }
0xec: {  	[tilespmem:v3+s25+$0x0] =	vst.idx.msk $0xffff, v17  }
0xed: {  	v3 =	vld.idx.msk [tilespmem:v32+s2+$0x0], $0xffff;
	_ =	sdelay $0x4  }
0xee: {  	v3 =	vshll.u32 v3, $0x7  }
0xef: {  	v3 =	vor.u32 v14, v3;
	_ =	sdelay $0x4  }
0xf0: {  	[tilespmem:v3+s25+$0x0] =	vst.idx.msk $0xffff, v17  }
0xf1: {  	v3 =	vld.idx.msk [tilespmem:v33+s2+$0x0], $0xffff;
	_ =	sdelay $0x4  }
0xf2: {  	v3 =	vshll.u32 v3, $0x7  }
0xf3: {  	v3 =	vor.u32 v16, v3;
	_ =	sdelay $0x4  }
0xf4: {  	[tilespmem:v3+s25+$0x0] =	vst.idx.msk $0xffff, v17  }
0xf5: {  	v3 =	vld.idx.msk [tilespmem:v34+s2+$0x0], $0xffff;
	_ =	sdelay $0x4  }
0xf6: {  	v3 =	vshll.u32 v3, $0x7  }
0xf7: {  	v3 =	vor.u32 v0, v3;
	_ =	sdelay $0x4  }
0xf8: {  	[tilespmem:v3+s25+$0x0] =	vst.idx.msk $0xffff, v2  }
0xf9: {  	v3 =	vld.idx.msk [tilespmem:v35+s2+$0x0], $0xffff;
	_ =	sdelay $0x4  }
0xfa: {  	v3 =	vshll.u32 v3, $0x7  }
0xfb: {  	v3 =	vor.u32 v4, v3;
	_ =	sdelay $0x4  }
0xfc: {  	[tilespmem:v3+s25+$0x0] =	vst.idx.msk $0xffff, v2  }
0xfd: {  	v3 =	vld.idx.msk [tilespmem:v36+s2+$0x0], $0xffff;
	_ =	sdelay $0x4  }
0xfe: {  	v3 =	vshll.u32 v3, $0x7  }
0xff: {  	v3 =	vor.u32 v6, v3;
	_ =	sdelay $0x4  }
0x100: {  	[tilespmem:v3+s25+$0x0] =	vst.idx.msk $0xffff, v2  }
0x101: {  	v3 =	vld.idx.msk [tilespmem:v37+s2+$0x0], $0xffff;
	_ =	sdelay $0x4  }
0x102: {  	v3 =	vshll.u32 v3, $0x7  }
0x103: {  	v3 =	vor.u32 v8, v3;
	_ =	sdelay $0x4  }
0x104: {  	[tilespmem:v3+s25+$0x0] =	vst.idx.msk $0xffff, v2  }
0x105: {  	v3 =	vld.idx.msk [tilespmem:v38+s2+$0x0], $0xffff;
	_ =	sdelay $0x4  }
0x106: {  	v3 =	vshll.u32 v3, $0x7  }
0x107: {  	v3 =	vor.u32 v10, v3;
	_ =	sdelay $0x4  }
0x108: {  	[tilespmem:v3+s25+$0x0] =	vst.idx.msk $0xffff, v2  }
0x109: {  	v3 =	vld.idx.msk [tilespmem:v39+s2+$0x0], $0xffff;
	_ =	sdelay $0x4  }
0x10a: {  	v3 =	vshll.u32 v3, $0x7  }
0x10b: {  	v3 =	vor.u32 v12, v3;
	_ =	sdelay $0x4  }
0x10c: {  	[tilespmem:v3+s25+$0x0] =	vst.idx.msk $0xffff, v2  }
0x10d: {  	v3 =	vld.idx.msk [tilespmem:v40+s2+$0x0], $0xffff;
	_ =	sdelay $0x4  }
0x10e: {  	v3 =	vshll.u32 v3, $0x7  }
0x10f: {  	v3 =	vor.u32 v14, v3;
	_ =	sdelay $0x4  }
0x110: {  	[tilespmem:v3+s25+$0x0] =	vst.idx.msk $0xffff, v2  }
0x111: {  	v3 =	vld.idx.msk [tilespmem:v41+s2+$0x0], $0xffff;
	_ =	sdelay $0x4  }
0x112: {  	v3 =	vshll.u32 v3, $0x7  }
0x113: {  	v3 =	vor.u32 v16, v3;
	_ =	sdelay $0x4  }
0x114: {  	[tilespmem:v3+s25+$0x0] =	vst.idx.msk $0xffff, v2  }
0x115: {  	[hbm4b:s7+s29] =	stream.strided.scatter [tilespmem:s25], [sflag:$0x1], $0x1F400, s30, s29, $0x38;
	[tilespmem:$0x1FE00] =	vst v63  }
0x116: {  	_ =	swait.ge [sflag:s31], $0x1F400  }
0x117: {  	[sflag:s31] =	ssyncset.done $0x0  }
0x118: {  	[sflag:s31] =	ssyncadd.s32 $0xFFFE0C00  }
0x119: {  	v3 =	vld.idx.msk [tilespmem:v34+s2+$0x0], $0xffff;
	_ =	sdelay $0x4  }
0x11a: {  	v3 =	vshll.u32 v3, $0x7  }
0x11b: {  	v3 =	vor.u32 v0, v3;
	_ =	sdelay $0x4  }
0x11c: {  	[tilespmem:v3+s25+$0x0] =	vst.idx.msk $0xffff, v17  }
0x11d: {  	v3 =	vld.idx.msk [tilespmem:v35+s2+$0x0], $0xffff;
	_ =	sdelay $0x4  }
0x11e: {  	v3 =	vshll.u32 v3, $0x7  }
0x11f: {  	v3 =	vor.u32 v4, v3;
	_ =	sdelay $0x4  }
0x120: {  	[tilespmem:v3+s25+$0x0] =	vst.idx.msk $0xffff, v17  }
0x121: {  	v3 =	vld.idx.msk [tilespmem:v36+s2+$0x0], $0xffff;
	_ =	sdelay $0x4  }
0x122: {  	v3 =	vshll.u32 v3, $0x7  }
0x123: {  	v3 =	vor.u32 v6, v3;
	_ =	sdelay $0x4  }
0x124: {  	[tilespmem:v3+s25+$0x0] =	vst.idx.msk $0xffff, v17  }
0x125: {  	v3 =	vld.idx.msk [tilespmem:v37+s2+$0x0], $0xffff;
	_ =	sdelay $0x4  }
0x126: {  	v3 =	vshll.u32 v3, $0x7  }
0x127: {  	v3 =	vor.u32 v8, v3;
	_ =	sdelay $0x4  }
0x128: {  	[tilespmem:v3+s25+$0x0] =	vst.idx.msk $0xffff, v17  }
0x129: {  	v3 =	vld.idx.msk [tilespmem:v38+s2+$0x0], $0xffff;
	_ =	sdelay $0x4  }
0x12a: {  	v3 =	vshll.u32 v3, $0x7  }
0x12b: {  	v3 =	vor.u32 v10, v3;
	_ =	sdelay $0x4  }
0x12c: {  	[tilespmem:v3+s25+$0x0] =	vst.idx.msk $0xffff, v17  }
0x12d: {  	v3 =	vld.idx.msk [tilespmem:v39+s2+$0x0], $0xffff;
	_ =	sdelay $0x4  }
0x12e: {  	v3 =	vshll.u32 v3, $0x7  }
0x12f: {  	v3 =	vor.u32 v12, v3;
	_ =	sdelay $0x4  }
0x130: {  	[tilespmem:v3+s25+$0x0] =	vst.idx.msk $0xffff, v17  }
0x131: {  	v3 =	vld.idx.msk [tilespmem:v40+s2+$0x0], $0xffff;
	_ =	sdelay $0x4  }
0x132: {  	v3 =	vshll.u32 v3, $0x7  }
0x133: {  	v3 =	vor.u32 v14, v3;
	_ =	sdelay $0x4  }
0x134: {  	[tilespmem:v3+s25+$0x0] =	vst.idx.msk $0xffff, v17  }
0x135: {  	v3 =	vld.idx.msk [tilespmem:v41+s2+$0x0], $0xffff;
	_ =	sdelay $0x4  }
0x136: {  	v3 =	vshll.u32 v3, $0x7  }
0x137: {  	v3 =	vor.u32 v16, v3;
	_ =	sdelay $0x4  }
0x138: {  	[tilespmem:v3+s25+$0x0] =	vst.idx.msk $0xffff, v17  }
0x139: {  	v3 =	vld.idx.msk [tilespmem:v42+s2+$0x0], $0xffff;
	_ =	sdelay $0x4  }
0x13a: {  	v3 =	vshll.u32 v3, $0x7  }
0x13b: {  	v3 =	vor.u32 v0, v3;
	_ =	sdelay $0x4  }
0x13c: {  	[tilespmem:v3+s25+$0x0] =	vst.idx.msk $0xffff, v2  }
0x13d: {  	v3 =	vld.idx.msk [tilespmem:v43+s2+$0x0], $0xffff;
	_ =	sdelay $0x4  }
0x13e: {  	v3 =	vshll.u32 v3, $0x7  }
0x13f: {  	v3 =	vor.u32 v4, v3;
	_ =	sdelay $0x4  }
0x140: {  	[tilespmem:v3+s25+$0x0] =	vst.idx.msk $0xffff, v2  }
0x141: {  	v3 =	vld.idx.msk [tilespmem:v44+s2+$0x0], $0xffff;
	_ =	sdelay $0x4  }
0x142: {  	v3 =	vshll.u32 v3, $0x7  }
0x143: {  	v3 =	vor.u32 v6, v3;
	_ =	sdelay $0x4  }
0x144: {  	[tilespmem:v3+s25+$0x0] =	vst.idx.msk $0xffff, v2  }
0x145: {  	v3 =	vld.idx.msk [tilespmem:v45+s2+$0x0], $0xffff;
	_ =	sdelay $0x4  }
0x146: {  	v3 =	vshll.u32 v3, $0x7  }
0x147: {  	v3 =	vor.u32 v8, v3;
	_ =	sdelay $0x4  }
0x148: {  	[tilespmem:v3+s25+$0x0] =	vst.idx.msk $0xffff, v2  }
0x149: {  	v3 =	vld.idx.msk [tilespmem:v46+s2+$0x0], $0xffff;
	_ =	sdelay $0x4  }
0x14a: {  	v3 =	vshll.u32 v3, $0x7  }
0x14b: {  	v3 =	vor.u32 v10, v3;
	_ =	sdelay $0x4  }
0x14c: {  	[tilespmem:v3+s25+$0x0] =	vst.idx.msk $0xffff, v2  }
0x14d: {  	v3 =	vld.idx.msk [tilespmem:v47+s2+$0x0], $0xffff;
	_ =	sdelay $0x4  }
0x14e: {  	v3 =	vshll.u32 v3, $0x7  }
0x14f: {  	v3 =	vor.u32 v12, v3;
	_ =	sdelay $0x4  }
0x150: {  	[tilespmem:v3+s25+$0x0] =	vst.idx.msk $0xffff, v2  }
0x151: {  	v3 =	vld.idx.msk [tilespmem:v48+s2+$0x0], $0xffff;
	_ =	sdelay $0x4  }
0x152: {  	v3 =	vshll.u32 v3, $0x7  }
0x153: {  	v3 =	vor.u32 v14, v3;
	_ =	sdelay $0x4  }
0x154: {  	[tilespmem:v3+s25+$0x0] =	vst.idx.msk $0xffff, v2  }
0x155: {  	v3 =	vld.idx.msk [tilespmem:v49+s2+$0x0], $0xffff;
	_ =	sdelay $0x4  }
0x156: {  	v3 =	vshll.u32 v3, $0x7  }
0x157: {  	v3 =	vor.u32 v16, v3;
	_ =	sdelay $0x4  }
0x158: {  	[tilespmem:v3+s25+$0x0] =	vst.idx.msk $0xffff, v2  }
0x159: {  	[hbm4b:s8+s29] =	stream.strided.scatter [tilespmem:s25], [sflag:$0x1], $0x1F400, s30, s29, $0x38;
	[tilespmem:$0x1FE00] =	vst v63  }
0x15a: {  	_ =	swait.ge [sflag:s31], $0x1F400  }
0x15b: {  	[sflag:s31] =	ssyncset.done $0x0  }
0x15c: {  	[sflag:s31] =	ssyncadd.s32 $0xFFFE0C00  }
0x15d: {  	v3 =	vld.idx.msk [tilespmem:v42+s2+$0x0], $0xffff;
	_ =	sdelay $0x4  }
0x15e: {  	v3 =	vshll.u32 v3, $0x7  }
0x15f: {  	v3 =	vor.u32 v0, v3;
	_ =	sdelay $0x4  }
0x160: {  	[tilespmem:v3+s25+$0x0] =	vst.idx.msk $0xffff, v17  }
0x161: {  	v3 =	vld.idx.msk [tilespmem:v43+s2+$0x0], $0xffff;
	_ =	sdelay $0x4  }
0x162: {  	v3 =	vshll.u32 v3, $0x7  }
0x163: {  	v3 =	vor.u32 v4, v3;
	_ =	sdelay $0x4  }
0x164: {  	[tilespmem:v3+s25+$0x0] =	vst.idx.msk $0xffff, v17  }
0x165: {  	v3 =	vld.idx.msk [tilespmem:v44+s2+$0x0], $0xffff;
	_ =	sdelay $0x4  }
0x166: {  	v3 =	vshll.u32 v3, $0x7  }
0x167: {  	v3 =	vor.u32 v6, v3;
	_ =	sdelay $0x4  }
0x168: {  	[tilespmem:v3+s25+$0x0] =	vst.idx.msk $0xffff, v17  }
0x169: {  	v3 =	vld.idx.msk [tilespmem:v45+s2+$0x0], $0xffff;
	_ =	sdelay $0x4  }
0x16a: {  	v3 =	vshll.u32 v3, $0x7  }
0x16b: {  	v3 =	vor.u32 v8, v3;
	_ =	sdelay $0x4  }
0x16c: {  	[tilespmem:v3+s25+$0x0] =	vst.idx.msk $0xffff, v17  }
0x16d: {  	v3 =	vld.idx.msk [tilespmem:v46+s2+$0x0], $0xffff;
	_ =	sdelay $0x4  }
0x16e: {  	v3 =	vshll.u32 v3, $0x7  }
0x16f: {  	v3 =	vor.u32 v10, v3;
	_ =	sdelay $0x4  }
0x170: {  	[tilespmem:v3+s25+$0x0] =	vst.idx.msk $0xffff, v17  }
0x171: {  	v3 =	vld.idx.msk [tilespmem:v47+s2+$0x0], $0xffff;
	_ =	sdelay $0x4  }
0x172: {  	v3 =	vshll.u32 v3, $0x7  }
0x173: {  	v3 =	vor.u32 v12, v3;
	_ =	sdelay $0x4  }
0x174: {  	[tilespmem:v3+s25+$0x0] =	vst.idx.msk $0xffff, v17  }
0x175: {  	v3 =	vld.idx.msk [tilespmem:v48+s2+$0x0], $0xffff;
	_ =	sdelay $0x4  }
0x176: {  	v3 =	vshll.u32 v3, $0x7  }
0x177: {  	v3 =	vor.u32 v14, v3;
	_ =	sdelay $0x4  }
0x178: {  	[tilespmem:v3+s25+$0x0] =	vst.idx.msk $0xffff, v17  }
0x179: {  	v3 =	vld.idx.msk [tilespmem:v49+s2+$0x0], $0xffff;
	_ =	sdelay $0x4  }
0x17a: {  	v3 =	vshll.u32 v3, $0x7  }
0x17b: {  	v3 =	vor.u32 v16, v3;
	_ =	sdelay $0x4  }
0x17c: {  	[tilespmem:v3+s25+$0x0] =	vst.idx.msk $0xffff, v17  }
0x17d: {  	v3 =	vld.idx.msk [tilespmem:v50+s2+$0x0], $0xffff;
	_ =	sdelay $0x4  }
0x17e: {  	v3 =	vshll.u32 v3, $0x7  }
0x17f: {  	v3 =	vor.u32 v0, v3;
	_ =	sdelay $0x4  }
0x180: {  	[tilespmem:v3+s25+$0x0] =	vst.idx.msk $0xffff, v2  }
0x181: {  	v3 =	vld.idx.msk [tilespmem:v51+s2+$0x0], $0xffff;
	_ =	sdelay $0x4  }
0x182: {  	v3 =	vshll.u32 v3, $0x7  }
0x183: {  	v3 =	vor.u32 v4, v3;
	_ =	sdelay $0x4  }
0x184: {  	[tilespmem:v3+s25+$0x0] =	vst.idx.msk $0xffff, v2  }
0x185: {  	v3 =	vld.idx.msk [tilespmem:v52+s2+$0x0], $0xffff;
	_ =	sdelay $0x4  }
0x186: {  	v3 =	vshll.u32 v3, $0x7  }
0x187: {  	v3 =	vor.u32 v6, v3;
	_ =	sdelay $0x4  }
0x188: {  	[tilespmem:v3+s25+$0x0] =	vst.idx.msk $0xffff, v2  }
0x189: {  	v3 =	vld.idx.msk [tilespmem:v53+s2+$0x0], $0xffff;
	_ =	sdelay $0x4  }
0x18a: {  	v3 =	vshll.u32 v3, $0x7  }
0x18b: {  	v3 =	vor.u32 v8, v3;
	_ =	sdelay $0x4  }
0x18c: {  	[tilespmem:v3+s25+$0x0] =	vst.idx.msk $0xffff, v2  }
0x18d: {  	v3 =	vld.idx.msk [tilespmem:v54+s2+$0x0], $0xffff;
	_ =	sdelay $0x4  }
0x18e: {  	v3 =	vshll.u32 v3, $0x7  }
0x18f: {  	v3 =	vor.u32 v10, v3;
	_ =	sdelay $0x4  }
0x190: {  	[tilespmem:v3+s25+$0x0] =	vst.idx.msk $0xffff, v2  }
0x191: {  	v3 =	vld.idx.msk [tilespmem:v55+s2+$0x0], $0xffff;
	_ =	sdelay $0x4  }
0x192: {  	v3 =	vshll.u32 v3, $0x7  }
0x193: {  	v3 =	vor.u32 v12, v3;
	_ =	sdelay $0x4  }
0x194: {  	[tilespmem:v3+s25+$0x0] =	vst.idx.msk $0xffff, v2  }
0x195: {  	v3 =	vld.idx.msk [tilespmem:v56+s2+$0x0], $0xffff;
	_ =	sdelay $0x4  }
0x196: {  	v3 =	vshll.u32 v3, $0x7  }
0x197: {  	v3 =	vor.u32 v14, v3;
	_ =	sdelay $0x4  }
0x198: {  	[tilespmem:v3+s25+$0x0] =	vst.idx.msk $0xffff, v2  }
0x199: {  	v3 =	vld.idx.msk [tilespmem:v57+s2+$0x0], $0xffff;
	_ =	sdelay $0x4  }
0x19a: {  	v3 =	vshll.u32 v3, $0x7  }
0x19b: {  	v3 =	vor.u32 v16, v3;
	_ =	sdelay $0x4  }
0x19c: {  	[tilespmem:v3+s25+$0x0] =	vst.idx.msk $0xffff, v2  }
0x19d: {  	[hbm4b:s9+s29] =	stream.strided.scatter [tilespmem:s25], [sflag:$0x1], $0x1F400, s30, s29, $0x38;
	[tilespmem:$0x1FE00] =	vst v63  }
0x19e: {  	_ =	swait.ge [sflag:s31], $0x1F400  }
0x19f: {  	[sflag:s31] =	ssyncset.done $0x0  }
0x1a0: {  	[sflag:s31] =	ssyncadd.s32 $0xFFFE0C00  }
0x1a1: {  	v3 =	vld.idx.msk [tilespmem:v50+s2+$0x0], $0xffff;
	_ =	sdelay $0x4  }
0x1a2: {  	v3 =	vshll.u32 v3, $0x7  }
0x1a3: {  	v3 =	vor.u32 v0, v3;
	_ =	sdelay $0x4  }
0x1a4: {  	[tilespmem:v3+s25+$0x0] =	vst.idx.msk $0xffff, v17  }
0x1a5: {  	v3 =	vld.idx.msk [tilespmem:v51+s2+$0x0], $0xffff;
	_ =	sdelay $0x4  }
0x1a6: {  	v3 =	vshll.u32 v3, $0x7  }
0x1a7: {  	v3 =	vor.u32 v4, v3;
	_ =	sdelay $0x4  }
0x1a8: {  	[tilespmem:v3+s25+$0x0] =	vst.idx.msk $0xffff, v17  }
0x1a9: {  	v3 =	vld.idx.msk [tilespmem:v52+s2+$0x0], $0xffff;
	_ =	sdelay $0x4  }
0x1aa: {  	v3 =	vshll.u32 v3, $0x7  }
0x1ab: {  	v3 =	vor.u32 v6, v3;
	_ =	sdelay $0x4  }
0x1ac: {  	[tilespmem:v3+s25+$0x0] =	vst.idx.msk $0xffff, v17  }
0x1ad: {  	v3 =	vld.idx.msk [tilespmem:v53+s2+$0x0], $0xffff;
	_ =	sdelay $0x4  }
0x1ae: {  	v3 =	vshll.u32 v3, $0x7  }
0x1af: {  	v3 =	vor.u32 v8, v3;
	_ =	sdelay $0x4  }
0x1b0: {  	[tilespmem:v3+s25+$0x0] =	vst.idx.msk $0xffff, v17  }
0x1b1: {  	v3 =	vld.idx.msk [tilespmem:v54+s2+$0x0], $0xffff;
	_ =	sdelay $0x4  }
0x1b2: {  	v3 =	vshll.u32 v3, $0x7  }
0x1b3: {  	v3 =	vor.u32 v10, v3;
	_ =	sdelay $0x4  }
0x1b4: {  	[tilespmem:v3+s25+$0x0] =	vst.idx.msk $0xffff, v17  }
0x1b5: {  	v3 =	vld.idx.msk [tilespmem:v55+s2+$0x0], $0xffff;
	_ =	sdelay $0x4  }
0x1b6: {  	v3 =	vshll.u32 v3, $0x7  }
0x1b7: {  	v3 =	vor.u32 v12, v3;
	_ =	sdelay $0x4  }
0x1b8: {  	[tilespmem:v3+s25+$0x0] =	vst.idx.msk $0xffff, v17  }
0x1b9: {  	v3 =	vld.idx.msk [tilespmem:v56+s2+$0x0], $0xffff;
	_ =	sdelay $0x4  }
0x1ba: {  	v3 =	vshll.u32 v3, $0x7  }
0x1bb: {  	v3 =	vor.u32 v14, v3;
	_ =	sdelay $0x4  }
0x1bc: {  	[tilespmem:v3+s25+$0x0] =	vst.idx.msk $0xffff, v17  }
0x1bd: {  	v3 =	vld.idx.msk [tilespmem:v57+s2+$0x0], $0xffff;
	_ =	sdelay $0x4  }
0x1be: {  	v3 =	vshll.u32 v3, $0x7  }
0x1bf: {  	v3 =	vor.u32 v16, v3;
	_ =	sdelay $0x4  }
0x1c0: {  	[tilespmem:v3+s25+$0x0] =	vst.idx.msk $0xffff, v17  }
0x1c1: {  	v3 =	vld.idx.msk [tilespmem:v58+s2+$0x0], $0xffff;
	_ =	sdelay $0x4  }
0x1c2: {  	v3 =	vshll.u32 v3, $0x7  }
0x1c3: {  	v3 =	vor.u32 v0, v3;
	_ =	sdelay $0x4  }
0x1c4: {  	[tilespmem:v3+s25+$0x0] =	vst.idx.msk $0xffff, v2  }
0x1c5: {  	v3 =	vld.idx.msk [tilespmem:v59+s2+$0x0], $0xffff;
	_ =	sdelay $0x4  }
0x1c6: {  	v3 =	vshll.u32 v3, $0x7  }
0x1c7: {  	v3 =	vor.u32 v4, v3;
	_ =	sdelay $0x4  }
0x1c8: {  	[tilespmem:v3+s25+$0x0] =	vst.idx.msk $0xffff, v2  }
0x1c9: {  	v3 =	vld.idx.msk [tilespmem:v60+s2+$0x0], $0xffff;
	_ =	sdelay $0x4  }
0x1ca: {  	v3 =	vshll.u32 v3, $0x7  }
0x1cb: {  	v3 =	vor.u32 v6, v3;
	_ =	sdelay $0x4  }
0x1cc: {  	[tilespmem:v3+s25+$0x0] =	vst.idx.msk $0xffff, v2  }
0x1cd: {  	v3 =	vld.idx.msk [tilespmem:v61+s2+$0x0], $0xffff;
	_ =	sdelay $0x4  }
0x1ce: {  	v3 =	vshll.u32 v3, $0x7  }
0x1cf: {  	v3 =	vor.u32 v8, v3;
	_ =	sdelay $0x4  }
0x1d0: {  	[tilespmem:v3+s25+$0x0] =	vst.idx.msk $0xffff, v2  }
0x1d1: {  	v3 =	vld.idx.msk [tilespmem:v62+s2+$0x0], $0xffff;
	_ =	sdelay $0x4  }
0x1d2: {  	v3 =	vshll.u32 v3, $0x7  }
0x1d3: {  	v3 =	vor.u32 v10, v3;
	_ =	sdelay $0x4  }
0x1d4: {  	[tilespmem:v3+s25+$0x0] =	vst.idx.msk $0xffff, v2  }
0x1d5: {  	v3 =	vld.idx.msk [tilespmem:v63+s2+$0x0], $0xffff;
	_ =	sdelay $0x4  }
0x1d6: {  	v3 =	vshll.u32 v3, $0x7  }
0x1d7: {  	v3 =	vor.u32 v12, v3  }
0x1d8: {  	v5 =	vadd.s32 $0x786, v1;
	_ =	sdelay $0x3  }
0x1d9: {  	[tilespmem:v3+s25+$0x0] =	vst.idx.msk $0xffff, v2  }
0x1da: {  	v3 =	vld.idx.msk [tilespmem:v5+s2+$0x0], $0xffff;
	_ =	sdelay $0x4  }
0x1db: {  	v3 =	vshll.u32 v3, $0x7  }
0x1dc: {  	v3 =	vor.u32 v14, v3  }
0x1dd: {  	v7 =	vadd.s32 $0x8C6, v1;
	_ =	sdelay $0x3  }
0x1de: {  	[tilespmem:v3+s25+$0x0] =	vst.idx.msk $0xffff, v2  }
0x1df: {  	v3 =	vld.idx.msk [tilespmem:v7+s2+$0x0], $0xffff;
	_ =	sdelay $0x4  }
0x1e0: {  	v3 =	vshll.u32 v3, $0x7  }
0x1e1: {  	v3 =	vor.u32 v16, v3;
	_ =	sdelay $0x4  }
0x1e2: {  	[tilespmem:v3+s25+$0x0] =	vst.idx.msk $0xffff, v2  }
0x1e3: {  	[hbm4b:s10+s29] =	stream.strided.scatter [tilespmem:s25], [sflag:$0x1], $0x1F400, s30, s29, $0x38;
	[tilespmem:$0x1FE00] =	vst v63  }
0x1e4: {  	_ =	swait.ge [sflag:s31], $0x1F400  }
0x1e5: {  	[sflag:s31] =	ssyncset.done $0x0  }
0x1e6: {  	[sflag:s31] =	ssyncadd.s32 $0xFFFE0C00  }
0x1e7: {  	v3 =	vld.idx.msk [tilespmem:v58+s2+$0x0], $0xffff;
	_ =	sdelay $0x4  }
0x1e8: {  	v3 =	vshll.u32 v3, $0x7  }
0x1e9: {  	v3 =	vor.u32 v0, v3;
	_ =	sdelay $0x4  }
0x1ea: {  	[tilespmem:v3+s25+$0x0] =	vst.idx.msk $0xffff, v17  }
0x1eb: {  	v3 =	vld.idx.msk [tilespmem:v59+s2+$0x0], $0xffff;
	_ =	sdelay $0x4  }
0x1ec: {  	v3 =	vshll.u32 v3, $0x7  }
0x1ed: {  	v3 =	vor.u32 v4, v3;
	_ =	sdelay $0x4  }
0x1ee: {  	[tilespmem:v3+s25+$0x0] =	vst.idx.msk $0xffff, v17  }
0x1ef: {  	v3 =	vld.idx.msk [tilespmem:v60+s2+$0x0], $0xffff;
	_ =	sdelay $0x4  }
0x1f0: {  	v3 =	vshll.u32 v3, $0x7  }
0x1f1: {  	v3 =	vor.u32 v6, v3;
	_ =	sdelay $0x4  }
0x1f2: {  	[tilespmem:v3+s25+$0x0] =	vst.idx.msk $0xffff, v17  }
0x1f3: {  	v3 =	vld.idx.msk [tilespmem:v61+s2+$0x0], $0xffff;
	_ =	sdelay $0x4  }
0x1f4: {  	v3 =	vshll.u32 v3, $0x7  }
0x1f5: {  	v3 =	vor.u32 v8, v3;
	_ =	sdelay $0x4  }
0x1f6: {  	[tilespmem:v3+s25+$0x0] =	vst.idx.msk $0xffff, v17  }
0x1f7: {  	v3 =	vld.idx.msk [tilespmem:v62+s2+$0x0], $0xffff;
	_ =	sdelay $0x4  }
0x1f8: {  	v3 =	vshll.u32 v3, $0x7  }
0x1f9: {  	v3 =	vor.u32 v10, v3;
	_ =	sdelay $0x4  }
0x1fa: {  	[tilespmem:v3+s25+$0x0] =	vst.idx.msk $0xffff, v17  }
0x1fb: {  	v3 =	vld.idx.msk [tilespmem:v63+s2+$0x0], $0xffff;
	_ =	sdelay $0x4  }
0x1fc: {  	v3 =	vshll.u32 v3, $0x7  }
0x1fd: {  	v3 =	vor.u32 v12, v3;
	_ =	sdelay $0x4  }
0x1fe: {  	[tilespmem:v3+s25+$0x0] =	vst.idx.msk $0xffff, v17  }
0x1ff: {  	v3 =	vld.idx.msk [tilespmem:v5+s2+$0x0], $0xffff;
	_ =	sdelay $0x4  }
0x200: {  	v3 =	vshll.u32 v3, $0x7  }
0x201: {  	v3 =	vor.u32 v14, v3;
	_ =	sdelay $0x4  }
0x202: {  	[tilespmem:v3+s25+$0x0] =	vst.idx.msk $0xffff, v17  }
0x203: {  	v3 =	vld.idx.msk [tilespmem:v7+s2+$0x0], $0xffff;
	_ =	sdelay $0x4  }
0x204: {  	v3 =	vshll.u32 v3, $0x7  }
0x205: {  	v3 =	vor.u32 v16, v3  }
0x206: {  	v5 =	vadd.s32 $0x7, v1;
	_ =	sdelay $0x3  }
0x207: {  	[tilespmem:v3+s25+$0x0] =	vst.idx.msk $0xffff, v17  }
0x208: {  	v3 =	vld.idx.msk [tilespmem:v5+s2+$0x0], $0xffff;
	_ =	sdelay $0x4  }
0x209: {  	v3 =	vshll.u32 v3, $0x7  }
0x20a: {  	v3 =	vor.u32 v0, v3  }
0x20b: {  	v7 =	vadd.s32 $0x147, v1;
	_ =	sdelay $0x3  }
0x20c: {  	[tilespmem:v3+s25+$0x0] =	vst.idx.msk $0xffff, v2  }
0x20d: {  	v3 =	vld.idx.msk [tilespmem:v7+s2+$0x0], $0xffff;
	_ =	sdelay $0x4  }
0x20e: {  	v3 =	vshll.u32 v3, $0x7  }
0x20f: {  	v3 =	vor.u32 v4, v3  }
0x210: {  	v9 =	vadd.s32 $0x287, v1;
	_ =	sdelay $0x3  }
0x211: {  	[tilespmem:v3+s25+$0x0] =	vst.idx.msk $0xffff, v2  }
0x212: {  	v3 =	vld.idx.msk [tilespmem:v9+s2+$0x0], $0xffff;
	_ =	sdelay $0x4  }
0x213: {  	v3 =	vshll.u32 v3, $0x7  }
0x214: {  	v3 =	vor.u32 v6, v3  }
0x215: {  	v11 =	vadd.s32 $0x3C7, v1;
	_ =	sdelay $0x3  }
0x216: {  	[tilespmem:v3+s25+$0x0] =	vst.idx.msk $0xffff, v2  }
0x217: {  	v3 =	vld.idx.msk [tilespmem:v11+s2+$0x0], $0xffff;
	_ =	sdelay $0x4  }
0x218: {  	v3 =	vshll.u32 v3, $0x7  }
0x219: {  	v3 =	vor.u32 v8, v3  }
0x21a: {  	v13 =	vadd.s32 $0x507, v1;
	_ =	sdelay $0x3  }
0x21b: {  	[tilespmem:v3+s25+$0x0] =	vst.idx.msk $0xffff, v2  }
0x21c: {  	v3 =	vld.idx.msk [tilespmem:v13+s2+$0x0], $0xffff;
	_ =	sdelay $0x4  }
0x21d: {  	v3 =	vshll.u32 v3, $0x7  }
0x21e: {  	v3 =	vor.u32 v10, v3  }
0x21f: {  	v15 =	vadd.s32 $0x647, v1;
	_ =	sdelay $0x3  }
0x220: {  	[tilespmem:v3+s25+$0x0] =	vst.idx.msk $0xffff, v2  }
0x221: {  	v3 =	vld.idx.msk [tilespmem:v15+s2+$0x0], $0xffff;
	_ =	sdelay $0x4  }
0x222: {  	v3 =	vshll.u32 v3, $0x7  }
0x223: {  	v3 =	vor.u32 v12, v3  }
0x224: {  	v18 =	vadd.s32 $0x787, v1;
	_ =	sdelay $0x3  }
0x225: {  	[tilespmem:v3+s25+$0x0] =	vst.idx.msk $0xffff, v2  }
0x226: {  	v3 =	vld.idx.msk [tilespmem:v18+s2+$0x0], $0xffff;
	_ =	sdelay $0x4  }
0x227: {  	v3 =	vshll.u32 v3, $0x7  }
0x228: {  	v3 =	vor.u32 v14, v3  }
0x229: {  	v19 =	vadd.s32 $0x8C7, v1;
	_ =	sdelay $0x3  }
0x22a: {  	[tilespmem:v3+s25+$0x0] =	vst.idx.msk $0xffff, v2  }
0x22b: {  	v3 =	vld.idx.msk [tilespmem:v19+s2+$0x0], $0xffff;
	_ =	sdelay $0x4  }
0x22c: {  	v3 =	vshll.u32 v3, $0x7  }
0x22d: {  	v3 =	vor.u32 v16, v3;
	_ =	sdelay $0x4  }
0x22e: {  	[tilespmem:v3+s25+$0x0] =	vst.idx.msk $0xffff, v2  }
0x22f: {  	[hbm4b:s11+s29] =	stream.strided.scatter [tilespmem:s25], [sflag:$0x1], $0x1F400, s30, s29, $0x38;
	[tilespmem:$0x1FE00] =	vst v63  }
0x230: {  	_ =	swait.ge [sflag:s31], $0x1F400  }
0x231: {  	[sflag:s31] =	ssyncset.done $0x0  }
0x232: {  	[sflag:s31] =	ssyncadd.s32 $0xFFFE0C00  }
0x233: {  	v3 =	vld.idx.msk [tilespmem:v5+s2+$0x0], $0xffff;
	_ =	sdelay $0x4  }
0x234: {  	v3 =	vshll.u32 v3, $0x7  }
0x235: {  	v3 =	vor.u32 v0, v3;
	_ =	sdelay $0x4  }
0x236: {  	[tilespmem:v3+s25+$0x0] =	vst.idx.msk $0xffff, v17  }
0x237: {  	v3 =	vld.idx.msk [tilespmem:v7+s2+$0x0], $0xffff;
	_ =	sdelay $0x4  }
0x238: {  	v3 =	vshll.u32 v3, $0x7  }
0x239: {  	v3 =	vor.u32 v4, v3;
	_ =	sdelay $0x4  }
0x23a: {  	[tilespmem:v3+s25+$0x0] =	vst.idx.msk $0xffff, v17  }
0x23b: {  	v3 =	vld.idx.msk [tilespmem:v9+s2+$0x0], $0xffff;
	_ =	sdelay $0x4  }
0x23c: {  	v3 =	vshll.u32 v3, $0x7  }
0x23d: {  	v3 =	vor.u32 v6, v3;
	_ =	sdelay $0x4  }
0x23e: {  	[tilespmem:v3+s25+$0x0] =	vst.idx.msk $0xffff, v17  }
0x23f: {  	v3 =	vld.idx.msk [tilespmem:v11+s2+$0x0], $0xffff;
	_ =	sdelay $0x4  }
0x240: {  	v3 =	vshll.u32 v3, $0x7  }
0x241: {  	v3 =	vor.u32 v8, v3;
	_ =	sdelay $0x4  }
0x242: {  	[tilespmem:v3+s25+$0x0] =	vst.idx.msk $0xffff, v17  }
0x243: {  	v3 =	vld.idx.msk [tilespmem:v13+s2+$0x0], $0xffff;
	_ =	sdelay $0x4  }
0x244: {  	v3 =	vshll.u32 v3, $0x7  }
0x245: {  	v3 =	vor.u32 v10, v3;
	_ =	sdelay $0x4  }
0x246: {  	[tilespmem:v3+s25+$0x0] =	vst.idx.msk $0xffff, v17  }
0x247: {  	v3 =	vld.idx.msk [tilespmem:v15+s2+$0x0], $0xffff;
	_ =	sdelay $0x4  }
0x248: {  	v3 =	vshll.u32 v3, $0x7  }
0x249: {  	v3 =	vor.u32 v12, v3;
	_ =	sdelay $0x4  }
0x24a: {  	[tilespmem:v3+s25+$0x0] =	vst.idx.msk $0xffff, v17  }
0x24b: {  	v3 =	vld.idx.msk [tilespmem:v18+s2+$0x0], $0xffff;
	_ =	sdelay $0x4  }
0x24c: {  	v3 =	vshll.u32 v3, $0x7  }
0x24d: {  	v3 =	vor.u32 v14, v3;
	_ =	sdelay $0x4  }
0x24e: {  	[tilespmem:v3+s25+$0x0] =	vst.idx.msk $0xffff, v17  }
0x24f: {  	v3 =	vld.idx.msk [tilespmem:v19+s2+$0x0], $0xffff;
	_ =	sdelay $0x4  }
0x250: {  	v3 =	vshll.u32 v3, $0x7  }
0x251: {  	v3 =	vor.u32 v16, v3  }
0x252: {  	v5 =	vadd.s32 $0x8, v1;
	_ =	sdelay $0x3  }
0x253: {  	[tilespmem:v3+s25+$0x0] =	vst.idx.msk $0xffff, v17  }
0x254: {  	v3 =	vld.idx.msk [tilespmem:v5+s2+$0x0], $0xffff;
	_ =	sdelay $0x4  }
0x255: {  	v3 =	vshll.u32 v3, $0x7  }
0x256: {  	v3 =	vor.u32 v0, v3  }
0x257: {  	v7 =	vadd.s32 $0x148, v1;
	_ =	sdelay $0x3  }
0x258: {  	[tilespmem:v3+s25+$0x0] =	vst.idx.msk $0xffff, v2  }
0x259: {  	v3 =	vld.idx.msk [tilespmem:v7+s2+$0x0], $0xffff;
	_ =	sdelay $0x4  }
0x25a: {  	v3 =	vshll.u32 v3, $0x7  }
0x25b: {  	v3 =	vor.u32 v4, v3  }
0x25c: {  	v9 =	vadd.s32 $0x288, v1;
	_ =	sdelay $0x3  }
0x25d: {  	[tilespmem:v3+s25+$0x0] =	vst.idx.msk $0xffff, v2  }
0x25e: {  	v3 =	vld.idx.msk [tilespmem:v9+s2+$0x0], $0xffff;
	_ =	sdelay $0x4  }
0x25f: {  	v3 =	vshll.u32 v3, $0x7  }
0x260: {  	v3 =	vor.u32 v6, v3  }
0x261: {  	v11 =	vadd.s32 $0x3C8, v1;
	_ =	sdelay $0x3  }
0x262: {  	[tilespmem:v3+s25+$0x0] =	vst.idx.msk $0xffff, v2  }
0x263: {  	v3 =	vld.idx.msk [tilespmem:v11+s2+$0x0], $0xffff;
	_ =	sdelay $0x4  }
0x264: {  	v3 =	vshll.u32 v3, $0x7  }
0x265: {  	v3 =	vor.u32 v8, v3  }
0x266: {  	v13 =	vadd.s32 $0x508, v1;
	_ =	sdelay $0x3  }
0x267: {  	[tilespmem:v3+s25+$0x0] =	vst.idx.msk $0xffff, v2  }
0x268: {  	v3 =	vld.idx.msk [tilespmem:v13+s2+$0x0], $0xffff;
	_ =	sdelay $0x4  }
0x269: {  	v3 =	vshll.u32 v3, $0x7  }
0x26a: {  	v3 =	vor.u32 v10, v3  }
0x26b: {  	v15 =	vadd.s32 $0x648, v1;
	_ =	sdelay $0x3  }
0x26c: {  	[tilespmem:v3+s25+$0x0] =	vst.idx.msk $0xffff, v2  }
0x26d: {  	v3 =	vld.idx.msk [tilespmem:v15+s2+$0x0], $0xffff;
	_ =	sdelay $0x4  }
0x26e: {  	v3 =	vshll.u32 v3, $0x7  }
0x26f: {  	v3 =	vor.u32 v12, v3  }
0x270: {  	v18 =	vadd.s32 $0x788, v1;
	_ =	sdelay $0x3  }
0x271: {  	[tilespmem:v3+s25+$0x0] =	vst.idx.msk $0xffff, v2  }
0x272: {  	v3 =	vld.idx.msk [tilespmem:v18+s2+$0x0], $0xffff;
	_ =	sdelay $0x4  }
0x273: {  	v3 =	vshll.u32 v3, $0x7  }
0x274: {  	v3 =	vor.u32 v14, v3  }
0x275: {  	v19 =	vadd.s32 $0x8C8, v1;
	_ =	sdelay $0x3  }
0x276: {  	[tilespmem:v3+s25+$0x0] =	vst.idx.msk $0xffff, v2  }
0x277: {  	v3 =	vld.idx.msk [tilespmem:v19+s2+$0x0], $0xffff;
	_ =	sdelay $0x4  }
0x278: {  	v3 =	vshll.u32 v3, $0x7  }
0x279: {  	v3 =	vor.u32 v16, v3;
	_ =	sdelay $0x4  }
0x27a: {  	[tilespmem:v3+s25+$0x0] =	vst.idx.msk $0xffff, v2  }
0x27b: {  	[hbm4b:s12+s29] =	stream.strided.scatter [tilespmem:s25], [sflag:$0x1], $0x1F400, s30, s29, $0x38;
	[tilespmem:$0x1FE00] =	vst v63  }
0x27c: {  	_ =	swait.ge [sflag:s31], $0x1F400  }
0x27d: {  	[sflag:s31] =	ssyncset.done $0x0  }
0x27e: {  	[sflag:s31] =	ssyncadd.s32 $0xFFFE0C00  }
0x27f: {  	v3 =	vld.idx.msk [tilespmem:v5+s2+$0x0], $0xffff;
	_ =	sdelay $0x4  }
0x280: {  	v3 =	vshll.u32 v3, $0x7  }
0x281: {  	v3 =	vor.u32 v0, v3;
	_ =	sdelay $0x4  }
0x282: {  	[tilespmem:v3+s25+$0x0] =	vst.idx.msk $0xffff, v17  }
0x283: {  	v3 =	vld.idx.msk [tilespmem:v7+s2+$0x0], $0xffff;
	_ =	sdelay $0x4  }
0x284: {  	v3 =	vshll.u32 v3, $0x7  }
0x285: {  	v3 =	vor.u32 v4, v3;
	_ =	sdelay $0x4  }
0x286: {  	[tilespmem:v3+s25+$0x0] =	vst.idx.msk $0xffff, v17  }
0x287: {  	v3 =	vld.idx.msk [tilespmem:v9+s2+$0x0], $0xffff;
	_ =	sdelay $0x4  }
0x288: {  	v3 =	vshll.u32 v3, $0x7  }
0x289: {  	v3 =	vor.u32 v6, v3;
	_ =	sdelay $0x4  }
0x28a: {  	[tilespmem:v3+s25+$0x0] =	vst.idx.msk $0xffff, v17  }
0x28b: {  	v3 =	vld.idx.msk [tilespmem:v11+s2+$0x0], $0xffff;
	_ =	sdelay $0x4  }
0x28c: {  	v3 =	vshll.u32 v3, $0x7  }
0x28d: {  	v3 =	vor.u32 v8, v3;
	_ =	sdelay $0x4  }
0x28e: {  	[tilespmem:v3+s25+$0x0] =	vst.idx.msk $0xffff, v17  }
0x28f: {  	v3 =	vld.idx.msk [tilespmem:v13+s2+$0x0], $0xffff;
	_ =	sdelay $0x4  }
0x290: {  	v3 =	vshll.u32 v3, $0x7  }
0x291: {  	v3 =	vor.u32 v10, v3;
	_ =	sdelay $0x4  }
0x292: {  	[tilespmem:v3+s25+$0x0] =	vst.idx.msk $0xffff, v17  }
0x293: {  	v3 =	vld.idx.msk [tilespmem:v15+s2+$0x0], $0xffff;
	_ =	sdelay $0x4  }
0x294: {  	v3 =	vshll.u32 v3, $0x7  }
0x295: {  	v3 =	vor.u32 v12, v3;
	_ =	sdelay $0x4  }
0x296: {  	[tilespmem:v3+s25+$0x0] =	vst.idx.msk $0xffff, v17  }
0x297: {  	v3 =	vld.idx.msk [tilespmem:v18+s2+$0x0], $0xffff;
	_ =	sdelay $0x4  }
0x298: {  	v3 =	vshll.u32 v3, $0x7  }
0x299: {  	v3 =	vor.u32 v14, v3;
	_ =	sdelay $0x4  }
0x29a: {  	[tilespmem:v3+s25+$0x0] =	vst.idx.msk $0xffff, v17  }
0x29b: {  	v3 =	vld.idx.msk [tilespmem:v19+s2+$0x0], $0xffff;
	_ =	sdelay $0x4  }
0x29c: {  	v3 =	vshll.u32 v3, $0x7  }
0x29d: {  	v3 =	vor.u32 v16, v3  }
0x29e: {  	v5 =	vadd.s32 $0x9, v1;
	_ =	sdelay $0x3  }
0x29f: {  	[tilespmem:v3+s25+$0x0] =	vst.idx.msk $0xffff, v17  }
0x2a0: {  	v3 =	vld.idx.msk [tilespmem:v5+s2+$0x0], $0xffff;
	_ =	sdelay $0x4  }
0x2a1: {  	v3 =	vshll.u32 v3, $0x7  }
0x2a2: {  	v3 =	vor.u32 v0, v3  }
0x2a3: {  	v7 =	vadd.s32 $0x149, v1;
	_ =	sdelay $0x3  }
0x2a4: {  	[tilespmem:v3+s25+$0x0] =	vst.idx.msk $0xffff, v2  }
0x2a5: {  	v3 =	vld.idx.msk [tilespmem:v7+s2+$0x0], $0xffff;
	_ =	sdelay $0x4  }
0x2a6: {  	v3 =	vshll.u32 v3, $0x7  }
0x2a7: {  	v3 =	vor.u32 v4, v3  }
0x2a8: {  	v9 =	vadd.s32 $0x289, v1;
	_ =	sdelay $0x3  }
0x2a9: {  	[tilespmem:v3+s25+$0x0] =	vst.idx.msk $0xffff, v2  }
0x2aa: {  	v3 =	vld.idx.msk [tilespmem:v9+s2+$0x0], $0xffff;
	_ =	sdelay $0x4  }
0x2ab: {  	v3 =	vshll.u32 v3, $0x7  }
0x2ac: {  	v3 =	vor.u32 v6, v3  }
0x2ad: {  	v11 =	vadd.s32 $0x3C9, v1;
	_ =	sdelay $0x3  }
0x2ae: {  	[tilespmem:v3+s25+$0x0] =	vst.idx.msk $0xffff, v2  }
0x2af: {  	v3 =	vld.idx.msk [tilespmem:v11+s2+$0x0], $0xffff;
	_ =	sdelay $0x4  }
0x2b0: {  	v3 =	vshll.u32 v3, $0x7  }
0x2b1: {  	v3 =	vor.u32 v8, v3  }
0x2b2: {  	v13 =	vadd.s32 $0x509, v1;
	_ =	sdelay $0x3  }
0x2b3: {  	[tilespmem:v3+s25+$0x0] =	vst.idx.msk $0xffff, v2  }
0x2b4: {  	v3 =	vld.idx.msk [tilespmem:v13+s2+$0x0], $0xffff;
	_ =	sdelay $0x4  }
0x2b5: {  	v3 =	vshll.u32 v3, $0x7  }
0x2b6: {  	v3 =	vor.u32 v10, v3  }
0x2b7: {  	v15 =	vadd.s32 $0x649, v1;
	_ =	sdelay $0x3  }
0x2b8: {  	[tilespmem:v3+s25+$0x0] =	vst.idx.msk $0xffff, v2  }
0x2b9: {  	v3 =	vld.idx.msk [tilespmem:v15+s2+$0x0], $0xffff;
	_ =	sdelay $0x4  }
0x2ba: {  	v3 =	vshll.u32 v3, $0x7  }
0x2bb: {  	v3 =	vor.u32 v12, v3  }
0x2bc: {  	v18 =	vadd.s32 $0x789, v1;
	_ =	sdelay $0x3  }
0x2bd: {  	[tilespmem:v3+s25+$0x0] =	vst.idx.msk $0xffff, v2  }
0x2be: {  	v3 =	vld.idx.msk [tilespmem:v18+s2+$0x0], $0xffff;
	_ =	sdelay $0x4  }
0x2bf: {  	v3 =	vshll.u32 v3, $0x7  }
0x2c0: {  	v3 =	vor.u32 v14, v3  }
0x2c1: {  	v19 =	vadd.s32 $0x8C9, v1;
	_ =	sdelay $0x3  }
0x2c2: {  	[tilespmem:v3+s25+$0x0] =	vst.idx.msk $0xffff, v2  }
0x2c3: {  	v3 =	vld.idx.msk [tilespmem:v19+s2+$0x0], $0xffff;
	_ =	sdelay $0x4  }
0x2c4: {  	v3 =	vshll.u32 v3, $0x7  }
0x2c5: {  	v3 =	vor.u32 v16, v3;
	_ =	sdelay $0x4  }
0x2c6: {  	[tilespmem:v3+s25+$0x0] =	vst.idx.msk $0xffff, v2  }
0x2c7: {  	[hbm4b:s13+s29] =	stream.strided.scatter [tilespmem:s25], [sflag:$0x1], $0x1F400, s30, s29, $0x38;
	[tilespmem:$0x1FE00] =	vst v63  }
0x2c8: {  	_ =	swait.ge [sflag:s31], $0x1F400  }
0x2c9: {  	[sflag:s31] =	ssyncset.done $0x0  }
0x2ca: {  	[sflag:s31] =	ssyncadd.s32 $0xFFFE0C00  }
0x2cb: {  	v3 =	vld.idx.msk [tilespmem:v5+s2+$0x0], $0xffff;
	_ =	sdelay $0x4  }
0x2cc: {  	v3 =	vshll.u32 v3, $0x7  }
0x2cd: {  	v3 =	vor.u32 v0, v3;
	_ =	sdelay $0x4  }
0x2ce: {  	[tilespmem:v3+s25+$0x0] =	vst.idx.msk $0xffff, v17  }
0x2cf: {  	v3 =	vld.idx.msk [tilespmem:v7+s2+$0x0], $0xffff;
	_ =	sdelay $0x4  }
0x2d0: {  	v3 =	vshll.u32 v3, $0x7  }
0x2d1: {  	v3 =	vor.u32 v4, v3;
	_ =	sdelay $0x4  }
0x2d2: {  	[tilespmem:v3+s25+$0x0] =	vst.idx.msk $0xffff, v17  }
0x2d3: {  	v3 =	vld.idx.msk [tilespmem:v9+s2+$0x0], $0xffff;
	_ =	sdelay $0x4  }
0x2d4: {  	v3 =	vshll.u32 v3, $0x7  }
0x2d5: {  	v3 =	vor.u32 v6, v3;
	_ =	sdelay $0x4  }
0x2d6: {  	[tilespmem:v3+s25+$0x0] =	vst.idx.msk $0xffff, v17  }
0x2d7: {  	v3 =	vld.idx.msk [tilespmem:v11+s2+$0x0], $0xffff;
	_ =	sdelay $0x4  }
0x2d8: {  	v3 =	vshll.u32 v3, $0x7  }
0x2d9: {  	v3 =	vor.u32 v8, v3;
	_ =	sdelay $0x4  }
0x2da: {  	[tilespmem:v3+s25+$0x0] =	vst.idx.msk $0xffff, v17  }
0x2db: {  	v3 =	vld.idx.msk [tilespmem:v13+s2+$0x0], $0xffff;
	_ =	sdelay $0x4  }
0x2dc: {  	v3 =	vshll.u32 v3, $0x7  }
0x2dd: {  	v3 =	vor.u32 v10, v3;
	_ =	sdelay $0x4  }
0x2de: {  	[tilespmem:v3+s25+$0x0] =	vst.idx.msk $0xffff, v17  }
0x2df: {  	v3 =	vld.idx.msk [tilespmem:v15+s2+$0x0], $0xffff;
	_ =	sdelay $0x4  }
0x2e0: {  	v3 =	vshll.u32 v3, $0x7  }
0x2e1: {  	v3 =	vor.u32 v12, v3;
	_ =	sdelay $0x4  }
0x2e2: {  	[tilespmem:v3+s25+$0x0] =	vst.idx.msk $0xffff, v17  }
0x2e3: {  	v3 =	vld.idx.msk [tilespmem:v18+s2+$0x0], $0xffff;
	_ =	sdelay $0x4  }
0x2e4: {  	v3 =	vshll.u32 v3, $0x7  }
0x2e5: {  	v3 =	vor.u32 v14, v3;
	_ =	sdelay $0x4  }
0x2e6: {  	[tilespmem:v3+s25+$0x0] =	vst.idx.msk $0xffff, v17  }
0x2e7: {  	v3 =	vld.idx.msk [tilespmem:v19+s2+$0x0], $0xffff;
	_ =	sdelay $0x4  }
0x2e8: {  	v3 =	vshll.u32 v3, $0x7  }
0x2e9: {  	v3 =	vor.u32 v16, v3  }
0x2ea: {  	v5 =	vadd.s32 $0xA, v1;
	_ =	sdelay $0x3  }
0x2eb: {  	[tilespmem:v3+s25+$0x0] =	vst.idx.msk $0xffff, v17  }
0x2ec: {  	v3 =	vld.idx.msk [tilespmem:v5+s2+$0x0], $0xffff;
	_ =	sdelay $0x4  }
0x2ed: {  	v3 =	vshll.u32 v3, $0x7  }
0x2ee: {  	v3 =	vor.u32 v0, v3  }
0x2ef: {  	v7 =	vadd.s32 $0x14A, v1;
	_ =	sdelay $0x3  }
0x2f0: {  	[tilespmem:v3+s25+$0x0] =	vst.idx.msk $0xffff, v2  }
0x2f1: {  	v3 =	vld.idx.msk [tilespmem:v7+s2+$0x0], $0xffff;
	_ =	sdelay $0x4  }
0x2f2: {  	v3 =	vshll.u32 v3, $0x7  }
0x2f3: {  	v3 =	vor.u32 v4, v3  }
0x2f4: {  	v9 =	vadd.s32 $0x28A, v1;
	_ =	sdelay $0x3  }
0x2f5: {  	[tilespmem:v3+s25+$0x0] =	vst.idx.msk $0xffff, v2  }
0x2f6: {  	v3 =	vld.idx.msk [tilespmem:v9+s2+$0x0], $0xffff;
	_ =	sdelay $0x4  }
0x2f7: {  	v3 =	vshll.u32 v3, $0x7  }
0x2f8: {  	v3 =	vor.u32 v6, v3  }
0x2f9: {  	v11 =	vadd.s32 $0x3CA, v1;
	_ =	sdelay $0x3  }
0x2fa: {  	[tilespmem:v3+s25+$0x0] =	vst.idx.msk $0xffff, v2  }
0x2fb: {  	v3 =	vld.idx.msk [tilespmem:v11+s2+$0x0], $0xffff;
	_ =	sdelay $0x4  }
0x2fc: {  	v3 =	vshll.u32 v3, $0x7  }
0x2fd: {  	v3 =	vor.u32 v8, v3  }
0x2fe: {  	v13 =	vadd.s32 $0x50A, v1;
	_ =	sdelay $0x3  }
0x2ff: {  	[tilespmem:v3+s25+$0x0] =	vst.idx.msk $0xffff, v2  }
0x300: {  	v3 =	vld.idx.msk [tilespmem:v13+s2+$0x0], $0xffff;
	_ =	sdelay $0x4  }
0x301: {  	v3 =	vshll.u32 v3, $0x7  }
0x302: {  	v3 =	vor.u32 v10, v3  }
0x303: {  	v15 =	vadd.s32 $0x64A, v1;
	_ =	sdelay $0x3  }
0x304: {  	[tilespmem:v3+s25+$0x0] =	vst.idx.msk $0xffff, v2  }
0x305: {  	v3 =	vld.idx.msk [tilespmem:v15+s2+$0x0], $0xffff;
	_ =	sdelay $0x4  }
0x306: {  	v3 =	vshll.u32 v3, $0x7  }
0x307: {  	v3 =	vor.u32 v12, v3  }
0x308: {  	v18 =	vadd.s32 $0x78A, v1;
	_ =	sdelay $0x3  }
0x309: {  	[tilespmem:v3+s25+$0x0] =	vst.idx.msk $0xffff, v2  }
0x30a: {  	v3 =	vld.idx.msk [tilespmem:v18+s2+$0x0], $0xffff;
	_ =	sdelay $0x4  }
0x30b: {  	v3 =	vshll.u32 v3, $0x7  }
0x30c: {  	v3 =	vor.u32 v14, v3  }
0x30d: {  	v19 =	vadd.s32 $0x8CA, v1;
	_ =	sdelay $0x3  }
0x30e: {  	[tilespmem:v3+s25+$0x0] =	vst.idx.msk $0xffff, v2  }
0x30f: {  	v3 =	vld.idx.msk [tilespmem:v19+s2+$0x0], $0xffff;
	_ =	sdelay $0x4  }
0x310: {  	v3 =	vshll.u32 v3, $0x7  }
0x311: {  	v3 =	vor.u32 v16, v3;
	_ =	sdelay $0x4  }
0x312: {  	[tilespmem:v3+s25+$0x0] =	vst.idx.msk $0xffff, v2  }
0x313: {  	[hbm4b:s14+s29] =	stream.strided.scatter [tilespmem:s25], [sflag:$0x1], $0x1F400, s30, s29, $0x38;
	[tilespmem:$0x1FE00] =	vst v63  }
0x314: {  	_ =	swait.ge [sflag:s31], $0x1F400  }
0x315: {  	[sflag:s31] =	ssyncset.done $0x0  }
0x316: {  	[sflag:s31] =	ssyncadd.s32 $0xFFFE0C00  }
0x317: {  	v3 =	vld.idx.msk [tilespmem:v5+s2+$0x0], $0xffff;
	_ =	sdelay $0x4  }
0x318: {  	v3 =	vshll.u32 v3, $0x7  }
0x319: {  	v3 =	vor.u32 v0, v3;
	_ =	sdelay $0x4  }
0x31a: {  	[tilespmem:v3+s25+$0x0] =	vst.idx.msk $0xffff, v17  }
0x31b: {  	v3 =	vld.idx.msk [tilespmem:v7+s2+$0x0], $0xffff;
	_ =	sdelay $0x4  }
0x31c: {  	v3 =	vshll.u32 v3, $0x7  }
0x31d: {  	v3 =	vor.u32 v4, v3;
	_ =	sdelay $0x4  }
0x31e: {  	[tilespmem:v3+s25+$0x0] =	vst.idx.msk $0xffff, v17  }
0x31f: {  	v3 =	vld.idx.msk [tilespmem:v9+s2+$0x0], $0xffff;
	_ =	sdelay $0x4  }
0x320: {  	v3 =	vshll.u32 v3, $0x7  }
0x321: {  	v3 =	vor.u32 v6, v3;
	_ =	sdelay $0x4  }
0x322: {  	[tilespmem:v3+s25+$0x0] =	vst.idx.msk $0xffff, v17  }
0x323: {  	v3 =	vld.idx.msk [tilespmem:v11+s2+$0x0], $0xffff;
	_ =	sdelay $0x4  }
0x324: {  	v3 =	vshll.u32 v3, $0x7  }
0x325: {  	v3 =	vor.u32 v8, v3;
	_ =	sdelay $0x4  }
0x326: {  	[tilespmem:v3+s25+$0x0] =	vst.idx.msk $0xffff, v17  }
0x327: {  	v3 =	vld.idx.msk [tilespmem:v13+s2+$0x0], $0xffff;
	_ =	sdelay $0x4  }
0x328: {  	v3 =	vshll.u32 v3, $0x7  }
0x329: {  	v3 =	vor.u32 v10, v3;
	_ =	sdelay $0x4  }
0x32a: {  	[tilespmem:v3+s25+$0x0] =	vst.idx.msk $0xffff, v17  }
0x32b: {  	v3 =	vld.idx.msk [tilespmem:v15+s2+$0x0], $0xffff;
	_ =	sdelay $0x4  }
0x32c: {  	v3 =	vshll.u32 v3, $0x7  }
0x32d: {  	v3 =	vor.u32 v12, v3;
	_ =	sdelay $0x4  }
0x32e: {  	[tilespmem:v3+s25+$0x0] =	vst.idx.msk $0xffff, v17  }
0x32f: {  	v3 =	vld.idx.msk [tilespmem:v18+s2+$0x0], $0xffff;
	_ =	sdelay $0x4  }
0x330: {  	v3 =	vshll.u32 v3, $0x7  }
0x331: {  	v3 =	vor.u32 v14, v3;
	_ =	sdelay $0x4  }
0x332: {  	[tilespmem:v3+s25+$0x0] =	vst.idx.msk $0xffff, v17  }
0x333: {  	v3 =	vld.idx.msk [tilespmem:v19+s2+$0x0], $0xffff;
	_ =	sdelay $0x4  }
0x334: {  	v3 =	vshll.u32 v3, $0x7  }
0x335: {  	v3 =	vor.u32 v16, v3  }
0x336: {  	v5 =	vadd.s32 $0xB, v1;
	_ =	sdelay $0x3  }
0x337: {  	[tilespmem:v3+s25+$0x0] =	vst.idx.msk $0xffff, v17  }
0x338: {  	v3 =	vld.idx.msk [tilespmem:v5+s2+$0x0], $0xffff;
	_ =	sdelay $0x4  }
0x339: {  	v3 =	vshll.u32 v3, $0x7  }
0x33a: {  	v3 =	vor.u32 v0, v3  }
0x33b: {  	v7 =	vadd.s32 $0x14B, v1;
	_ =	sdelay $0x3  }
0x33c: {  	[tilespmem:v3+s25+$0x0] =	vst.idx.msk $0xffff, v2  }
0x33d: {  	v3 =	vld.idx.msk [tilespmem:v7+s2+$0x0], $0xffff;
	_ =	sdelay $0x4  }
0x33e: {  	v3 =	vshll.u32 v3, $0x7  }
0x33f: {  	v3 =	vor.u32 v4, v3  }
0x340: {  	v9 =	vadd.s32 $0x28B, v1;
	_ =	sdelay $0x3  }
0x341: {  	[tilespmem:v3+s25+$0x0] =	vst.idx.msk $0xffff, v2  }
0x342: {  	v3 =	vld.idx.msk [tilespmem:v9+s2+$0x0], $0xffff;
	_ =	sdelay $0x4  }
0x343: {  	v3 =	vshll.u32 v3, $0x7  }
0x344: {  	v3 =	vor.u32 v6, v3  }
0x345: {  	v11 =	vadd.s32 $0x3CB, v1;
	_ =	sdelay $0x3  }
0x346: {  	[tilespmem:v3+s25+$0x0] =	vst.idx.msk $0xffff, v2  }
0x347: {  	v3 =	vld.idx.msk [tilespmem:v11+s2+$0x0], $0xffff;
	_ =	sdelay $0x4  }
0x348: {  	v3 =	vshll.u32 v3, $0x7  }
0x349: {  	v3 =	vor.u32 v8, v3  }
0x34a: {  	v13 =	vadd.s32 $0x50B, v1;
	_ =	sdelay $0x3  }
0x34b: {  	[tilespmem:v3+s25+$0x0] =	vst.idx.msk $0xffff, v2  }
0x34c: {  	v3 =	vld.idx.msk [tilespmem:v13+s2+$0x0], $0xffff;
	_ =	sdelay $0x4  }
0x34d: {  	v3 =	vshll.u32 v3, $0x7  }
0x34e: {  	v3 =	vor.u32 v10, v3  }
0x34f: {  	v15 =	vadd.s32 $0x64B, v1;
	_ =	sdelay $0x3  }
0x350: {  	[tilespmem:v3+s25+$0x0] =	vst.idx.msk $0xffff, v2  }
0x351: {  	v3 =	vld.idx.msk [tilespmem:v15+s2+$0x0], $0xffff;
	_ =	sdelay $0x4  }
0x352: {  	v3 =	vshll.u32 v3, $0x7  }
0x353: {  	v3 =	vor.u32 v12, v3  }
0x354: {  	v18 =	vadd.s32 $0x78B, v1;
	_ =	sdelay $0x3  }
0x355: {  	[tilespmem:v3+s25+$0x0] =	vst.idx.msk $0xffff, v2  }
0x356: {  	v3 =	vld.idx.msk [tilespmem:v18+s2+$0x0], $0xffff;
	_ =	sdelay $0x4  }
0x357: {  	v3 =	vshll.u32 v3, $0x7  }
0x358: {  	v3 =	vor.u32 v14, v3  }
0x359: {  	v19 =	vadd.s32 $0x8CB, v1;
	_ =	sdelay $0x3  }
0x35a: {  	[tilespmem:v3+s25+$0x0] =	vst.idx.msk $0xffff, v2  }
0x35b: {  	v3 =	vld.idx.msk [tilespmem:v19+s2+$0x0], $0xffff;
	_ =	sdelay $0x4  }
0x35c: {  	v3 =	vshll.u32 v3, $0x7  }
0x35d: {  	v3 =	vor.u32 v16, v3;
	_ =	sdelay $0x4  }
0x35e: {  	[tilespmem:v3+s25+$0x0] =	vst.idx.msk $0xffff, v2  }
0x35f: {  	[hbm4b:s15+s29] =	stream.strided.scatter [tilespmem:s25], [sflag:$0x1], $0x1F400, s30, s29, $0x38;
	[tilespmem:$0x1FE00] =	vst v63  }
0x360: {  	_ =	swait.ge [sflag:s31], $0x1F400  }
0x361: {  	[sflag:s31] =	ssyncset.done $0x0  }
0x362: {  	[sflag:s31] =	ssyncadd.s32 $0xFFFE0C00  }
0x363: {  	v3 =	vld.idx.msk [tilespmem:v5+s2+$0x0], $0xffff;
	_ =	sdelay $0x4  }
0x364: {  	v3 =	vshll.u32 v3, $0x7  }
0x365: {  	v3 =	vor.u32 v0, v3;
	_ =	sdelay $0x4  }
0x366: {  	[tilespmem:v3+s25+$0x0] =	vst.idx.msk $0xffff, v17  }
0x367: {  	v3 =	vld.idx.msk [tilespmem:v7+s2+$0x0], $0xffff;
	_ =	sdelay $0x4  }
0x368: {  	v3 =	vshll.u32 v3, $0x7  }
0x369: {  	v3 =	vor.u32 v4, v3;
	_ =	sdelay $0x4  }
0x36a: {  	[tilespmem:v3+s25+$0x0] =	vst.idx.msk $0xffff, v17  }
0x36b: {  	v3 =	vld.idx.msk [tilespmem:v9+s2+$0x0], $0xffff;
	_ =	sdelay $0x4  }
0x36c: {  	v3 =	vshll.u32 v3, $0x7  }
0x36d: {  	v3 =	vor.u32 v6, v3;
	_ =	sdelay $0x4  }
0x36e: {  	[tilespmem:v3+s25+$0x0] =	vst.idx.msk $0xffff, v17  }
0x36f: {  	v3 =	vld.idx.msk [tilespmem:v11+s2+$0x0], $0xffff;
	_ =	sdelay $0x4  }
0x370: {  	v3 =	vshll.u32 v3, $0x7  }
0x371: {  	v3 =	vor.u32 v8, v3;
	_ =	sdelay $0x4  }
0x372: {  	[tilespmem:v3+s25+$0x0] =	vst.idx.msk $0xffff, v17  }
0x373: {  	v3 =	vld.idx.msk [tilespmem:v13+s2+$0x0], $0xffff;
	_ =	sdelay $0x4  }
0x374: {  	v3 =	vshll.u32 v3, $0x7  }
0x375: {  	v3 =	vor.u32 v10, v3;
	_ =	sdelay $0x4  }
0x376: {  	[tilespmem:v3+s25+$0x0] =	vst.idx.msk $0xffff, v17  }
0x377: {  	v3 =	vld.idx.msk [tilespmem:v15+s2+$0x0], $0xffff;
	_ =	sdelay $0x4  }
0x378: {  	v3 =	vshll.u32 v3, $0x7  }
0x379: {  	v3 =	vor.u32 v12, v3;
	_ =	sdelay $0x4  }
0x37a: {  	[tilespmem:v3+s25+$0x0] =	vst.idx.msk $0xffff, v17  }
0x37b: {  	v3 =	vld.idx.msk [tilespmem:v18+s2+$0x0], $0xffff;
	_ =	sdelay $0x4  }
0x37c: {  	v3 =	vshll.u32 v3, $0x7  }
0x37d: {  	v3 =	vor.u32 v14, v3;
	_ =	sdelay $0x4  }
0x37e: {  	[tilespmem:v3+s25+$0x0] =	vst.idx.msk $0xffff, v17  }
0x37f: {  	v3 =	vld.idx.msk [tilespmem:v19+s2+$0x0], $0xffff;
	_ =	sdelay $0x4  }
0x380: {  	v3 =	vshll.u32 v3, $0x7  }
0x381: {  	v3 =	vor.u32 v16, v3  }
0x382: {  	v5 =	vadd.s32 $0xC, v1;
	_ =	sdelay $0x3  }
0x383: {  	[tilespmem:v3+s25+$0x0] =	vst.idx.msk $0xffff, v17  }
0x384: {  	v3 =	vld.idx.msk [tilespmem:v5+s2+$0x0], $0xffff;
	_ =	sdelay $0x4  }
0x385: {  	v3 =	vshll.u32 v3, $0x7  }
0x386: {  	v3 =	vor.u32 v0, v3  }
0x387: {  	v7 =	vadd.s32 $0x14C, v1;
	_ =	sdelay $0x3  }
0x388: {  	[tilespmem:v3+s25+$0x0] =	vst.idx.msk $0xffff, v2  }
0x389: {  	v3 =	vld.idx.msk [tilespmem:v7+s2+$0x0], $0xffff;
	_ =	sdelay $0x4  }
0x38a: {  	v3 =	vshll.u32 v3, $0x7  }
0x38b: {  	v3 =	vor.u32 v4, v3  }
0x38c: {  	v9 =	vadd.s32 $0x28C, v1;
	_ =	sdelay $0x3  }
0x38d: {  	[tilespmem:v3+s25+$0x0] =	vst.idx.msk $0xffff, v2  }
0x38e: {  	v3 =	vld.idx.msk [tilespmem:v9+s2+$0x0], $0xffff;
	_ =	sdelay $0x4  }
0x38f: {  	v3 =	vshll.u32 v3, $0x7  }
0x390: {  	v3 =	vor.u32 v6, v3  }
0x391: {  	v11 =	vadd.s32 $0x3CC, v1;
	_ =	sdelay $0x3  }
0x392: {  	[tilespmem:v3+s25+$0x0] =	vst.idx.msk $0xffff, v2  }
0x393: {  	v3 =	vld.idx.msk [tilespmem:v11+s2+$0x0], $0xffff;
	_ =	sdelay $0x4  }
0x394: {  	v3 =	vshll.u32 v3, $0x7  }
0x395: {  	v3 =	vor.u32 v8, v3  }
0x396: {  	v13 =	vadd.s32 $0x50C, v1;
	_ =	sdelay $0x3  }
0x397: {  	[tilespmem:v3+s25+$0x0] =	vst.idx.msk $0xffff, v2  }
0x398: {  	v3 =	vld.idx.msk [tilespmem:v13+s2+$0x0], $0xffff;
	_ =	sdelay $0x4  }
0x399: {  	v3 =	vshll.u32 v3, $0x7  }
0x39a: {  	v3 =	vor.u32 v10, v3  }
0x39b: {  	v15 =	vadd.s32 $0x64C, v1;
	_ =	sdelay $0x3  }
0x39c: {  	[tilespmem:v3+s25+$0x0] =	vst.idx.msk $0xffff, v2  }
0x39d: {  	v3 =	vld.idx.msk [tilespmem:v15+s2+$0x0], $0xffff;
	_ =	sdelay $0x4  }
0x39e: {  	v3 =	vshll.u32 v3, $0x7  }
0x39f: {  	v3 =	vor.u32 v12, v3  }
0x3a0: {  	v18 =	vadd.s32 $0x78C, v1;
	_ =	sdelay $0x3  }
0x3a1: {  	[tilespmem:v3+s25+$0x0] =	vst.idx.msk $0xffff, v2  }
0x3a2: {  	v3 =	vld.idx.msk [tilespmem:v18+s2+$0x0], $0xffff;
	_ =	sdelay $0x4  }
0x3a3: {  	v3 =	vshll.u32 v3, $0x7  }
0x3a4: {  	v3 =	vor.u32 v14, v3  }
0x3a5: {  	v19 =	vadd.s32 $0x8CC, v1;
	_ =	sdelay $0x3  }
0x3a6: {  	[tilespmem:v3+s25+$0x0] =	vst.idx.msk $0xffff, v2  }
0x3a7: {  	v3 =	vld.idx.msk [tilespmem:v19+s2+$0x0], $0xffff;
	_ =	sdelay $0x4  }
0x3a8: {  	v3 =	vshll.u32 v3, $0x7  }
0x3a9: {  	v3 =	vor.u32 v16, v3;
	_ =	sdelay $0x4  }
0x3aa: {  	[tilespmem:v3+s25+$0x0] =	vst.idx.msk $0xffff, v2  }
0x3ab: {  	[hbm4b:s16+s29] =	stream.strided.scatter [tilespmem:s25], [sflag:$0x1], $0x1F400, s30, s29, $0x38;
	[tilespmem:$0x1FE00] =	vst v63  }
0x3ac: {  	_ =	swait.ge [sflag:s31], $0x1F400  }
0x3ad: {  	[sflag:s31] =	ssyncset.done $0x0  }
0x3ae: {  	[sflag:s31] =	ssyncadd.s32 $0xFFFE0C00  }
0x3af: {  	v3 =	vld.idx.msk [tilespmem:v5+s2+$0x0], $0xffff;
	_ =	sdelay $0x4  }
0x3b0: {  	v3 =	vshll.u32 v3, $0x7  }
0x3b1: {  	v3 =	vor.u32 v0, v3;
	_ =	sdelay $0x4  }
0x3b2: {  	[tilespmem:v3+s25+$0x0] =	vst.idx.msk $0xffff, v17  }
0x3b3: {  	v3 =	vld.idx.msk [tilespmem:v7+s2+$0x0], $0xffff;
	_ =	sdelay $0x4  }
0x3b4: {  	v3 =	vshll.u32 v3, $0x7  }
0x3b5: {  	v3 =	vor.u32 v4, v3;
	_ =	sdelay $0x4  }
0x3b6: {  	[tilespmem:v3+s25+$0x0] =	vst.idx.msk $0xffff, v17  }
0x3b7: {  	v3 =	vld.idx.msk [tilespmem:v9+s2+$0x0], $0xffff;
	_ =	sdelay $0x4  }
0x3b8: {  	v3 =	vshll.u32 v3, $0x7  }
0x3b9: {  	v3 =	vor.u32 v6, v3;
	_ =	sdelay $0x4  }
0x3ba: {  	[tilespmem:v3+s25+$0x0] =	vst.idx.msk $0xffff, v17  }
0x3bb: {  	v3 =	vld.idx.msk [tilespmem:v11+s2+$0x0], $0xffff;
	_ =	sdelay $0x4  }
0x3bc: {  	v3 =	vshll.u32 v3, $0x7  }
0x3bd: {  	v3 =	vor.u32 v8, v3;
	_ =	sdelay $0x4  }
0x3be: {  	[tilespmem:v3+s25+$0x0] =	vst.idx.msk $0xffff, v17  }
0x3bf: {  	v3 =	vld.idx.msk [tilespmem:v13+s2+$0x0], $0xffff;
	_ =	sdelay $0x4  }
0x3c0: {  	v3 =	vshll.u32 v3, $0x7  }
0x3c1: {  	v3 =	vor.u32 v10, v3;
	_ =	sdelay $0x4  }
0x3c2: {  	[tilespmem:v3+s25+$0x0] =	vst.idx.msk $0xffff, v17  }
0x3c3: {  	v3 =	vld.idx.msk [tilespmem:v15+s2+$0x0], $0xffff;
	_ =	sdelay $0x4  }
0x3c4: {  	v3 =	vshll.u32 v3, $0x7  }
0x3c5: {  	v3 =	vor.u32 v12, v3;
	_ =	sdelay $0x4  }
0x3c6: {  	[tilespmem:v3+s25+$0x0] =	vst.idx.msk $0xffff, v17  }
0x3c7: {  	v3 =	vld.idx.msk [tilespmem:v18+s2+$0x0], $0xffff;
	_ =	sdelay $0x4  }
0x3c8: {  	v3 =	vshll.u32 v3, $0x7  }
0x3c9: {  	v3 =	vor.u32 v14, v3;
	_ =	sdelay $0x4  }
0x3ca: {  	[tilespmem:v3+s25+$0x0] =	vst.idx.msk $0xffff, v17  }
0x3cb: {  	v3 =	vld.idx.msk [tilespmem:v19+s2+$0x0], $0xffff;
	_ =	sdelay $0x4  }
0x3cc: {  	v3 =	vshll.u32 v3, $0x7  }
0x3cd: {  	v3 =	vor.u32 v16, v3  }
0x3ce: {  	v5 =	vadd.s32 $0xD, v1;
	_ =	sdelay $0x3  }
0x3cf: {  	[tilespmem:v3+s25+$0x0] =	vst.idx.msk $0xffff, v17  }
0x3d0: {  	v3 =	vld.idx.msk [tilespmem:v5+s2+$0x0], $0xffff;
	_ =	sdelay $0x4  }
0x3d1: {  	v3 =	vshll.u32 v3, $0x7  }
0x3d2: {  	v3 =	vor.u32 v0, v3  }
0x3d3: {  	v7 =	vadd.s32 $0x14D, v1;
	_ =	sdelay $0x3  }
0x3d4: {  	[tilespmem:v3+s25+$0x0] =	vst.idx.msk $0xffff, v2  }
0x3d5: {  	v3 =	vld.idx.msk [tilespmem:v7+s2+$0x0], $0xffff;
	_ =	sdelay $0x4  }
0x3d6: {  	v3 =	vshll.u32 v3, $0x7  }
0x3d7: {  	v3 =	vor.u32 v4, v3  }
0x3d8: {  	v9 =	vadd.s32 $0x28D, v1;
	_ =	sdelay $0x3  }
0x3d9: {  	[tilespmem:v3+s25+$0x0] =	vst.idx.msk $0xffff, v2  }
0x3da: {  	v3 =	vld.idx.msk [tilespmem:v9+s2+$0x0], $0xffff;
	_ =	sdelay $0x4  }
0x3db: {  	v3 =	vshll.u32 v3, $0x7  }
0x3dc: {  	v3 =	vor.u32 v6, v3  }
0x3dd: {  	v11 =	vadd.s32 $0x3CD, v1;
	_ =	sdelay $0x3  }
0x3de: {  	[tilespmem:v3+s25+$0x0] =	vst.idx.msk $0xffff, v2  }
0x3df: {  	v3 =	vld.idx.msk [tilespmem:v11+s2+$0x0], $0xffff;
	_ =	sdelay $0x4  }
0x3e0: {  	v3 =	vshll.u32 v3, $0x7  }
0x3e1: {  	v3 =	vor.u32 v8, v3  }
0x3e2: {  	v13 =	vadd.s32 $0x50D, v1;
	_ =	sdelay $0x3  }
0x3e3: {  	[tilespmem:v3+s25+$0x0] =	vst.idx.msk $0xffff, v2  }
0x3e4: {  	v3 =	vld.idx.msk [tilespmem:v13+s2+$0x0], $0xffff;
	_ =	sdelay $0x4  }
0x3e5: {  	v3 =	vshll.u32 v3, $0x7  }
0x3e6: {  	v3 =	vor.u32 v10, v3  }
0x3e7: {  	v15 =	vadd.s32 $0x64D, v1;
	_ =	sdelay $0x3  }
0x3e8: {  	[tilespmem:v3+s25+$0x0] =	vst.idx.msk $0xffff, v2  }
0x3e9: {  	v3 =	vld.idx.msk [tilespmem:v15+s2+$0x0], $0xffff;
	_ =	sdelay $0x4  }
0x3ea: {  	v3 =	vshll.u32 v3, $0x7  }
0x3eb: {  	v3 =	vor.u32 v12, v3  }
0x3ec: {  	v18 =	vadd.s32 $0x78D, v1;
	_ =	sdelay $0x3  }
0x3ed: {  	[tilespmem:v3+s25+$0x0] =	vst.idx.msk $0xffff, v2  }
0x3ee: {  	v3 =	vld.idx.msk [tilespmem:v18+s2+$0x0], $0xffff;
	_ =	sdelay $0x4  }
0x3ef: {  	v3 =	vshll.u32 v3, $0x7  }
0x3f0: {  	v3 =	vor.u32 v14, v3  }
0x3f1: {  	v19 =	vadd.s32 $0x8CD, v1;
	_ =	sdelay $0x3  }
0x3f2: {  	[tilespmem:v3+s25+$0x0] =	vst.idx.msk $0xffff, v2  }
0x3f3: {  	v3 =	vld.idx.msk [tilespmem:v19+s2+$0x0], $0xffff;
	_ =	sdelay $0x4  }
0x3f4: {  	v3 =	vshll.u32 v3, $0x7  }
0x3f5: {  	v3 =	vor.u32 v16, v3;
	_ =	sdelay $0x4  }
0x3f6: {  	[tilespmem:v3+s25+$0x0] =	vst.idx.msk $0xffff, v2  }
0x3f7: {  	[hbm4b:s17+s29] =	stream.strided.scatter [tilespmem:s25], [sflag:$0x1], $0x1F400, s30, s29, $0x38;
	[tilespmem:$0x1FE00] =	vst v63  }
0x3f8: {  	_ =	swait.ge [sflag:s31], $0x1F400  }
0x3f9: {  	[sflag:s31] =	ssyncset.done $0x0  }
0x3fa: {  	[sflag:s31] =	ssyncadd.s32 $0xFFFE0C00  }
0x3fb: {  	v3 =	vld.idx.msk [tilespmem:v5+s2+$0x0], $0xffff;
	_ =	sdelay $0x4  }
0x3fc: {  	v3 =	vshll.u32 v3, $0x7  }
0x3fd: {  	v3 =	vor.u32 v0, v3;
	_ =	sdelay $0x4  }
0x3fe: {  	[tilespmem:v3+s25+$0x0] =	vst.idx.msk $0xffff, v17  }
0x3ff: {  	v3 =	vld.idx.msk [tilespmem:v7+s2+$0x0], $0xffff;
	_ =	sdelay $0x4  }
0x400: {  	v3 =	vshll.u32 v3, $0x7  }
0x401: {  	v3 =	vor.u32 v4, v3;
	_ =	sdelay $0x4  }
0x402: {  	[tilespmem:v3+s25+$0x0] =	vst.idx.msk $0xffff, v17  }
0x403: {  	v3 =	vld.idx.msk [tilespmem:v9+s2+$0x0], $0xffff;
	_ =	sdelay $0x4  }
0x404: {  	v3 =	vshll.u32 v3, $0x7  }
0x405: {  	v3 =	vor.u32 v6, v3;
	_ =	sdelay $0x4  }
0x406: {  	[tilespmem:v3+s25+$0x0] =	vst.idx.msk $0xffff, v17  }
0x407: {  	v3 =	vld.idx.msk [tilespmem:v11+s2+$0x0], $0xffff;
	_ =	sdelay $0x4  }
0x408: {  	v3 =	vshll.u32 v3, $0x7  }
0x409: {  	v3 =	vor.u32 v8, v3;
	_ =	sdelay $0x4  }
0x40a: {  	[tilespmem:v3+s25+$0x0] =	vst.idx.msk $0xffff, v17  }
0x40b: {  	v3 =	vld.idx.msk [tilespmem:v13+s2+$0x0], $0xffff;
	_ =	sdelay $0x4  }
0x40c: {  	v3 =	vshll.u32 v3, $0x7  }
0x40d: {  	v3 =	vor.u32 v10, v3;
	_ =	sdelay $0x4  }
0x40e: {  	[tilespmem:v3+s25+$0x0] =	vst.idx.msk $0xffff, v17  }
0x40f: {  	v3 =	vld.idx.msk [tilespmem:v15+s2+$0x0], $0xffff;
	_ =	sdelay $0x4  }
0x410: {  	v3 =	vshll.u32 v3, $0x7  }
0x411: {  	v3 =	vor.u32 v12, v3;
	_ =	sdelay $0x4  }
0x412: {  	[tilespmem:v3+s25+$0x0] =	vst.idx.msk $0xffff, v17  }
0x413: {  	v3 =	vld.idx.msk [tilespmem:v18+s2+$0x0], $0xffff;
	_ =	sdelay $0x4  }
0x414: {  	v3 =	vshll.u32 v3, $0x7  }
0x415: {  	v3 =	vor.u32 v14, v3;
	_ =	sdelay $0x4  }
0x416: {  	[tilespmem:v3+s25+$0x0] =	vst.idx.msk $0xffff, v17  }
0x417: {  	v3 =	vld.idx.msk [tilespmem:v19+s2+$0x0], $0xffff;
	_ =	sdelay $0x4  }
0x418: {  	v3 =	vshll.u32 v3, $0x7  }
0x419: {  	v3 =	vor.u32 v16, v3  }
0x41a: {  	v5 =	vadd.s32 $0xE, v1;
	_ =	sdelay $0x3  }
0x41b: {  	[tilespmem:v3+s25+$0x0] =	vst.idx.msk $0xffff, v17  }
0x41c: {  	v3 =	vld.idx.msk [tilespmem:v5+s2+$0x0], $0xffff;
	_ =	sdelay $0x4  }
0x41d: {  	v3 =	vshll.u32 v3, $0x7  }
0x41e: {  	v3 =	vor.u32 v0, v3  }
0x41f: {  	v7 =	vadd.s32 $0x14E, v1;
	_ =	sdelay $0x3  }
0x420: {  	[tilespmem:v3+s25+$0x0] =	vst.idx.msk $0xffff, v2  }
0x421: {  	v3 =	vld.idx.msk [tilespmem:v7+s2+$0x0], $0xffff;
	_ =	sdelay $0x4  }
0x422: {  	v3 =	vshll.u32 v3, $0x7  }
0x423: {  	v3 =	vor.u32 v4, v3  }
0x424: {  	v9 =	vadd.s32 $0x28E, v1;
	_ =	sdelay $0x3  }
0x425: {  	[tilespmem:v3+s25+$0x0] =	vst.idx.msk $0xffff, v2  }
0x426: {  	v3 =	vld.idx.msk [tilespmem:v9+s2+$0x0], $0xffff;
	_ =	sdelay $0x4  }
0x427: {  	v3 =	vshll.u32 v3, $0x7  }
0x428: {  	v3 =	vor.u32 v6, v3  }
0x429: {  	v11 =	vadd.s32 $0x3CE, v1;
	_ =	sdelay $0x3  }
0x42a: {  	[tilespmem:v3+s25+$0x0] =	vst.idx.msk $0xffff, v2  }
0x42b: {  	v3 =	vld.idx.msk [tilespmem:v11+s2+$0x0], $0xffff;
	_ =	sdelay $0x4  }
0x42c: {  	v3 =	vshll.u32 v3, $0x7  }
0x42d: {  	v3 =	vor.u32 v8, v3  }
0x42e: {  	v13 =	vadd.s32 $0x50E, v1;
	_ =	sdelay $0x3  }
0x42f: {  	[tilespmem:v3+s25+$0x0] =	vst.idx.msk $0xffff, v2  }
0x430: {  	v3 =	vld.idx.msk [tilespmem:v13+s2+$0x0], $0xffff;
	_ =	sdelay $0x4  }
0x431: {  	v3 =	vshll.u32 v3, $0x7  }
0x432: {  	v3 =	vor.u32 v10, v3  }
0x433: {  	v15 =	vadd.s32 $0x64E, v1;
	_ =	sdelay $0x3  }
0x434: {  	[tilespmem:v3+s25+$0x0] =	vst.idx.msk $0xffff, v2  }
0x435: {  	v3 =	vld.idx.msk [tilespmem:v15+s2+$0x0], $0xffff;
	_ =	sdelay $0x4  }
0x436: {  	v3 =	vshll.u32 v3, $0x7  }
0x437: {  	v3 =	vor.u32 v12, v3  }
0x438: {  	v18 =	vadd.s32 $0x78E, v1;
	_ =	sdelay $0x3  }
0x439: {  	[tilespmem:v3+s25+$0x0] =	vst.idx.msk $0xffff, v2  }
0x43a: {  	v3 =	vld.idx.msk [tilespmem:v18+s2+$0x0], $0xffff;
	_ =	sdelay $0x4  }
0x43b: {  	v3 =	vshll.u32 v3, $0x7  }
0x43c: {  	v3 =	vor.u32 v14, v3  }
0x43d: {  	v19 =	vadd.s32 $0x8CE, v1;
	_ =	sdelay $0x3  }
0x43e: {  	[tilespmem:v3+s25+$0x0] =	vst.idx.msk $0xffff, v2  }
0x43f: {  	v3 =	vld.idx.msk [tilespmem:v19+s2+$0x0], $0xffff;
	_ =	sdelay $0x4  }
0x440: {  	v3 =	vshll.u32 v3, $0x7  }
0x441: {  	v3 =	vor.u32 v16, v3;
	_ =	sdelay $0x4  }
0x442: {  	[tilespmem:v3+s25+$0x0] =	vst.idx.msk $0xffff, v2  }
0x443: {  	[hbm4b:s18+s29] =	stream.strided.scatter [tilespmem:s25], [sflag:$0x1], $0x1F400, s30, s29, $0x38;
	[tilespmem:$0x1FE00] =	vst v63  }
0x444: {  	_ =	swait.ge [sflag:s31], $0x1F400  }
0x445: {  	[sflag:s31] =	ssyncset.done $0x0  }
0x446: {  	[sflag:s31] =	ssyncadd.s32 $0xFFFE0C00  }
0x447: {  	v3 =	vld.idx.msk [tilespmem:v5+s2+$0x0], $0xffff;
	_ =	sdelay $0x4  }
0x448: {  	v3 =	vshll.u32 v3, $0x7  }
0x449: {  	v3 =	vor.u32 v0, v3;
	_ =	sdelay $0x4  }
0x44a: {  	[tilespmem:v3+s25+$0x0] =	vst.idx.msk $0xffff, v17  }
0x44b: {  	v3 =	vld.idx.msk [tilespmem:v7+s2+$0x0], $0xffff;
	_ =	sdelay $0x4  }
0x44c: {  	v3 =	vshll.u32 v3, $0x7  }
0x44d: {  	v3 =	vor.u32 v4, v3;
	_ =	sdelay $0x4  }
0x44e: {  	[tilespmem:v3+s25+$0x0] =	vst.idx.msk $0xffff, v17  }
0x44f: {  	v3 =	vld.idx.msk [tilespmem:v9+s2+$0x0], $0xffff;
	_ =	sdelay $0x4  }
0x450: {  	v3 =	vshll.u32 v3, $0x7  }
0x451: {  	v3 =	vor.u32 v6, v3;
	_ =	sdelay $0x4  }
0x452: {  	[tilespmem:v3+s25+$0x0] =	vst.idx.msk $0xffff, v17  }
0x453: {  	v3 =	vld.idx.msk [tilespmem:v11+s2+$0x0], $0xffff;
	_ =	sdelay $0x4  }
0x454: {  	v3 =	vshll.u32 v3, $0x7  }
0x455: {  	v3 =	vor.u32 v8, v3;
	_ =	sdelay $0x4  }
0x456: {  	[tilespmem:v3+s25+$0x0] =	vst.idx.msk $0xffff, v17  }
0x457: {  	v3 =	vld.idx.msk [tilespmem:v13+s2+$0x0], $0xffff;
	_ =	sdelay $0x4  }
0x458: {  	v3 =	vshll.u32 v3, $0x7  }
0x459: {  	v3 =	vor.u32 v10, v3;
	_ =	sdelay $0x4  }
0x45a: {  	[tilespmem:v3+s25+$0x0] =	vst.idx.msk $0xffff, v17  }
0x45b: {  	v3 =	vld.idx.msk [tilespmem:v15+s2+$0x0], $0xffff;
	_ =	sdelay $0x4  }
0x45c: {  	v3 =	vshll.u32 v3, $0x7  }
0x45d: {  	v3 =	vor.u32 v12, v3;
	_ =	sdelay $0x4  }
0x45e: {  	[tilespmem:v3+s25+$0x0] =	vst.idx.msk $0xffff, v17  }
0x45f: {  	v3 =	vld.idx.msk [tilespmem:v18+s2+$0x0], $0xffff;
	_ =	sdelay $0x4  }
0x460: {  	v3 =	vshll.u32 v3, $0x7  }
0x461: {  	v3 =	vor.u32 v14, v3;
	_ =	sdelay $0x4  }
0x462: {  	[tilespmem:v3+s25+$0x0] =	vst.idx.msk $0xffff, v17  }
0x463: {  	v3 =	vld.idx.msk [tilespmem:v19+s2+$0x0], $0xffff;
	_ =	sdelay $0x4  }
0x464: {  	v3 =	vshll.u32 v3, $0x7  }
0x465: {  	v3 =	vor.u32 v16, v3  }
0x466: {  	v5 =	vadd.s32 $0xF, v1;
	_ =	sdelay $0x3  }
0x467: {  	[tilespmem:v3+s25+$0x0] =	vst.idx.msk $0xffff, v17  }
0x468: {  	v3 =	vld.idx.msk [tilespmem:v5+s2+$0x0], $0xffff;
	_ =	sdelay $0x4  }
0x469: {  	v3 =	vshll.u32 v3, $0x7  }
0x46a: {  	v3 =	vor.u32 v0, v3  }
0x46b: {  	v7 =	vadd.s32 $0x14F, v1;
	_ =	sdelay $0x3  }
0x46c: {  	[tilespmem:v3+s25+$0x0] =	vst.idx.msk $0xffff, v2  }
0x46d: {  	v3 =	vld.idx.msk [tilespmem:v7+s2+$0x0], $0xffff;
	_ =	sdelay $0x4  }
0x46e: {  	v3 =	vshll.u32 v3, $0x7  }
0x46f: {  	v3 =	vor.u32 v4, v3  }
0x470: {  	v9 =	vadd.s32 $0x28F, v1;
	_ =	sdelay $0x3  }
0x471: {  	[tilespmem:v3+s25+$0x0] =	vst.idx.msk $0xffff, v2  }
0x472: {  	v3 =	vld.idx.msk [tilespmem:v9+s2+$0x0], $0xffff;
	_ =	sdelay $0x4  }
0x473: {  	v3 =	vshll.u32 v3, $0x7  }
0x474: {  	v3 =	vor.u32 v6, v3  }
0x475: {  	v11 =	vadd.s32 $0x3CF, v1;
	_ =	sdelay $0x3  }
0x476: {  	[tilespmem:v3+s25+$0x0] =	vst.idx.msk $0xffff, v2  }
0x477: {  	v3 =	vld.idx.msk [tilespmem:v11+s2+$0x0], $0xffff;
	_ =	sdelay $0x4  }
0x478: {  	v3 =	vshll.u32 v3, $0x7  }
0x479: {  	v3 =	vor.u32 v8, v3  }
0x47a: {  	v13 =	vadd.s32 $0x50F, v1;
	_ =	sdelay $0x3  }
0x47b: {  	[tilespmem:v3+s25+$0x0] =	vst.idx.msk $0xffff, v2  }
0x47c: {  	v3 =	vld.idx.msk [tilespmem:v13+s2+$0x0], $0xffff;
	_ =	sdelay $0x4  }
0x47d: {  	v3 =	vshll.u32 v3, $0x7  }
0x47e: {  	v3 =	vor.u32 v10, v3  }
0x47f: {  	v15 =	vadd.s32 $0x64F, v1;
	_ =	sdelay $0x3  }
0x480: {  	[tilespmem:v3+s25+$0x0] =	vst.idx.msk $0xffff, v2  }
0x481: {  	v3 =	vld.idx.msk [tilespmem:v15+s2+$0x0], $0xffff;
	_ =	sdelay $0x4  }
0x482: {  	v3 =	vshll.u32 v3, $0x7  }
0x483: {  	v3 =	vor.u32 v12, v3  }
0x484: {  	v18 =	vadd.s32 $0x78F, v1;
	_ =	sdelay $0x3  }
0x485: {  	[tilespmem:v3+s25+$0x0] =	vst.idx.msk $0xffff, v2  }
0x486: {  	v3 =	vld.idx.msk [tilespmem:v18+s2+$0x0], $0xffff;
	_ =	sdelay $0x4  }
0x487: {  	v3 =	vshll.u32 v3, $0x7  }
0x488: {  	v3 =	vor.u32 v14, v3  }
0x489: {  	v19 =	vadd.s32 $0x8CF, v1;
	_ =	sdelay $0x3  }
0x48a: {  	[tilespmem:v3+s25+$0x0] =	vst.idx.msk $0xffff, v2  }
0x48b: {  	v3 =	vld.idx.msk [tilespmem:v19+s2+$0x0], $0xffff;
	_ =	sdelay $0x4  }
0x48c: {  	v3 =	vshll.u32 v3, $0x7  }
0x48d: {  	v3 =	vor.u32 v16, v3;
	_ =	sdelay $0x4  }
0x48e: {  	[tilespmem:v3+s25+$0x0] =	vst.idx.msk $0xffff, v2  }
0x48f: {  	[hbm4b:s19+s29] =	stream.strided.scatter [tilespmem:s25], [sflag:$0x1], $0x1F400, s30, s29, $0x38;
	[tilespmem:$0x1FE00] =	vst v63  }
0x490: {  	_ =	swait.ge [sflag:s31], $0x1F400  }
0x491: {  	[sflag:s31] =	ssyncset.done $0x0  }
0x492: {  	[sflag:s31] =	ssyncadd.s32 $0xFFFE0C00  }
0x493: {  	v3 =	vld.idx.msk [tilespmem:v5+s2+$0x0], $0xffff;
	_ =	sdelay $0x4  }
0x494: {  	v3 =	vshll.u32 v3, $0x7  }
0x495: {  	v3 =	vor.u32 v0, v3;
	_ =	sdelay $0x4  }
0x496: {  	[tilespmem:v3+s25+$0x0] =	vst.idx.msk $0xffff, v17  }
0x497: {  	v3 =	vld.idx.msk [tilespmem:v7+s2+$0x0], $0xffff;
	_ =	sdelay $0x4  }
0x498: {  	v3 =	vshll.u32 v3, $0x7  }
0x499: {  	v3 =	vor.u32 v4, v3;
	_ =	sdelay $0x4  }
0x49a: {  	[tilespmem:v3+s25+$0x0] =	vst.idx.msk $0xffff, v17  }
0x49b: {  	v3 =	vld.idx.msk [tilespmem:v9+s2+$0x0], $0xffff;
	_ =	sdelay $0x4  }
0x49c: {  	v3 =	vshll.u32 v3, $0x7  }
0x49d: {  	v3 =	vor.u32 v6, v3;
	_ =	sdelay $0x4  }
0x49e: {  	[tilespmem:v3+s25+$0x0] =	vst.idx.msk $0xffff, v17  }
0x49f: {  	v3 =	vld.idx.msk [tilespmem:v11+s2+$0x0], $0xffff;
	_ =	sdelay $0x4  }
0x4a0: {  	v3 =	vshll.u32 v3, $0x7  }
0x4a1: {  	v3 =	vor.u32 v8, v3;
	_ =	sdelay $0x4  }
0x4a2: {  	[tilespmem:v3+s25+$0x0] =	vst.idx.msk $0xffff, v17  }
0x4a3: {  	v3 =	vld.idx.msk [tilespmem:v13+s2+$0x0], $0xffff;
	_ =	sdelay $0x4  }
0x4a4: {  	v3 =	vshll.u32 v3, $0x7  }
0x4a5: {  	v3 =	vor.u32 v10, v3;
	_ =	sdelay $0x4  }
0x4a6: {  	[tilespmem:v3+s25+$0x0] =	vst.idx.msk $0xffff, v17  }
0x4a7: {  	v3 =	vld.idx.msk [tilespmem:v15+s2+$0x0], $0xffff;
	_ =	sdelay $0x4  }
0x4a8: {  	v3 =	vshll.u32 v3, $0x7  }
0x4a9: {  	v3 =	vor.u32 v12, v3;
	_ =	sdelay $0x4  }
0x4aa: {  	[tilespmem:v3+s25+$0x0] =	vst.idx.msk $0xffff, v17  }
0x4ab: {  	v3 =	vld.idx.msk [tilespmem:v18+s2+$0x0], $0xffff;
	_ =	sdelay $0x4  }
0x4ac: {  	v3 =	vshll.u32 v3, $0x7  }
0x4ad: {  	v3 =	vor.u32 v14, v3;
	_ =	sdelay $0x4  }
0x4ae: {  	[tilespmem:v3+s25+$0x0] =	vst.idx.msk $0xffff, v17  }
0x4af: {  	v3 =	vld.idx.msk [tilespmem:v19+s2+$0x0], $0xffff;
	_ =	sdelay $0x4  }
0x4b0: {  	v3 =	vshll.u32 v3, $0x7  }
0x4b1: {  	v3 =	vor.u32 v16, v3  }
0x4b2: {  	v5 =	vadd.s32 $0x10, v1;
	_ =	sdelay $0x3  }
0x4b3: {  	[tilespmem:v3+s25+$0x0] =	vst.idx.msk $0xffff, v17  }
0x4b4: {  	v3 =	vld.idx.msk [tilespmem:v5+s2+$0x0], $0xffff;
	_ =	sdelay $0x4  }
0x4b5: {  	v3 =	vshll.u32 v3, $0x7  }
0x4b6: {  	v3 =	vor.u32 v0, v3  }
0x4b7: {  	v7 =	vadd.s32 $0x150, v1;
	_ =	sdelay $0x3  }
0x4b8: {  	[tilespmem:v3+s25+$0x0] =	vst.idx.msk $0xffff, v2  }
0x4b9: {  	v3 =	vld.idx.msk [tilespmem:v7+s2+$0x0], $0xffff;
	_ =	sdelay $0x4  }
0x4ba: {  	v3 =	vshll.u32 v3, $0x7  }
0x4bb: {  	v3 =	vor.u32 v4, v3  }
0x4bc: {  	v9 =	vadd.s32 $0x290, v1;
	_ =	sdelay $0x3  }
0x4bd: {  	[tilespmem:v3+s25+$0x0] =	vst.idx.msk $0xffff, v2  }
0x4be: {  	v3 =	vld.idx.msk [tilespmem:v9+s2+$0x0], $0xffff;
	_ =	sdelay $0x4  }
0x4bf: {  	v3 =	vshll.u32 v3, $0x7  }
0x4c0: {  	v3 =	vor.u32 v6, v3  }
0x4c1: {  	v11 =	vadd.s32 $0x3D0, v1;
	_ =	sdelay $0x3  }
0x4c2: {  	[tilespmem:v3+s25+$0x0] =	vst.idx.msk $0xffff, v2  }
0x4c3: {  	v3 =	vld.idx.msk [tilespmem:v11+s2+$0x0], $0xffff;
	_ =	sdelay $0x4  }
0x4c4: {  	v3 =	vshll.u32 v3, $0x7  }
0x4c5: {  	v3 =	vor.u32 v8, v3  }
0x4c6: {  	v13 =	vadd.s32 $0x510, v1;
	_ =	sdelay $0x3  }
0x4c7: {  	[tilespmem:v3+s25+$0x0] =	vst.idx.msk $0xffff, v2  }
0x4c8: {  	v3 =	vld.idx.msk [tilespmem:v13+s2+$0x0], $0xffff;
	_ =	sdelay $0x4  }
0x4c9: {  	v3 =	vshll.u32 v3, $0x7  }
0x4ca: {  	v3 =	vor.u32 v10, v3  }
0x4cb: {  	v15 =	vadd.s32 $0x650, v1;
	_ =	sdelay $0x3  }
0x4cc: {  	[tilespmem:v3+s25+$0x0] =	vst.idx.msk $0xffff, v2  }
0x4cd: {  	v3 =	vld.idx.msk [tilespmem:v15+s2+$0x0], $0xffff;
	_ =	sdelay $0x4  }
0x4ce: {  	v3 =	vshll.u32 v3, $0x7  }
0x4cf: {  	v3 =	vor.u32 v12, v3  }
0x4d0: {  	v18 =	vadd.s32 $0x790, v1;
	_ =	sdelay $0x3  }
0x4d1: {  	[tilespmem:v3+s25+$0x0] =	vst.idx.msk $0xffff, v2  }
0x4d2: {  	v3 =	vld.idx.msk [tilespmem:v18+s2+$0x0], $0xffff;
	_ =	sdelay $0x4  }
0x4d3: {  	v3 =	vshll.u32 v3, $0x7  }
0x4d4: {  	v3 =	vor.u32 v14, v3  }
0x4d5: {  	v19 =	vadd.s32 $0x8D0, v1;
	_ =	sdelay $0x3  }
0x4d6: {  	[tilespmem:v3+s25+$0x0] =	vst.idx.msk $0xffff, v2  }
0x4d7: {  	v3 =	vld.idx.msk [tilespmem:v19+s2+$0x0], $0xffff;
	_ =	sdelay $0x4  }
0x4d8: {  	v3 =	vshll.u32 v3, $0x7  }
0x4d9: {  	v3 =	vor.u32 v16, v3;
	_ =	sdelay $0x4  }
0x4da: {  	[tilespmem:v3+s25+$0x0] =	vst.idx.msk $0xffff, v2  }
0x4db: {  	[hbm4b:s20+s29] =	stream.strided.scatter [tilespmem:s25], [sflag:$0x1], $0x1F400, s30, s29, $0x38;
	[tilespmem:$0x1FE00] =	vst v63  }
0x4dc: {  	_ =	swait.ge [sflag:s31], $0x1F400  }
0x4dd: {  	[sflag:s31] =	ssyncset.done $0x0  }
0x4de: {  	[sflag:s31] =	ssyncadd.s32 $0xFFFE0C00  }
0x4df: {  	v3 =	vld.idx.msk [tilespmem:v5+s2+$0x0], $0xffff;
	_ =	sdelay $0x4  }
0x4e0: {  	v3 =	vshll.u32 v3, $0x7  }
0x4e1: {  	v3 =	vor.u32 v0, v3;
	_ =	sdelay $0x4  }
0x4e2: {  	[tilespmem:v3+s25+$0x0] =	vst.idx.msk $0xffff, v17  }
0x4e3: {  	v3 =	vld.idx.msk [tilespmem:v7+s2+$0x0], $0xffff;
	_ =	sdelay $0x4  }
0x4e4: {  	v3 =	vshll.u32 v3, $0x7  }
0x4e5: {  	v3 =	vor.u32 v4, v3;
	_ =	sdelay $0x4  }
0x4e6: {  	[tilespmem:v3+s25+$0x0] =	vst.idx.msk $0xffff, v17  }
0x4e7: {  	v3 =	vld.idx.msk [tilespmem:v9+s2+$0x0], $0xffff;
	_ =	sdelay $0x4  }
0x4e8: {  	v3 =	vshll.u32 v3, $0x7  }
0x4e9: {  	v3 =	vor.u32 v6, v3;
	_ =	sdelay $0x4  }
0x4ea: {  	[tilespmem:v3+s25+$0x0] =	vst.idx.msk $0xffff, v17  }
0x4eb: {  	v3 =	vld.idx.msk [tilespmem:v11+s2+$0x0], $0xffff;
	_ =	sdelay $0x4  }
0x4ec: {  	v3 =	vshll.u32 v3, $0x7  }
0x4ed: {  	v3 =	vor.u32 v8, v3;
	_ =	sdelay $0x4  }
0x4ee: {  	[tilespmem:v3+s25+$0x0] =	vst.idx.msk $0xffff, v17  }
0x4ef: {  	v3 =	vld.idx.msk [tilespmem:v13+s2+$0x0], $0xffff;
	_ =	sdelay $0x4  }
0x4f0: {  	v3 =	vshll.u32 v3, $0x7  }
0x4f1: {  	v3 =	vor.u32 v10, v3;
	_ =	sdelay $0x4  }
0x4f2: {  	[tilespmem:v3+s25+$0x0] =	vst.idx.msk $0xffff, v17  }
0x4f3: {  	v3 =	vld.idx.msk [tilespmem:v15+s2+$0x0], $0xffff;
	_ =	sdelay $0x4  }
0x4f4: {  	v3 =	vshll.u32 v3, $0x7  }
0x4f5: {  	v3 =	vor.u32 v12, v3;
	_ =	sdelay $0x4  }
0x4f6: {  	[tilespmem:v3+s25+$0x0] =	vst.idx.msk $0xffff, v17  }
0x4f7: {  	v3 =	vld.idx.msk [tilespmem:v18+s2+$0x0], $0xffff;
	_ =	sdelay $0x4  }
0x4f8: {  	v3 =	vshll.u32 v3, $0x7  }
0x4f9: {  	v3 =	vor.u32 v14, v3;
	_ =	sdelay $0x4  }
0x4fa: {  	[tilespmem:v3+s25+$0x0] =	vst.idx.msk $0xffff, v17  }
0x4fb: {  	v3 =	vld.idx.msk [tilespmem:v19+s2+$0x0], $0xffff;
	_ =	sdelay $0x4  }
0x4fc: {  	v3 =	vshll.u32 v3, $0x7  }
0x4fd: {  	v3 =	vor.u32 v16, v3  }
0x4fe: {  	v5 =	vadd.s32 $0x11, v1;
	_ =	sdelay $0x3  }
0x4ff: {  	[tilespmem:v3+s25+$0x0] =	vst.idx.msk $0xffff, v17  }
0x500: {  	v3 =	vld.idx.msk [tilespmem:v5+s2+$0x0], $0xffff;
	_ =	sdelay $0x4  }
0x501: {  	v3 =	vshll.u32 v3, $0x7  }
0x502: {  	v3 =	vor.u32 v0, v3  }
0x503: {  	v7 =	vadd.s32 $0x151, v1;
	_ =	sdelay $0x3  }
0x504: {  	[tilespmem:v3+s25+$0x0] =	vst.idx.msk $0xffff, v2  }
0x505: {  	v3 =	vld.idx.msk [tilespmem:v7+s2+$0x0], $0xffff;
	_ =	sdelay $0x4  }
0x506: {  	v3 =	vshll.u32 v3, $0x7  }
0x507: {  	v3 =	vor.u32 v4, v3  }
0x508: {  	v9 =	vadd.s32 $0x291, v1;
	_ =	sdelay $0x3  }
0x509: {  	[tilespmem:v3+s25+$0x0] =	vst.idx.msk $0xffff, v2  }
0x50a: {  	v3 =	vld.idx.msk [tilespmem:v9+s2+$0x0], $0xffff;
	_ =	sdelay $0x4  }
0x50b: {  	v3 =	vshll.u32 v3, $0x7  }
0x50c: {  	v3 =	vor.u32 v6, v3  }
0x50d: {  	v11 =	vadd.s32 $0x3D1, v1;
	_ =	sdelay $0x3  }
0x50e: {  	[tilespmem:v3+s25+$0x0] =	vst.idx.msk $0xffff, v2  }
0x50f: {  	v3 =	vld.idx.msk [tilespmem:v11+s2+$0x0], $0xffff;
	_ =	sdelay $0x4  }
0x510: {  	v3 =	vshll.u32 v3, $0x7  }
0x511: {  	v3 =	vor.u32 v8, v3  }
0x512: {  	v13 =	vadd.s32 $0x511, v1;
	_ =	sdelay $0x3  }
0x513: {  	[tilespmem:v3+s25+$0x0] =	vst.idx.msk $0xffff, v2  }
0x514: {  	v3 =	vld.idx.msk [tilespmem:v13+s2+$0x0], $0xffff;
	_ =	sdelay $0x4  }
0x515: {  	v3 =	vshll.u32 v3, $0x7  }
0x516: {  	v3 =	vor.u32 v10, v3  }
0x517: {  	v15 =	vadd.s32 $0x651, v1;
	_ =	sdelay $0x3  }
0x518: {  	[tilespmem:v3+s25+$0x0] =	vst.idx.msk $0xffff, v2  }
0x519: {  	v3 =	vld.idx.msk [tilespmem:v15+s2+$0x0], $0xffff;
	_ =	sdelay $0x4  }
0x51a: {  	v3 =	vshll.u32 v3, $0x7  }
0x51b: {  	v3 =	vor.u32 v12, v3  }
0x51c: {  	v18 =	vadd.s32 $0x791, v1;
	_ =	sdelay $0x3  }
0x51d: {  	[tilespmem:v3+s25+$0x0] =	vst.idx.msk $0xffff, v2  }
0x51e: {  	v3 =	vld.idx.msk [tilespmem:v18+s2+$0x0], $0xffff;
	_ =	sdelay $0x4  }
0x51f: {  	v3 =	vshll.u32 v3, $0x7  }
0x520: {  	v3 =	vor.u32 v14, v3  }
0x521: {  	v19 =	vadd.s32 $0x8D1, v1;
	_ =	sdelay $0x3  }
0x522: {  	[tilespmem:v3+s25+$0x0] =	vst.idx.msk $0xffff, v2  }
0x523: {  	v3 =	vld.idx.msk [tilespmem:v19+s2+$0x0], $0xffff;
	_ =	sdelay $0x4  }
0x524: {  	v3 =	vshll.u32 v3, $0x7  }
0x525: {  	v3 =	vor.u32 v16, v3;
	_ =	sdelay $0x4  }
0x526: {  	[tilespmem:v3+s25+$0x0] =	vst.idx.msk $0xffff, v2  }
0x527: {  	[hbm4b:s21+s29] =	stream.strided.scatter [tilespmem:s25], [sflag:$0x1], $0x1F400, s30, s29, $0x38;
	[tilespmem:$0x1FE00] =	vst v63  }
0x528: {  	_ =	swait.ge [sflag:s31], $0x1F400  }
0x529: {  	[sflag:s31] =	ssyncset.done $0x0  }
0x52a: {  	[sflag:s31] =	ssyncadd.s32 $0xFFFE0C00  }
0x52b: {  	v3 =	vld.idx.msk [tilespmem:v5+s2+$0x0], $0xffff;
	_ =	sdelay $0x4  }
0x52c: {  	v3 =	vshll.u32 v3, $0x7  }
0x52d: {  	v3 =	vor.u32 v0, v3;
	_ =	sdelay $0x4  }
0x52e: {  	[tilespmem:v3+s25+$0x0] =	vst.idx.msk $0xffff, v17  }
0x52f: {  	v3 =	vld.idx.msk [tilespmem:v7+s2+$0x0], $0xffff;
	_ =	sdelay $0x4  }
0x530: {  	v3 =	vshll.u32 v3, $0x7  }
0x531: {  	v3 =	vor.u32 v4, v3;
	_ =	sdelay $0x4  }
0x532: {  	[tilespmem:v3+s25+$0x0] =	vst.idx.msk $0xffff, v17  }
0x533: {  	v3 =	vld.idx.msk [tilespmem:v9+s2+$0x0], $0xffff;
	_ =	sdelay $0x4  }
0x534: {  	v3 =	vshll.u32 v3, $0x7  }
0x535: {  	v3 =	vor.u32 v6, v3;
	_ =	sdelay $0x4  }
0x536: {  	[tilespmem:v3+s25+$0x0] =	vst.idx.msk $0xffff, v17  }
0x537: {  	v3 =	vld.idx.msk [tilespmem:v11+s2+$0x0], $0xffff;
	_ =	sdelay $0x4  }
0x538: {  	v3 =	vshll.u32 v3, $0x7  }
0x539: {  	v3 =	vor.u32 v8, v3;
	_ =	sdelay $0x4  }
0x53a: {  	[tilespmem:v3+s25+$0x0] =	vst.idx.msk $0xffff, v17  }
0x53b: {  	v3 =	vld.idx.msk [tilespmem:v13+s2+$0x0], $0xffff;
	_ =	sdelay $0x4  }
0x53c: {  	v3 =	vshll.u32 v3, $0x7  }
0x53d: {  	v3 =	vor.u32 v10, v3;
	_ =	sdelay $0x4  }
0x53e: {  	[tilespmem:v3+s25+$0x0] =	vst.idx.msk $0xffff, v17  }
0x53f: {  	v3 =	vld.idx.msk [tilespmem:v15+s2+$0x0], $0xffff;
	_ =	sdelay $0x4  }
0x540: {  	v3 =	vshll.u32 v3, $0x7  }
0x541: {  	v3 =	vor.u32 v12, v3;
	_ =	sdelay $0x4  }
0x542: {  	[tilespmem:v3+s25+$0x0] =	vst.idx.msk $0xffff, v17  }
0x543: {  	v3 =	vld.idx.msk [tilespmem:v18+s2+$0x0], $0xffff;
	_ =	sdelay $0x4  }
0x544: {  	v3 =	vshll.u32 v3, $0x7  }
0x545: {  	v3 =	vor.u32 v14, v3;
	_ =	sdelay $0x4  }
0x546: {  	[tilespmem:v3+s25+$0x0] =	vst.idx.msk $0xffff, v17  }
0x547: {  	v3 =	vld.idx.msk [tilespmem:v19+s2+$0x0], $0xffff;
	_ =	sdelay $0x4  }
0x548: {  	v3 =	vshll.u32 v3, $0x7  }
0x549: {  	v3 =	vor.u32 v16, v3  }
0x54a: {  	v5 =	vadd.s32 $0x12, v1;
	_ =	sdelay $0x3  }
0x54b: {  	[tilespmem:v3+s25+$0x0] =	vst.idx.msk $0xffff, v17  }
0x54c: {  	v3 =	vld.idx.msk [tilespmem:v5+s2+$0x0], $0xffff;
	_ =	sdelay $0x4  }
0x54d: {  	v3 =	vshll.u32 v3, $0x7  }
0x54e: {  	v3 =	vor.u32 v0, v3  }
0x54f: {  	v7 =	vadd.s32 $0x152, v1;
	_ =	sdelay $0x3  }
0x550: {  	[tilespmem:v3+s25+$0x0] =	vst.idx.msk $0xffff, v2  }
0x551: {  	v3 =	vld.idx.msk [tilespmem:v7+s2+$0x0], $0xffff;
	_ =	sdelay $0x4  }
0x552: {  	v3 =	vshll.u32 v3, $0x7  }
0x553: {  	v3 =	vor.u32 v4, v3  }
0x554: {  	v9 =	vadd.s32 $0x292, v1;
	_ =	sdelay $0x3  }
0x555: {  	[tilespmem:v3+s25+$0x0] =	vst.idx.msk $0xffff, v2  }
0x556: {  	v3 =	vld.idx.msk [tilespmem:v9+s2+$0x0], $0xffff;
	_ =	sdelay $0x4  }
0x557: {  	v3 =	vshll.u32 v3, $0x7  }
0x558: {  	v3 =	vor.u32 v6, v3  }
0x559: {  	v11 =	vadd.s32 $0x3D2, v1;
	_ =	sdelay $0x3  }
0x55a: {  	[tilespmem:v3+s25+$0x0] =	vst.idx.msk $0xffff, v2  }
0x55b: {  	v3 =	vld.idx.msk [tilespmem:v11+s2+$0x0], $0xffff;
	_ =	sdelay $0x4  }
0x55c: {  	v3 =	vshll.u32 v3, $0x7  }
0x55d: {  	v3 =	vor.u32 v8, v3  }
0x55e: {  	v13 =	vadd.s32 $0x512, v1;
	_ =	sdelay $0x3  }
0x55f: {  	[tilespmem:v3+s25+$0x0] =	vst.idx.msk $0xffff, v2  }
0x560: {  	v3 =	vld.idx.msk [tilespmem:v13+s2+$0x0], $0xffff;
	_ =	sdelay $0x4  }
0x561: {  	v3 =	vshll.u32 v3, $0x7  }
0x562: {  	v3 =	vor.u32 v10, v3  }
0x563: {  	v15 =	vadd.s32 $0x652, v1;
	_ =	sdelay $0x3  }
0x564: {  	[tilespmem:v3+s25+$0x0] =	vst.idx.msk $0xffff, v2  }
0x565: {  	v3 =	vld.idx.msk [tilespmem:v15+s2+$0x0], $0xffff;
	_ =	sdelay $0x4  }
0x566: {  	v3 =	vshll.u32 v3, $0x7  }
0x567: {  	v3 =	vor.u32 v12, v3  }
0x568: {  	v18 =	vadd.s32 $0x792, v1;
	_ =	sdelay $0x3  }
0x569: {  	[tilespmem:v3+s25+$0x0] =	vst.idx.msk $0xffff, v2  }
0x56a: {  	v3 =	vld.idx.msk [tilespmem:v18+s2+$0x0], $0xffff;
	_ =	sdelay $0x4  }
0x56b: {  	v3 =	vshll.u32 v3, $0x7  }
0x56c: {  	v3 =	vor.u32 v14, v3  }
0x56d: {  	v19 =	vadd.s32 $0x8D2, v1;
	_ =	sdelay $0x3  }
0x56e: {  	[tilespmem:v3+s25+$0x0] =	vst.idx.msk $0xffff, v2  }
0x56f: {  	v3 =	vld.idx.msk [tilespmem:v19+s2+$0x0], $0xffff;
	_ =	sdelay $0x4  }
0x570: {  	v3 =	vshll.u32 v3, $0x7  }
0x571: {  	v3 =	vor.u32 v16, v3;
	_ =	sdelay $0x4  }
0x572: {  	[tilespmem:v3+s25+$0x0] =	vst.idx.msk $0xffff, v2  }
0x573: {  	[hbm4b:s22+s29] =	stream.strided.scatter [tilespmem:s25], [sflag:$0x1], $0x1F400, s30, s29, $0x38;
	[tilespmem:$0x1FE00] =	vst v63  }
0x574: {  	_ =	swait.ge [sflag:s31], $0x1F400  }
0x575: {  	[sflag:s31] =	ssyncset.done $0x0  }
0x576: {  	[sflag:s31] =	ssyncadd.s32 $0xFFFE0C00  }
0x577: {  	v3 =	vld.idx.msk [tilespmem:v5+s2+$0x0], $0xffff;
	_ =	sdelay $0x4  }
0x578: {  	v3 =	vshll.u32 v3, $0x7  }
0x579: {  	v3 =	vor.u32 v0, v3;
	_ =	sdelay $0x4  }
0x57a: {  	[tilespmem:v3+s25+$0x0] =	vst.idx.msk $0xffff, v17  }
0x57b: {  	v3 =	vld.idx.msk [tilespmem:v7+s2+$0x0], $0xffff;
	_ =	sdelay $0x4  }
0x57c: {  	v3 =	vshll.u32 v3, $0x7  }
0x57d: {  	v3 =	vor.u32 v4, v3;
	_ =	sdelay $0x4  }
0x57e: {  	[tilespmem:v3+s25+$0x0] =	vst.idx.msk $0xffff, v17  }
0x57f: {  	v3 =	vld.idx.msk [tilespmem:v9+s2+$0x0], $0xffff;
	_ =	sdelay $0x4  }
0x580: {  	v3 =	vshll.u32 v3, $0x7  }
0x581: {  	v3 =	vor.u32 v6, v3;
	_ =	sdelay $0x4  }
0x582: {  	[tilespmem:v3+s25+$0x0] =	vst.idx.msk $0xffff, v17  }
0x583: {  	v3 =	vld.idx.msk [tilespmem:v11+s2+$0x0], $0xffff;
	_ =	sdelay $0x4  }
0x584: {  	v3 =	vshll.u32 v3, $0x7  }
0x585: {  	v3 =	vor.u32 v8, v3;
	_ =	sdelay $0x4  }
0x586: {  	[tilespmem:v3+s25+$0x0] =	vst.idx.msk $0xffff, v17  }
0x587: {  	v3 =	vld.idx.msk [tilespmem:v13+s2+$0x0], $0xffff;
	_ =	sdelay $0x4  }
0x588: {  	v3 =	vshll.u32 v3, $0x7  }
0x589: {  	v3 =	vor.u32 v10, v3;
	_ =	sdelay $0x4  }
0x58a: {  	[tilespmem:v3+s25+$0x0] =	vst.idx.msk $0xffff, v17  }
0x58b: {  	v3 =	vld.idx.msk [tilespmem:v15+s2+$0x0], $0xffff;
	_ =	sdelay $0x4  }
0x58c: {  	v3 =	vshll.u32 v3, $0x7  }
0x58d: {  	v3 =	vor.u32 v12, v3;
	_ =	sdelay $0x4  }
0x58e: {  	[tilespmem:v3+s25+$0x0] =	vst.idx.msk $0xffff, v17  }
0x58f: {  	v3 =	vld.idx.msk [tilespmem:v18+s2+$0x0], $0xffff;
	_ =	sdelay $0x4  }
0x590: {  	v3 =	vshll.u32 v3, $0x7  }
0x591: {  	v3 =	vor.u32 v14, v3;
	_ =	sdelay $0x4  }
0x592: {  	[tilespmem:v3+s25+$0x0] =	vst.idx.msk $0xffff, v17  }
0x593: {  	v3 =	vld.idx.msk [tilespmem:v19+s2+$0x0], $0xffff;
	_ =	sdelay $0x4  }
0x594: {  	v3 =	vshll.u32 v3, $0x7  }
0x595: {  	v3 =	vor.u32 v16, v3  }
0x596: {  	v5 =	vadd.s32 $0x13, v1;
	_ =	sdelay $0x3  }
0x597: {  	[tilespmem:v3+s25+$0x0] =	vst.idx.msk $0xffff, v17  }
0x598: {  	v3 =	vld.idx.msk [tilespmem:v5+s2+$0x0], $0xffff;
	_ =	sdelay $0x4  }
0x599: {  	v3 =	vshll.u32 v3, $0x7  }
0x59a: {  	v3 =	vor.u32 v0, v3  }
0x59b: {  	v7 =	vadd.s32 $0x153, v1;
	_ =	sdelay $0x3  }
0x59c: {  	[tilespmem:v3+s25+$0x0] =	vst.idx.msk $0xffff, v2  }
0x59d: {  	v3 =	vld.idx.msk [tilespmem:v7+s2+$0x0], $0xffff;
	_ =	sdelay $0x4  }
0x59e: {  	v3 =	vshll.u32 v3, $0x7  }
0x59f: {  	v3 =	vor.u32 v4, v3  }
0x5a0: {  	v9 =	vadd.s32 $0x293, v1;
	_ =	sdelay $0x3  }
0x5a1: {  	[tilespmem:v3+s25+$0x0] =	vst.idx.msk $0xffff, v2  }
0x5a2: {  	v3 =	vld.idx.msk [tilespmem:v9+s2+$0x0], $0xffff;
	_ =	sdelay $0x4  }
0x5a3: {  	v3 =	vshll.u32 v3, $0x7  }
0x5a4: {  	v3 =	vor.u32 v6, v3  }
0x5a5: {  	v11 =	vadd.s32 $0x3D3, v1;
	_ =	sdelay $0x3  }
0x5a6: {  	[tilespmem:v3+s25+$0x0] =	vst.idx.msk $0xffff, v2  }
0x5a7: {  	v3 =	vld.idx.msk [tilespmem:v11+s2+$0x0], $0xffff;
	_ =	sdelay $0x4  }
0x5a8: {  	v3 =	vshll.u32 v3, $0x7  }
0x5a9: {  	v3 =	vor.u32 v8, v3  }
0x5aa: {  	v13 =	vadd.s32 $0x513, v1;
	_ =	sdelay $0x3  }
0x5ab: {  	[tilespmem:v3+s25+$0x0] =	vst.idx.msk $0xffff, v2  }
0x5ac: {  	v3 =	vld.idx.msk [tilespmem:v13+s2+$0x0], $0xffff;
	_ =	sdelay $0x4  }
0x5ad: {  	v3 =	vshll.u32 v3, $0x7  }
0x5ae: {  	v3 =	vor.u32 v10, v3  }
0x5af: {  	v15 =	vadd.s32 $0x653, v1;
	_ =	sdelay $0x3  }
0x5b0: {  	[tilespmem:v3+s25+$0x0] =	vst.idx.msk $0xffff, v2  }
0x5b1: {  	v3 =	vld.idx.msk [tilespmem:v15+s2+$0x0], $0xffff;
	_ =	sdelay $0x4  }
0x5b2: {  	v3 =	vshll.u32 v3, $0x7  }
0x5b3: {  	v3 =	vor.u32 v12, v3  }
0x5b4: {  	v18 =	vadd.s32 $0x793, v1;
	_ =	sdelay $0x3  }
0x5b5: {  	[tilespmem:v3+s25+$0x0] =	vst.idx.msk $0xffff, v2  }
0x5b6: {  	v3 =	vld.idx.msk [tilespmem:v18+s2+$0x0], $0xffff;
	_ =	sdelay $0x4  }
0x5b7: {  	v3 =	vshll.u32 v3, $0x7  }
0x5b8: {  	v3 =	vor.u32 v14, v3  }
0x5b9: {  	v19 =	vadd.s32 $0x8D3, v1;
	_ =	sdelay $0x3  }
0x5ba: {  	[tilespmem:v3+s25+$0x0] =	vst.idx.msk $0xffff, v2  }
0x5bb: {  	v3 =	vld.idx.msk [tilespmem:v19+s2+$0x0], $0xffff;
	_ =	sdelay $0x4  }
0x5bc: {  	v3 =	vshll.u32 v3, $0x7  }
0x5bd: {  	v3 =	vor.u32 v16, v3;
	_ =	sdelay $0x4  }
0x5be: {  	[tilespmem:v3+s25+$0x0] =	vst.idx.msk $0xffff, v2  }
0x5bf: {  	[hbm4b:s23+s29] =	stream.strided.scatter [tilespmem:s25], [sflag:$0x1], $0x1F400, s30, s29, $0x38;
	[tilespmem:$0x1FE00] =	vst v63  }
0x5c0: {  	_ =	swait.ge [sflag:s31], $0x1F400  }
0x5c1: {  	[sflag:s31] =	ssyncset.done $0x0  }
0x5c2: {  	[sflag:s31] =	ssyncadd.s32 $0xFFFE0C00  }
0x5c3: {  	v3 =	vld.idx.msk [tilespmem:v5+s2+$0x0], $0xffff;
	_ =	sdelay $0x4  }
0x5c4: {  	v3 =	vshll.u32 v3, $0x7  }
0x5c5: {  	v3 =	vor.u32 v0, v3;
	_ =	sdelay $0x4  }
0x5c6: {  	[tilespmem:v3+s25+$0x0] =	vst.idx.msk $0xffff, v17  }
0x5c7: {  	v3 =	vld.idx.msk [tilespmem:v7+s2+$0x0], $0xffff;
	_ =	sdelay $0x4  }
0x5c8: {  	v3 =	vshll.u32 v3, $0x7  }
0x5c9: {  	v3 =	vor.u32 v4, v3;
	_ =	sdelay $0x4  }
0x5ca: {  	[tilespmem:v3+s25+$0x0] =	vst.idx.msk $0xffff, v17  }
0x5cb: {  	v3 =	vld.idx.msk [tilespmem:v9+s2+$0x0], $0xffff;
	_ =	sdelay $0x4  }
0x5cc: {  	v3 =	vshll.u32 v3, $0x7  }
0x5cd: {  	v3 =	vor.u32 v6, v3;
	_ =	sdelay $0x4  }
0x5ce: {  	[tilespmem:v3+s25+$0x0] =	vst.idx.msk $0xffff, v17  }
0x5cf: {  	v3 =	vld.idx.msk [tilespmem:v11+s2+$0x0], $0xffff;
	_ =	sdelay $0x4  }
0x5d0: {  	v3 =	vshll.u32 v3, $0x7  }
0x5d1: {  	v3 =	vor.u32 v8, v3;
	_ =	sdelay $0x4  }
0x5d2: {  	[tilespmem:v3+s25+$0x0] =	vst.idx.msk $0xffff, v17  }
0x5d3: {  	v3 =	vld.idx.msk [tilespmem:v13+s2+$0x0], $0xffff;
	_ =	sdelay $0x4  }
0x5d4: {  	v3 =	vshll.u32 v3, $0x7  }
0x5d5: {  	v3 =	vor.u32 v10, v3;
	_ =	sdelay $0x4  }
0x5d6: {  	[tilespmem:v3+s25+$0x0] =	vst.idx.msk $0xffff, v17  }
0x5d7: {  	v3 =	vld.idx.msk [tilespmem:v15+s2+$0x0], $0xffff;
	_ =	sdelay $0x4  }
0x5d8: {  	v3 =	vshll.u32 v3, $0x7  }
0x5d9: {  	v3 =	vor.u32 v12, v3;
	_ =	sdelay $0x4  }
0x5da: {  	[tilespmem:v3+s25+$0x0] =	vst.idx.msk $0xffff, v17  }
0x5db: {  	v3 =	vld.idx.msk [tilespmem:v18+s2+$0x0], $0xffff;
	_ =	sdelay $0x4  }
0x5dc: {  	v3 =	vshll.u32 v3, $0x7  }
0x5dd: {  	v3 =	vor.u32 v14, v3;
	_ =	sdelay $0x4  }
0x5de: {  	[tilespmem:v3+s25+$0x0] =	vst.idx.msk $0xffff, v17  }
0x5df: {  	v3 =	vld.idx.msk [tilespmem:v19+s2+$0x0], $0xffff;
	_ =	sdelay $0x4  }
0x5e0: {  	v3 =	vshll.u32 v3, $0x7  }
0x5e1: {  	p0 =	sne.s32 s24, $0x1;
	v3 =	vor.u32 v16, v3  }
.Ltmp0:
0x5e2: {  	_ = 	snop;
	(pc) =	sbr.rel @p0 .LBB2_1-.Ltmp0, $2  }
0x5e3: {  	_ =	sdelay $0x2  }
0x5e4: {  	s24 =	sadd.s32 $0xFFFFFFFF, s24;
	[tilespmem:v3+s25+$0x0] =	vst.idx.msk $0xffff, v17  }
0x5e5: {  	_ =	sfence.sel $0x180000  }
0x5e6: {  	[bflag:$0x0] =	sbarrier.arrive $0xFFFF  }
0x5e7: {  	_ =	strace $0x90000047  }
0x5e8: {  	[bflag:$0x2] =	sbarrier.arrive $0xFFFF  }
0x5e9: {  	p0 =	sne.s32 s0, $0x0;
	s0 =	rddreg [dreg:$0x2]  }
0x5ea: {  	s0 =	sadd.s32 @!p0 $0x100000, s0  }
0x5eb: {  	[sflag:s0] =	ssyncadd.tile.s32 @!p0 $0x1;
	_ =	shalt  }
.Lfunc_end2:
_tile_overlayer_lowered:
.L_overlay_start_2:
0x5ec: {  	(tag) =	ssettag $0x2  }
0x5ed: {  	s0 =	rddreg [dreg:$0x0];
	s2 =	stileid.u32  }
0x5ee: {  	s1 =	rddreg [dreg:$0x1];
	p0 =	sne.s32 s2, $0x0  }
0x5ef: {  	s3 =	rddreg [dreg:$0x2];
	[bflag:$0x3] =	sbarrier.arrive $0xFFFF;
	s2 =	simm.s32 @!p0 $0x1C03  }
0x5f0: {  	[timem:s3], [sflag:s2] =	dma.local @!p0 [hbm:s0], s1  }
0x5f1: {  	s0 =	simm.s32 @!p0 $0x3  }
0x5f2: {  	_ =	swait.ge @!p0 [sflag:s0], s1  }
0x5f3: {  	s1 =	ssub.s32 @!p0 $0x0, s1;
	[sflag:s0] =	ssyncset.done @!p0 $0x0  }
0x5f4: {  	[sflag:s0] =	ssyncadd.s32 @!p0 s1  }
0x5f5: {  	[bflag:$0x3] =	sbarrier.arrive $0xFFFF  }
0x5f6: {  	_ =	shalt  }

</sc_bundles>
